<compile_context>
chip_gen: v7x
topology: tpu7x:2x2x1
jax: 0.10.2.dev20260603
libtpu: 0.0.44.dev20260713+nightly
codegen_flags: <defaults>
</compile_context>

<pallas_src>
import functools

import jax
import jax.numpy as jnp
from jax import lax
from jax.experimental import pallas as pl
from jax.experimental.pallas import tpu as pltpu
from jax.experimental.pallas import tpu_sc as plsc

NUM_RELATIONS = 100000
EMB_DIM = 64
BATCH = 16384

NC = 2
NS = 16
LANES = 16
NW = NC * NS
BPW = BATCH // NW
CHUNK = 128
NCHUNK = BPW // CHUNK
GROUPS = CHUNK // LANES


HALF = BPW // 2
HCHUNK = HALF // CHUNK
HGROUPS = HALF // LANES


def _sc_body(xi_hbm, xj_hbm, idx_hbm, tab_hbm, out_hbm,
             idx_v, pair_v, rel_v, xi_v, xj_v, out_v, sem):
    wid = lax.axis_index("s") * NC + lax.axis_index("c")
    base = wid * BPW

    pltpu.sync_copy(idx_hbm.at[pl.ds(wid * NCHUNK, NCHUNK)], idx_v)
    for c in range(NCHUNK):
        for k in range(CHUNK // LANES):
            e = idx_v[c, pl.ds(k * LANES, LANES)]
            pair_v[c, pl.ds(k * LANES, LANES)] = e

    for h in range(2):
        hbase = base + h * HALF
        cp_xi = pltpu.async_copy(xi_hbm.at[:, pl.ds(hbase, HALF)], xi_v, sem)
        cp_xj = pltpu.async_copy(xj_hbm.at[:, pl.ds(hbase, HALF)], xj_v, sem)
        gathers = [
            pltpu.async_copy(tab_hbm.at[pair_v.at[h * HCHUNK + c]],
                             rel_v.at[pl.ds(c * CHUNK, CHUNK)], sem)
            for c in range(HCHUNK)
        ]
        cp_xi.wait()
        cp_xj.wait()
        for g in gathers:
            g.wait()

        def group(g, carry, h=h):
            ebase = g * LANES
            lane = lax.iota(jnp.int32, LANES)
            rowv = lane + ebase
            colbase = jnp.zeros((LANES,), jnp.int32)
            acc = jnp.zeros((LANES,), jnp.float32)
            for d in range(EMB_DIM):
                r = plsc.load_gather(rel_v, [rowv, colbase + d])
                a = xi_v[d, pl.ds(ebase, LANES)]
                b = xj_v[d, pl.ds(ebase, LANES)]
                acc = acc + a * r * b
            out_v[pl.ds(h * HALF + ebase, LANES)] = acc
            return carry

        lax.fori_loop(0, HGROUPS, group, 0)

    pltpu.sync_copy(out_v, out_hbm.at[pl.ds(base, BPW)])


@jax.jit
def _run(xt_i, xt_j, idx2d, tab2):
    mesh = plsc.VectorSubcoreMesh(core_axis_name="c", subcore_axis_name="s")
    return pl.kernel(
        _sc_body,
        out_type=jax.ShapeDtypeStruct((BATCH,), jnp.float32),
        mesh=mesh,
        compiler_params=pltpu.CompilerParams(needs_layout_passes=False),
        scratch_types=[
            pltpu.VMEM((NCHUNK, CHUNK), jnp.int32),
            pltpu.VMEM((NCHUNK, CHUNK), jnp.int32),
            pltpu.VMEM((HALF, 2 * EMB_DIM), jnp.float32),
            pltpu.VMEM((EMB_DIM, HALF), jnp.float32),
            pltpu.VMEM((EMB_DIM, HALF), jnp.float32),
            pltpu.VMEM((BPW,), jnp.float32),
            pltpu.SemaphoreType.DMA,
        ],
    )(xt_i, xt_j, idx2d, tab2)


def kernel(x_i, x_j, edge_type, relation_embedding):
    idx2d = edge_type.astype(jnp.int32).reshape(NW * NCHUNK, CHUNK)
    tab2 = jnp.pad(relation_embedding, ((0, 0), (0, EMB_DIM)))
    return _run(x_i.T, x_j.T, idx2d, tab2)

# --- scband reference (transcript-rebuilt; emitter-appended) ---
"""Pipeline reference for scband-link-predictor-55473797595464 (READ-ONLY COPY).

The authoritative reference and input builder live on the scoring server;
editing this copy changes nothing except your own understanding.
"""

import jax, jax.numpy as jnp
import numpy as np

NUM_RELATIONS = 100000
EMB_DIM = 64
BATCH = 16384

def setup_inputs(seed: int = 0) -> dict:
    key = jax.random.key(seed)
    k1, k2, k3, k4 = jax.random.split(key, 4)
    x_i = jax.random.normal(k1, (BATCH, EMB_DIM), dtype=jnp.float32)
    x_j = jax.random.normal(k2, (BATCH, EMB_DIM), dtype=jnp.float32)
    edge_type = jax.random.randint(k3, (BATCH,), 0, NUM_RELATIONS, dtype=jnp.int64 if jax.config.jax_enable_x64 else jnp.int32)
    relation_embedding = jax.random.normal(k4, (NUM_RELATIONS, EMB_DIM), dtype=jnp.float32)
    return {"x_i": x_i, "x_j": x_j, "edge_type": edge_type, "relation_embedding": relation_embedding}

def reference(x_i, x_j, edge_type, relation_embedding):
    # DistMult decoder: score = sum(x_i * R[edge_type] * x_j, dim=-1)
    rel = jnp.take(relation_embedding, edge_type, axis=0)
    score = jnp.sum(x_i * rel * x_j, axis=-1)
    return score

if __name__ == "__main__":
    import jax
    _d = setup_inputs()
    print(jax.jit(kernel)(*tuple(_d.values())))

</pallas_src>

<mosaic_0001>
#map = affine_map<(d0, d1) -> (0, 0)>
#map1 = affine_map<(d0, d1) -> (0)>
module attributes {stable_mosaic.version = 14 : i64} {
  func.func @_sc_body(%arg0: i32, %arg1: i32, %arg2: memref<64x16384xf32, #tpu.memory_space<hbm>>, %arg3: memref<64x16384xf32, #tpu.memory_space<hbm>>, %arg4: memref<128x128xi32, #tpu.memory_space<hbm>>, %arg5: memref<100000x128xf32, #tpu.memory_space<hbm>>, %arg6: memref<16384xf32, #tpu.memory_space<hbm>>, %arg7: memref<4x128xi32, #tpu.memory_space<vmem>>, %arg8: memref<4x128xi32, #tpu.memory_space<vmem>>, %arg9: memref<256x128xf32, #tpu.memory_space<vmem>>, %arg10: memref<64x256xf32, #tpu.memory_space<vmem>>, %arg11: memref<64x256xf32, #tpu.memory_space<vmem>>, %arg12: memref<512xf32, #tpu.memory_space<vmem>>, %arg13: memref<!tpu.dma_semaphore, #tpu.memory_space<semaphore_mem>>) attributes {dimension_semantics = [#tpu.dimension_semantics<core_parallel>, #tpu.dimension_semantics<subcore_parallel>], iteration_bounds = array<i64: 2, 16>, scalar_prefetch = 0 : i64, scratch_operands = 7 : i64, tpu.core_type = #tpu.core_type<sc_vector_subcore>, window_params = [{transform_indices = #map}, {transform_indices = #map}, {transform_indices = #map}, {transform_indices = #map}, {transform_indices = #map1}]} {
    %mul3A = arith.constant 2 : i32
    %mul3A_0 = arith.muli %arg1, %mul3A : i32
    %add3A = arith.addi %mul3A_0, %arg0 : i32
    %mul3A_1 = arith.constant 512 : i32
    %mul3A_2 = arith.muli %add3A, %mul3A_1 : i32
    %mul3A_3 = arith.constant 4 : i32
    %mul3A_4 = arith.muli %add3A, %mul3A_3 : i32
    "tpu.region"() ({
      %run_scoped3A = tpu.sem_alloc : memref<!tpu.dma_semaphore, #tpu.memory_space<semaphore_mem>>
      %dma_start3A_384 = arith.constant 0 : i32
      %dma_start3A_385 = tpu.memref_slice %arg4[%mul3A_4, %dma_start3A_384] : memref<128x128xi32, #tpu.memory_space<hbm>> -> memref<4x128xi32, #tpu.memory_space<hbm>>
      %dma_start3A_386 = arith.constant 0 : i32
      %dma_start3A_387 = tpu.memref_slice %arg4[%mul3A_4, %dma_start3A_386] : memref<128x128xi32, #tpu.memory_space<hbm>> -> memref<4x128xi32, #tpu.memory_space<hbm>>
      tpu.enqueue_dma source(%dma_start3A_387 : memref<4x128xi32, #tpu.memory_space<hbm>>) target(%arg7 : memref<4x128xi32, #tpu.memory_space<vmem>>) target_semaphore(%run_scoped3A : memref<!tpu.dma_semaphore, #tpu.memory_space<semaphore_mem>>)
      %dma_wait3A_388 = arith.constant 0 : i32
      %dma_wait3A_389 = tpu.memref_slice %arg4[%mul3A_4, %dma_wait3A_388] : memref<128x128xi32, #tpu.memory_space<hbm>> -> memref<4x128xi32, #tpu.memory_space<hbm>>
      %dma_wait3A_390 = arith.constant 0 : i32
      %dma_wait3A_391 = tpu.memref_slice %arg4[%mul3A_4, %dma_wait3A_390] : memref<128x128xi32, #tpu.memory_space<hbm>> -> memref<4x128xi32, #tpu.memory_space<hbm>>
      tpu.wait_dma2 semaphore(%run_scoped3A : memref<!tpu.dma_semaphore, #tpu.memory_space<semaphore_mem>>) src(%dma_wait3A_391 : memref<4x128xi32, #tpu.memory_space<hbm>>) dst(%arg7 : memref<4x128xi32, #tpu.memory_space<vmem>>)
      tpu.yield
    }) : () -> ()
    %get3A = arith.constant 0 : i32
    %get3A_5 = arith.index_cast %get3A : i32 to index
    %get3A_6 = arith.constant 0 : index
    %get3A_7 = tpu.vector_load %arg7[%get3A_5, %get3A_6] {strides = array<i32>} : memref<4x128xi32, #tpu.memory_space<vmem>>, vector<16xi32>,
    %swap3A = arith.constant 0 : i32
    %swap3A_8 = arith.index_cast %swap3A : i32 to index
    %swap3A_9 = arith.constant 0 : index
    %swap3A_10 = tpu.vector_load %arg8[%swap3A_8, %swap3A_9] {strides = array<i32>} : memref<4x128xi32, #tpu.memory_space<vmem>>, vector<16xi32>,
    tpu.vector_store %arg8[%swap3A_8, %swap3A_9], %get3A_7 {strides = array<i32>} : memref<4x128xi32, #tpu.memory_space<vmem>>, vector<16xi32>,
    %get3A_11 = arith.constant 0 : i32
    %get3A_12 = arith.index_cast %get3A_11 : i32 to index
    %get3A_13 = arith.constant 16 : index
    %get3A_14 = tpu.vector_load %arg7[%get3A_12, %get3A_13] {strides = array<i32>} : memref<4x128xi32, #tpu.memory_space<vmem>>, vector<16xi32>,
    %swap3A_15 = arith.constant 0 : i32
    %swap3A_16 = arith.index_cast %swap3A_15 : i32 to index
    %swap3A_17 = arith.constant 16 : index
    %swap3A_18 = tpu.vector_load %arg8[%swap3A_16, %swap3A_17] {strides = array<i32>} : memref<4x128xi32, #tpu.memory_space<vmem>>, vector<16xi32>,
    tpu.vector_store %arg8[%swap3A_16, %swap3A_17], %get3A_14 {strides = array<i32>} : memref<4x128xi32, #tpu.memory_space<vmem>>, vector<16xi32>,
    %get3A_19 = arith.constant 0 : i32
    %get3A_20 = arith.index_cast %get3A_19 : i32 to index
    %get3A_21 = arith.constant 32 : index
    %get3A_22 = tpu.vector_load %arg7[%get3A_20, %get3A_21] {strides = array<i32>} : memref<4x128xi32, #tpu.memory_space<vmem>>, vector<16xi32>,
    %swap3A_23 = arith.constant 0 : i32
    %swap3A_24 = arith.index_cast %swap3A_23 : i32 to index
    %swap3A_25 = arith.constant 32 : index
    %swap3A_26 = tpu.vector_load %arg8[%swap3A_24, %swap3A_25] {strides = array<i32>} : memref<4x128xi32, #tpu.memory_space<vmem>>, vector<16xi32>,
    tpu.vector_store %arg8[%swap3A_24, %swap3A_25], %get3A_22 {strides = array<i32>} : memref<4x128xi32, #tpu.memory_space<vmem>>, vector<16xi32>,
    %get3A_27 = arith.constant 0 : i32
    %get3A_28 = arith.index_cast %get3A_27 : i32 to index
    %get3A_29 = arith.constant 48 : index
    %get3A_30 = tpu.vector_load %arg7[%get3A_28, %get3A_29] {strides = array<i32>} : memref<4x128xi32, #tpu.memory_space<vmem>>, vector<16xi32>,
    %swap3A_31 = arith.constant 0 : i32
    %swap3A_32 = arith.index_cast %swap3A_31 : i32 to index
    %swap3A_33 = arith.constant 48 : index
    %swap3A_34 = tpu.vector_load %arg8[%swap3A_32, %swap3A_33] {strides = array<i32>} : memref<4x128xi32, #tpu.memory_space<vmem>>, vector<16xi32>,
    tpu.vector_store %arg8[%swap3A_32, %swap3A_33], %get3A_30 {strides = array<i32>} : memref<4x128xi32, #tpu.memory_space<vmem>>, vector<16xi32>,
    %get3A_35 = arith.constant 0 : i32
    %get3A_36 = arith.index_cast %get3A_35 : i32 to index
    %get3A_37 = arith.constant 64 : index
    %get3A_38 = tpu.vector_load %arg7[%get3A_36, %get3A_37] {strides = array<i32>} : memref<4x128xi32, #tpu.memory_space<vmem>>, vector<16xi32>,
    %swap3A_39 = arith.constant 0 : i32
    %swap3A_40 = arith.index_cast %swap3A_39 : i32 to index
    %swap3A_41 = arith.constant 64 : index
    %swap3A_42 = tpu.vector_load %arg8[%swap3A_40, %swap3A_41] {strides = array<i32>} : memref<4x128xi32, #tpu.memory_space<vmem>>, vector<16xi32>,
    tpu.vector_store %arg8[%swap3A_40, %swap3A_41], %get3A_38 {strides = array<i32>} : memref<4x128xi32, #tpu.memory_space<vmem>>, vector<16xi32>,
    %get3A_43 = arith.constant 0 : i32
    %get3A_44 = arith.index_cast %get3A_43 : i32 to index
    %get3A_45 = arith.constant 80 : index
    %get3A_46 = tpu.vector_load %arg7[%get3A_44, %get3A_45] {strides = array<i32>} : memref<4x128xi32, #tpu.memory_space<vmem>>, vector<16xi32>,
    %swap3A_47 = arith.constant 0 : i32
    %swap3A_48 = arith.index_cast %swap3A_47 : i32 to index
    %swap3A_49 = arith.constant 80 : index
    %swap3A_50 = tpu.vector_load %arg8[%swap3A_48, %swap3A_49] {strides = array<i32>} : memref<4x128xi32, #tpu.memory_space<vmem>>, vector<16xi32>,
    tpu.vector_store %arg8[%swap3A_48, %swap3A_49], %get3A_46 {strides = array<i32>} : memref<4x128xi32, #tpu.memory_space<vmem>>, vector<16xi32>,
    %get3A_51 = arith.constant 0 : i32
    %get3A_52 = arith.index_cast %get3A_51 : i32 to index
    %get3A_53 = arith.constant 96 : index
    %get3A_54 = tpu.vector_load %arg7[%get3A_52, %get3A_53] {strides = array<i32>} : memref<4x128xi32, #tpu.memory_space<vmem>>, vector<16xi32>,
    %swap3A_55 = arith.constant 0 : i32
    %swap3A_56 = arith.index_cast %swap3A_55 : i32 to index
    %swap3A_57 = arith.constant 96 : index
    %swap3A_58 = tpu.vector_load %arg8[%swap3A_56, %swap3A_57] {strides = array<i32>} : memref<4x128xi32, #tpu.memory_space<vmem>>, vector<16xi32>,
    tpu.vector_store %arg8[%swap3A_56, %swap3A_57], %get3A_54 {strides = array<i32>} : memref<4x128xi32, #tpu.memory_space<vmem>>, vector<16xi32>,
    %get3A_59 = arith.constant 0 : i32
    %get3A_60 = arith.index_cast %get3A_59 : i32 to index
    %get3A_61 = arith.constant 112 : index
    %get3A_62 = tpu.vector_load %arg7[%get3A_60, %get3A_61] {strides = array<i32>} : memref<4x128xi32, #tpu.memory_space<vmem>>, vector<16xi32>,
    %swap3A_63 = arith.constant 0 : i32
    %swap3A_64 = arith.index_cast %swap3A_63 : i32 to index
    %swap3A_65 = arith.constant 112 : index
    %swap3A_66 = tpu.vector_load %arg8[%swap3A_64, %swap3A_65] {strides = array<i32>} : memref<4x128xi32, #tpu.memory_space<vmem>>, vector<16xi32>,
    tpu.vector_store %arg8[%swap3A_64, %swap3A_65], %get3A_62 {strides = array<i32>} : memref<4x128xi32, #tpu.memory_space<vmem>>, vector<16xi32>,
    %get3A_67 = arith.constant 1 : i32
    %get3A_68 = arith.index_cast %get3A_67 : i32 to index
    %get3A_69 = arith.constant 0 : index
    %get3A_70 = tpu.vector_load %arg7[%get3A_68, %get3A_69] {strides = array<i32>} : memref<4x128xi32, #tpu.memory_space<vmem>>, vector<16xi32>,
    %swap3A_71 = arith.constant 1 : i32
    %swap3A_72 = arith.index_cast %swap3A_71 : i32 to index
    %swap3A_73 = arith.constant 0 : index
    %swap3A_74 = tpu.vector_load %arg8[%swap3A_72, %swap3A_73] {strides = array<i32>} : memref<4x128xi32, #tpu.memory_space<vmem>>, vector<16xi32>,
    tpu.vector_store %arg8[%swap3A_72, %swap3A_73], %get3A_70 {strides = array<i32>} : memref<4x128xi32, #tpu.memory_space<vmem>>, vector<16xi32>,
    %get3A_75 = arith.constant 1 : i32
    %get3A_76 = arith.index_cast %get3A_75 : i32 to index
    %get3A_77 = arith.constant 16 : index
    %get3A_78 = tpu.vector_load %arg7[%get3A_76, %get3A_77] {strides = array<i32>} : memref<4x128xi32, #tpu.memory_space<vmem>>, vector<16xi32>,
    %swap3A_79 = arith.constant 1 : i32
    %swap3A_80 = arith.index_cast %swap3A_79 : i32 to index
    %swap3A_81 = arith.constant 16 : index
    %swap3A_82 = tpu.vector_load %arg8[%swap3A_80, %swap3A_81] {strides = array<i32>} : memref<4x128xi32, #tpu.memory_space<vmem>>, vector<16xi32>,
    tpu.vector_store %arg8[%swap3A_80, %swap3A_81], %get3A_78 {strides = array<i32>} : memref<4x128xi32, #tpu.memory_space<vmem>>, vector<16xi32>,
    %get3A_83 = arith.constant 1 : i32
    %get3A_84 = arith.index_cast %get3A_83 : i32 to index
    %get3A_85 = arith.constant 32 : index
    %get3A_86 = tpu.vector_load %arg7[%get3A_84, %get3A_85] {strides = array<i32>} : memref<4x128xi32, #tpu.memory_space<vmem>>, vector<16xi32>,
    %swap3A_87 = arith.constant 1 : i32
    %swap3A_88 = arith.index_cast %swap3A_87 : i32 to index
    %swap3A_89 = arith.constant 32 : index
    %swap3A_90 = tpu.vector_load %arg8[%swap3A_88, %swap3A_89] {strides = array<i32>} : memref<4x128xi32, #tpu.memory_space<vmem>>, vector<16xi32>,
    tpu.vector_store %arg8[%swap3A_88, %swap3A_89], %get3A_86 {strides = array<i32>} : memref<4x128xi32, #tpu.memory_space<vmem>>, vector<16xi32>,
    %get3A_91 = arith.constant 1 : i32
    %get3A_92 = arith.index_cast %get3A_91 : i32 to index
    %get3A_93 = arith.constant 48 : index
    %get3A_94 = tpu.vector_load %arg7[%get3A_92, %get3A_93] {strides = array<i32>} : memref<4x128xi32, #tpu.memory_space<vmem>>, vector<16xi32>,
    %swap3A_95 = arith.constant 1 : i32
    %swap3A_96 = arith.index_cast %swap3A_95 : i32 to index
    %swap3A_97 = arith.constant 48 : index
    %swap3A_98 = tpu.vector_load %arg8[%swap3A_96, %swap3A_97] {strides = array<i32>} : memref<4x128xi32, #tpu.memory_space<vmem>>, vector<16xi32>,
    tpu.vector_store %arg8[%swap3A_96, %swap3A_97], %get3A_94 {strides = array<i32>} : memref<4x128xi32, #tpu.memory_space<vmem>>, vector<16xi32>,
    %get3A_99 = arith.constant 1 : i32
    %get3A_100 = arith.index_cast %get3A_99 : i32 to index
    %get3A_101 = arith.constant 64 : index
    %get3A_102 = tpu.vector_load %arg7[%get3A_100, %get3A_101] {strides = array<i32>} : memref<4x128xi32, #tpu.memory_space<vmem>>, vector<16xi32>,
    %swap3A_103 = arith.constant 1 : i32
    %swap3A_104 = arith.index_cast %swap3A_103 : i32 to index
    %swap3A_105 = arith.constant 64 : index
    %swap3A_106 = tpu.vector_load %arg8[%swap3A_104, %swap3A_105] {strides = array<i32>} : memref<4x128xi32, #tpu.memory_space<vmem>>, vector<16xi32>,
    tpu.vector_store %arg8[%swap3A_104, %swap3A_105], %get3A_102 {strides = array<i32>} : memref<4x128xi32, #tpu.memory_space<vmem>>, vector<16xi32>,
    %get3A_107 = arith.constant 1 : i32
    %get3A_108 = arith.index_cast %get3A_107 : i32 to index
    %get3A_109 = arith.constant 80 : index
    %get3A_110 = tpu.vector_load %arg7[%get3A_108, %get3A_109] {strides = array<i32>} : memref<4x128xi32, #tpu.memory_space<vmem>>, vector<16xi32>,
    %swap3A_111 = arith.constant 1 : i32
    %swap3A_112 = arith.index_cast %swap3A_111 : i32 to index
    %swap3A_113 = arith.constant 80 : index
    %swap3A_114 = tpu.vector_load %arg8[%swap3A_112, %swap3A_113] {strides = array<i32>} : memref<4x128xi32, #tpu.memory_space<vmem>>, vector<16xi32>,
    tpu.vector_store %arg8[%swap3A_112, %swap3A_113], %get3A_110 {strides = array<i32>} : memref<4x128xi32, #tpu.memory_space<vmem>>, vector<16xi32>,
    %get3A_115 = arith.constant 1 : i32
    %get3A_116 = arith.index_cast %get3A_115 : i32 to index
    %get3A_117 = arith.constant 96 : index
    %get3A_118 = tpu.vector_load %arg7[%get3A_116, %get3A_117] {strides = array<i32>} : memref<4x128xi32, #tpu.memory_space<vmem>>, vector<16xi32>,
    %swap3A_119 = arith.constant 1 : i32
    %swap3A_120 = arith.index_cast %swap3A_119 : i32 to index
    %swap3A_121 = arith.constant 96 : index
    %swap3A_122 = tpu.vector_load %arg8[%swap3A_120, %swap3A_121] {strides = array<i32>} : memref<4x128xi32, #tpu.memory_space<vmem>>, vector<16xi32>,
    tpu.vector_store %arg8[%swap3A_120, %swap3A_121], %get3A_118 {strides = array<i32>} : memref<4x128xi32, #tpu.memory_space<vmem>>, vector<16xi32>,
    %get3A_123 = arith.constant 1 : i32
    %get3A_124 = arith.index_cast %get3A_123 : i32 to index
    %get3A_125 = arith.constant 112 : index
    %get3A_126 = tpu.vector_load %arg7[%get3A_124, %get3A_125] {strides = array<i32>} : memref<4x128xi32, #tpu.memory_space<vmem>>, vector<16xi32>,
    %swap3A_127 = arith.constant 1 : i32
    %swap3A_128 = arith.index_cast %swap3A_127 : i32 to index
    %swap3A_129 = arith.constant 112 : index
    %swap3A_130 = tpu.vector_load %arg8[%swap3A_128, %swap3A_129] {strides = array<i32>} : memref<4x128xi32, #tpu.memory_space<vmem>>, vector<16xi32>,
    tpu.vector_store %arg8[%swap3A_128, %swap3A_129], %get3A_126 {strides = array<i32>} : memref<4x128xi32, #tpu.memory_space<vmem>>, vector<16xi32>,
    %get3A_131 = arith.constant 2 : i32
    %get3A_132 = arith.index_cast %get3A_131 : i32 to index
    %get3A_133 = arith.constant 0 : index
    %get3A_134 = tpu.vector_load %arg7[%get3A_132, %get3A_133] {strides = array<i32>} : memref<4x128xi32, #tpu.memory_space<vmem>>, vector<16xi32>,
    %swap3A_135 = arith.constant 2 : i32
    %swap3A_136 = arith.index_cast %swap3A_135 : i32 to index
    %swap3A_137 = arith.constant 0 : index
    %swap3A_138 = tpu.vector_load %arg8[%swap3A_136, %swap3A_137] {strides = array<i32>} : memref<4x128xi32, #tpu.memory_space<vmem>>, vector<16xi32>,
    tpu.vector_store %arg8[%swap3A_136, %swap3A_137], %get3A_134 {strides = array<i32>} : memref<4x128xi32, #tpu.memory_space<vmem>>, vector<16xi32>,
    %get3A_139 = arith.constant 2 : i32
    %get3A_140 = arith.index_cast %get3A_139 : i32 to index
    %get3A_141 = arith.constant 16 : index
    %get3A_142 = tpu.vector_load %arg7[%get3A_140, %get3A_141] {strides = array<i32>} : memref<4x128xi32, #tpu.memory_space<vmem>>, vector<16xi32>,
    %swap3A_143 = arith.constant 2 : i32
    %swap3A_144 = arith.index_cast %swap3A_143 : i32 to index
    %swap3A_145 = arith.constant 16 : index
    %swap3A_146 = tpu.vector_load %arg8[%swap3A_144, %swap3A_145] {strides = array<i32>} : memref<4x128xi32, #tpu.memory_space<vmem>>, vector<16xi32>,
    tpu.vector_store %arg8[%swap3A_144, %swap3A_145], %get3A_142 {strides = array<i32>} : memref<4x128xi32, #tpu.memory_space<vmem>>, vector<16xi32>,
    %get3A_147 = arith.constant 2 : i32
    %get3A_148 = arith.index_cast %get3A_147 : i32 to index
    %get3A_149 = arith.constant 32 : index
    %get3A_150 = tpu.vector_load %arg7[%get3A_148, %get3A_149] {strides = array<i32>} : memref<4x128xi32, #tpu.memory_space<vmem>>, vector<16xi32>,
    %swap3A_151 = arith.constant 2 : i32
    %swap3A_152 = arith.index_cast %swap3A_151 : i32 to index
    %swap3A_153 = arith.constant 32 : index
    %swap3A_154 = tpu.vector_load %arg8[%swap3A_152, %swap3A_153] {strides = array<i32>} : memref<4x128xi32, #tpu.memory_space<vmem>>, vector<16xi32>,
    tpu.vector_store %arg8[%swap3A_152, %swap3A_153], %get3A_150 {strides = array<i32>} : memref<4x128xi32, #tpu.memory_space<vmem>>, vector<16xi32>,
    %get3A_155 = arith.constant 2 : i32
    %get3A_156 = arith.index_cast %get3A_155 : i32 to index
    %get3A_157 = arith.constant 48 : index
    %get3A_158 = tpu.vector_load %arg7[%get3A_156, %get3A_157] {strides = array<i32>} : memref<4x128xi32, #tpu.memory_space<vmem>>, vector<16xi32>,
    %swap3A_159 = arith.constant 2 : i32
    %swap3A_160 = arith.index_cast %swap3A_159 : i32 to index
    %swap3A_161 = arith.constant 48 : index
    %swap3A_162 = tpu.vector_load %arg8[%swap3A_160, %swap3A_161] {strides = array<i32>} : memref<4x128xi32, #tpu.memory_space<vmem>>, vector<16xi32>,
    tpu.vector_store %arg8[%swap3A_160, %swap3A_161], %get3A_158 {strides = array<i32>} : memref<4x128xi32, #tpu.memory_space<vmem>>, vector<16xi32>,
    %get3A_163 = arith.constant 2 : i32
    %get3A_164 = arith.index_cast %get3A_163 : i32 to index
    %get3A_165 = arith.constant 64 : index
    %get3A_166 = tpu.vector_load %arg7[%get3A_164, %get3A_165] {strides = array<i32>} : memref<4x128xi32, #tpu.memory_space<vmem>>, vector<16xi32>,
    %swap3A_167 = arith.constant 2 : i32
    %swap3A_168 = arith.index_cast %swap3A_167 : i32 to index
    %swap3A_169 = arith.constant 64 : index
    %swap3A_170 = tpu.vector_load %arg8[%swap3A_168, %swap3A_169] {strides = array<i32>} : memref<4x128xi32, #tpu.memory_space<vmem>>, vector<16xi32>,
    tpu.vector_store %arg8[%swap3A_168, %swap3A_169], %get3A_166 {strides = array<i32>} : memref<4x128xi32, #tpu.memory_space<vmem>>, vector<16xi32>,
    %get3A_171 = arith.constant 2 : i32
    %get3A_172 = arith.index_cast %get3A_171 : i32 to index
    %get3A_173 = arith.constant 80 : index
    %get3A_174 = tpu.vector_load %arg7[%get3A_172, %get3A_173] {strides = array<i32>} : memref<4x128xi32, #tpu.memory_space<vmem>>, vector<16xi32>,
    %swap3A_175 = arith.constant 2 : i32
    %swap3A_176 = arith.index_cast %swap3A_175 : i32 to index
    %swap3A_177 = arith.constant 80 : index
    %swap3A_178 = tpu.vector_load %arg8[%swap3A_176, %swap3A_177] {strides = array<i32>} : memref<4x128xi32, #tpu.memory_space<vmem>>, vector<16xi32>,
    tpu.vector_store %arg8[%swap3A_176, %swap3A_177], %get3A_174 {strides = array<i32>} : memref<4x128xi32, #tpu.memory_space<vmem>>, vector<16xi32>,
    %get3A_179 = arith.constant 2 : i32
    %get3A_180 = arith.index_cast %get3A_179 : i32 to index
    %get3A_181 = arith.constant 96 : index
    %get3A_182 = tpu.vector_load %arg7[%get3A_180, %get3A_181] {strides = array<i32>} : memref<4x128xi32, #tpu.memory_space<vmem>>, vector<16xi32>,
    %swap3A_183 = arith.constant 2 : i32
    %swap3A_184 = arith.index_cast %swap3A_183 : i32 to index
    %swap3A_185 = arith.constant 96 : index
    %swap3A_186 = tpu.vector_load %arg8[%swap3A_184, %swap3A_185] {strides = array<i32>} : memref<4x128xi32, #tpu.memory_space<vmem>>, vector<16xi32>,
    tpu.vector_store %arg8[%swap3A_184, %swap3A_185], %get3A_182 {strides = array<i32>} : memref<4x128xi32, #tpu.memory_space<vmem>>, vector<16xi32>,
    %get3A_187 = arith.constant 2 : i32
    %get3A_188 = arith.index_cast %get3A_187 : i32 to index
    %get3A_189 = arith.constant 112 : index
    %get3A_190 = tpu.vector_load %arg7[%get3A_188, %get3A_189] {strides = array<i32>} : memref<4x128xi32, #tpu.memory_space<vmem>>, vector<16xi32>,
    %swap3A_191 = arith.constant 2 : i32
    %swap3A_192 = arith.index_cast %swap3A_191 : i32 to index
    %swap3A_193 = arith.constant 112 : index
    %swap3A_194 = tpu.vector_load %arg8[%swap3A_192, %swap3A_193] {strides = array<i32>} : memref<4x128xi32, #tpu.memory_space<vmem>>, vector<16xi32>,
    tpu.vector_store %arg8[%swap3A_192, %swap3A_193], %get3A_190 {strides = array<i32>} : memref<4x128xi32, #tpu.memory_space<vmem>>, vector<16xi32>,
    %get3A_195 = arith.constant 3 : i32
    %get3A_196 = arith.index_cast %get3A_195 : i32 to index
    %get3A_197 = arith.constant 0 : index
    %get3A_198 = tpu.vector_load %arg7[%get3A_196, %get3A_197] {strides = array<i32>} : memref<4x128xi32, #tpu.memory_space<vmem>>, vector<16xi32>,
    %swap3A_199 = arith.constant 3 : i32
    %swap3A_200 = arith.index_cast %swap3A_199 : i32 to index
    %swap3A_201 = arith.constant 0 : index
    %swap3A_202 = tpu.vector_load %arg8[%swap3A_200, %swap3A_201] {strides = array<i32>} : memref<4x128xi32, #tpu.memory_space<vmem>>, vector<16xi32>,
    tpu.vector_store %arg8[%swap3A_200, %swap3A_201], %get3A_198 {strides = array<i32>} : memref<4x128xi32, #tpu.memory_space<vmem>>, vector<16xi32>,
    %get3A_203 = arith.constant 3 : i32
    %get3A_204 = arith.index_cast %get3A_203 : i32 to index
    %get3A_205 = arith.constant 16 : index
    %get3A_206 = tpu.vector_load %arg7[%get3A_204, %get3A_205] {strides = array<i32>} : memref<4x128xi32, #tpu.memory_space<vmem>>, vector<16xi32>,
    %swap3A_207 = arith.constant 3 : i32
    %swap3A_208 = arith.index_cast %swap3A_207 : i32 to index
    %swap3A_209 = arith.constant 16 : index
    %swap3A_210 = tpu.vector_load %arg8[%swap3A_208, %swap3A_209] {strides = array<i32>} : memref<4x128xi32, #tpu.memory_space<vmem>>, vector<16xi32>,
    tpu.vector_store %arg8[%swap3A_208, %swap3A_209], %get3A_206 {strides = array<i32>} : memref<4x128xi32, #tpu.memory_space<vmem>>, vector<16xi32>,
    %get3A_211 = arith.constant 3 : i32
    %get3A_212 = arith.index_cast %get3A_211 : i32 to index
    %get3A_213 = arith.constant 32 : index
    %get3A_214 = tpu.vector_load %arg7[%get3A_212, %get3A_213] {strides = array<i32>} : memref<4x128xi32, #tpu.memory_space<vmem>>, vector<16xi32>,
    %swap3A_215 = arith.constant 3 : i32
    %swap3A_216 = arith.index_cast %swap3A_215 : i32 to index
    %swap3A_217 = arith.constant 32 : index
    %swap3A_218 = tpu.vector_load %arg8[%swap3A_216, %swap3A_217] {strides = array<i32>} : memref<4x128xi32, #tpu.memory_space<vmem>>, vector<16xi32>,
    tpu.vector_store %arg8[%swap3A_216, %swap3A_217], %get3A_214 {strides = array<i32>} : memref<4x128xi32, #tpu.memory_space<vmem>>, vector<16xi32>,
    %get3A_219 = arith.constant 3 : i32
    %get3A_220 = arith.index_cast %get3A_219 : i32 to index
    %get3A_221 = arith.constant 48 : index
    %get3A_222 = tpu.vector_load %arg7[%get3A_220, %get3A_221] {strides = array<i32>} : memref<4x128xi32, #tpu.memory_space<vmem>>, vector<16xi32>,
    %swap3A_223 = arith.constant 3 : i32
    %swap3A_224 = arith.index_cast %swap3A_223 : i32 to index
    %swap3A_225 = arith.constant 48 : index
    %swap3A_226 = tpu.vector_load %arg8[%swap3A_224, %swap3A_225] {strides = array<i32>} : memref<4x128xi32, #tpu.memory_space<vmem>>, vector<16xi32>,
    tpu.vector_store %arg8[%swap3A_224, %swap3A_225], %get3A_222 {strides = array<i32>} : memref<4x128xi32, #tpu.memory_space<vmem>>, vector<16xi32>,
    %get3A_227 = arith.constant 3 : i32
    %get3A_228 = arith.index_cast %get3A_227 : i32 to index
    %get3A_229 = arith.constant 64 : index
    %get3A_230 = tpu.vector_load %arg7[%get3A_228, %get3A_229] {strides = array<i32>} : memref<4x128xi32, #tpu.memory_space<vmem>>, vector<16xi32>,
    %swap3A_231 = arith.constant 3 : i32
    %swap3A_232 = arith.index_cast %swap3A_231 : i32 to index
    %swap3A_233 = arith.constant 64 : index
    %swap3A_234 = tpu.vector_load %arg8[%swap3A_232, %swap3A_233] {strides = array<i32>} : memref<4x128xi32, #tpu.memory_space<vmem>>, vector<16xi32>,
    tpu.vector_store %arg8[%swap3A_232, %swap3A_233], %get3A_230 {strides = array<i32>} : memref<4x128xi32, #tpu.memory_space<vmem>>, vector<16xi32>,
    %get3A_235 = arith.constant 3 : i32
    %get3A_236 = arith.index_cast %get3A_235 : i32 to index
    %get3A_237 = arith.constant 80 : index
    %get3A_238 = tpu.vector_load %arg7[%get3A_236, %get3A_237] {strides = array<i32>} : memref<4x128xi32, #tpu.memory_space<vmem>>, vector<16xi32>,
    %swap3A_239 = arith.constant 3 : i32
    %swap3A_240 = arith.index_cast %swap3A_239 : i32 to index
    %swap3A_241 = arith.constant 80 : index
    %swap3A_242 = tpu.vector_load %arg8[%swap3A_240, %swap3A_241] {strides = array<i32>} : memref<4x128xi32, #tpu.memory_space<vmem>>, vector<16xi32>,
    tpu.vector_store %arg8[%swap3A_240, %swap3A_241], %get3A_238 {strides = array<i32>} : memref<4x128xi32, #tpu.memory_space<vmem>>, vector<16xi32>,
    %get3A_243 = arith.constant 3 : i32
    %get3A_244 = arith.index_cast %get3A_243 : i32 to index
    %get3A_245 = arith.constant 96 : index
    %get3A_246 = tpu.vector_load %arg7[%get3A_244, %get3A_245] {strides = array<i32>} : memref<4x128xi32, #tpu.memory_space<vmem>>, vector<16xi32>,
    %swap3A_247 = arith.constant 3 : i32
    %swap3A_248 = arith.index_cast %swap3A_247 : i32 to index
    %swap3A_249 = arith.constant 96 : index
    %swap3A_250 = tpu.vector_load %arg8[%swap3A_248, %swap3A_249] {strides = array<i32>} : memref<4x128xi32, #tpu.memory_space<vmem>>, vector<16xi32>,
    tpu.vector_store %arg8[%swap3A_248, %swap3A_249], %get3A_246 {strides = array<i32>} : memref<4x128xi32, #tpu.memory_space<vmem>>, vector<16xi32>,
    %get3A_251 = arith.constant 3 : i32
    %get3A_252 = arith.index_cast %get3A_251 : i32 to index
    %get3A_253 = arith.constant 112 : index
    %get3A_254 = tpu.vector_load %arg7[%get3A_252, %get3A_253] {strides = array<i32>} : memref<4x128xi32, #tpu.memory_space<vmem>>, vector<16xi32>,
    %swap3A_255 = arith.constant 3 : i32
    %swap3A_256 = arith.index_cast %swap3A_255 : i32 to index
    %swap3A_257 = arith.constant 112 : index
    %swap3A_258 = tpu.vector_load %arg8[%swap3A_256, %swap3A_257] {strides = array<i32>} : memref<4x128xi32, #tpu.memory_space<vmem>>, vector<16xi32>,
    tpu.vector_store %arg8[%swap3A_256, %swap3A_257], %get3A_254 {strides = array<i32>} : memref<4x128xi32, #tpu.memory_space<vmem>>, vector<16xi32>,
    %add3A_259 = arith.constant 0 : i32
    %add3A_260 = arith.addi %mul3A_2, %add3A_259 : i32
    %dma_start3A = arith.constant 0 : i32
    %dma_start3A_261 = tpu.memref_slice %arg2[%dma_start3A, %add3A_260] : memref<64x16384xf32, #tpu.memory_space<hbm>> -> memref<64x256xf32, #tpu.memory_space<hbm>>
    %dma_start3A_262 = arith.constant 0 : i32
    %dma_start3A_263 = tpu.memref_slice %arg2[%dma_start3A_262, %add3A_260] : memref<64x16384xf32, #tpu.memory_space<hbm>> -> memref<64x256xf32, #tpu.memory_space<hbm>>
    tpu.enqueue_dma source(%dma_start3A_263 : memref<64x256xf32, #tpu.memory_space<hbm>>) target(%arg10 : memref<64x256xf32, #tpu.memory_space<vmem>>) target_semaphore(%arg13 : memref<!tpu.dma_semaphore, #tpu.memory_space<semaphore_mem>>)
    %dma_start3A_264 = arith.constant 0 : i32
    %dma_start3A_265 = tpu.memref_slice %arg3[%dma_start3A_264, %add3A_260] : memref<64x16384xf32, #tpu.memory_space<hbm>> -> memref<64x256xf32, #tpu.memory_space<hbm>>
    %dma_start3A_266 = arith.constant 0 : i32
    %dma_start3A_267 = tpu.memref_slice %arg3[%dma_start3A_266, %add3A_260] : memref<64x16384xf32, #tpu.memory_space<hbm>> -> memref<64x256xf32, #tpu.memory_space<hbm>>
    tpu.enqueue_dma source(%dma_start3A_267 : memref<64x256xf32, #tpu.memory_space<hbm>>) target(%arg11 : memref<64x256xf32, #tpu.memory_space<vmem>>) target_semaphore(%arg13 : memref<!tpu.dma_semaphore, #tpu.memory_space<semaphore_mem>>)
    %dma_start3A_268 = arith.constant 0 : i32
    %dma_start3A_269 = arith.constant 0 : i32
    %dma_start3A_270 = arith.constant 0 : i32
    %dma_start3A_271 = tpu.memref_slice %arg9[%dma_start3A_269, %dma_start3A_270] : memref<256x128xf32, #tpu.memory_space<vmem>> -> memref<128x128xf32, #tpu.memory_space<vmem>>
    %dma_start3A_272 = arith.constant 0 : i32
    %dma_start3A_273 = tpu.memref_slice %arg8[%dma_start3A_268, %dma_start3A_272] : memref<4x128xi32, #tpu.memory_space<vmem>> -> memref<1x128xi32, #tpu.memory_space<vmem>>
    %dma_start3A_274 = tpu.memref_squeeze %dma_start3A_273 : memref<1x128xi32, #tpu.memory_space<vmem>> -> memref<128xi32, #tpu.memory_space<vmem>>
    %dma_start3A_275 = arith.constant 0 : i32
    %dma_start3A_276 = arith.constant 0 : i32
    %dma_start3A_277 = tpu.memref_slice %arg5[%dma_start3A_275, %dma_start3A_276] : memref<100000x128xf32, #tpu.memory_space<hbm>> -> memref<100000x128xf32, #tpu.memory_space<hbm>>
    tpu.enqueue_indirect_dma source(%dma_start3A_277 : memref<100000x128xf32, #tpu.memory_space<hbm>>) target(%dma_start3A_271 : memref<128x128xf32, #tpu.memory_space<vmem>>) offsets(%dma_start3A_274 : memref<128xi32, #tpu.memory_space<vmem>>) semaphore(%arg13 : memref<!tpu.dma_semaphore, #tpu.memory_space<semaphore_mem>>)
    %dma_start3A_278 = arith.constant 1 : i32
    %dma_start3A_279 = arith.constant 128 : i32
    %dma_start3A_280 = arith.constant 0 : i32
    %dma_start3A_281 = tpu.memref_slice %arg9[%dma_start3A_279, %dma_start3A_280] : memref<256x128xf32, #tpu.memory_space<vmem>> -> memref<128x128xf32, #tpu.memory_space<vmem>>
    %dma_start3A_282 = arith.constant 0 : i32
    %dma_start3A_283 = tpu.memref_slice %arg8[%dma_start3A_278, %dma_start3A_282] : memref<4x128xi32, #tpu.memory_space<vmem>> -> memref<1x128xi32, #tpu.memory_space<vmem>>
    %dma_start3A_284 = tpu.memref_squeeze %dma_start3A_283 : memref<1x128xi32, #tpu.memory_space<vmem>> -> memref<128xi32, #tpu.memory_space<vmem>>
    %dma_start3A_285 = arith.constant 0 : i32
    %dma_start3A_286 = arith.constant 0 : i32
    %dma_start3A_287 = tpu.memref_slice %arg5[%dma_start3A_285, %dma_start3A_286] : memref<100000x128xf32, #tpu.memory_space<hbm>> -> memref<100000x128xf32, #tpu.memory_space<hbm>>
    tpu.enqueue_indirect_dma source(%dma_start3A_287 : memref<100000x128xf32, #tpu.memory_space<hbm>>) target(%dma_start3A_281 : memref<128x128xf32, #tpu.memory_space<vmem>>) offsets(%dma_start3A_284 : memref<128xi32, #tpu.memory_space<vmem>>) semaphore(%arg13 : memref<!tpu.dma_semaphore, #tpu.memory_space<semaphore_mem>>)
    %dma_wait3A = arith.constant 0 : i32
    %dma_wait3A_288 = tpu.memref_slice %arg2[%dma_wait3A, %add3A_260] : memref<64x16384xf32, #tpu.memory_space<hbm>> -> memref<64x256xf32, #tpu.memory_space<hbm>>
    %dma_wait3A_289 = arith.constant 0 : i32
    %dma_wait3A_290 = tpu.memref_slice %arg2[%dma_wait3A_289, %add3A_260] : memref<64x16384xf32, #tpu.memory_space<hbm>> -> memref<64x256xf32, #tpu.memory_space<hbm>>
    tpu.wait_dma2 semaphore(%arg13 : memref<!tpu.dma_semaphore, #tpu.memory_space<semaphore_mem>>) src(%dma_wait3A_290 : memref<64x256xf32, #tpu.memory_space<hbm>>) dst(%arg10 : memref<64x256xf32, #tpu.memory_space<vmem>>)
    %dma_wait3A_291 = arith.constant 0 : i32
    %dma_wait3A_292 = tpu.memref_slice %arg3[%dma_wait3A_291, %add3A_260] : memref<64x16384xf32, #tpu.memory_space<hbm>> -> memref<64x256xf32, #tpu.memory_space<hbm>>
    %dma_wait3A_293 = arith.constant 0 : i32
    %dma_wait3A_294 = tpu.memref_slice %arg3[%dma_wait3A_293, %add3A_260] : memref<64x16384xf32, #tpu.memory_space<hbm>> -> memref<64x256xf32, #tpu.memory_space<hbm>>
    tpu.wait_dma2 semaphore(%arg13 : memref<!tpu.dma_semaphore, #tpu.memory_space<semaphore_mem>>) src(%dma_wait3A_294 : memref<64x256xf32, #tpu.memory_space<hbm>>) dst(%arg11 : memref<64x256xf32, #tpu.memory_space<vmem>>)
    %dma_wait3A_295 = arith.constant 0 : i32
    %dma_wait3A_296 = arith.constant 0 : i32
    %dma_wait3A_297 = arith.constant 0 : i32
    %dma_wait3A_298 = tpu.memref_slice %arg9[%dma_wait3A_296, %dma_wait3A_297] : memref<256x128xf32, #tpu.memory_space<vmem>> -> memref<128x128xf32, #tpu.memory_space<vmem>>
    %dma_wait3A_299 = arith.constant 0 : i32
    %dma_wait3A_300 = tpu.memref_slice %arg8[%dma_wait3A_295, %dma_wait3A_299] : memref<4x128xi32, #tpu.memory_space<vmem>> -> memref<1x128xi32, #tpu.memory_space<vmem>>
    %dma_wait3A_301 = tpu.memref_squeeze %dma_wait3A_300 : memref<1x128xi32, #tpu.memory_space<vmem>> -> memref<128xi32, #tpu.memory_space<vmem>>
    %dma_wait3A_302 = arith.constant 0 : i32
    %dma_wait3A_303 = arith.constant 0 : i32
    %dma_wait3A_304 = tpu.memref_slice %arg5[%dma_wait3A_302, %dma_wait3A_303] : memref<100000x128xf32, #tpu.memory_space<hbm>> -> memref<100000x128xf32, #tpu.memory_space<hbm>>
    tpu.wait_indirect_dma semaphore(%arg13 : memref<!tpu.dma_semaphore, #tpu.memory_space<semaphore_mem>>) src(%dma_wait3A_304 : memref<100000x128xf32, #tpu.memory_space<hbm>>) dst(%dma_wait3A_298 : memref<128x128xf32, #tpu.memory_space<vmem>>)
    %dma_wait3A_305 = arith.constant 1 : i32
    %dma_wait3A_306 = arith.constant 128 : i32
    %dma_wait3A_307 = arith.constant 0 : i32
    %dma_wait3A_308 = tpu.memref_slice %arg9[%dma_wait3A_306, %dma_wait3A_307] : memref<256x128xf32, #tpu.memory_space<vmem>> -> memref<128x128xf32, #tpu.memory_space<vmem>>
    %dma_wait3A_309 = arith.constant 0 : i32
    %dma_wait3A_310 = tpu.memref_slice %arg8[%dma_wait3A_305, %dma_wait3A_309] : memref<4x128xi32, #tpu.memory_space<vmem>> -> memref<1x128xi32, #tpu.memory_space<vmem>>
    %dma_wait3A_311 = tpu.memref_squeeze %dma_wait3A_310 : memref<1x128xi32, #tpu.memory_space<vmem>> -> memref<128xi32, #tpu.memory_space<vmem>>
    %dma_wait3A_312 = arith.constant 0 : i32
    %dma_wait3A_313 = arith.constant 0 : i32
    %dma_wait3A_314 = tpu.memref_slice %arg5[%dma_wait3A_312, %dma_wait3A_313] : memref<100000x128xf32, #tpu.memory_space<hbm>> -> memref<100000x128xf32, #tpu.memory_space<hbm>>
    tpu.wait_indirect_dma semaphore(%arg13 : memref<!tpu.dma_semaphore, #tpu.memory_space<semaphore_mem>>) src(%dma_wait3A_314 : memref<100000x128xf32, #tpu.memory_space<hbm>>) dst(%dma_wait3A_308 : memref<128x128xf32, #tpu.memory_space<vmem>>)
    %scan3A = arith.constant 0 : i32
    %scan3A_315 = arith.constant 0 : i32
    %scan3A_316 = arith.constant 16 : i32
    %scan3A_317 = arith.addi %scan3A_315, %scan3A_316 : i32
    %scan3A_318 = arith.constant 1 : i32
    scf.for %scan3A_384 = %scan3A_315 to %scan3A_317 step %scan3A_318  : i32 {
      %mul3A_385 = arith.constant 16 : i32
      %mul3A_386 = arith.muli %scan3A_384, %mul3A_385 : i32
      %iota3A = tpu.iota {dimensions = array<i32: 0>} : vector<16xi32>
      %add3A_387 = vector.broadcast %mul3A_386 : i32 to vector<16xi32>
      %add3A_388 = arith.addi %iota3A, %add3A_387 : vector<16xi32>
      %broadcast_in_dim3A = arith.constant 0 : i32
      %broadcast_in_dim3A_389 = vector.broadcast %broadcast_in_dim3A : i32 to vector<16xi32>
      %broadcast_in_dim3A_390 = arith.constant 0.000000e+00 : f32
      %broadcast_in_dim3A_391 = vector.broadcast %broadcast_in_dim3A_390 : f32 to vector<16xf32>
      %add3A_392 = arith.constant 0 : i32
      %add3A_393 = vector.broadcast %add3A_392 : i32 to vector<16xi32>
      %add3A_394 = arith.addi %broadcast_in_dim3A_389, %add3A_393 : vector<16xi32>
      %gather3A = tpu.vector_load_idx %arg9[%add3A_388, %add3A_394] : memref<256x128xf32, #tpu.memory_space<vmem>>[vector<16xi32>, vector<16xi32>], vector<16xf32>,
      %get3A_395 = arith.constant 0 : i32
      %get3A_396 = arith.index_cast %get3A_395 : i32 to index
      %get3A_397 = arith.index_cast %mul3A_386 : i32 to index
      %get3A_398 = tpu.vector_load %arg10[%get3A_396, %get3A_397] {strides = array<i32>} : memref<64x256xf32, #tpu.memory_space<vmem>>, vector<16xf32>,
      %get3A_399 = arith.constant 0 : i32
      %get3A_400 = arith.index_cast %get3A_399 : i32 to index
      %get3A_401 = arith.index_cast %mul3A_386 : i32 to index
      %get3A_402 = tpu.vector_load %arg11[%get3A_400, %get3A_401] {strides = array<i32>} : memref<64x256xf32, #tpu.memory_space<vmem>>, vector<16xf32>,
      %mul3A_403 = arith.mulf %get3A_398, %gather3A : vector<16xf32>
      %mul3A_404 = arith.mulf %mul3A_403, %get3A_402 : vector<16xf32>
      %add3A_405 = arith.addf %broadcast_in_dim3A_391, %mul3A_404 : vector<16xf32>
      %add3A_406 = arith.constant 1 : i32
      %add3A_407 = vector.broadcast %add3A_406 : i32 to vector<16xi32>
      %add3A_408 = arith.addi %broadcast_in_dim3A_389, %add3A_407 : vector<16xi32>
      %gather3A_409 = tpu.vector_load_idx %arg9[%add3A_388, %add3A_408] : memref<256x128xf32, #tpu.memory_space<vmem>>[vector<16xi32>, vector<16xi32>], vector<16xf32>,
      %get3A_410 = arith.constant 1 : i32
      %get3A_411 = arith.index_cast %get3A_410 : i32 to index
      %get3A_412 = arith.index_cast %mul3A_386 : i32 to index
      %get3A_413 = tpu.vector_load %arg10[%get3A_411, %get3A_412] {strides = array<i32>} : memref<64x256xf32, #tpu.memory_space<vmem>>, vector<16xf32>,
      %get3A_414 = arith.constant 1 : i32
      %get3A_415 = arith.index_cast %get3A_414 : i32 to index
      %get3A_416 = arith.index_cast %mul3A_386 : i32 to index
      %get3A_417 = tpu.vector_load %arg11[%get3A_415, %get3A_416] {strides = array<i32>} : memref<64x256xf32, #tpu.memory_space<vmem>>, vector<16xf32>,
      %mul3A_418 = arith.mulf %get3A_413, %gather3A_409 : vector<16xf32>
      %mul3A_419 = arith.mulf %mul3A_418, %get3A_417 : vector<16xf32>
      %add3A_420 = arith.addf %add3A_405, %mul3A_419 : vector<16xf32>
      %add3A_421 = arith.constant 2 : i32
      %add3A_422 = vector.broadcast %add3A_421 : i32 to vector<16xi32>
      %add3A_423 = arith.addi %broadcast_in_dim3A_389, %add3A_422 : vector<16xi32>
      %gather3A_424 = tpu.vector_load_idx %arg9[%add3A_388, %add3A_423] : memref<256x128xf32, #tpu.memory_space<vmem>>[vector<16xi32>, vector<16xi32>], vector<16xf32>,
      %get3A_425 = arith.constant 2 : i32
      %get3A_426 = arith.index_cast %get3A_425 : i32 to index
      %get3A_427 = arith.index_cast %mul3A_386 : i32 to index
      %get3A_428 = tpu.vector_load %arg10[%get3A_426, %get3A_427] {strides = array<i32>} : memref<64x256xf32, #tpu.memory_space<vmem>>, vector<16xf32>,
      %get3A_429 = arith.constant 2 : i32
      %get3A_430 = arith.index_cast %get3A_429 : i32 to index
      %get3A_431 = arith.index_cast %mul3A_386 : i32 to index
      %get3A_432 = tpu.vector_load %arg11[%get3A_430, %get3A_431] {strides = array<i32>} : memref<64x256xf32, #tpu.memory_space<vmem>>, vector<16xf32>,
      %mul3A_433 = arith.mulf %get3A_428, %gather3A_424 : vector<16xf32>
      %mul3A_434 = arith.mulf %mul3A_433, %get3A_432 : vector<16xf32>
      %add3A_435 = arith.addf %add3A_420, %mul3A_434 : vector<16xf32>
      %add3A_436 = arith.constant 3 : i32
      %add3A_437 = vector.broadcast %add3A_436 : i32 to vector<16xi32>
      %add3A_438 = arith.addi %broadcast_in_dim3A_389, %add3A_437 : vector<16xi32>
      %gather3A_439 = tpu.vector_load_idx %arg9[%add3A_388, %add3A_438] : memref<256x128xf32, #tpu.memory_space<vmem>>[vector<16xi32>, vector<16xi32>], vector<16xf32>,
      %get3A_440 = arith.constant 3 : i32
      %get3A_441 = arith.index_cast %get3A_440 : i32 to index
      %get3A_442 = arith.index_cast %mul3A_386 : i32 to index
      %get3A_443 = tpu.vector_load %arg10[%get3A_441, %get3A_442] {strides = array<i32>} : memref<64x256xf32, #tpu.memory_space<vmem>>, vector<16xf32>,
      %get3A_444 = arith.constant 3 : i32
      %get3A_445 = arith.index_cast %get3A_444 : i32 to index
      %get3A_446 = arith.index_cast %mul3A_386 : i32 to index
      %get3A_447 = tpu.vector_load %arg11[%get3A_445, %get3A_446] {strides = array<i32>} : memref<64x256xf32, #tpu.memory_space<vmem>>, vector<16xf32>,
      %mul3A_448 = arith.mulf %get3A_443, %gather3A_439 : vector<16xf32>
      %mul3A_449 = arith.mulf %mul3A_448, %get3A_447 : vector<16xf32>
      %add3A_450 = arith.addf %add3A_435, %mul3A_449 : vector<16xf32>
      %add3A_451 = arith.constant 4 : i32
      %add3A_452 = vector.broadcast %add3A_451 : i32 to vector<16xi32>
      %add3A_453 = arith.addi %broadcast_in_dim3A_389, %add3A_452 : vector<16xi32>
      %gather3A_454 = tpu.vector_load_idx %arg9[%add3A_388, %add3A_453] : memref<256x128xf32, #tpu.memory_space<vmem>>[vector<16xi32>, vector<16xi32>], vector<16xf32>,
      %get3A_455 = arith.constant 4 : i32
      %get3A_456 = arith.index_cast %get3A_455 : i32 to index
      %get3A_457 = arith.index_cast %mul3A_386 : i32 to index
      %get3A_458 = tpu.vector_load %arg10[%get3A_456, %get3A_457] {strides = array<i32>} : memref<64x256xf32, #tpu.memory_space<vmem>>, vector<16xf32>,
      %get3A_459 = arith.constant 4 : i32
      %get3A_460 = arith.index_cast %get3A_459 : i32 to index
      %get3A_461 = arith.index_cast %mul3A_386 : i32 to index
      %get3A_462 = tpu.vector_load %arg11[%get3A_460, %get3A_461] {strides = array<i32>} : memref<64x256xf32, #tpu.memory_space<vmem>>, vector<16xf32>,
      %mul3A_463 = arith.mulf %get3A_458, %gather3A_454 : vector<16xf32>
      %mul3A_464 = arith.mulf %mul3A_463, %get3A_462 : vector<16xf32>
      %add3A_465 = arith.addf %add3A_450, %mul3A_464 : vector<16xf32>
      %add3A_466 = arith.constant 5 : i32
      %add3A_467 = vector.broadcast %add3A_466 : i32 to vector<16xi32>
      %add3A_468 = arith.addi %broadcast_in_dim3A_389, %add3A_467 : vector<16xi32>
      %gather3A_469 = tpu.vector_load_idx %arg9[%add3A_388, %add3A_468] : memref<256x128xf32, #tpu.memory_space<vmem>>[vector<16xi32>, vector<16xi32>], vector<16xf32>,
      %get3A_470 = arith.constant 5 : i32
      %get3A_471 = arith.index_cast %get3A_470 : i32 to index
      %get3A_472 = arith.index_cast %mul3A_386 : i32 to index
      %get3A_473 = tpu.vector_load %arg10[%get3A_471, %get3A_472] {strides = array<i32>} : memref<64x256xf32, #tpu.memory_space<vmem>>, vector<16xf32>,
      %get3A_474 = arith.constant 5 : i32
      %get3A_475 = arith.index_cast %get3A_474 : i32 to index
      %get3A_476 = arith.index_cast %mul3A_386 : i32 to index
      %get3A_477 = tpu.vector_load %arg11[%get3A_475, %get3A_476] {strides = array<i32>} : memref<64x256xf32, #tpu.memory_space<vmem>>, vector<16xf32>,
      %mul3A_478 = arith.mulf %get3A_473, %gather3A_469 : vector<16xf32>
      %mul3A_479 = arith.mulf %mul3A_478, %get3A_477 : vector<16xf32>
      %add3A_480 = arith.addf %add3A_465, %mul3A_479 : vector<16xf32>
      %add3A_481 = arith.constant 6 : i32
      %add3A_482 = vector.broadcast %add3A_481 : i32 to vector<16xi32>
      %add3A_483 = arith.addi %broadcast_in_dim3A_389, %add3A_482 : vector<16xi32>
      %gather3A_484 = tpu.vector_load_idx %arg9[%add3A_388, %add3A_483] : memref<256x128xf32, #tpu.memory_space<vmem>>[vector<16xi32>, vector<16xi32>], vector<16xf32>,
      %get3A_485 = arith.constant 6 : i32
      %get3A_486 = arith.index_cast %get3A_485 : i32 to index
      %get3A_487 = arith.index_cast %mul3A_386 : i32 to index
      %get3A_488 = tpu.vector_load %arg10[%get3A_486, %get3A_487] {strides = array<i32>} : memref<64x256xf32, #tpu.memory_space<vmem>>, vector<16xf32>,
      %get3A_489 = arith.constant 6 : i32
      %get3A_490 = arith.index_cast %get3A_489 : i32 to index
      %get3A_491 = arith.index_cast %mul3A_386 : i32 to index
      %get3A_492 = tpu.vector_load %arg11[%get3A_490, %get3A_491] {strides = array<i32>} : memref<64x256xf32, #tpu.memory_space<vmem>>, vector<16xf32>,
      %mul3A_493 = arith.mulf %get3A_488, %gather3A_484 : vector<16xf32>
      %mul3A_494 = arith.mulf %mul3A_493, %get3A_492 : vector<16xf32>
      %add3A_495 = arith.addf %add3A_480, %mul3A_494 : vector<16xf32>
      %add3A_496 = arith.constant 7 : i32
      %add3A_497 = vector.broadcast %add3A_496 : i32 to vector<16xi32>
      %add3A_498 = arith.addi %broadcast_in_dim3A_389, %add3A_497 : vector<16xi32>
      %gather3A_499 = tpu.vector_load_idx %arg9[%add3A_388, %add3A_498] : memref<256x128xf32, #tpu.memory_space<vmem>>[vector<16xi32>, vector<16xi32>], vector<16xf32>,
      %get3A_500 = arith.constant 7 : i32
      %get3A_501 = arith.index_cast %get3A_500 : i32 to index
      %get3A_502 = arith.index_cast %mul3A_386 : i32 to index
      %get3A_503 = tpu.vector_load %arg10[%get3A_501, %get3A_502] {strides = array<i32>} : memref<64x256xf32, #tpu.memory_space<vmem>>, vector<16xf32>,
      %get3A_504 = arith.constant 7 : i32
      %get3A_505 = arith.index_cast %get3A_504 : i32 to index
      %get3A_506 = arith.index_cast %mul3A_386 : i32 to index
      %get3A_507 = tpu.vector_load %arg11[%get3A_505, %get3A_506] {strides = array<i32>} : memref<64x256xf32, #tpu.memory_space<vmem>>, vector<16xf32>,
      %mul3A_508 = arith.mulf %get3A_503, %gather3A_499 : vector<16xf32>
      %mul3A_509 = arith.mulf %mul3A_508, %get3A_507 : vector<16xf32>
      %add3A_510 = arith.addf %add3A_495, %mul3A_509 : vector<16xf32>
      %add3A_511 = arith.constant 8 : i32
      %add3A_512 = vector.broadcast %add3A_511 : i32 to vector<16xi32>
      %add3A_513 = arith.addi %broadcast_in_dim3A_389, %add3A_512 : vector<16xi32>
      %gather3A_514 = tpu.vector_load_idx %arg9[%add3A_388, %add3A_513] : memref<256x128xf32, #tpu.memory_space<vmem>>[vector<16xi32>, vector<16xi32>], vector<16xf32>,
      %get3A_515 = arith.constant 8 : i32
      %get3A_516 = arith.index_cast %get3A_515 : i32 to index
      %get3A_517 = arith.index_cast %mul3A_386 : i32 to index
      %get3A_518 = tpu.vector_load %arg10[%get3A_516, %get3A_517] {strides = array<i32>} : memref<64x256xf32, #tpu.memory_space<vmem>>, vector<16xf32>,
      %get3A_519 = arith.constant 8 : i32
      %get3A_520 = arith.index_cast %get3A_519 : i32 to index
      %get3A_521 = arith.index_cast %mul3A_386 : i32 to index
      %get3A_522 = tpu.vector_load %arg11[%get3A_520, %get3A_521] {strides = array<i32>} : memref<64x256xf32, #tpu.memory_space<vmem>>, vector<16xf32>,
      %mul3A_523 = arith.mulf %get3A_518, %gather3A_514 : vector<16xf32>
      %mul3A_524 = arith.mulf %mul3A_523, %get3A_522 : vector<16xf32>
      %add3A_525 = arith.addf %add3A_510, %mul3A_524 : vector<16xf32>
      %add3A_526 = arith.constant 9 : i32
      %add3A_527 = vector.broadcast %add3A_526 : i32 to vector<16xi32>
      %add3A_528 = arith.addi %broadcast_in_dim3A_389, %add3A_527 : vector<16xi32>
      %gather3A_529 = tpu.vector_load_idx %arg9[%add3A_388, %add3A_528] : memref<256x128xf32, #tpu.memory_space<vmem>>[vector<16xi32>, vector<16xi32>], vector<16xf32>,
      %get3A_530 = arith.constant 9 : i32
      %get3A_531 = arith.index_cast %get3A_530 : i32 to index
      %get3A_532 = arith.index_cast %mul3A_386 : i32 to index
      %get3A_533 = tpu.vector_load %arg10[%get3A_531, %get3A_532] {strides = array<i32>} : memref<64x256xf32, #tpu.memory_space<vmem>>, vector<16xf32>,
      %get3A_534 = arith.constant 9 : i32
      %get3A_535 = arith.index_cast %get3A_534 : i32 to index
      %get3A_536 = arith.index_cast %mul3A_386 : i32 to index
      %get3A_537 = tpu.vector_load %arg11[%get3A_535, %get3A_536] {strides = array<i32>} : memref<64x256xf32, #tpu.memory_space<vmem>>, vector<16xf32>,
      %mul3A_538 = arith.mulf %get3A_533, %gather3A_529 : vector<16xf32>
      %mul3A_539 = arith.mulf %mul3A_538, %get3A_537 : vector<16xf32>
      %add3A_540 = arith.addf %add3A_525, %mul3A_539 : vector<16xf32>
      %add3A_541 = arith.constant 10 : i32
      %add3A_542 = vector.broadcast %add3A_541 : i32 to vector<16xi32>
      %add3A_543 = arith.addi %broadcast_in_dim3A_389, %add3A_542 : vector<16xi32>
      %gather3A_544 = tpu.vector_load_idx %arg9[%add3A_388, %add3A_543] : memref<256x128xf32, #tpu.memory_space<vmem>>[vector<16xi32>, vector<16xi32>], vector<16xf32>,
      %get3A_545 = arith.constant 10 : i32
      %get3A_546 = arith.index_cast %get3A_545 : i32 to index
      %get3A_547 = arith.index_cast %mul3A_386 : i32 to index
      %get3A_548 = tpu.vector_load %arg10[%get3A_546, %get3A_547] {strides = array<i32>} : memref<64x256xf32, #tpu.memory_space<vmem>>, vector<16xf32>,
      %get3A_549 = arith.constant 10 : i32
      %get3A_550 = arith.index_cast %get3A_549 : i32 to index
      %get3A_551 = arith.index_cast %mul3A_386 : i32 to index
      %get3A_552 = tpu.vector_load %arg11[%get3A_550, %get3A_551] {strides = array<i32>} : memref<64x256xf32, #tpu.memory_space<vmem>>, vector<16xf32>,
      %mul3A_553 = arith.mulf %get3A_548, %gather3A_544 : vector<16xf32>
      %mul3A_554 = arith.mulf %mul3A_553, %get3A_552 : vector<16xf32>
      %add3A_555 = arith.addf %add3A_540, %mul3A_554 : vector<16xf32>
      %add3A_556 = arith.constant 11 : i32
      %add3A_557 = vector.broadcast %add3A_556 : i32 to vector<16xi32>
      %add3A_558 = arith.addi %broadcast_in_dim3A_389, %add3A_557 : vector<16xi32>
      %gather3A_559 = tpu.vector_load_idx %arg9[%add3A_388, %add3A_558] : memref<256x128xf32, #tpu.memory_space<vmem>>[vector<16xi32>, vector<16xi32>], vector<16xf32>,
      %get3A_560 = arith.constant 11 : i32
      %get3A_561 = arith.index_cast %get3A_560 : i32 to index
      %get3A_562 = arith.index_cast %mul3A_386 : i32 to index
      %get3A_563 = tpu.vector_load %arg10[%get3A_561, %get3A_562] {strides = array<i32>} : memref<64x256xf32, #tpu.memory_space<vmem>>, vector<16xf32>,
      %get3A_564 = arith.constant 11 : i32
      %get3A_565 = arith.index_cast %get3A_564 : i32 to index
      %get3A_566 = arith.index_cast %mul3A_386 : i32 to index
      %get3A_567 = tpu.vector_load %arg11[%get3A_565, %get3A_566] {strides = array<i32>} : memref<64x256xf32, #tpu.memory_space<vmem>>, vector<16xf32>,
      %mul3A_568 = arith.mulf %get3A_563, %gather3A_559 : vector<16xf32>
      %mul3A_569 = arith.mulf %mul3A_568, %get3A_567 : vector<16xf32>
      %add3A_570 = arith.addf %add3A_555, %mul3A_569 : vector<16xf32>
      %add3A_571 = arith.constant 12 : i32
      %add3A_572 = vector.broadcast %add3A_571 : i32 to vector<16xi32>
      %add3A_573 = arith.addi %broadcast_in_dim3A_389, %add3A_572 : vector<16xi32>
      %gather3A_574 = tpu.vector_load_idx %arg9[%add3A_388, %add3A_573] : memref<256x128xf32, #tpu.memory_space<vmem>>[vector<16xi32>, vector<16xi32>], vector<16xf32>,
      %get3A_575 = arith.constant 12 : i32
      %get3A_576 = arith.index_cast %get3A_575 : i32 to index
      %get3A_577 = arith.index_cast %mul3A_386 : i32 to index
      %get3A_578 = tpu.vector_load %arg10[%get3A_576, %get3A_577] {strides = array<i32>} : memref<64x256xf32, #tpu.memory_space<vmem>>, vector<16xf32>,
      %get3A_579 = arith.constant 12 : i32
      %get3A_580 = arith.index_cast %get3A_579 : i32 to index
      %get3A_581 = arith.index_cast %mul3A_386 : i32 to index
      %get3A_582 = tpu.vector_load %arg11[%get3A_580, %get3A_581] {strides = array<i32>} : memref<64x256xf32, #tpu.memory_space<vmem>>, vector<16xf32>,
      %mul3A_583 = arith.mulf %get3A_578, %gather3A_574 : vector<16xf32>
      %mul3A_584 = arith.mulf %mul3A_583, %get3A_582 : vector<16xf32>
      %add3A_585 = arith.addf %add3A_570, %mul3A_584 : vector<16xf32>
      %add3A_586 = arith.constant 13 : i32
      %add3A_587 = vector.broadcast %add3A_586 : i32 to vector<16xi32>
      %add3A_588 = arith.addi %broadcast_in_dim3A_389, %add3A_587 : vector<16xi32>
      %gather3A_589 = tpu.vector_load_idx %arg9[%add3A_388, %add3A_588] : memref<256x128xf32, #tpu.memory_space<vmem>>[vector<16xi32>, vector<16xi32>], vector<16xf32>,
      %get3A_590 = arith.constant 13 : i32
      %get3A_591 = arith.index_cast %get3A_590 : i32 to index
      %get3A_592 = arith.index_cast %mul3A_386 : i32 to index
      %get3A_593 = tpu.vector_load %arg10[%get3A_591, %get3A_592] {strides = array<i32>} : memref<64x256xf32, #tpu.memory_space<vmem>>, vector<16xf32>,
      %get3A_594 = arith.constant 13 : i32
      %get3A_595 = arith.index_cast %get3A_594 : i32 to index
      %get3A_596 = arith.index_cast %mul3A_386 : i32 to index
      %get3A_597 = tpu.vector_load %arg11[%get3A_595, %get3A_596] {strides = array<i32>} : memref<64x256xf32, #tpu.memory_space<vmem>>, vector<16xf32>,
      %mul3A_598 = arith.mulf %get3A_593, %gather3A_589 : vector<16xf32>
      %mul3A_599 = arith.mulf %mul3A_598, %get3A_597 : vector<16xf32>
      %add3A_600 = arith.addf %add3A_585, %mul3A_599 : vector<16xf32>
      %add3A_601 = arith.constant 14 : i32
      %add3A_602 = vector.broadcast %add3A_601 : i32 to vector<16xi32>
      %add3A_603 = arith.addi %broadcast_in_dim3A_389, %add3A_602 : vector<16xi32>
      %gather3A_604 = tpu.vector_load_idx %arg9[%add3A_388, %add3A_603] : memref<256x128xf32, #tpu.memory_space<vmem>>[vector<16xi32>, vector<16xi32>], vector<16xf32>,
      %get3A_605 = arith.constant 14 : i32
      %get3A_606 = arith.index_cast %get3A_605 : i32 to index
      %get3A_607 = arith.index_cast %mul3A_386 : i32 to index
      %get3A_608 = tpu.vector_load %arg10[%get3A_606, %get3A_607] {strides = array<i32>} : memref<64x256xf32, #tpu.memory_space<vmem>>, vector<16xf32>,
      %get3A_609 = arith.constant 14 : i32
      %get3A_610 = arith.index_cast %get3A_609 : i32 to index
      %get3A_611 = arith.index_cast %mul3A_386 : i32 to index
      %get3A_612 = tpu.vector_load %arg11[%get3A_610, %get3A_611] {strides = array<i32>} : memref<64x256xf32, #tpu.memory_space<vmem>>, vector<16xf32>,
      %mul3A_613 = arith.mulf %get3A_608, %gather3A_604 : vector<16xf32>
      %mul3A_614 = arith.mulf %mul3A_613, %get3A_612 : vector<16xf32>
      %add3A_615 = arith.addf %add3A_600, %mul3A_614 : vector<16xf32>
      %add3A_616 = arith.constant 15 : i32
      %add3A_617 = vector.broadcast %add3A_616 : i32 to vector<16xi32>
      %add3A_618 = arith.addi %broadcast_in_dim3A_389, %add3A_617 : vector<16xi32>
      %gather3A_619 = tpu.vector_load_idx %arg9[%add3A_388, %add3A_618] : memref<256x128xf32, #tpu.memory_space<vmem>>[vector<16xi32>, vector<16xi32>], vector<16xf32>,
      %get3A_620 = arith.constant 15 : i32
      %get3A_621 = arith.index_cast %get3A_620 : i32 to index
      %get3A_622 = arith.index_cast %mul3A_386 : i32 to index
      %get3A_623 = tpu.vector_load %arg10[%get3A_621, %get3A_622] {strides = array<i32>} : memref<64x256xf32, #tpu.memory_space<vmem>>, vector<16xf32>,
      %get3A_624 = arith.constant 15 : i32
      %get3A_625 = arith.index_cast %get3A_624 : i32 to index
      %get3A_626 = arith.index_cast %mul3A_386 : i32 to index
      %get3A_627 = tpu.vector_load %arg11[%get3A_625, %get3A_626] {strides = array<i32>} : memref<64x256xf32, #tpu.memory_space<vmem>>, vector<16xf32>,
      %mul3A_628 = arith.mulf %get3A_623, %gather3A_619 : vector<16xf32>
      %mul3A_629 = arith.mulf %mul3A_628, %get3A_627 : vector<16xf32>
      %add3A_630 = arith.addf %add3A_615, %mul3A_629 : vector<16xf32>
      %add3A_631 = arith.constant 16 : i32
      %add3A_632 = vector.broadcast %add3A_631 : i32 to vector<16xi32>
      %add3A_633 = arith.addi %broadcast_in_dim3A_389, %add3A_632 : vector<16xi32>
      %gather3A_634 = tpu.vector_load_idx %arg9[%add3A_388, %add3A_633] : memref<256x128xf32, #tpu.memory_space<vmem>>[vector<16xi32>, vector<16xi32>], vector<16xf32>,
      %get3A_635 = arith.constant 16 : i32
      %get3A_636 = arith.index_cast %get3A_635 : i32 to index
      %get3A_637 = arith.index_cast %mul3A_386 : i32 to index
      %get3A_638 = tpu.vector_load %arg10[%get3A_636, %get3A_637] {strides = array<i32>} : memref<64x256xf32, #tpu.memory_space<vmem>>, vector<16xf32>,
      %get3A_639 = arith.constant 16 : i32
      %get3A_640 = arith.index_cast %get3A_639 : i32 to index
      %get3A_641 = arith.index_cast %mul3A_386 : i32 to index
      %get3A_642 = tpu.vector_load %arg11[%get3A_640, %get3A_641] {strides = array<i32>} : memref<64x256xf32, #tpu.memory_space<vmem>>, vector<16xf32>,
      %mul3A_643 = arith.mulf %get3A_638, %gather3A_634 : vector<16xf32>
      %mul3A_644 = arith.mulf %mul3A_643, %get3A_642 : vector<16xf32>
      %add3A_645 = arith.addf %add3A_630, %mul3A_644 : vector<16xf32>
      %add3A_646 = arith.constant 17 : i32
      %add3A_647 = vector.broadcast %add3A_646 : i32 to vector<16xi32>
      %add3A_648 = arith.addi %broadcast_in_dim3A_389, %add3A_647 : vector<16xi32>
      %gather3A_649 = tpu.vector_load_idx %arg9[%add3A_388, %add3A_648] : memref<256x128xf32, #tpu.memory_space<vmem>>[vector<16xi32>, vector<16xi32>], vector<16xf32>,
      %get3A_650 = arith.constant 17 : i32
      %get3A_651 = arith.index_cast %get3A_650 : i32 to index
      %get3A_652 = arith.index_cast %mul3A_386 : i32 to index
      %get3A_653 = tpu.vector_load %arg10[%get3A_651, %get3A_652] {strides = array<i32>} : memref<64x256xf32, #tpu.memory_space<vmem>>, vector<16xf32>,
      %get3A_654 = arith.constant 17 : i32
      %get3A_655 = arith.index_cast %get3A_654 : i32 to index
      %get3A_656 = arith.index_cast %mul3A_386 : i32 to index
      %get3A_657 = tpu.vector_load %arg11[%get3A_655, %get3A_656] {strides = array<i32>} : memref<64x256xf32, #tpu.memory_space<vmem>>, vector<16xf32>,
      %mul3A_658 = arith.mulf %get3A_653, %gather3A_649 : vector<16xf32>
      %mul3A_659 = arith.mulf %mul3A_658, %get3A_657 : vector<16xf32>
      %add3A_660 = arith.addf %add3A_645, %mul3A_659 : vector<16xf32>
      %add3A_661 = arith.constant 18 : i32
      %add3A_662 = vector.broadcast %add3A_661 : i32 to vector<16xi32>
      %add3A_663 = arith.addi %broadcast_in_dim3A_389, %add3A_662 : vector<16xi32>
      %gather3A_664 = tpu.vector_load_idx %arg9[%add3A_388, %add3A_663] : memref<256x128xf32, #tpu.memory_space<vmem>>[vector<16xi32>, vector<16xi32>], vector<16xf32>,
      %get3A_665 = arith.constant 18 : i32
      %get3A_666 = arith.index_cast %get3A_665 : i32 to index
      %get3A_667 = arith.index_cast %mul3A_386 : i32 to index
      %get3A_668 = tpu.vector_load %arg10[%get3A_666, %get3A_667] {strides = array<i32>} : memref<64x256xf32, #tpu.memory_space<vmem>>, vector<16xf32>,
      %get3A_669 = arith.constant 18 : i32
      %get3A_670 = arith.index_cast %get3A_669 : i32 to index
      %get3A_671 = arith.index_cast %mul3A_386 : i32 to index
      %get3A_672 = tpu.vector_load %arg11[%get3A_670, %get3A_671] {strides = array<i32>} : memref<64x256xf32, #tpu.memory_space<vmem>>, vector<16xf32>,
      %mul3A_673 = arith.mulf %get3A_668, %gather3A_664 : vector<16xf32>
      %mul3A_674 = arith.mulf %mul3A_673, %get3A_672 : vector<16xf32>
      %add3A_675 = arith.addf %add3A_660, %mul3A_674 : vector<16xf32>
      %add3A_676 = arith.constant 19 : i32
      %add3A_677 = vector.broadcast %add3A_676 : i32 to vector<16xi32>
      %add3A_678 = arith.addi %broadcast_in_dim3A_389, %add3A_677 : vector<16xi32>
      %gather3A_679 = tpu.vector_load_idx %arg9[%add3A_388, %add3A_678] : memref<256x128xf32, #tpu.memory_space<vmem>>[vector<16xi32>, vector<16xi32>], vector<16xf32>,
      %get3A_680 = arith.constant 19 : i32
      %get3A_681 = arith.index_cast %get3A_680 : i32 to index
      %get3A_682 = arith.index_cast %mul3A_386 : i32 to index
      %get3A_683 = tpu.vector_load %arg10[%get3A_681, %get3A_682] {strides = array<i32>} : memref<64x256xf32, #tpu.memory_space<vmem>>, vector<16xf32>,
      %get3A_684 = arith.constant 19 : i32
      %get3A_685 = arith.index_cast %get3A_684 : i32 to index
      %get3A_686 = arith.index_cast %mul3A_386 : i32 to index
      %get3A_687 = tpu.vector_load %arg11[%get3A_685, %get3A_686] {strides = array<i32>} : memref<64x256xf32, #tpu.memory_space<vmem>>, vector<16xf32>,
      %mul3A_688 = arith.mulf %get3A_683, %gather3A_679 : vector<16xf32>
      %mul3A_689 = arith.mulf %mul3A_688, %get3A_687 : vector<16xf32>
      %add3A_690 = arith.addf %add3A_675, %mul3A_689 : vector<16xf32>
      %add3A_691 = arith.constant 20 : i32
      %add3A_692 = vector.broadcast %add3A_691 : i32 to vector<16xi32>
      %add3A_693 = arith.addi %broadcast_in_dim3A_389, %add3A_692 : vector<16xi32>
      %gather3A_694 = tpu.vector_load_idx %arg9[%add3A_388, %add3A_693] : memref<256x128xf32, #tpu.memory_space<vmem>>[vector<16xi32>, vector<16xi32>], vector<16xf32>,
      %get3A_695 = arith.constant 20 : i32
      %get3A_696 = arith.index_cast %get3A_695 : i32 to index
      %get3A_697 = arith.index_cast %mul3A_386 : i32 to index
      %get3A_698 = tpu.vector_load %arg10[%get3A_696, %get3A_697] {strides = array<i32>} : memref<64x256xf32, #tpu.memory_space<vmem>>, vector<16xf32>,
      %get3A_699 = arith.constant 20 : i32
      %get3A_700 = arith.index_cast %get3A_699 : i32 to index
      %get3A_701 = arith.index_cast %mul3A_386 : i32 to index
      %get3A_702 = tpu.vector_load %arg11[%get3A_700, %get3A_701] {strides = array<i32>} : memref<64x256xf32, #tpu.memory_space<vmem>>, vector<16xf32>,
      %mul3A_703 = arith.mulf %get3A_698, %gather3A_694 : vector<16xf32>
      %mul3A_704 = arith.mulf %mul3A_703, %get3A_702 : vector<16xf32>
      %add3A_705 = arith.addf %add3A_690, %mul3A_704 : vector<16xf32>
      %add3A_706 = arith.constant 21 : i32
      %add3A_707 = vector.broadcast %add3A_706 : i32 to vector<16xi32>
      %add3A_708 = arith.addi %broadcast_in_dim3A_389, %add3A_707 : vector<16xi32>
      %gather3A_709 = tpu.vector_load_idx %arg9[%add3A_388, %add3A_708] : memref<256x128xf32, #tpu.memory_space<vmem>>[vector<16xi32>, vector<16xi32>], vector<16xf32>,
      %get3A_710 = arith.constant 21 : i32
      %get3A_711 = arith.index_cast %get3A_710 : i32 to index
      %get3A_712 = arith.index_cast %mul3A_386 : i32 to index
      %get3A_713 = tpu.vector_load %arg10[%get3A_711, %get3A_712] {strides = array<i32>} : memref<64x256xf32, #tpu.memory_space<vmem>>, vector<16xf32>,
      %get3A_714 = arith.constant 21 : i32
      %get3A_715 = arith.index_cast %get3A_714 : i32 to index
      %get3A_716 = arith.index_cast %mul3A_386 : i32 to index
      %get3A_717 = tpu.vector_load %arg11[%get3A_715, %get3A_716] {strides = array<i32>} : memref<64x256xf32, #tpu.memory_space<vmem>>, vector<16xf32>,
      %mul3A_718 = arith.mulf %get3A_713, %gather3A_709 : vector<16xf32>
      %mul3A_719 = arith.mulf %mul3A_718, %get3A_717 : vector<16xf32>
      %add3A_720 = arith.addf %add3A_705, %mul3A_719 : vector<16xf32>
      %add3A_721 = arith.constant 22 : i32
      %add3A_722 = vector.broadcast %add3A_721 : i32 to vector<16xi32>
      %add3A_723 = arith.addi %broadcast_in_dim3A_389, %add3A_722 : vector<16xi32>
      %gather3A_724 = tpu.vector_load_idx %arg9[%add3A_388, %add3A_723] : memref<256x128xf32, #tpu.memory_space<vmem>>[vector<16xi32>, vector<16xi32>], vector<16xf32>,
      %get3A_725 = arith.constant 22 : i32
      %get3A_726 = arith.index_cast %get3A_725 : i32 to index
      %get3A_727 = arith.index_cast %mul3A_386 : i32 to index
      %get3A_728 = tpu.vector_load %arg10[%get3A_726, %get3A_727] {strides = array<i32>} : memref<64x256xf32, #tpu.memory_space<vmem>>, vector<16xf32>,
      %get3A_729 = arith.constant 22 : i32
      %get3A_730 = arith.index_cast %get3A_729 : i32 to index
      %get3A_731 = arith.index_cast %mul3A_386 : i32 to index
      %get3A_732 = tpu.vector_load %arg11[%get3A_730, %get3A_731] {strides = array<i32>} : memref<64x256xf32, #tpu.memory_space<vmem>>, vector<16xf32>,
      %mul3A_733 = arith.mulf %get3A_728, %gather3A_724 : vector<16xf32>
      %mul3A_734 = arith.mulf %mul3A_733, %get3A_732 : vector<16xf32>
      %add3A_735 = arith.addf %add3A_720, %mul3A_734 : vector<16xf32>
      %add3A_736 = arith.constant 23 : i32
      %add3A_737 = vector.broadcast %add3A_736 : i32 to vector<16xi32>
      %add3A_738 = arith.addi %broadcast_in_dim3A_389, %add3A_737 : vector<16xi32>
      %gather3A_739 = tpu.vector_load_idx %arg9[%add3A_388, %add3A_738] : memref<256x128xf32, #tpu.memory_space<vmem>>[vector<16xi32>, vector<16xi32>], vector<16xf32>,
      %get3A_740 = arith.constant 23 : i32
      %get3A_741 = arith.index_cast %get3A_740 : i32 to index
      %get3A_742 = arith.index_cast %mul3A_386 : i32 to index
      %get3A_743 = tpu.vector_load %arg10[%get3A_741, %get3A_742] {strides = array<i32>} : memref<64x256xf32, #tpu.memory_space<vmem>>, vector<16xf32>,
      %get3A_744 = arith.constant 23 : i32
      %get3A_745 = arith.index_cast %get3A_744 : i32 to index
      %get3A_746 = arith.index_cast %mul3A_386 : i32 to index
      %get3A_747 = tpu.vector_load %arg11[%get3A_745, %get3A_746] {strides = array<i32>} : memref<64x256xf32, #tpu.memory_space<vmem>>, vector<16xf32>,
      %mul3A_748 = arith.mulf %get3A_743, %gather3A_739 : vector<16xf32>
      %mul3A_749 = arith.mulf %mul3A_748, %get3A_747 : vector<16xf32>
      %add3A_750 = arith.addf %add3A_735, %mul3A_749 : vector<16xf32>
      %add3A_751 = arith.constant 24 : i32
      %add3A_752 = vector.broadcast %add3A_751 : i32 to vector<16xi32>
      %add3A_753 = arith.addi %broadcast_in_dim3A_389, %add3A_752 : vector<16xi32>
      %gather3A_754 = tpu.vector_load_idx %arg9[%add3A_388, %add3A_753] : memref<256x128xf32, #tpu.memory_space<vmem>>[vector<16xi32>, vector<16xi32>], vector<16xf32>,
      %get3A_755 = arith.constant 24 : i32
      %get3A_756 = arith.index_cast %get3A_755 : i32 to index
      %get3A_757 = arith.index_cast %mul3A_386 : i32 to index
      %get3A_758 = tpu.vector_load %arg10[%get3A_756, %get3A_757] {strides = array<i32>} : memref<64x256xf32, #tpu.memory_space<vmem>>, vector<16xf32>,
      %get3A_759 = arith.constant 24 : i32
      %get3A_760 = arith.index_cast %get3A_759 : i32 to index
      %get3A_761 = arith.index_cast %mul3A_386 : i32 to index
      %get3A_762 = tpu.vector_load %arg11[%get3A_760, %get3A_761] {strides = array<i32>} : memref<64x256xf32, #tpu.memory_space<vmem>>, vector<16xf32>,
      %mul3A_763 = arith.mulf %get3A_758, %gather3A_754 : vector<16xf32>
      %mul3A_764 = arith.mulf %mul3A_763, %get3A_762 : vector<16xf32>
      %add3A_765 = arith.addf %add3A_750, %mul3A_764 : vector<16xf32>
      %add3A_766 = arith.constant 25 : i32
      %add3A_767 = vector.broadcast %add3A_766 : i32 to vector<16xi32>
      %add3A_768 = arith.addi %broadcast_in_dim3A_389, %add3A_767 : vector<16xi32>
      %gather3A_769 = tpu.vector_load_idx %arg9[%add3A_388, %add3A_768] : memref<256x128xf32, #tpu.memory_space<vmem>>[vector<16xi32>, vector<16xi32>], vector<16xf32>,
      %get3A_770 = arith.constant 25 : i32
      %get3A_771 = arith.index_cast %get3A_770 : i32 to index
      %get3A_772 = arith.index_cast %mul3A_386 : i32 to index
      %get3A_773 = tpu.vector_load %arg10[%get3A_771, %get3A_772] {strides = array<i32>} : memref<64x256xf32, #tpu.memory_space<vmem>>, vector<16xf32>,
      %get3A_774 = arith.constant 25 : i32
      %get3A_775 = arith.index_cast %get3A_774 : i32 to index
      %get3A_776 = arith.index_cast %mul3A_386 : i32 to index
      %get3A_777 = tpu.vector_load %arg11[%get3A_775, %get3A_776] {strides = array<i32>} : memref<64x256xf32, #tpu.memory_space<vmem>>, vector<16xf32>,
      %mul3A_778 = arith.mulf %get3A_773, %gather3A_769 : vector<16xf32>
      %mul3A_779 = arith.mulf %mul3A_778, %get3A_777 : vector<16xf32>
      %add3A_780 = arith.addf %add3A_765, %mul3A_779 : vector<16xf32>
      %add3A_781 = arith.constant 26 : i32
      %add3A_782 = vector.broadcast %add3A_781 : i32 to vector<16xi32>
      %add3A_783 = arith.addi %broadcast_in_dim3A_389, %add3A_782 : vector<16xi32>
      %gather3A_784 = tpu.vector_load_idx %arg9[%add3A_388, %add3A_783] : memref<256x128xf32, #tpu.memory_space<vmem>>[vector<16xi32>, vector<16xi32>], vector<16xf32>,
      %get3A_785 = arith.constant 26 : i32
      %get3A_786 = arith.index_cast %get3A_785 : i32 to index
      %get3A_787 = arith.index_cast %mul3A_386 : i32 to index
      %get3A_788 = tpu.vector_load %arg10[%get3A_786, %get3A_787] {strides = array<i32>} : memref<64x256xf32, #tpu.memory_space<vmem>>, vector<16xf32>,
      %get3A_789 = arith.constant 26 : i32
      %get3A_790 = arith.index_cast %get3A_789 : i32 to index
      %get3A_791 = arith.index_cast %mul3A_386 : i32 to index
      %get3A_792 = tpu.vector_load %arg11[%get3A_790, %get3A_791] {strides = array<i32>} : memref<64x256xf32, #tpu.memory_space<vmem>>, vector<16xf32>,
      %mul3A_793 = arith.mulf %get3A_788, %gather3A_784 : vector<16xf32>
      %mul3A_794 = arith.mulf %mul3A_793, %get3A_792 : vector<16xf32>
      %add3A_795 = arith.addf %add3A_780, %mul3A_794 : vector<16xf32>
      %add3A_796 = arith.constant 27 : i32
      %add3A_797 = vector.broadcast %add3A_796 : i32 to vector<16xi32>
      %add3A_798 = arith.addi %broadcast_in_dim3A_389, %add3A_797 : vector<16xi32>
      %gather3A_799 = tpu.vector_load_idx %arg9[%add3A_388, %add3A_798] : memref<256x128xf32, #tpu.memory_space<vmem>>[vector<16xi32>, vector<16xi32>], vector<16xf32>,
      %get3A_800 = arith.constant 27 : i32
      %get3A_801 = arith.index_cast %get3A_800 : i32 to index
      %get3A_802 = arith.index_cast %mul3A_386 : i32 to index
      %get3A_803 = tpu.vector_load %arg10[%get3A_801, %get3A_802] {strides = array<i32>} : memref<64x256xf32, #tpu.memory_space<vmem>>, vector<16xf32>,
      %get3A_804 = arith.constant 27 : i32
      %get3A_805 = arith.index_cast %get3A_804 : i32 to index
      %get3A_806 = arith.index_cast %mul3A_386 : i32 to index
      %get3A_807 = tpu.vector_load %arg11[%get3A_805, %get3A_806] {strides = array<i32>} : memref<64x256xf32, #tpu.memory_space<vmem>>, vector<16xf32>,
      %mul3A_808 = arith.mulf %get3A_803, %gather3A_799 : vector<16xf32>
      %mul3A_809 = arith.mulf %mul3A_808, %get3A_807 : vector<16xf32>
      %add3A_810 = arith.addf %add3A_795, %mul3A_809 : vector<16xf32>
      %add3A_811 = arith.constant 28 : i32
      %add3A_812 = vector.broadcast %add3A_811 : i32 to vector<16xi32>
      %add3A_813 = arith.addi %broadcast_in_dim3A_389, %add3A_812 : vector<16xi32>
      %gather3A_814 = tpu.vector_load_idx %arg9[%add3A_388, %add3A_813] : memref<256x128xf32, #tpu.memory_space<vmem>>[vector<16xi32>, vector<16xi32>], vector<16xf32>,
      %get3A_815 = arith.constant 28 : i32
      %get3A_816 = arith.index_cast %get3A_815 : i32 to index
      %get3A_817 = arith.index_cast %mul3A_386 : i32 to index
      %get3A_818 = tpu.vector_load %arg10[%get3A_816, %get3A_817] {strides = array<i32>} : memref<64x256xf32, #tpu.memory_space<vmem>>, vector<16xf32>,
      %get3A_819 = arith.constant 28 : i32
      %get3A_820 = arith.index_cast %get3A_819 : i32 to index
      %get3A_821 = arith.index_cast %mul3A_386 : i32 to index
      %get3A_822 = tpu.vector_load %arg11[%get3A_820, %get3A_821] {strides = array<i32>} : memref<64x256xf32, #tpu.memory_space<vmem>>, vector<16xf32>,
      %mul3A_823 = arith.mulf %get3A_818, %gather3A_814 : vector<16xf32>
      %mul3A_824 = arith.mulf %mul3A_823, %get3A_822 : vector<16xf32>
      %add3A_825 = arith.addf %add3A_810, %mul3A_824 : vector<16xf32>
      %add3A_826 = arith.constant 29 : i32
      %add3A_827 = vector.broadcast %add3A_826 : i32 to vector<16xi32>
      %add3A_828 = arith.addi %broadcast_in_dim3A_389, %add3A_827 : vector<16xi32>
      %gather3A_829 = tpu.vector_load_idx %arg9[%add3A_388, %add3A_828] : memref<256x128xf32, #tpu.memory_space<vmem>>[vector<16xi32>, vector<16xi32>], vector<16xf32>,
      %get3A_830 = arith.constant 29 : i32
      %get3A_831 = arith.index_cast %get3A_830 : i32 to index
      %get3A_832 = arith.index_cast %mul3A_386 : i32 to index
      %get3A_833 = tpu.vector_load %arg10[%get3A_831, %get3A_832] {strides = array<i32>} : memref<64x256xf32, #tpu.memory_space<vmem>>, vector<16xf32>,
      %get3A_834 = arith.constant 29 : i32
      %get3A_835 = arith.index_cast %get3A_834 : i32 to index
      %get3A_836 = arith.index_cast %mul3A_386 : i32 to index
      %get3A_837 = tpu.vector_load %arg11[%get3A_835, %get3A_836] {strides = array<i32>} : memref<64x256xf32, #tpu.memory_space<vmem>>, vector<16xf32>,
      %mul3A_838 = arith.mulf %get3A_833, %gather3A_829 : vector<16xf32>
      %mul3A_839 = arith.mulf %mul3A_838, %get3A_837 : vector<16xf32>
      %add3A_840 = arith.addf %add3A_825, %mul3A_839 : vector<16xf32>
      %add3A_841 = arith.constant 30 : i32
      %add3A_842 = vector.broadcast %add3A_841 : i32 to vector<16xi32>
      %add3A_843 = arith.addi %broadcast_in_dim3A_389, %add3A_842 : vector<16xi32>
      %gather3A_844 = tpu.vector_load_idx %arg9[%add3A_388, %add3A_843] : memref<256x128xf32, #tpu.memory_space<vmem>>[vector<16xi32>, vector<16xi32>], vector<16xf32>,
      %get3A_845 = arith.constant 30 : i32
      %get3A_846 = arith.index_cast %get3A_845 : i32 to index
      %get3A_847 = arith.index_cast %mul3A_386 : i32 to index
      %get3A_848 = tpu.vector_load %arg10[%get3A_846, %get3A_847] {strides = array<i32>} : memref<64x256xf32, #tpu.memory_space<vmem>>, vector<16xf32>,
      %get3A_849 = arith.constant 30 : i32
      %get3A_850 = arith.index_cast %get3A_849 : i32 to index
      %get3A_851 = arith.index_cast %mul3A_386 : i32 to index
      %get3A_852 = tpu.vector_load %arg11[%get3A_850, %get3A_851] {strides = array<i32>} : memref<64x256xf32, #tpu.memory_space<vmem>>, vector<16xf32>,
      %mul3A_853 = arith.mulf %get3A_848, %gather3A_844 : vector<16xf32>
      %mul3A_854 = arith.mulf %mul3A_853, %get3A_852 : vector<16xf32>
      %add3A_855 = arith.addf %add3A_840, %mul3A_854 : vector<16xf32>
      %add3A_856 = arith.constant 31 : i32
      %add3A_857 = vector.broadcast %add3A_856 : i32 to vector<16xi32>
      %add3A_858 = arith.addi %broadcast_in_dim3A_389, %add3A_857 : vector<16xi32>
      %gather3A_859 = tpu.vector_load_idx %arg9[%add3A_388, %add3A_858] : memref<256x128xf32, #tpu.memory_space<vmem>>[vector<16xi32>, vector<16xi32>], vector<16xf32>,
      %get3A_860 = arith.constant 31 : i32
      %get3A_861 = arith.index_cast %get3A_860 : i32 to index
      %get3A_862 = arith.index_cast %mul3A_386 : i32 to index
      %get3A_863 = tpu.vector_load %arg10[%get3A_861, %get3A_862] {strides = array<i32>} : memref<64x256xf32, #tpu.memory_space<vmem>>, vector<16xf32>,
      %get3A_864 = arith.constant 31 : i32
      %get3A_865 = arith.index_cast %get3A_864 : i32 to index
      %get3A_866 = arith.index_cast %mul3A_386 : i32 to index
      %get3A_867 = tpu.vector_load %arg11[%get3A_865, %get3A_866] {strides = array<i32>} : memref<64x256xf32, #tpu.memory_space<vmem>>, vector<16xf32>,
      %mul3A_868 = arith.mulf %get3A_863, %gather3A_859 : vector<16xf32>
      %mul3A_869 = arith.mulf %mul3A_868, %get3A_867 : vector<16xf32>
      %add3A_870 = arith.addf %add3A_855, %mul3A_869 : vector<16xf32>
      %add3A_871 = arith.constant 32 : i32
      %add3A_872 = vector.broadcast %add3A_871 : i32 to vector<16xi32>
      %add3A_873 = arith.addi %broadcast_in_dim3A_389, %add3A_872 : vector<16xi32>
      %gather3A_874 = tpu.vector_load_idx %arg9[%add3A_388, %add3A_873] : memref<256x128xf32, #tpu.memory_space<vmem>>[vector<16xi32>, vector<16xi32>], vector<16xf32>,
      %get3A_875 = arith.constant 32 : i32
      %get3A_876 = arith.index_cast %get3A_875 : i32 to index
      %get3A_877 = arith.index_cast %mul3A_386 : i32 to index
      %get3A_878 = tpu.vector_load %arg10[%get3A_876, %get3A_877] {strides = array<i32>} : memref<64x256xf32, #tpu.memory_space<vmem>>, vector<16xf32>,
      %get3A_879 = arith.constant 32 : i32
      %get3A_880 = arith.index_cast %get3A_879 : i32 to index
      %get3A_881 = arith.index_cast %mul3A_386 : i32 to index
      %get3A_882 = tpu.vector_load %arg11[%get3A_880, %get3A_881] {strides = array<i32>} : memref<64x256xf32, #tpu.memory_space<vmem>>, vector<16xf32>,
      %mul3A_883 = arith.mulf %get3A_878, %gather3A_874 : vector<16xf32>
      %mul3A_884 = arith.mulf %mul3A_883, %get3A_882 : vector<16xf32>
      %add3A_885 = arith.addf %add3A_870, %mul3A_884 : vector<16xf32>
      %add3A_886 = arith.constant 33 : i32
      %add3A_887 = vector.broadcast %add3A_886 : i32 to vector<16xi32>
      %add3A_888 = arith.addi %broadcast_in_dim3A_389, %add3A_887 : vector<16xi32>
      %gather3A_889 = tpu.vector_load_idx %arg9[%add3A_388, %add3A_888] : memref<256x128xf32, #tpu.memory_space<vmem>>[vector<16xi32>, vector<16xi32>], vector<16xf32>,
      %get3A_890 = arith.constant 33 : i32
      %get3A_891 = arith.index_cast %get3A_890 : i32 to index
      %get3A_892 = arith.index_cast %mul3A_386 : i32 to index
      %get3A_893 = tpu.vector_load %arg10[%get3A_891, %get3A_892] {strides = array<i32>} : memref<64x256xf32, #tpu.memory_space<vmem>>, vector<16xf32>,
      %get3A_894 = arith.constant 33 : i32
      %get3A_895 = arith.index_cast %get3A_894 : i32 to index
      %get3A_896 = arith.index_cast %mul3A_386 : i32 to index
      %get3A_897 = tpu.vector_load %arg11[%get3A_895, %get3A_896] {strides = array<i32>} : memref<64x256xf32, #tpu.memory_space<vmem>>, vector<16xf32>,
      %mul3A_898 = arith.mulf %get3A_893, %gather3A_889 : vector<16xf32>
      %mul3A_899 = arith.mulf %mul3A_898, %get3A_897 : vector<16xf32>
      %add3A_900 = arith.addf %add3A_885, %mul3A_899 : vector<16xf32>
      %add3A_901 = arith.constant 34 : i32
      %add3A_902 = vector.broadcast %add3A_901 : i32 to vector<16xi32>
      %add3A_903 = arith.addi %broadcast_in_dim3A_389, %add3A_902 : vector<16xi32>
      %gather3A_904 = tpu.vector_load_idx %arg9[%add3A_388, %add3A_903] : memref<256x128xf32, #tpu.memory_space<vmem>>[vector<16xi32>, vector<16xi32>], vector<16xf32>,
      %get3A_905 = arith.constant 34 : i32
      %get3A_906 = arith.index_cast %get3A_905 : i32 to index
      %get3A_907 = arith.index_cast %mul3A_386 : i32 to index
      %get3A_908 = tpu.vector_load %arg10[%get3A_906, %get3A_907] {strides = array<i32>} : memref<64x256xf32, #tpu.memory_space<vmem>>, vector<16xf32>,
      %get3A_909 = arith.constant 34 : i32
      %get3A_910 = arith.index_cast %get3A_909 : i32 to index
      %get3A_911 = arith.index_cast %mul3A_386 : i32 to index
      %get3A_912 = tpu.vector_load %arg11[%get3A_910, %get3A_911] {strides = array<i32>} : memref<64x256xf32, #tpu.memory_space<vmem>>, vector<16xf32>,
      %mul3A_913 = arith.mulf %get3A_908, %gather3A_904 : vector<16xf32>
      %mul3A_914 = arith.mulf %mul3A_913, %get3A_912 : vector<16xf32>
      %add3A_915 = arith.addf %add3A_900, %mul3A_914 : vector<16xf32>
      %add3A_916 = arith.constant 35 : i32
      %add3A_917 = vector.broadcast %add3A_916 : i32 to vector<16xi32>
      %add3A_918 = arith.addi %broadcast_in_dim3A_389, %add3A_917 : vector<16xi32>
      %gather3A_919 = tpu.vector_load_idx %arg9[%add3A_388, %add3A_918] : memref<256x128xf32, #tpu.memory_space<vmem>>[vector<16xi32>, vector<16xi32>], vector<16xf32>,
      %get3A_920 = arith.constant 35 : i32
      %get3A_921 = arith.index_cast %get3A_920 : i32 to index
      %get3A_922 = arith.index_cast %mul3A_386 : i32 to index
      %get3A_923 = tpu.vector_load %arg10[%get3A_921, %get3A_922] {strides = array<i32>} : memref<64x256xf32, #tpu.memory_space<vmem>>, vector<16xf32>,
      %get3A_924 = arith.constant 35 : i32
      %get3A_925 = arith.index_cast %get3A_924 : i32 to index
      %get3A_926 = arith.index_cast %mul3A_386 : i32 to index
      %get3A_927 = tpu.vector_load %arg11[%get3A_925, %get3A_926] {strides = array<i32>} : memref<64x256xf32, #tpu.memory_space<vmem>>, vector<16xf32>,
      %mul3A_928 = arith.mulf %get3A_923, %gather3A_919 : vector<16xf32>
      %mul3A_929 = arith.mulf %mul3A_928, %get3A_927 : vector<16xf32>
      %add3A_930 = arith.addf %add3A_915, %mul3A_929 : vector<16xf32>
      %add3A_931 = arith.constant 36 : i32
      %add3A_932 = vector.broadcast %add3A_931 : i32 to vector<16xi32>
      %add3A_933 = arith.addi %broadcast_in_dim3A_389, %add3A_932 : vector<16xi32>
      %gather3A_934 = tpu.vector_load_idx %arg9[%add3A_388, %add3A_933] : memref<256x128xf32, #tpu.memory_space<vmem>>[vector<16xi32>, vector<16xi32>], vector<16xf32>,
      %get3A_935 = arith.constant 36 : i32
      %get3A_936 = arith.index_cast %get3A_935 : i32 to index
      %get3A_937 = arith.index_cast %mul3A_386 : i32 to index
      %get3A_938 = tpu.vector_load %arg10[%get3A_936, %get3A_937] {strides = array<i32>} : memref<64x256xf32, #tpu.memory_space<vmem>>, vector<16xf32>,
      %get3A_939 = arith.constant 36 : i32
      %get3A_940 = arith.index_cast %get3A_939 : i32 to index
      %get3A_941 = arith.index_cast %mul3A_386 : i32 to index
      %get3A_942 = tpu.vector_load %arg11[%get3A_940, %get3A_941] {strides = array<i32>} : memref<64x256xf32, #tpu.memory_space<vmem>>, vector<16xf32>,
      %mul3A_943 = arith.mulf %get3A_938, %gather3A_934 : vector<16xf32>
      %mul3A_944 = arith.mulf %mul3A_943, %get3A_942 : vector<16xf32>
      %add3A_945 = arith.addf %add3A_930, %mul3A_944 : vector<16xf32>
      %add3A_946 = arith.constant 37 : i32
      %add3A_947 = vector.broadcast %add3A_946 : i32 to vector<16xi32>
      %add3A_948 = arith.addi %broadcast_in_dim3A_389, %add3A_947 : vector<16xi32>
      %gather3A_949 = tpu.vector_load_idx %arg9[%add3A_388, %add3A_948] : memref<256x128xf32, #tpu.memory_space<vmem>>[vector<16xi32>, vector<16xi32>], vector<16xf32>,
      %get3A_950 = arith.constant 37 : i32
      %get3A_951 = arith.index_cast %get3A_950 : i32 to index
      %get3A_952 = arith.index_cast %mul3A_386 : i32 to index
      %get3A_953 = tpu.vector_load %arg10[%get3A_951, %get3A_952] {strides = array<i32>} : memref<64x256xf32, #tpu.memory_space<vmem>>, vector<16xf32>,
      %get3A_954 = arith.constant 37 : i32
      %get3A_955 = arith.index_cast %get3A_954 : i32 to index
      %get3A_956 = arith.index_cast %mul3A_386 : i32 to index
      %get3A_957 = tpu.vector_load %arg11[%get3A_955, %get3A_956] {strides = array<i32>} : memref<64x256xf32, #tpu.memory_space<vmem>>, vector<16xf32>,
      %mul3A_958 = arith.mulf %get3A_953, %gather3A_949 : vector<16xf32>
      %mul3A_959 = arith.mulf %mul3A_958, %get3A_957 : vector<16xf32>
      %add3A_960 = arith.addf %add3A_945, %mul3A_959 : vector<16xf32>
      %add3A_961 = arith.constant 38 : i32
      %add3A_962 = vector.broadcast %add3A_961 : i32 to vector<16xi32>
      %add3A_963 = arith.addi %broadcast_in_dim3A_389, %add3A_962 : vector<16xi32>
      %gather3A_964 = tpu.vector_load_idx %arg9[%add3A_388, %add3A_963] : memref<256x128xf32, #tpu.memory_space<vmem>>[vector<16xi32>, vector<16xi32>], vector<16xf32>,
      %get3A_965 = arith.constant 38 : i32
      %get3A_966 = arith.index_cast %get3A_965 : i32 to index
      %get3A_967 = arith.index_cast %mul3A_386 : i32 to index
      %get3A_968 = tpu.vector_load %arg10[%get3A_966, %get3A_967] {strides = array<i32>} : memref<64x256xf32, #tpu.memory_space<vmem>>, vector<16xf32>,
      %get3A_969 = arith.constant 38 : i32
      %get3A_970 = arith.index_cast %get3A_969 : i32 to index
      %get3A_971 = arith.index_cast %mul3A_386 : i32 to index
      %get3A_972 = tpu.vector_load %arg11[%get3A_970, %get3A_971] {strides = array<i32>} : memref<64x256xf32, #tpu.memory_space<vmem>>, vector<16xf32>,
      %mul3A_973 = arith.mulf %get3A_968, %gather3A_964 : vector<16xf32>
      %mul3A_974 = arith.mulf %mul3A_973, %get3A_972 : vector<16xf32>
      %add3A_975 = arith.addf %add3A_960, %mul3A_974 : vector<16xf32>
      %add3A_976 = arith.constant 39 : i32
      %add3A_977 = vector.broadcast %add3A_976 : i32 to vector<16xi32>
      %add3A_978 = arith.addi %broadcast_in_dim3A_389, %add3A_977 : vector<16xi32>
      %gather3A_979 = tpu.vector_load_idx %arg9[%add3A_388, %add3A_978] : memref<256x128xf32, #tpu.memory_space<vmem>>[vector<16xi32>, vector<16xi32>], vector<16xf32>,
      %get3A_980 = arith.constant 39 : i32
      %get3A_981 = arith.index_cast %get3A_980 : i32 to index
      %get3A_982 = arith.index_cast %mul3A_386 : i32 to index
      %get3A_983 = tpu.vector_load %arg10[%get3A_981, %get3A_982] {strides = array<i32>} : memref<64x256xf32, #tpu.memory_space<vmem>>, vector<16xf32>,
      %get3A_984 = arith.constant 39 : i32
      %get3A_985 = arith.index_cast %get3A_984 : i32 to index
      %get3A_986 = arith.index_cast %mul3A_386 : i32 to index
      %get3A_987 = tpu.vector_load %arg11[%get3A_985, %get3A_986] {strides = array<i32>} : memref<64x256xf32, #tpu.memory_space<vmem>>, vector<16xf32>,
      %mul3A_988 = arith.mulf %get3A_983, %gather3A_979 : vector<16xf32>
      %mul3A_989 = arith.mulf %mul3A_988, %get3A_987 : vector<16xf32>
      %add3A_990 = arith.addf %add3A_975, %mul3A_989 : vector<16xf32>
      %add3A_991 = arith.constant 40 : i32
      %add3A_992 = vector.broadcast %add3A_991 : i32 to vector<16xi32>
      %add3A_993 = arith.addi %broadcast_in_dim3A_389, %add3A_992 : vector<16xi32>
      %gather3A_994 = tpu.vector_load_idx %arg9[%add3A_388, %add3A_993] : memref<256x128xf32, #tpu.memory_space<vmem>>[vector<16xi32>, vector<16xi32>], vector<16xf32>,
      %get3A_995 = arith.constant 40 : i32
      %get3A_996 = arith.index_cast %get3A_995 : i32 to index
      %get3A_997 = arith.index_cast %mul3A_386 : i32 to index
      %get3A_998 = tpu.vector_load %arg10[%get3A_996, %get3A_997] {strides = array<i32>} : memref<64x256xf32, #tpu.memory_space<vmem>>, vector<16xf32>,
      %get3A_999 = arith.constant 40 : i32
      %get3A_1000 = arith.index_cast %get3A_999 : i32 to index
      %get3A_1001 = arith.index_cast %mul3A_386 : i32 to index
      %get3A_1002 = tpu.vector_load %arg11[%get3A_1000, %get3A_1001] {strides = array<i32>} : memref<64x256xf32, #tpu.memory_space<vmem>>, vector<16xf32>,
      %mul3A_1003 = arith.mulf %get3A_998, %gather3A_994 : vector<16xf32>
      %mul3A_1004 = arith.mulf %mul3A_1003, %get3A_1002 : vector<16xf32>
      %add3A_1005 = arith.addf %add3A_990, %mul3A_1004 : vector<16xf32>
      %add3A_1006 = arith.constant 41 : i32
      %add3A_1007 = vector.broadcast %add3A_1006 : i32 to vector<16xi32>
      %add3A_1008 = arith.addi %broadcast_in_dim3A_389, %add3A_1007 : vector<16xi32>
      %gather3A_1009 = tpu.vector_load_idx %arg9[%add3A_388, %add3A_1008] : memref<256x128xf32, #tpu.memory_space<vmem>>[vector<16xi32>, vector<16xi32>], vector<16xf32>,
      %get3A_1010 = arith.constant 41 : i32
      %get3A_1011 = arith.index_cast %get3A_1010 : i32 to index
      %get3A_1012 = arith.index_cast %mul3A_386 : i32 to index
      %get3A_1013 = tpu.vector_load %arg10[%get3A_1011, %get3A_1012] {strides = array<i32>} : memref<64x256xf32, #tpu.memory_space<vmem>>, vector<16xf32>,
      %get3A_1014 = arith.constant 41 : i32
      %get3A_1015 = arith.index_cast %get3A_1014 : i32 to index
      %get3A_1016 = arith.index_cast %mul3A_386 : i32 to index
      %get3A_1017 = tpu.vector_load %arg11[%get3A_1015, %get3A_1016] {strides = array<i32>} : memref<64x256xf32, #tpu.memory_space<vmem>>, vector<16xf32>,
      %mul3A_1018 = arith.mulf %get3A_1013, %gather3A_1009 : vector<16xf32>
      %mul3A_1019 = arith.mulf %mul3A_1018, %get3A_1017 : vector<16xf32>
      %add3A_1020 = arith.addf %add3A_1005, %mul3A_1019 : vector<16xf32>
      %add3A_1021 = arith.constant 42 : i32
      %add3A_1022 = vector.broadcast %add3A_1021 : i32 to vector<16xi32>
      %add3A_1023 = arith.addi %broadcast_in_dim3A_389, %add3A_1022 : vector<16xi32>
      %gather3A_1024 = tpu.vector_load_idx %arg9[%add3A_388, %add3A_1023] : memref<256x128xf32, #tpu.memory_space<vmem>>[vector<16xi32>, vector<16xi32>], vector<16xf32>,
      %get3A_1025 = arith.constant 42 : i32
      %get3A_1026 = arith.index_cast %get3A_1025 : i32 to index
      %get3A_1027 = arith.index_cast %mul3A_386 : i32 to index
      %get3A_1028 = tpu.vector_load %arg10[%get3A_1026, %get3A_1027] {strides = array<i32>} : memref<64x256xf32, #tpu.memory_space<vmem>>, vector<16xf32>,
      %get3A_1029 = arith.constant 42 : i32
      %get3A_1030 = arith.index_cast %get3A_1029 : i32 to index
      %get3A_1031 = arith.index_cast %mul3A_386 : i32 to index
      %get3A_1032 = tpu.vector_load %arg11[%get3A_1030, %get3A_1031] {strides = array<i32>} : memref<64x256xf32, #tpu.memory_space<vmem>>, vector<16xf32>,
      %mul3A_1033 = arith.mulf %get3A_1028, %gather3A_1024 : vector<16xf32>
      %mul3A_1034 = arith.mulf %mul3A_1033, %get3A_1032 : vector<16xf32>
      %add3A_1035 = arith.addf %add3A_1020, %mul3A_1034 : vector<16xf32>
      %add3A_1036 = arith.constant 43 : i32
      %add3A_1037 = vector.broadcast %add3A_1036 : i32 to vector<16xi32>
      %add3A_1038 = arith.addi %broadcast_in_dim3A_389, %add3A_1037 : vector<16xi32>
      %gather3A_1039 = tpu.vector_load_idx %arg9[%add3A_388, %add3A_1038] : memref<256x128xf32, #tpu.memory_space<vmem>>[vector<16xi32>, vector<16xi32>], vector<16xf32>,
      %get3A_1040 = arith.constant 43 : i32
      %get3A_1041 = arith.index_cast %get3A_1040 : i32 to index
      %get3A_1042 = arith.index_cast %mul3A_386 : i32 to index
      %get3A_1043 = tpu.vector_load %arg10[%get3A_1041, %get3A_1042] {strides = array<i32>} : memref<64x256xf32, #tpu.memory_space<vmem>>, vector<16xf32>,
      %get3A_1044 = arith.constant 43 : i32
      %get3A_1045 = arith.index_cast %get3A_1044 : i32 to index
      %get3A_1046 = arith.index_cast %mul3A_386 : i32 to index
      %get3A_1047 = tpu.vector_load %arg11[%get3A_1045, %get3A_1046] {strides = array<i32>} : memref<64x256xf32, #tpu.memory_space<vmem>>, vector<16xf32>,
      %mul3A_1048 = arith.mulf %get3A_1043, %gather3A_1039 : vector<16xf32>
      %mul3A_1049 = arith.mulf %mul3A_1048, %get3A_1047 : vector<16xf32>
      %add3A_1050 = arith.addf %add3A_1035, %mul3A_1049 : vector<16xf32>
      %add3A_1051 = arith.constant 44 : i32
      %add3A_1052 = vector.broadcast %add3A_1051 : i32 to vector<16xi32>
      %add3A_1053 = arith.addi %broadcast_in_dim3A_389, %add3A_1052 : vector<16xi32>
      %gather3A_1054 = tpu.vector_load_idx %arg9[%add3A_388, %add3A_1053] : memref<256x128xf32, #tpu.memory_space<vmem>>[vector<16xi32>, vector<16xi32>], vector<16xf32>,
      %get3A_1055 = arith.constant 44 : i32
      %get3A_1056 = arith.index_cast %get3A_1055 : i32 to index
      %get3A_1057 = arith.index_cast %mul3A_386 : i32 to index
      %get3A_1058 = tpu.vector_load %arg10[%get3A_1056, %get3A_1057] {strides = array<i32>} : memref<64x256xf32, #tpu.memory_space<vmem>>, vector<16xf32>,
      %get3A_1059 = arith.constant 44 : i32
      %get3A_1060 = arith.index_cast %get3A_1059 : i32 to index
      %get3A_1061 = arith.index_cast %mul3A_386 : i32 to index
      %get3A_1062 = tpu.vector_load %arg11[%get3A_1060, %get3A_1061] {strides = array<i32>} : memref<64x256xf32, #tpu.memory_space<vmem>>, vector<16xf32>,
      %mul3A_1063 = arith.mulf %get3A_1058, %gather3A_1054 : vector<16xf32>
      %mul3A_1064 = arith.mulf %mul3A_1063, %get3A_1062 : vector<16xf32>
      %add3A_1065 = arith.addf %add3A_1050, %mul3A_1064 : vector<16xf32>
      %add3A_1066 = arith.constant 45 : i32
      %add3A_1067 = vector.broadcast %add3A_1066 : i32 to vector<16xi32>
      %add3A_1068 = arith.addi %broadcast_in_dim3A_389, %add3A_1067 : vector<16xi32>
      %gather3A_1069 = tpu.vector_load_idx %arg9[%add3A_388, %add3A_1068] : memref<256x128xf32, #tpu.memory_space<vmem>>[vector<16xi32>, vector<16xi32>], vector<16xf32>,
      %get3A_1070 = arith.constant 45 : i32
      %get3A_1071 = arith.index_cast %get3A_1070 : i32 to index
      %get3A_1072 = arith.index_cast %mul3A_386 : i32 to index
      %get3A_1073 = tpu.vector_load %arg10[%get3A_1071, %get3A_1072] {strides = array<i32>} : memref<64x256xf32, #tpu.memory_space<vmem>>, vector<16xf32>,
      %get3A_1074 = arith.constant 45 : i32
      %get3A_1075 = arith.index_cast %get3A_1074 : i32 to index
      %get3A_1076 = arith.index_cast %mul3A_386 : i32 to index
      %get3A_1077 = tpu.vector_load %arg11[%get3A_1075, %get3A_1076] {strides = array<i32>} : memref<64x256xf32, #tpu.memory_space<vmem>>, vector<16xf32>,
      %mul3A_1078 = arith.mulf %get3A_1073, %gather3A_1069 : vector<16xf32>
      %mul3A_1079 = arith.mulf %mul3A_1078, %get3A_1077 : vector<16xf32>
      %add3A_1080 = arith.addf %add3A_1065, %mul3A_1079 : vector<16xf32>
      %add3A_1081 = arith.constant 46 : i32
      %add3A_1082 = vector.broadcast %add3A_1081 : i32 to vector<16xi32>
      %add3A_1083 = arith.addi %broadcast_in_dim3A_389, %add3A_1082 : vector<16xi32>
      %gather3A_1084 = tpu.vector_load_idx %arg9[%add3A_388, %add3A_1083] : memref<256x128xf32, #tpu.memory_space<vmem>>[vector<16xi32>, vector<16xi32>], vector<16xf32>,
      %get3A_1085 = arith.constant 46 : i32
      %get3A_1086 = arith.index_cast %get3A_1085 : i32 to index
      %get3A_1087 = arith.index_cast %mul3A_386 : i32 to index
      %get3A_1088 = tpu.vector_load %arg10[%get3A_1086, %get3A_1087] {strides = array<i32>} : memref<64x256xf32, #tpu.memory_space<vmem>>, vector<16xf32>,
      %get3A_1089 = arith.constant 46 : i32
      %get3A_1090 = arith.index_cast %get3A_1089 : i32 to index
      %get3A_1091 = arith.index_cast %mul3A_386 : i32 to index
      %get3A_1092 = tpu.vector_load %arg11[%get3A_1090, %get3A_1091] {strides = array<i32>} : memref<64x256xf32, #tpu.memory_space<vmem>>, vector<16xf32>,
      %mul3A_1093 = arith.mulf %get3A_1088, %gather3A_1084 : vector<16xf32>
      %mul3A_1094 = arith.mulf %mul3A_1093, %get3A_1092 : vector<16xf32>
      %add3A_1095 = arith.addf %add3A_1080, %mul3A_1094 : vector<16xf32>
      %add3A_1096 = arith.constant 47 : i32
      %add3A_1097 = vector.broadcast %add3A_1096 : i32 to vector<16xi32>
      %add3A_1098 = arith.addi %broadcast_in_dim3A_389, %add3A_1097 : vector<16xi32>
      %gather3A_1099 = tpu.vector_load_idx %arg9[%add3A_388, %add3A_1098] : memref<256x128xf32, #tpu.memory_space<vmem>>[vector<16xi32>, vector<16xi32>], vector<16xf32>,
      %get3A_1100 = arith.constant 47 : i32
      %get3A_1101 = arith.index_cast %get3A_1100 : i32 to index
      %get3A_1102 = arith.index_cast %mul3A_386 : i32 to index
      %get3A_1103 = tpu.vector_load %arg10[%get3A_1101, %get3A_1102] {strides = array<i32>} : memref<64x256xf32, #tpu.memory_space<vmem>>, vector<16xf32>,
      %get3A_1104 = arith.constant 47 : i32
      %get3A_1105 = arith.index_cast %get3A_1104 : i32 to index
      %get3A_1106 = arith.index_cast %mul3A_386 : i32 to index
      %get3A_1107 = tpu.vector_load %arg11[%get3A_1105, %get3A_1106] {strides = array<i32>} : memref<64x256xf32, #tpu.memory_space<vmem>>, vector<16xf32>,
      %mul3A_1108 = arith.mulf %get3A_1103, %gather3A_1099 : vector<16xf32>
      %mul3A_1109 = arith.mulf %mul3A_1108, %get3A_1107 : vector<16xf32>
      %add3A_1110 = arith.addf %add3A_1095, %mul3A_1109 : vector<16xf32>
      %add3A_1111 = arith.constant 48 : i32
      %add3A_1112 = vector.broadcast %add3A_1111 : i32 to vector<16xi32>
      %add3A_1113 = arith.addi %broadcast_in_dim3A_389, %add3A_1112 : vector<16xi32>
      %gather3A_1114 = tpu.vector_load_idx %arg9[%add3A_388, %add3A_1113] : memref<256x128xf32, #tpu.memory_space<vmem>>[vector<16xi32>, vector<16xi32>], vector<16xf32>,
      %get3A_1115 = arith.constant 48 : i32
      %get3A_1116 = arith.index_cast %get3A_1115 : i32 to index
      %get3A_1117 = arith.index_cast %mul3A_386 : i32 to index
      %get3A_1118 = tpu.vector_load %arg10[%get3A_1116, %get3A_1117] {strides = array<i32>} : memref<64x256xf32, #tpu.memory_space<vmem>>, vector<16xf32>,
      %get3A_1119 = arith.constant 48 : i32
      %get3A_1120 = arith.index_cast %get3A_1119 : i32 to index
      %get3A_1121 = arith.index_cast %mul3A_386 : i32 to index
      %get3A_1122 = tpu.vector_load %arg11[%get3A_1120, %get3A_1121] {strides = array<i32>} : memref<64x256xf32, #tpu.memory_space<vmem>>, vector<16xf32>,
      %mul3A_1123 = arith.mulf %get3A_1118, %gather3A_1114 : vector<16xf32>
      %mul3A_1124 = arith.mulf %mul3A_1123, %get3A_1122 : vector<16xf32>
      %add3A_1125 = arith.addf %add3A_1110, %mul3A_1124 : vector<16xf32>
      %add3A_1126 = arith.constant 49 : i32
      %add3A_1127 = vector.broadcast %add3A_1126 : i32 to vector<16xi32>
      %add3A_1128 = arith.addi %broadcast_in_dim3A_389, %add3A_1127 : vector<16xi32>
      %gather3A_1129 = tpu.vector_load_idx %arg9[%add3A_388, %add3A_1128] : memref<256x128xf32, #tpu.memory_space<vmem>>[vector<16xi32>, vector<16xi32>], vector<16xf32>,
      %get3A_1130 = arith.constant 49 : i32
      %get3A_1131 = arith.index_cast %get3A_1130 : i32 to index
      %get3A_1132 = arith.index_cast %mul3A_386 : i32 to index
      %get3A_1133 = tpu.vector_load %arg10[%get3A_1131, %get3A_1132] {strides = array<i32>} : memref<64x256xf32, #tpu.memory_space<vmem>>, vector<16xf32>,
      %get3A_1134 = arith.constant 49 : i32
      %get3A_1135 = arith.index_cast %get3A_1134 : i32 to index
      %get3A_1136 = arith.index_cast %mul3A_386 : i32 to index
      %get3A_1137 = tpu.vector_load %arg11[%get3A_1135, %get3A_1136] {strides = array<i32>} : memref<64x256xf32, #tpu.memory_space<vmem>>, vector<16xf32>,
      %mul3A_1138 = arith.mulf %get3A_1133, %gather3A_1129 : vector<16xf32>
      %mul3A_1139 = arith.mulf %mul3A_1138, %get3A_1137 : vector<16xf32>
      %add3A_1140 = arith.addf %add3A_1125, %mul3A_1139 : vector<16xf32>
      %add3A_1141 = arith.constant 50 : i32
      %add3A_1142 = vector.broadcast %add3A_1141 : i32 to vector<16xi32>
      %add3A_1143 = arith.addi %broadcast_in_dim3A_389, %add3A_1142 : vector<16xi32>
      %gather3A_1144 = tpu.vector_load_idx %arg9[%add3A_388, %add3A_1143] : memref<256x128xf32, #tpu.memory_space<vmem>>[vector<16xi32>, vector<16xi32>], vector<16xf32>,
      %get3A_1145 = arith.constant 50 : i32
      %get3A_1146 = arith.index_cast %get3A_1145 : i32 to index
      %get3A_1147 = arith.index_cast %mul3A_386 : i32 to index
      %get3A_1148 = tpu.vector_load %arg10[%get3A_1146, %get3A_1147] {strides = array<i32>} : memref<64x256xf32, #tpu.memory_space<vmem>>, vector<16xf32>,
      %get3A_1149 = arith.constant 50 : i32
      %get3A_1150 = arith.index_cast %get3A_1149 : i32 to index
      %get3A_1151 = arith.index_cast %mul3A_386 : i32 to index
      %get3A_1152 = tpu.vector_load %arg11[%get3A_1150, %get3A_1151] {strides = array<i32>} : memref<64x256xf32, #tpu.memory_space<vmem>>, vector<16xf32>,
      %mul3A_1153 = arith.mulf %get3A_1148, %gather3A_1144 : vector<16xf32>
      %mul3A_1154 = arith.mulf %mul3A_1153, %get3A_1152 : vector<16xf32>
      %add3A_1155 = arith.addf %add3A_1140, %mul3A_1154 : vector<16xf32>
      %add3A_1156 = arith.constant 51 : i32
      %add3A_1157 = vector.broadcast %add3A_1156 : i32 to vector<16xi32>
      %add3A_1158 = arith.addi %broadcast_in_dim3A_389, %add3A_1157 : vector<16xi32>
      %gather3A_1159 = tpu.vector_load_idx %arg9[%add3A_388, %add3A_1158] : memref<256x128xf32, #tpu.memory_space<vmem>>[vector<16xi32>, vector<16xi32>], vector<16xf32>,
      %get3A_1160 = arith.constant 51 : i32
      %get3A_1161 = arith.index_cast %get3A_1160 : i32 to index
      %get3A_1162 = arith.index_cast %mul3A_386 : i32 to index
      %get3A_1163 = tpu.vector_load %arg10[%get3A_1161, %get3A_1162] {strides = array<i32>} : memref<64x256xf32, #tpu.memory_space<vmem>>, vector<16xf32>,
      %get3A_1164 = arith.constant 51 : i32
      %get3A_1165 = arith.index_cast %get3A_1164 : i32 to index
      %get3A_1166 = arith.index_cast %mul3A_386 : i32 to index
      %get3A_1167 = tpu.vector_load %arg11[%get3A_1165, %get3A_1166] {strides = array<i32>} : memref<64x256xf32, #tpu.memory_space<vmem>>, vector<16xf32>,
      %mul3A_1168 = arith.mulf %get3A_1163, %gather3A_1159 : vector<16xf32>
      %mul3A_1169 = arith.mulf %mul3A_1168, %get3A_1167 : vector<16xf32>
      %add3A_1170 = arith.addf %add3A_1155, %mul3A_1169 : vector<16xf32>
      %add3A_1171 = arith.constant 52 : i32
      %add3A_1172 = vector.broadcast %add3A_1171 : i32 to vector<16xi32>
      %add3A_1173 = arith.addi %broadcast_in_dim3A_389, %add3A_1172 : vector<16xi32>
      %gather3A_1174 = tpu.vector_load_idx %arg9[%add3A_388, %add3A_1173] : memref<256x128xf32, #tpu.memory_space<vmem>>[vector<16xi32>, vector<16xi32>], vector<16xf32>,
      %get3A_1175 = arith.constant 52 : i32
      %get3A_1176 = arith.index_cast %get3A_1175 : i32 to index
      %get3A_1177 = arith.index_cast %mul3A_386 : i32 to index
      %get3A_1178 = tpu.vector_load %arg10[%get3A_1176, %get3A_1177] {strides = array<i32>} : memref<64x256xf32, #tpu.memory_space<vmem>>, vector<16xf32>,
      %get3A_1179 = arith.constant 52 : i32
      %get3A_1180 = arith.index_cast %get3A_1179 : i32 to index
      %get3A_1181 = arith.index_cast %mul3A_386 : i32 to index
      %get3A_1182 = tpu.vector_load %arg11[%get3A_1180, %get3A_1181] {strides = array<i32>} : memref<64x256xf32, #tpu.memory_space<vmem>>, vector<16xf32>,
      %mul3A_1183 = arith.mulf %get3A_1178, %gather3A_1174 : vector<16xf32>
      %mul3A_1184 = arith.mulf %mul3A_1183, %get3A_1182 : vector<16xf32>
      %add3A_1185 = arith.addf %add3A_1170, %mul3A_1184 : vector<16xf32>
      %add3A_1186 = arith.constant 53 : i32
      %add3A_1187 = vector.broadcast %add3A_1186 : i32 to vector<16xi32>
      %add3A_1188 = arith.addi %broadcast_in_dim3A_389, %add3A_1187 : vector<16xi32>
      %gather3A_1189 = tpu.vector_load_idx %arg9[%add3A_388, %add3A_1188] : memref<256x128xf32, #tpu.memory_space<vmem>>[vector<16xi32>, vector<16xi32>], vector<16xf32>,
      %get3A_1190 = arith.constant 53 : i32
      %get3A_1191 = arith.index_cast %get3A_1190 : i32 to index
      %get3A_1192 = arith.index_cast %mul3A_386 : i32 to index
      %get3A_1193 = tpu.vector_load %arg10[%get3A_1191, %get3A_1192] {strides = array<i32>} : memref<64x256xf32, #tpu.memory_space<vmem>>, vector<16xf32>,
      %get3A_1194 = arith.constant 53 : i32
      %get3A_1195 = arith.index_cast %get3A_1194 : i32 to index
      %get3A_1196 = arith.index_cast %mul3A_386 : i32 to index
      %get3A_1197 = tpu.vector_load %arg11[%get3A_1195, %get3A_1196] {strides = array<i32>} : memref<64x256xf32, #tpu.memory_space<vmem>>, vector<16xf32>,
      %mul3A_1198 = arith.mulf %get3A_1193, %gather3A_1189 : vector<16xf32>
      %mul3A_1199 = arith.mulf %mul3A_1198, %get3A_1197 : vector<16xf32>
      %add3A_1200 = arith.addf %add3A_1185, %mul3A_1199 : vector<16xf32>
      %add3A_1201 = arith.constant 54 : i32
      %add3A_1202 = vector.broadcast %add3A_1201 : i32 to vector<16xi32>
      %add3A_1203 = arith.addi %broadcast_in_dim3A_389, %add3A_1202 : vector<16xi32>
      %gather3A_1204 = tpu.vector_load_idx %arg9[%add3A_388, %add3A_1203] : memref<256x128xf32, #tpu.memory_space<vmem>>[vector<16xi32>, vector<16xi32>], vector<16xf32>,
      %get3A_1205 = arith.constant 54 : i32
      %get3A_1206 = arith.index_cast %get3A_1205 : i32 to index
      %get3A_1207 = arith.index_cast %mul3A_386 : i32 to index
      %get3A_1208 = tpu.vector_load %arg10[%get3A_1206, %get3A_1207] {strides = array<i32>} : memref<64x256xf32, #tpu.memory_space<vmem>>, vector<16xf32>,
      %get3A_1209 = arith.constant 54 : i32
      %get3A_1210 = arith.index_cast %get3A_1209 : i32 to index
      %get3A_1211 = arith.index_cast %mul3A_386 : i32 to index
      %get3A_1212 = tpu.vector_load %arg11[%get3A_1210, %get3A_1211] {strides = array<i32>} : memref<64x256xf32, #tpu.memory_space<vmem>>, vector<16xf32>,
      %mul3A_1213 = arith.mulf %get3A_1208, %gather3A_1204 : vector<16xf32>
      %mul3A_1214 = arith.mulf %mul3A_1213, %get3A_1212 : vector<16xf32>
      %add3A_1215 = arith.addf %add3A_1200, %mul3A_1214 : vector<16xf32>
      %add3A_1216 = arith.constant 55 : i32
      %add3A_1217 = vector.broadcast %add3A_1216 : i32 to vector<16xi32>
      %add3A_1218 = arith.addi %broadcast_in_dim3A_389, %add3A_1217 : vector<16xi32>
      %gather3A_1219 = tpu.vector_load_idx %arg9[%add3A_388, %add3A_1218] : memref<256x128xf32, #tpu.memory_space<vmem>>[vector<16xi32>, vector<16xi32>], vector<16xf32>,
      %get3A_1220 = arith.constant 55 : i32
      %get3A_1221 = arith.index_cast %get3A_1220 : i32 to index
      %get3A_1222 = arith.index_cast %mul3A_386 : i32 to index
      %get3A_1223 = tpu.vector_load %arg10[%get3A_1221, %get3A_1222] {strides = array<i32>} : memref<64x256xf32, #tpu.memory_space<vmem>>, vector<16xf32>,
      %get3A_1224 = arith.constant 55 : i32
      %get3A_1225 = arith.index_cast %get3A_1224 : i32 to index
      %get3A_1226 = arith.index_cast %mul3A_386 : i32 to index
      %get3A_1227 = tpu.vector_load %arg11[%get3A_1225, %get3A_1226] {strides = array<i32>} : memref<64x256xf32, #tpu.memory_space<vmem>>, vector<16xf32>,
      %mul3A_1228 = arith.mulf %get3A_1223, %gather3A_1219 : vector<16xf32>
      %mul3A_1229 = arith.mulf %mul3A_1228, %get3A_1227 : vector<16xf32>
      %add3A_1230 = arith.addf %add3A_1215, %mul3A_1229 : vector<16xf32>
      %add3A_1231 = arith.constant 56 : i32
      %add3A_1232 = vector.broadcast %add3A_1231 : i32 to vector<16xi32>
      %add3A_1233 = arith.addi %broadcast_in_dim3A_389, %add3A_1232 : vector<16xi32>
      %gather3A_1234 = tpu.vector_load_idx %arg9[%add3A_388, %add3A_1233] : memref<256x128xf32, #tpu.memory_space<vmem>>[vector<16xi32>, vector<16xi32>], vector<16xf32>,
      %get3A_1235 = arith.constant 56 : i32
      %get3A_1236 = arith.index_cast %get3A_1235 : i32 to index
      %get3A_1237 = arith.index_cast %mul3A_386 : i32 to index
      %get3A_1238 = tpu.vector_load %arg10[%get3A_1236, %get3A_1237] {strides = array<i32>} : memref<64x256xf32, #tpu.memory_space<vmem>>, vector<16xf32>,
      %get3A_1239 = arith.constant 56 : i32
      %get3A_1240 = arith.index_cast %get3A_1239 : i32 to index
      %get3A_1241 = arith.index_cast %mul3A_386 : i32 to index
      %get3A_1242 = tpu.vector_load %arg11[%get3A_1240, %get3A_1241] {strides = array<i32>} : memref<64x256xf32, #tpu.memory_space<vmem>>, vector<16xf32>,
      %mul3A_1243 = arith.mulf %get3A_1238, %gather3A_1234 : vector<16xf32>
      %mul3A_1244 = arith.mulf %mul3A_1243, %get3A_1242 : vector<16xf32>
      %add3A_1245 = arith.addf %add3A_1230, %mul3A_1244 : vector<16xf32>
      %add3A_1246 = arith.constant 57 : i32
      %add3A_1247 = vector.broadcast %add3A_1246 : i32 to vector<16xi32>
      %add3A_1248 = arith.addi %broadcast_in_dim3A_389, %add3A_1247 : vector<16xi32>
      %gather3A_1249 = tpu.vector_load_idx %arg9[%add3A_388, %add3A_1248] : memref<256x128xf32, #tpu.memory_space<vmem>>[vector<16xi32>, vector<16xi32>], vector<16xf32>,
      %get3A_1250 = arith.constant 57 : i32
      %get3A_1251 = arith.index_cast %get3A_1250 : i32 to index
      %get3A_1252 = arith.index_cast %mul3A_386 : i32 to index
      %get3A_1253 = tpu.vector_load %arg10[%get3A_1251, %get3A_1252] {strides = array<i32>} : memref<64x256xf32, #tpu.memory_space<vmem>>, vector<16xf32>,
      %get3A_1254 = arith.constant 57 : i32
      %get3A_1255 = arith.index_cast %get3A_1254 : i32 to index
      %get3A_1256 = arith.index_cast %mul3A_386 : i32 to index
      %get3A_1257 = tpu.vector_load %arg11[%get3A_1255, %get3A_1256] {strides = array<i32>} : memref<64x256xf32, #tpu.memory_space<vmem>>, vector<16xf32>,
      %mul3A_1258 = arith.mulf %get3A_1253, %gather3A_1249 : vector<16xf32>
      %mul3A_1259 = arith.mulf %mul3A_1258, %get3A_1257 : vector<16xf32>
      %add3A_1260 = arith.addf %add3A_1245, %mul3A_1259 : vector<16xf32>
      %add3A_1261 = arith.constant 58 : i32
      %add3A_1262 = vector.broadcast %add3A_1261 : i32 to vector<16xi32>
      %add3A_1263 = arith.addi %broadcast_in_dim3A_389, %add3A_1262 : vector<16xi32>
      %gather3A_1264 = tpu.vector_load_idx %arg9[%add3A_388, %add3A_1263] : memref<256x128xf32, #tpu.memory_space<vmem>>[vector<16xi32>, vector<16xi32>], vector<16xf32>,
      %get3A_1265 = arith.constant 58 : i32
      %get3A_1266 = arith.index_cast %get3A_1265 : i32 to index
      %get3A_1267 = arith.index_cast %mul3A_386 : i32 to index
      %get3A_1268 = tpu.vector_load %arg10[%get3A_1266, %get3A_1267] {strides = array<i32>} : memref<64x256xf32, #tpu.memory_space<vmem>>, vector<16xf32>,
      %get3A_1269 = arith.constant 58 : i32
      %get3A_1270 = arith.index_cast %get3A_1269 : i32 to index
      %get3A_1271 = arith.index_cast %mul3A_386 : i32 to index
      %get3A_1272 = tpu.vector_load %arg11[%get3A_1270, %get3A_1271] {strides = array<i32>} : memref<64x256xf32, #tpu.memory_space<vmem>>, vector<16xf32>,
      %mul3A_1273 = arith.mulf %get3A_1268, %gather3A_1264 : vector<16xf32>
      %mul3A_1274 = arith.mulf %mul3A_1273, %get3A_1272 : vector<16xf32>
      %add3A_1275 = arith.addf %add3A_1260, %mul3A_1274 : vector<16xf32>
      %add3A_1276 = arith.constant 59 : i32
      %add3A_1277 = vector.broadcast %add3A_1276 : i32 to vector<16xi32>
      %add3A_1278 = arith.addi %broadcast_in_dim3A_389, %add3A_1277 : vector<16xi32>
      %gather3A_1279 = tpu.vector_load_idx %arg9[%add3A_388, %add3A_1278] : memref<256x128xf32, #tpu.memory_space<vmem>>[vector<16xi32>, vector<16xi32>], vector<16xf32>,
      %get3A_1280 = arith.constant 59 : i32
      %get3A_1281 = arith.index_cast %get3A_1280 : i32 to index
      %get3A_1282 = arith.index_cast %mul3A_386 : i32 to index
      %get3A_1283 = tpu.vector_load %arg10[%get3A_1281, %get3A_1282] {strides = array<i32>} : memref<64x256xf32, #tpu.memory_space<vmem>>, vector<16xf32>,
      %get3A_1284 = arith.constant 59 : i32
      %get3A_1285 = arith.index_cast %get3A_1284 : i32 to index
      %get3A_1286 = arith.index_cast %mul3A_386 : i32 to index
      %get3A_1287 = tpu.vector_load %arg11[%get3A_1285, %get3A_1286] {strides = array<i32>} : memref<64x256xf32, #tpu.memory_space<vmem>>, vector<16xf32>,
      %mul3A_1288 = arith.mulf %get3A_1283, %gather3A_1279 : vector<16xf32>
      %mul3A_1289 = arith.mulf %mul3A_1288, %get3A_1287 : vector<16xf32>
      %add3A_1290 = arith.addf %add3A_1275, %mul3A_1289 : vector<16xf32>
      %add3A_1291 = arith.constant 60 : i32
      %add3A_1292 = vector.broadcast %add3A_1291 : i32 to vector<16xi32>
      %add3A_1293 = arith.addi %broadcast_in_dim3A_389, %add3A_1292 : vector<16xi32>
      %gather3A_1294 = tpu.vector_load_idx %arg9[%add3A_388, %add3A_1293] : memref<256x128xf32, #tpu.memory_space<vmem>>[vector<16xi32>, vector<16xi32>], vector<16xf32>,
      %get3A_1295 = arith.constant 60 : i32
      %get3A_1296 = arith.index_cast %get3A_1295 : i32 to index
      %get3A_1297 = arith.index_cast %mul3A_386 : i32 to index
      %get3A_1298 = tpu.vector_load %arg10[%get3A_1296, %get3A_1297] {strides = array<i32>} : memref<64x256xf32, #tpu.memory_space<vmem>>, vector<16xf32>,
      %get3A_1299 = arith.constant 60 : i32
      %get3A_1300 = arith.index_cast %get3A_1299 : i32 to index
      %get3A_1301 = arith.index_cast %mul3A_386 : i32 to index
      %get3A_1302 = tpu.vector_load %arg11[%get3A_1300, %get3A_1301] {strides = array<i32>} : memref<64x256xf32, #tpu.memory_space<vmem>>, vector<16xf32>,
      %mul3A_1303 = arith.mulf %get3A_1298, %gather3A_1294 : vector<16xf32>
      %mul3A_1304 = arith.mulf %mul3A_1303, %get3A_1302 : vector<16xf32>
      %add3A_1305 = arith.addf %add3A_1290, %mul3A_1304 : vector<16xf32>
      %add3A_1306 = arith.constant 61 : i32
      %add3A_1307 = vector.broadcast %add3A_1306 : i32 to vector<16xi32>
      %add3A_1308 = arith.addi %broadcast_in_dim3A_389, %add3A_1307 : vector<16xi32>
      %gather3A_1309 = tpu.vector_load_idx %arg9[%add3A_388, %add3A_1308] : memref<256x128xf32, #tpu.memory_space<vmem>>[vector<16xi32>, vector<16xi32>], vector<16xf32>,
      %get3A_1310 = arith.constant 61 : i32
      %get3A_1311 = arith.index_cast %get3A_1310 : i32 to index
      %get3A_1312 = arith.index_cast %mul3A_386 : i32 to index
      %get3A_1313 = tpu.vector_load %arg10[%get3A_1311, %get3A_1312] {strides = array<i32>} : memref<64x256xf32, #tpu.memory_space<vmem>>, vector<16xf32>,
      %get3A_1314 = arith.constant 61 : i32
      %get3A_1315 = arith.index_cast %get3A_1314 : i32 to index
      %get3A_1316 = arith.index_cast %mul3A_386 : i32 to index
      %get3A_1317 = tpu.vector_load %arg11[%get3A_1315, %get3A_1316] {strides = array<i32>} : memref<64x256xf32, #tpu.memory_space<vmem>>, vector<16xf32>,
      %mul3A_1318 = arith.mulf %get3A_1313, %gather3A_1309 : vector<16xf32>
      %mul3A_1319 = arith.mulf %mul3A_1318, %get3A_1317 : vector<16xf32>
      %add3A_1320 = arith.addf %add3A_1305, %mul3A_1319 : vector<16xf32>
      %add3A_1321 = arith.constant 62 : i32
      %add3A_1322 = vector.broadcast %add3A_1321 : i32 to vector<16xi32>
      %add3A_1323 = arith.addi %broadcast_in_dim3A_389, %add3A_1322 : vector<16xi32>
      %gather3A_1324 = tpu.vector_load_idx %arg9[%add3A_388, %add3A_1323] : memref<256x128xf32, #tpu.memory_space<vmem>>[vector<16xi32>, vector<16xi32>], vector<16xf32>,
      %get3A_1325 = arith.constant 62 : i32
      %get3A_1326 = arith.index_cast %get3A_1325 : i32 to index
      %get3A_1327 = arith.index_cast %mul3A_386 : i32 to index
      %get3A_1328 = tpu.vector_load %arg10[%get3A_1326, %get3A_1327] {strides = array<i32>} : memref<64x256xf32, #tpu.memory_space<vmem>>, vector<16xf32>,
      %get3A_1329 = arith.constant 62 : i32
      %get3A_1330 = arith.index_cast %get3A_1329 : i32 to index
      %get3A_1331 = arith.index_cast %mul3A_386 : i32 to index
      %get3A_1332 = tpu.vector_load %arg11[%get3A_1330, %get3A_1331] {strides = array<i32>} : memref<64x256xf32, #tpu.memory_space<vmem>>, vector<16xf32>,
      %mul3A_1333 = arith.mulf %get3A_1328, %gather3A_1324 : vector<16xf32>
      %mul3A_1334 = arith.mulf %mul3A_1333, %get3A_1332 : vector<16xf32>
      %add3A_1335 = arith.addf %add3A_1320, %mul3A_1334 : vector<16xf32>
      %add3A_1336 = arith.constant 63 : i32
      %add3A_1337 = vector.broadcast %add3A_1336 : i32 to vector<16xi32>
      %add3A_1338 = arith.addi %broadcast_in_dim3A_389, %add3A_1337 : vector<16xi32>
      %gather3A_1339 = tpu.vector_load_idx %arg9[%add3A_388, %add3A_1338] : memref<256x128xf32, #tpu.memory_space<vmem>>[vector<16xi32>, vector<16xi32>], vector<16xf32>,
      %get3A_1340 = arith.constant 63 : i32
      %get3A_1341 = arith.index_cast %get3A_1340 : i32 to index
      %get3A_1342 = arith.index_cast %mul3A_386 : i32 to index
      %get3A_1343 = tpu.vector_load %arg10[%get3A_1341, %get3A_1342] {strides = array<i32>} : memref<64x256xf32, #tpu.memory_space<vmem>>, vector<16xf32>,
      %get3A_1344 = arith.constant 63 : i32
      %get3A_1345 = arith.index_cast %get3A_1344 : i32 to index
      %get3A_1346 = arith.index_cast %mul3A_386 : i32 to index
      %get3A_1347 = tpu.vector_load %arg11[%get3A_1345, %get3A_1346] {strides = array<i32>} : memref<64x256xf32, #tpu.memory_space<vmem>>, vector<16xf32>,
      %mul3A_1348 = arith.mulf %get3A_1343, %gather3A_1339 : vector<16xf32>
      %mul3A_1349 = arith.mulf %mul3A_1348, %get3A_1347 : vector<16xf32>
      %add3A_1350 = arith.addf %add3A_1335, %mul3A_1349 : vector<16xf32>
      %add3A_1351 = arith.constant 0 : i32
      %add3A_1352 = arith.addi %add3A_1351, %mul3A_386 : i32
      %swap3A_1353 = arith.index_cast %add3A_1352 : i32 to index
      %swap3A_1354 = tpu.vector_load %arg12[%swap3A_1353] {strides = array<i32>} : memref<512xf32, #tpu.memory_space<vmem>>, vector<16xf32>,
      tpu.vector_store %arg12[%swap3A_1353], %add3A_1350 {strides = array<i32>} : memref<512xf32, #tpu.memory_space<vmem>>, vector<16xf32>,
    }
    %scan3A_319 = arith.constant 16 : i32
    %add3A_320 = arith.constant 256 : i32
    %add3A_321 = arith.addi %mul3A_2, %add3A_320 : i32
    %dma_start3A_322 = arith.constant 0 : i32
    %dma_start3A_323 = tpu.memref_slice %arg2[%dma_start3A_322, %add3A_321] : memref<64x16384xf32, #tpu.memory_space<hbm>> -> memref<64x256xf32, #tpu.memory_space<hbm>>
    %dma_start3A_324 = arith.constant 0 : i32
    %dma_start3A_325 = tpu.memref_slice %arg2[%dma_start3A_324, %add3A_321] : memref<64x16384xf32, #tpu.memory_space<hbm>> -> memref<64x256xf32, #tpu.memory_space<hbm>>
    tpu.enqueue_dma source(%dma_start3A_325 : memref<64x256xf32, #tpu.memory_space<hbm>>) target(%arg10 : memref<64x256xf32, #tpu.memory_space<vmem>>) target_semaphore(%arg13 : memref<!tpu.dma_semaphore, #tpu.memory_space<semaphore_mem>>)
    %dma_start3A_326 = arith.constant 0 : i32
    %dma_start3A_327 = tpu.memref_slice %arg3[%dma_start3A_326, %add3A_321] : memref<64x16384xf32, #tpu.memory_space<hbm>> -> memref<64x256xf32, #tpu.memory_space<hbm>>
    %dma_start3A_328 = arith.constant 0 : i32
    %dma_start3A_329 = tpu.memref_slice %arg3[%dma_start3A_328, %add3A_321] : memref<64x16384xf32, #tpu.memory_space<hbm>> -> memref<64x256xf32, #tpu.memory_space<hbm>>
    tpu.enqueue_dma source(%dma_start3A_329 : memref<64x256xf32, #tpu.memory_space<hbm>>) target(%arg11 : memref<64x256xf32, #tpu.memory_space<vmem>>) target_semaphore(%arg13 : memref<!tpu.dma_semaphore, #tpu.memory_space<semaphore_mem>>)
    %dma_start3A_330 = arith.constant 2 : i32
    %dma_start3A_331 = arith.constant 0 : i32
    %dma_start3A_332 = arith.constant 0 : i32
    %dma_start3A_333 = tpu.memref_slice %arg9[%dma_start3A_331, %dma_start3A_332] : memref<256x128xf32, #tpu.memory_space<vmem>> -> memref<128x128xf32, #tpu.memory_space<vmem>>
    %dma_start3A_334 = arith.constant 0 : i32
    %dma_start3A_335 = tpu.memref_slice %arg8[%dma_start3A_330, %dma_start3A_334] : memref<4x128xi32, #tpu.memory_space<vmem>> -> memref<1x128xi32, #tpu.memory_space<vmem>>
    %dma_start3A_336 = tpu.memref_squeeze %dma_start3A_335 : memref<1x128xi32, #tpu.memory_space<vmem>> -> memref<128xi32, #tpu.memory_space<vmem>>
    %dma_start3A_337 = arith.constant 0 : i32
    %dma_start3A_338 = arith.constant 0 : i32
    %dma_start3A_339 = tpu.memref_slice %arg5[%dma_start3A_337, %dma_start3A_338] : memref<100000x128xf32, #tpu.memory_space<hbm>> -> memref<100000x128xf32, #tpu.memory_space<hbm>>
    tpu.enqueue_indirect_dma source(%dma_start3A_339 : memref<100000x128xf32, #tpu.memory_space<hbm>>) target(%dma_start3A_333 : memref<128x128xf32, #tpu.memory_space<vmem>>) offsets(%dma_start3A_336 : memref<128xi32, #tpu.memory_space<vmem>>) semaphore(%arg13 : memref<!tpu.dma_semaphore, #tpu.memory_space<semaphore_mem>>)
    %dma_start3A_340 = arith.constant 3 : i32
    %dma_start3A_341 = arith.constant 128 : i32
    %dma_start3A_342 = arith.constant 0 : i32
    %dma_start3A_343 = tpu.memref_slice %arg9[%dma_start3A_341, %dma_start3A_342] : memref<256x128xf32, #tpu.memory_space<vmem>> -> memref<128x128xf32, #tpu.memory_space<vmem>>
    %dma_start3A_344 = arith.constant 0 : i32
    %dma_start3A_345 = tpu.memref_slice %arg8[%dma_start3A_340, %dma_start3A_344] : memref<4x128xi32, #tpu.memory_space<vmem>> -> memref<1x128xi32, #tpu.memory_space<vmem>>
    %dma_start3A_346 = tpu.memref_squeeze %dma_start3A_345 : memref<1x128xi32, #tpu.memory_space<vmem>> -> memref<128xi32, #tpu.memory_space<vmem>>
    %dma_start3A_347 = arith.constant 0 : i32
    %dma_start3A_348 = arith.constant 0 : i32
    %dma_start3A_349 = tpu.memref_slice %arg5[%dma_start3A_347, %dma_start3A_348] : memref<100000x128xf32, #tpu.memory_space<hbm>> -> memref<100000x128xf32, #tpu.memory_space<hbm>>
    tpu.enqueue_indirect_dma source(%dma_start3A_349 : memref<100000x128xf32, #tpu.memory_space<hbm>>) target(%dma_start3A_343 : memref<128x128xf32, #tpu.memory_space<vmem>>) offsets(%dma_start3A_346 : memref<128xi32, #tpu.memory_space<vmem>>) semaphore(%arg13 : memref<!tpu.dma_semaphore, #tpu.memory_space<semaphore_mem>>)
    %dma_wait3A_350 = arith.constant 0 : i32
    %dma_wait3A_351 = tpu.memref_slice %arg2[%dma_wait3A_350, %add3A_321] : memref<64x16384xf32, #tpu.memory_space<hbm>> -> memref<64x256xf32, #tpu.memory_space<hbm>>
    %dma_wait3A_352 = arith.constant 0 : i32
    %dma_wait3A_353 = tpu.memref_slice %arg2[%dma_wait3A_352, %add3A_321] : memref<64x16384xf32, #tpu.memory_space<hbm>> -> memref<64x256xf32, #tpu.memory_space<hbm>>
    tpu.wait_dma2 semaphore(%arg13 : memref<!tpu.dma_semaphore, #tpu.memory_space<semaphore_mem>>) src(%dma_wait3A_353 : memref<64x256xf32, #tpu.memory_space<hbm>>) dst(%arg10 : memref<64x256xf32, #tpu.memory_space<vmem>>)
    %dma_wait3A_354 = arith.constant 0 : i32
    %dma_wait3A_355 = tpu.memref_slice %arg3[%dma_wait3A_354, %add3A_321] : memref<64x16384xf32, #tpu.memory_space<hbm>> -> memref<64x256xf32, #tpu.memory_space<hbm>>
    %dma_wait3A_356 = arith.constant 0 : i32
    %dma_wait3A_357 = tpu.memref_slice %arg3[%dma_wait3A_356, %add3A_321] : memref<64x16384xf32, #tpu.memory_space<hbm>> -> memref<64x256xf32, #tpu.memory_space<hbm>>
    tpu.wait_dma2 semaphore(%arg13 : memref<!tpu.dma_semaphore, #tpu.memory_space<semaphore_mem>>) src(%dma_wait3A_357 : memref<64x256xf32, #tpu.memory_space<hbm>>) dst(%arg11 : memref<64x256xf32, #tpu.memory_space<vmem>>)
    %dma_wait3A_358 = arith.constant 2 : i32
    %dma_wait3A_359 = arith.constant 0 : i32
    %dma_wait3A_360 = arith.constant 0 : i32
    %dma_wait3A_361 = tpu.memref_slice %arg9[%dma_wait3A_359, %dma_wait3A_360] : memref<256x128xf32, #tpu.memory_space<vmem>> -> memref<128x128xf32, #tpu.memory_space<vmem>>
    %dma_wait3A_362 = arith.constant 0 : i32
    %dma_wait3A_363 = tpu.memref_slice %arg8[%dma_wait3A_358, %dma_wait3A_362] : memref<4x128xi32, #tpu.memory_space<vmem>> -> memref<1x128xi32, #tpu.memory_space<vmem>>
    %dma_wait3A_364 = tpu.memref_squeeze %dma_wait3A_363 : memref<1x128xi32, #tpu.memory_space<vmem>> -> memref<128xi32, #tpu.memory_space<vmem>>
    %dma_wait3A_365 = arith.constant 0 : i32
    %dma_wait3A_366 = arith.constant 0 : i32
    %dma_wait3A_367 = tpu.memref_slice %arg5[%dma_wait3A_365, %dma_wait3A_366] : memref<100000x128xf32, #tpu.memory_space<hbm>> -> memref<100000x128xf32, #tpu.memory_space<hbm>>
    tpu.wait_indirect_dma semaphore(%arg13 : memref<!tpu.dma_semaphore, #tpu.memory_space<semaphore_mem>>) src(%dma_wait3A_367 : memref<100000x128xf32, #tpu.memory_space<hbm>>) dst(%dma_wait3A_361 : memref<128x128xf32, #tpu.memory_space<vmem>>)
    %dma_wait3A_368 = arith.constant 3 : i32
    %dma_wait3A_369 = arith.constant 128 : i32
    %dma_wait3A_370 = arith.constant 0 : i32
    %dma_wait3A_371 = tpu.memref_slice %arg9[%dma_wait3A_369, %dma_wait3A_370] : memref<256x128xf32, #tpu.memory_space<vmem>> -> memref<128x128xf32, #tpu.memory_space<vmem>>
    %dma_wait3A_372 = arith.constant 0 : i32
    %dma_wait3A_373 = tpu.memref_slice %arg8[%dma_wait3A_368, %dma_wait3A_372] : memref<4x128xi32, #tpu.memory_space<vmem>> -> memref<1x128xi32, #tpu.memory_space<vmem>>
    %dma_wait3A_374 = tpu.memref_squeeze %dma_wait3A_373 : memref<1x128xi32, #tpu.memory_space<vmem>> -> memref<128xi32, #tpu.memory_space<vmem>>
    %dma_wait3A_375 = arith.constant 0 : i32
    %dma_wait3A_376 = arith.constant 0 : i32
    %dma_wait3A_377 = tpu.memref_slice %arg5[%dma_wait3A_375, %dma_wait3A_376] : memref<100000x128xf32, #tpu.memory_space<hbm>> -> memref<100000x128xf32, #tpu.memory_space<hbm>>
    tpu.wait_indirect_dma semaphore(%arg13 : memref<!tpu.dma_semaphore, #tpu.memory_space<semaphore_mem>>) src(%dma_wait3A_377 : memref<100000x128xf32, #tpu.memory_space<hbm>>) dst(%dma_wait3A_371 : memref<128x128xf32, #tpu.memory_space<vmem>>)
    %scan3A_378 = arith.constant 0 : i32
    %scan3A_379 = arith.constant 0 : i32
    %scan3A_380 = arith.constant 16 : i32
    %scan3A_381 = arith.addi %scan3A_379, %scan3A_380 : i32
    %scan3A_382 = arith.constant 1 : i32
    scf.for %scan3A_384 = %scan3A_379 to %scan3A_381 step %scan3A_382  : i32 {
      %mul3A_385 = arith.constant 16 : i32
      %mul3A_386 = arith.muli %scan3A_384, %mul3A_385 : i32
      %iota3A = tpu.iota {dimensions = array<i32: 0>} : vector<16xi32>
      %add3A_387 = vector.broadcast %mul3A_386 : i32 to vector<16xi32>
      %add3A_388 = arith.addi %iota3A, %add3A_387 : vector<16xi32>
      %broadcast_in_dim3A = arith.constant 0 : i32
      %broadcast_in_dim3A_389 = vector.broadcast %broadcast_in_dim3A : i32 to vector<16xi32>
      %broadcast_in_dim3A_390 = arith.constant 0.000000e+00 : f32
      %broadcast_in_dim3A_391 = vector.broadcast %broadcast_in_dim3A_390 : f32 to vector<16xf32>
      %add3A_392 = arith.constant 0 : i32
      %add3A_393 = vector.broadcast %add3A_392 : i32 to vector<16xi32>
      %add3A_394 = arith.addi %broadcast_in_dim3A_389, %add3A_393 : vector<16xi32>
      %gather3A = tpu.vector_load_idx %arg9[%add3A_388, %add3A_394] : memref<256x128xf32, #tpu.memory_space<vmem>>[vector<16xi32>, vector<16xi32>], vector<16xf32>,
      %get3A_395 = arith.constant 0 : i32
      %get3A_396 = arith.index_cast %get3A_395 : i32 to index
      %get3A_397 = arith.index_cast %mul3A_386 : i32 to index
      %get3A_398 = tpu.vector_load %arg10[%get3A_396, %get3A_397] {strides = array<i32>} : memref<64x256xf32, #tpu.memory_space<vmem>>, vector<16xf32>,
      %get3A_399 = arith.constant 0 : i32
      %get3A_400 = arith.index_cast %get3A_399 : i32 to index
      %get3A_401 = arith.index_cast %mul3A_386 : i32 to index
      %get3A_402 = tpu.vector_load %arg11[%get3A_400, %get3A_401] {strides = array<i32>} : memref<64x256xf32, #tpu.memory_space<vmem>>, vector<16xf32>,
      %mul3A_403 = arith.mulf %get3A_398, %gather3A : vector<16xf32>
      %mul3A_404 = arith.mulf %mul3A_403, %get3A_402 : vector<16xf32>
      %add3A_405 = arith.addf %broadcast_in_dim3A_391, %mul3A_404 : vector<16xf32>
      %add3A_406 = arith.constant 1 : i32
      %add3A_407 = vector.broadcast %add3A_406 : i32 to vector<16xi32>
      %add3A_408 = arith.addi %broadcast_in_dim3A_389, %add3A_407 : vector<16xi32>
      %gather3A_409 = tpu.vector_load_idx %arg9[%add3A_388, %add3A_408] : memref<256x128xf32, #tpu.memory_space<vmem>>[vector<16xi32>, vector<16xi32>], vector<16xf32>,
      %get3A_410 = arith.constant 1 : i32
      %get3A_411 = arith.index_cast %get3A_410 : i32 to index
      %get3A_412 = arith.index_cast %mul3A_386 : i32 to index
      %get3A_413 = tpu.vector_load %arg10[%get3A_411, %get3A_412] {strides = array<i32>} : memref<64x256xf32, #tpu.memory_space<vmem>>, vector<16xf32>,
      %get3A_414 = arith.constant 1 : i32
      %get3A_415 = arith.index_cast %get3A_414 : i32 to index
      %get3A_416 = arith.index_cast %mul3A_386 : i32 to index
      %get3A_417 = tpu.vector_load %arg11[%get3A_415, %get3A_416] {strides = array<i32>} : memref<64x256xf32, #tpu.memory_space<vmem>>, vector<16xf32>,
      %mul3A_418 = arith.mulf %get3A_413, %gather3A_409 : vector<16xf32>
      %mul3A_419 = arith.mulf %mul3A_418, %get3A_417 : vector<16xf32>
      %add3A_420 = arith.addf %add3A_405, %mul3A_419 : vector<16xf32>
      %add3A_421 = arith.constant 2 : i32
      %add3A_422 = vector.broadcast %add3A_421 : i32 to vector<16xi32>
      %add3A_423 = arith.addi %broadcast_in_dim3A_389, %add3A_422 : vector<16xi32>
      %gather3A_424 = tpu.vector_load_idx %arg9[%add3A_388, %add3A_423] : memref<256x128xf32, #tpu.memory_space<vmem>>[vector<16xi32>, vector<16xi32>], vector<16xf32>,
      %get3A_425 = arith.constant 2 : i32
      %get3A_426 = arith.index_cast %get3A_425 : i32 to index
      %get3A_427 = arith.index_cast %mul3A_386 : i32 to index
      %get3A_428 = tpu.vector_load %arg10[%get3A_426, %get3A_427] {strides = array<i32>} : memref<64x256xf32, #tpu.memory_space<vmem>>, vector<16xf32>,
      %get3A_429 = arith.constant 2 : i32
      %get3A_430 = arith.index_cast %get3A_429 : i32 to index
      %get3A_431 = arith.index_cast %mul3A_386 : i32 to index
      %get3A_432 = tpu.vector_load %arg11[%get3A_430, %get3A_431] {strides = array<i32>} : memref<64x256xf32, #tpu.memory_space<vmem>>, vector<16xf32>,
      %mul3A_433 = arith.mulf %get3A_428, %gather3A_424 : vector<16xf32>
      %mul3A_434 = arith.mulf %mul3A_433, %get3A_432 : vector<16xf32>
      %add3A_435 = arith.addf %add3A_420, %mul3A_434 : vector<16xf32>
      %add3A_436 = arith.constant 3 : i32
      %add3A_437 = vector.broadcast %add3A_436 : i32 to vector<16xi32>
      %add3A_438 = arith.addi %broadcast_in_dim3A_389, %add3A_437 : vector<16xi32>
      %gather3A_439 = tpu.vector_load_idx %arg9[%add3A_388, %add3A_438] : memref<256x128xf32, #tpu.memory_space<vmem>>[vector<16xi32>, vector<16xi32>], vector<16xf32>,
      %get3A_440 = arith.constant 3 : i32
      %get3A_441 = arith.index_cast %get3A_440 : i32 to index
      %get3A_442 = arith.index_cast %mul3A_386 : i32 to index
      %get3A_443 = tpu.vector_load %arg10[%get3A_441, %get3A_442] {strides = array<i32>} : memref<64x256xf32, #tpu.memory_space<vmem>>, vector<16xf32>,
      %get3A_444 = arith.constant 3 : i32
      %get3A_445 = arith.index_cast %get3A_444 : i32 to index
      %get3A_446 = arith.index_cast %mul3A_386 : i32 to index
      %get3A_447 = tpu.vector_load %arg11[%get3A_445, %get3A_446] {strides = array<i32>} : memref<64x256xf32, #tpu.memory_space<vmem>>, vector<16xf32>,
      %mul3A_448 = arith.mulf %get3A_443, %gather3A_439 : vector<16xf32>
      %mul3A_449 = arith.mulf %mul3A_448, %get3A_447 : vector<16xf32>
      %add3A_450 = arith.addf %add3A_435, %mul3A_449 : vector<16xf32>
      %add3A_451 = arith.constant 4 : i32
      %add3A_452 = vector.broadcast %add3A_451 : i32 to vector<16xi32>
      %add3A_453 = arith.addi %broadcast_in_dim3A_389, %add3A_452 : vector<16xi32>
      %gather3A_454 = tpu.vector_load_idx %arg9[%add3A_388, %add3A_453] : memref<256x128xf32, #tpu.memory_space<vmem>>[vector<16xi32>, vector<16xi32>], vector<16xf32>,
      %get3A_455 = arith.constant 4 : i32
      %get3A_456 = arith.index_cast %get3A_455 : i32 to index
      %get3A_457 = arith.index_cast %mul3A_386 : i32 to index
      %get3A_458 = tpu.vector_load %arg10[%get3A_456, %get3A_457] {strides = array<i32>} : memref<64x256xf32, #tpu.memory_space<vmem>>, vector<16xf32>,
      %get3A_459 = arith.constant 4 : i32
      %get3A_460 = arith.index_cast %get3A_459 : i32 to index
      %get3A_461 = arith.index_cast %mul3A_386 : i32 to index
      %get3A_462 = tpu.vector_load %arg11[%get3A_460, %get3A_461] {strides = array<i32>} : memref<64x256xf32, #tpu.memory_space<vmem>>, vector<16xf32>,
      %mul3A_463 = arith.mulf %get3A_458, %gather3A_454 : vector<16xf32>
      %mul3A_464 = arith.mulf %mul3A_463, %get3A_462 : vector<16xf32>
      %add3A_465 = arith.addf %add3A_450, %mul3A_464 : vector<16xf32>
      %add3A_466 = arith.constant 5 : i32
      %add3A_467 = vector.broadcast %add3A_466 : i32 to vector<16xi32>
      %add3A_468 = arith.addi %broadcast_in_dim3A_389, %add3A_467 : vector<16xi32>
      %gather3A_469 = tpu.vector_load_idx %arg9[%add3A_388, %add3A_468] : memref<256x128xf32, #tpu.memory_space<vmem>>[vector<16xi32>, vector<16xi32>], vector<16xf32>,
      %get3A_470 = arith.constant 5 : i32
      %get3A_471 = arith.index_cast %get3A_470 : i32 to index
      %get3A_472 = arith.index_cast %mul3A_386 : i32 to index
      %get3A_473 = tpu.vector_load %arg10[%get3A_471, %get3A_472] {strides = array<i32>} : memref<64x256xf32, #tpu.memory_space<vmem>>, vector<16xf32>,
      %get3A_474 = arith.constant 5 : i32
      %get3A_475 = arith.index_cast %get3A_474 : i32 to index
      %get3A_476 = arith.index_cast %mul3A_386 : i32 to index
      %get3A_477 = tpu.vector_load %arg11[%get3A_475, %get3A_476] {strides = array<i32>} : memref<64x256xf32, #tpu.memory_space<vmem>>, vector<16xf32>,
      %mul3A_478 = arith.mulf %get3A_473, %gather3A_469 : vector<16xf32>
      %mul3A_479 = arith.mulf %mul3A_478, %get3A_477 : vector<16xf32>
      %add3A_480 = arith.addf %add3A_465, %mul3A_479 : vector<16xf32>
      %add3A_481 = arith.constant 6 : i32
      %add3A_482 = vector.broadcast %add3A_481 : i32 to vector<16xi32>
      %add3A_483 = arith.addi %broadcast_in_dim3A_389, %add3A_482 : vector<16xi32>
      %gather3A_484 = tpu.vector_load_idx %arg9[%add3A_388, %add3A_483] : memref<256x128xf32, #tpu.memory_space<vmem>>[vector<16xi32>, vector<16xi32>], vector<16xf32>,
      %get3A_485 = arith.constant 6 : i32
      %get3A_486 = arith.index_cast %get3A_485 : i32 to index
      %get3A_487 = arith.index_cast %mul3A_386 : i32 to index
      %get3A_488 = tpu.vector_load %arg10[%get3A_486, %get3A_487] {strides = array<i32>} : memref<64x256xf32, #tpu.memory_space<vmem>>, vector<16xf32>,
      %get3A_489 = arith.constant 6 : i32
      %get3A_490 = arith.index_cast %get3A_489 : i32 to index
      %get3A_491 = arith.index_cast %mul3A_386 : i32 to index
      %get3A_492 = tpu.vector_load %arg11[%get3A_490, %get3A_491] {strides = array<i32>} : memref<64x256xf32, #tpu.memory_space<vmem>>, vector<16xf32>,
      %mul3A_493 = arith.mulf %get3A_488, %gather3A_484 : vector<16xf32>
      %mul3A_494 = arith.mulf %mul3A_493, %get3A_492 : vector<16xf32>
      %add3A_495 = arith.addf %add3A_480, %mul3A_494 : vector<16xf32>
      %add3A_496 = arith.constant 7 : i32
      %add3A_497 = vector.broadcast %add3A_496 : i32 to vector<16xi32>
      %add3A_498 = arith.addi %broadcast_in_dim3A_389, %add3A_497 : vector<16xi32>
      %gather3A_499 = tpu.vector_load_idx %arg9[%add3A_388, %add3A_498] : memref<256x128xf32, #tpu.memory_space<vmem>>[vector<16xi32>, vector<16xi32>], vector<16xf32>,
      %get3A_500 = arith.constant 7 : i32
      %get3A_501 = arith.index_cast %get3A_500 : i32 to index
      %get3A_502 = arith.index_cast %mul3A_386 : i32 to index
      %get3A_503 = tpu.vector_load %arg10[%get3A_501, %get3A_502] {strides = array<i32>} : memref<64x256xf32, #tpu.memory_space<vmem>>, vector<16xf32>,
      %get3A_504 = arith.constant 7 : i32
      %get3A_505 = arith.index_cast %get3A_504 : i32 to index
      %get3A_506 = arith.index_cast %mul3A_386 : i32 to index
      %get3A_507 = tpu.vector_load %arg11[%get3A_505, %get3A_506] {strides = array<i32>} : memref<64x256xf32, #tpu.memory_space<vmem>>, vector<16xf32>,
      %mul3A_508 = arith.mulf %get3A_503, %gather3A_499 : vector<16xf32>
      %mul3A_509 = arith.mulf %mul3A_508, %get3A_507 : vector<16xf32>
      %add3A_510 = arith.addf %add3A_495, %mul3A_509 : vector<16xf32>
      %add3A_511 = arith.constant 8 : i32
      %add3A_512 = vector.broadcast %add3A_511 : i32 to vector<16xi32>
      %add3A_513 = arith.addi %broadcast_in_dim3A_389, %add3A_512 : vector<16xi32>
      %gather3A_514 = tpu.vector_load_idx %arg9[%add3A_388, %add3A_513] : memref<256x128xf32, #tpu.memory_space<vmem>>[vector<16xi32>, vector<16xi32>], vector<16xf32>,
      %get3A_515 = arith.constant 8 : i32
      %get3A_516 = arith.index_cast %get3A_515 : i32 to index
      %get3A_517 = arith.index_cast %mul3A_386 : i32 to index
      %get3A_518 = tpu.vector_load %arg10[%get3A_516, %get3A_517] {strides = array<i32>} : memref<64x256xf32, #tpu.memory_space<vmem>>, vector<16xf32>,
      %get3A_519 = arith.constant 8 : i32
      %get3A_520 = arith.index_cast %get3A_519 : i32 to index
      %get3A_521 = arith.index_cast %mul3A_386 : i32 to index
      %get3A_522 = tpu.vector_load %arg11[%get3A_520, %get3A_521] {strides = array<i32>} : memref<64x256xf32, #tpu.memory_space<vmem>>, vector<16xf32>,
      %mul3A_523 = arith.mulf %get3A_518, %gather3A_514 : vector<16xf32>
      %mul3A_524 = arith.mulf %mul3A_523, %get3A_522 : vector<16xf32>
      %add3A_525 = arith.addf %add3A_510, %mul3A_524 : vector<16xf32>
      %add3A_526 = arith.constant 9 : i32
      %add3A_527 = vector.broadcast %add3A_526 : i32 to vector<16xi32>
      %add3A_528 = arith.addi %broadcast_in_dim3A_389, %add3A_527 : vector<16xi32>
      %gather3A_529 = tpu.vector_load_idx %arg9[%add3A_388, %add3A_528] : memref<256x128xf32, #tpu.memory_space<vmem>>[vector<16xi32>, vector<16xi32>], vector<16xf32>,
      %get3A_530 = arith.constant 9 : i32
      %get3A_531 = arith.index_cast %get3A_530 : i32 to index
      %get3A_532 = arith.index_cast %mul3A_386 : i32 to index
      %get3A_533 = tpu.vector_load %arg10[%get3A_531, %get3A_532] {strides = array<i32>} : memref<64x256xf32, #tpu.memory_space<vmem>>, vector<16xf32>,
      %get3A_534 = arith.constant 9 : i32
      %get3A_535 = arith.index_cast %get3A_534 : i32 to index
      %get3A_536 = arith.index_cast %mul3A_386 : i32 to index
      %get3A_537 = tpu.vector_load %arg11[%get3A_535, %get3A_536] {strides = array<i32>} : memref<64x256xf32, #tpu.memory_space<vmem>>, vector<16xf32>,
      %mul3A_538 = arith.mulf %get3A_533, %gather3A_529 : vector<16xf32>
      %mul3A_539 = arith.mulf %mul3A_538, %get3A_537 : vector<16xf32>
      %add3A_540 = arith.addf %add3A_525, %mul3A_539 : vector<16xf32>
      %add3A_541 = arith.constant 10 : i32
      %add3A_542 = vector.broadcast %add3A_541 : i32 to vector<16xi32>
      %add3A_543 = arith.addi %broadcast_in_dim3A_389, %add3A_542 : vector<16xi32>
      %gather3A_544 = tpu.vector_load_idx %arg9[%add3A_388, %add3A_543] : memref<256x128xf32, #tpu.memory_space<vmem>>[vector<16xi32>, vector<16xi32>], vector<16xf32>,
      %get3A_545 = arith.constant 10 : i32
      %get3A_546 = arith.index_cast %get3A_545 : i32 to index
      %get3A_547 = arith.index_cast %mul3A_386 : i32 to index
      %get3A_548 = tpu.vector_load %arg10[%get3A_546, %get3A_547] {strides = array<i32>} : memref<64x256xf32, #tpu.memory_space<vmem>>, vector<16xf32>,
      %get3A_549 = arith.constant 10 : i32
      %get3A_550 = arith.index_cast %get3A_549 : i32 to index
      %get3A_551 = arith.index_cast %mul3A_386 : i32 to index
      %get3A_552 = tpu.vector_load %arg11[%get3A_550, %get3A_551] {strides = array<i32>} : memref<64x256xf32, #tpu.memory_space<vmem>>, vector<16xf32>,
      %mul3A_553 = arith.mulf %get3A_548, %gather3A_544 : vector<16xf32>
      %mul3A_554 = arith.mulf %mul3A_553, %get3A_552 : vector<16xf32>
      %add3A_555 = arith.addf %add3A_540, %mul3A_554 : vector<16xf32>
      %add3A_556 = arith.constant 11 : i32
      %add3A_557 = vector.broadcast %add3A_556 : i32 to vector<16xi32>
      %add3A_558 = arith.addi %broadcast_in_dim3A_389, %add3A_557 : vector<16xi32>
      %gather3A_559 = tpu.vector_load_idx %arg9[%add3A_388, %add3A_558] : memref<256x128xf32, #tpu.memory_space<vmem>>[vector<16xi32>, vector<16xi32>], vector<16xf32>,
      %get3A_560 = arith.constant 11 : i32
      %get3A_561 = arith.index_cast %get3A_560 : i32 to index
      %get3A_562 = arith.index_cast %mul3A_386 : i32 to index
      %get3A_563 = tpu.vector_load %arg10[%get3A_561, %get3A_562] {strides = array<i32>} : memref<64x256xf32, #tpu.memory_space<vmem>>, vector<16xf32>,
      %get3A_564 = arith.constant 11 : i32
      %get3A_565 = arith.index_cast %get3A_564 : i32 to index
      %get3A_566 = arith.index_cast %mul3A_386 : i32 to index
      %get3A_567 = tpu.vector_load %arg11[%get3A_565, %get3A_566] {strides = array<i32>} : memref<64x256xf32, #tpu.memory_space<vmem>>, vector<16xf32>,
      %mul3A_568 = arith.mulf %get3A_563, %gather3A_559 : vector<16xf32>
      %mul3A_569 = arith.mulf %mul3A_568, %get3A_567 : vector<16xf32>
      %add3A_570 = arith.addf %add3A_555, %mul3A_569 : vector<16xf32>
      %add3A_571 = arith.constant 12 : i32
      %add3A_572 = vector.broadcast %add3A_571 : i32 to vector<16xi32>
      %add3A_573 = arith.addi %broadcast_in_dim3A_389, %add3A_572 : vector<16xi32>
      %gather3A_574 = tpu.vector_load_idx %arg9[%add3A_388, %add3A_573] : memref<256x128xf32, #tpu.memory_space<vmem>>[vector<16xi32>, vector<16xi32>], vector<16xf32>,
      %get3A_575 = arith.constant 12 : i32
      %get3A_576 = arith.index_cast %get3A_575 : i32 to index
      %get3A_577 = arith.index_cast %mul3A_386 : i32 to index
      %get3A_578 = tpu.vector_load %arg10[%get3A_576, %get3A_577] {strides = array<i32>} : memref<64x256xf32, #tpu.memory_space<vmem>>, vector<16xf32>,
      %get3A_579 = arith.constant 12 : i32
      %get3A_580 = arith.index_cast %get3A_579 : i32 to index
      %get3A_581 = arith.index_cast %mul3A_386 : i32 to index
      %get3A_582 = tpu.vector_load %arg11[%get3A_580, %get3A_581] {strides = array<i32>} : memref<64x256xf32, #tpu.memory_space<vmem>>, vector<16xf32>,
      %mul3A_583 = arith.mulf %get3A_578, %gather3A_574 : vector<16xf32>
      %mul3A_584 = arith.mulf %mul3A_583, %get3A_582 : vector<16xf32>
      %add3A_585 = arith.addf %add3A_570, %mul3A_584 : vector<16xf32>
      %add3A_586 = arith.constant 13 : i32
      %add3A_587 = vector.broadcast %add3A_586 : i32 to vector<16xi32>
      %add3A_588 = arith.addi %broadcast_in_dim3A_389, %add3A_587 : vector<16xi32>
      %gather3A_589 = tpu.vector_load_idx %arg9[%add3A_388, %add3A_588] : memref<256x128xf32, #tpu.memory_space<vmem>>[vector<16xi32>, vector<16xi32>], vector<16xf32>,
      %get3A_590 = arith.constant 13 : i32
      %get3A_591 = arith.index_cast %get3A_590 : i32 to index
      %get3A_592 = arith.index_cast %mul3A_386 : i32 to index
      %get3A_593 = tpu.vector_load %arg10[%get3A_591, %get3A_592] {strides = array<i32>} : memref<64x256xf32, #tpu.memory_space<vmem>>, vector<16xf32>,
      %get3A_594 = arith.constant 13 : i32
      %get3A_595 = arith.index_cast %get3A_594 : i32 to index
      %get3A_596 = arith.index_cast %mul3A_386 : i32 to index
      %get3A_597 = tpu.vector_load %arg11[%get3A_595, %get3A_596] {strides = array<i32>} : memref<64x256xf32, #tpu.memory_space<vmem>>, vector<16xf32>,
      %mul3A_598 = arith.mulf %get3A_593, %gather3A_589 : vector<16xf32>
      %mul3A_599 = arith.mulf %mul3A_598, %get3A_597 : vector<16xf32>
      %add3A_600 = arith.addf %add3A_585, %mul3A_599 : vector<16xf32>
      %add3A_601 = arith.constant 14 : i32
      %add3A_602 = vector.broadcast %add3A_601 : i32 to vector<16xi32>
      %add3A_603 = arith.addi %broadcast_in_dim3A_389, %add3A_602 : vector<16xi32>
      %gather3A_604 = tpu.vector_load_idx %arg9[%add3A_388, %add3A_603] : memref<256x128xf32, #tpu.memory_space<vmem>>[vector<16xi32>, vector<16xi32>], vector<16xf32>,
      %get3A_605 = arith.constant 14 : i32
      %get3A_606 = arith.index_cast %get3A_605 : i32 to index
      %get3A_607 = arith.index_cast %mul3A_386 : i32 to index
      %get3A_608 = tpu.vector_load %arg10[%get3A_606, %get3A_607] {strides = array<i32>} : memref<64x256xf32, #tpu.memory_space<vmem>>, vector<16xf32>,
      %get3A_609 = arith.constant 14 : i32
      %get3A_610 = arith.index_cast %get3A_609 : i32 to index
      %get3A_611 = arith.index_cast %mul3A_386 : i32 to index
      %get3A_612 = tpu.vector_load %arg11[%get3A_610, %get3A_611] {strides = array<i32>} : memref<64x256xf32, #tpu.memory_space<vmem>>, vector<16xf32>,
      %mul3A_613 = arith.mulf %get3A_608, %gather3A_604 : vector<16xf32>
      %mul3A_614 = arith.mulf %mul3A_613, %get3A_612 : vector<16xf32>
      %add3A_615 = arith.addf %add3A_600, %mul3A_614 : vector<16xf32>
      %add3A_616 = arith.constant 15 : i32
      %add3A_617 = vector.broadcast %add3A_616 : i32 to vector<16xi32>
      %add3A_618 = arith.addi %broadcast_in_dim3A_389, %add3A_617 : vector<16xi32>
      %gather3A_619 = tpu.vector_load_idx %arg9[%add3A_388, %add3A_618] : memref<256x128xf32, #tpu.memory_space<vmem>>[vector<16xi32>, vector<16xi32>], vector<16xf32>,
      %get3A_620 = arith.constant 15 : i32
      %get3A_621 = arith.index_cast %get3A_620 : i32 to index
      %get3A_622 = arith.index_cast %mul3A_386 : i32 to index
      %get3A_623 = tpu.vector_load %arg10[%get3A_621, %get3A_622] {strides = array<i32>} : memref<64x256xf32, #tpu.memory_space<vmem>>, vector<16xf32>,
      %get3A_624 = arith.constant 15 : i32
      %get3A_625 = arith.index_cast %get3A_624 : i32 to index
      %get3A_626 = arith.index_cast %mul3A_386 : i32 to index
      %get3A_627 = tpu.vector_load %arg11[%get3A_625, %get3A_626] {strides = array<i32>} : memref<64x256xf32, #tpu.memory_space<vmem>>, vector<16xf32>,
      %mul3A_628 = arith.mulf %get3A_623, %gather3A_619 : vector<16xf32>
      %mul3A_629 = arith.mulf %mul3A_628, %get3A_627 : vector<16xf32>
      %add3A_630 = arith.addf %add3A_615, %mul3A_629 : vector<16xf32>
      %add3A_631 = arith.constant 16 : i32
      %add3A_632 = vector.broadcast %add3A_631 : i32 to vector<16xi32>
      %add3A_633 = arith.addi %broadcast_in_dim3A_389, %add3A_632 : vector<16xi32>
      %gather3A_634 = tpu.vector_load_idx %arg9[%add3A_388, %add3A_633] : memref<256x128xf32, #tpu.memory_space<vmem>>[vector<16xi32>, vector<16xi32>], vector<16xf32>,
      %get3A_635 = arith.constant 16 : i32
      %get3A_636 = arith.index_cast %get3A_635 : i32 to index
      %get3A_637 = arith.index_cast %mul3A_386 : i32 to index
      %get3A_638 = tpu.vector_load %arg10[%get3A_636, %get3A_637] {strides = array<i32>} : memref<64x256xf32, #tpu.memory_space<vmem>>, vector<16xf32>,
      %get3A_639 = arith.constant 16 : i32
      %get3A_640 = arith.index_cast %get3A_639 : i32 to index
      %get3A_641 = arith.index_cast %mul3A_386 : i32 to index
      %get3A_642 = tpu.vector_load %arg11[%get3A_640, %get3A_641] {strides = array<i32>} : memref<64x256xf32, #tpu.memory_space<vmem>>, vector<16xf32>,
      %mul3A_643 = arith.mulf %get3A_638, %gather3A_634 : vector<16xf32>
      %mul3A_644 = arith.mulf %mul3A_643, %get3A_642 : vector<16xf32>
      %add3A_645 = arith.addf %add3A_630, %mul3A_644 : vector<16xf32>
      %add3A_646 = arith.constant 17 : i32
      %add3A_647 = vector.broadcast %add3A_646 : i32 to vector<16xi32>
      %add3A_648 = arith.addi %broadcast_in_dim3A_389, %add3A_647 : vector<16xi32>
      %gather3A_649 = tpu.vector_load_idx %arg9[%add3A_388, %add3A_648] : memref<256x128xf32, #tpu.memory_space<vmem>>[vector<16xi32>, vector<16xi32>], vector<16xf32>,
      %get3A_650 = arith.constant 17 : i32
      %get3A_651 = arith.index_cast %get3A_650 : i32 to index
      %get3A_652 = arith.index_cast %mul3A_386 : i32 to index
      %get3A_653 = tpu.vector_load %arg10[%get3A_651, %get3A_652] {strides = array<i32>} : memref<64x256xf32, #tpu.memory_space<vmem>>, vector<16xf32>,
      %get3A_654 = arith.constant 17 : i32
      %get3A_655 = arith.index_cast %get3A_654 : i32 to index
      %get3A_656 = arith.index_cast %mul3A_386 : i32 to index
      %get3A_657 = tpu.vector_load %arg11[%get3A_655, %get3A_656] {strides = array<i32>} : memref<64x256xf32, #tpu.memory_space<vmem>>, vector<16xf32>,
      %mul3A_658 = arith.mulf %get3A_653, %gather3A_649 : vector<16xf32>
      %mul3A_659 = arith.mulf %mul3A_658, %get3A_657 : vector<16xf32>
      %add3A_660 = arith.addf %add3A_645, %mul3A_659 : vector<16xf32>
      %add3A_661 = arith.constant 18 : i32
      %add3A_662 = vector.broadcast %add3A_661 : i32 to vector<16xi32>
      %add3A_663 = arith.addi %broadcast_in_dim3A_389, %add3A_662 : vector<16xi32>
      %gather3A_664 = tpu.vector_load_idx %arg9[%add3A_388, %add3A_663] : memref<256x128xf32, #tpu.memory_space<vmem>>[vector<16xi32>, vector<16xi32>], vector<16xf32>,
      %get3A_665 = arith.constant 18 : i32
      %get3A_666 = arith.index_cast %get3A_665 : i32 to index
      %get3A_667 = arith.index_cast %mul3A_386 : i32 to index
      %get3A_668 = tpu.vector_load %arg10[%get3A_666, %get3A_667] {strides = array<i32>} : memref<64x256xf32, #tpu.memory_space<vmem>>, vector<16xf32>,
      %get3A_669 = arith.constant 18 : i32
      %get3A_670 = arith.index_cast %get3A_669 : i32 to index
      %get3A_671 = arith.index_cast %mul3A_386 : i32 to index
      %get3A_672 = tpu.vector_load %arg11[%get3A_670, %get3A_671] {strides = array<i32>} : memref<64x256xf32, #tpu.memory_space<vmem>>, vector<16xf32>,
      %mul3A_673 = arith.mulf %get3A_668, %gather3A_664 : vector<16xf32>
      %mul3A_674 = arith.mulf %mul3A_673, %get3A_672 : vector<16xf32>
      %add3A_675 = arith.addf %add3A_660, %mul3A_674 : vector<16xf32>
      %add3A_676 = arith.constant 19 : i32
      %add3A_677 = vector.broadcast %add3A_676 : i32 to vector<16xi32>
      %add3A_678 = arith.addi %broadcast_in_dim3A_389, %add3A_677 : vector<16xi32>
      %gather3A_679 = tpu.vector_load_idx %arg9[%add3A_388, %add3A_678] : memref<256x128xf32, #tpu.memory_space<vmem>>[vector<16xi32>, vector<16xi32>], vector<16xf32>,
      %get3A_680 = arith.constant 19 : i32
      %get3A_681 = arith.index_cast %get3A_680 : i32 to index
      %get3A_682 = arith.index_cast %mul3A_386 : i32 to index
      %get3A_683 = tpu.vector_load %arg10[%get3A_681, %get3A_682] {strides = array<i32>} : memref<64x256xf32, #tpu.memory_space<vmem>>, vector<16xf32>,
      %get3A_684 = arith.constant 19 : i32
      %get3A_685 = arith.index_cast %get3A_684 : i32 to index
      %get3A_686 = arith.index_cast %mul3A_386 : i32 to index
      %get3A_687 = tpu.vector_load %arg11[%get3A_685, %get3A_686] {strides = array<i32>} : memref<64x256xf32, #tpu.memory_space<vmem>>, vector<16xf32>,
      %mul3A_688 = arith.mulf %get3A_683, %gather3A_679 : vector<16xf32>
      %mul3A_689 = arith.mulf %mul3A_688, %get3A_687 : vector<16xf32>
      %add3A_690 = arith.addf %add3A_675, %mul3A_689 : vector<16xf32>
      %add3A_691 = arith.constant 20 : i32
      %add3A_692 = vector.broadcast %add3A_691 : i32 to vector<16xi32>
      %add3A_693 = arith.addi %broadcast_in_dim3A_389, %add3A_692 : vector<16xi32>
      %gather3A_694 = tpu.vector_load_idx %arg9[%add3A_388, %add3A_693] : memref<256x128xf32, #tpu.memory_space<vmem>>[vector<16xi32>, vector<16xi32>], vector<16xf32>,
      %get3A_695 = arith.constant 20 : i32
      %get3A_696 = arith.index_cast %get3A_695 : i32 to index
      %get3A_697 = arith.index_cast %mul3A_386 : i32 to index
      %get3A_698 = tpu.vector_load %arg10[%get3A_696, %get3A_697] {strides = array<i32>} : memref<64x256xf32, #tpu.memory_space<vmem>>, vector<16xf32>,
      %get3A_699 = arith.constant 20 : i32
      %get3A_700 = arith.index_cast %get3A_699 : i32 to index
      %get3A_701 = arith.index_cast %mul3A_386 : i32 to index
      %get3A_702 = tpu.vector_load %arg11[%get3A_700, %get3A_701] {strides = array<i32>} : memref<64x256xf32, #tpu.memory_space<vmem>>, vector<16xf32>,
      %mul3A_703 = arith.mulf %get3A_698, %gather3A_694 : vector<16xf32>
      %mul3A_704 = arith.mulf %mul3A_703, %get3A_702 : vector<16xf32>
      %add3A_705 = arith.addf %add3A_690, %mul3A_704 : vector<16xf32>
      %add3A_706 = arith.constant 21 : i32
      %add3A_707 = vector.broadcast %add3A_706 : i32 to vector<16xi32>
      %add3A_708 = arith.addi %broadcast_in_dim3A_389, %add3A_707 : vector<16xi32>
      %gather3A_709 = tpu.vector_load_idx %arg9[%add3A_388, %add3A_708] : memref<256x128xf32, #tpu.memory_space<vmem>>[vector<16xi32>, vector<16xi32>], vector<16xf32>,
      %get3A_710 = arith.constant 21 : i32
      %get3A_711 = arith.index_cast %get3A_710 : i32 to index
      %get3A_712 = arith.index_cast %mul3A_386 : i32 to index
      %get3A_713 = tpu.vector_load %arg10[%get3A_711, %get3A_712] {strides = array<i32>} : memref<64x256xf32, #tpu.memory_space<vmem>>, vector<16xf32>,
      %get3A_714 = arith.constant 21 : i32
      %get3A_715 = arith.index_cast %get3A_714 : i32 to index
      %get3A_716 = arith.index_cast %mul3A_386 : i32 to index
      %get3A_717 = tpu.vector_load %arg11[%get3A_715, %get3A_716] {strides = array<i32>} : memref<64x256xf32, #tpu.memory_space<vmem>>, vector<16xf32>,
      %mul3A_718 = arith.mulf %get3A_713, %gather3A_709 : vector<16xf32>
      %mul3A_719 = arith.mulf %mul3A_718, %get3A_717 : vector<16xf32>
      %add3A_720 = arith.addf %add3A_705, %mul3A_719 : vector<16xf32>
      %add3A_721 = arith.constant 22 : i32
      %add3A_722 = vector.broadcast %add3A_721 : i32 to vector<16xi32>
      %add3A_723 = arith.addi %broadcast_in_dim3A_389, %add3A_722 : vector<16xi32>
      %gather3A_724 = tpu.vector_load_idx %arg9[%add3A_388, %add3A_723] : memref<256x128xf32, #tpu.memory_space<vmem>>[vector<16xi32>, vector<16xi32>], vector<16xf32>,
      %get3A_725 = arith.constant 22 : i32
      %get3A_726 = arith.index_cast %get3A_725 : i32 to index
      %get3A_727 = arith.index_cast %mul3A_386 : i32 to index
      %get3A_728 = tpu.vector_load %arg10[%get3A_726, %get3A_727] {strides = array<i32>} : memref<64x256xf32, #tpu.memory_space<vmem>>, vector<16xf32>,
      %get3A_729 = arith.constant 22 : i32
      %get3A_730 = arith.index_cast %get3A_729 : i32 to index
      %get3A_731 = arith.index_cast %mul3A_386 : i32 to index
      %get3A_732 = tpu.vector_load %arg11[%get3A_730, %get3A_731] {strides = array<i32>} : memref<64x256xf32, #tpu.memory_space<vmem>>, vector<16xf32>,
      %mul3A_733 = arith.mulf %get3A_728, %gather3A_724 : vector<16xf32>
      %mul3A_734 = arith.mulf %mul3A_733, %get3A_732 : vector<16xf32>
      %add3A_735 = arith.addf %add3A_720, %mul3A_734 : vector<16xf32>
      %add3A_736 = arith.constant 23 : i32
      %add3A_737 = vector.broadcast %add3A_736 : i32 to vector<16xi32>
      %add3A_738 = arith.addi %broadcast_in_dim3A_389, %add3A_737 : vector<16xi32>
      %gather3A_739 = tpu.vector_load_idx %arg9[%add3A_388, %add3A_738] : memref<256x128xf32, #tpu.memory_space<vmem>>[vector<16xi32>, vector<16xi32>], vector<16xf32>,
      %get3A_740 = arith.constant 23 : i32
      %get3A_741 = arith.index_cast %get3A_740 : i32 to index
      %get3A_742 = arith.index_cast %mul3A_386 : i32 to index
      %get3A_743 = tpu.vector_load %arg10[%get3A_741, %get3A_742] {strides = array<i32>} : memref<64x256xf32, #tpu.memory_space<vmem>>, vector<16xf32>,
      %get3A_744 = arith.constant 23 : i32
      %get3A_745 = arith.index_cast %get3A_744 : i32 to index
      %get3A_746 = arith.index_cast %mul3A_386 : i32 to index
      %get3A_747 = tpu.vector_load %arg11[%get3A_745, %get3A_746] {strides = array<i32>} : memref<64x256xf32, #tpu.memory_space<vmem>>, vector<16xf32>,
      %mul3A_748 = arith.mulf %get3A_743, %gather3A_739 : vector<16xf32>
      %mul3A_749 = arith.mulf %mul3A_748, %get3A_747 : vector<16xf32>
      %add3A_750 = arith.addf %add3A_735, %mul3A_749 : vector<16xf32>
      %add3A_751 = arith.constant 24 : i32
      %add3A_752 = vector.broadcast %add3A_751 : i32 to vector<16xi32>
      %add3A_753 = arith.addi %broadcast_in_dim3A_389, %add3A_752 : vector<16xi32>
      %gather3A_754 = tpu.vector_load_idx %arg9[%add3A_388, %add3A_753] : memref<256x128xf32, #tpu.memory_space<vmem>>[vector<16xi32>, vector<16xi32>], vector<16xf32>,
      %get3A_755 = arith.constant 24 : i32
      %get3A_756 = arith.index_cast %get3A_755 : i32 to index
      %get3A_757 = arith.index_cast %mul3A_386 : i32 to index
      %get3A_758 = tpu.vector_load %arg10[%get3A_756, %get3A_757] {strides = array<i32>} : memref<64x256xf32, #tpu.memory_space<vmem>>, vector<16xf32>,
      %get3A_759 = arith.constant 24 : i32
      %get3A_760 = arith.index_cast %get3A_759 : i32 to index
      %get3A_761 = arith.index_cast %mul3A_386 : i32 to index
      %get3A_762 = tpu.vector_load %arg11[%get3A_760, %get3A_761] {strides = array<i32>} : memref<64x256xf32, #tpu.memory_space<vmem>>, vector<16xf32>,
      %mul3A_763 = arith.mulf %get3A_758, %gather3A_754 : vector<16xf32>
      %mul3A_764 = arith.mulf %mul3A_763, %get3A_762 : vector<16xf32>
      %add3A_765 = arith.addf %add3A_750, %mul3A_764 : vector<16xf32>
      %add3A_766 = arith.constant 25 : i32
      %add3A_767 = vector.broadcast %add3A_766 : i32 to vector<16xi32>
      %add3A_768 = arith.addi %broadcast_in_dim3A_389, %add3A_767 : vector<16xi32>
      %gather3A_769 = tpu.vector_load_idx %arg9[%add3A_388, %add3A_768] : memref<256x128xf32, #tpu.memory_space<vmem>>[vector<16xi32>, vector<16xi32>], vector<16xf32>,
      %get3A_770 = arith.constant 25 : i32
      %get3A_771 = arith.index_cast %get3A_770 : i32 to index
      %get3A_772 = arith.index_cast %mul3A_386 : i32 to index
      %get3A_773 = tpu.vector_load %arg10[%get3A_771, %get3A_772] {strides = array<i32>} : memref<64x256xf32, #tpu.memory_space<vmem>>, vector<16xf32>,
      %get3A_774 = arith.constant 25 : i32
      %get3A_775 = arith.index_cast %get3A_774 : i32 to index
      %get3A_776 = arith.index_cast %mul3A_386 : i32 to index
      %get3A_777 = tpu.vector_load %arg11[%get3A_775, %get3A_776] {strides = array<i32>} : memref<64x256xf32, #tpu.memory_space<vmem>>, vector<16xf32>,
      %mul3A_778 = arith.mulf %get3A_773, %gather3A_769 : vector<16xf32>
      %mul3A_779 = arith.mulf %mul3A_778, %get3A_777 : vector<16xf32>
      %add3A_780 = arith.addf %add3A_765, %mul3A_779 : vector<16xf32>
      %add3A_781 = arith.constant 26 : i32
      %add3A_782 = vector.broadcast %add3A_781 : i32 to vector<16xi32>
      %add3A_783 = arith.addi %broadcast_in_dim3A_389, %add3A_782 : vector<16xi32>
      %gather3A_784 = tpu.vector_load_idx %arg9[%add3A_388, %add3A_783] : memref<256x128xf32, #tpu.memory_space<vmem>>[vector<16xi32>, vector<16xi32>], vector<16xf32>,
      %get3A_785 = arith.constant 26 : i32
      %get3A_786 = arith.index_cast %get3A_785 : i32 to index
      %get3A_787 = arith.index_cast %mul3A_386 : i32 to index
      %get3A_788 = tpu.vector_load %arg10[%get3A_786, %get3A_787] {strides = array<i32>} : memref<64x256xf32, #tpu.memory_space<vmem>>, vector<16xf32>,
      %get3A_789 = arith.constant 26 : i32
      %get3A_790 = arith.index_cast %get3A_789 : i32 to index
      %get3A_791 = arith.index_cast %mul3A_386 : i32 to index
      %get3A_792 = tpu.vector_load %arg11[%get3A_790, %get3A_791] {strides = array<i32>} : memref<64x256xf32, #tpu.memory_space<vmem>>, vector<16xf32>,
      %mul3A_793 = arith.mulf %get3A_788, %gather3A_784 : vector<16xf32>
      %mul3A_794 = arith.mulf %mul3A_793, %get3A_792 : vector<16xf32>
      %add3A_795 = arith.addf %add3A_780, %mul3A_794 : vector<16xf32>
      %add3A_796 = arith.constant 27 : i32
      %add3A_797 = vector.broadcast %add3A_796 : i32 to vector<16xi32>
      %add3A_798 = arith.addi %broadcast_in_dim3A_389, %add3A_797 : vector<16xi32>
      %gather3A_799 = tpu.vector_load_idx %arg9[%add3A_388, %add3A_798] : memref<256x128xf32, #tpu.memory_space<vmem>>[vector<16xi32>, vector<16xi32>], vector<16xf32>,
      %get3A_800 = arith.constant 27 : i32
      %get3A_801 = arith.index_cast %get3A_800 : i32 to index
      %get3A_802 = arith.index_cast %mul3A_386 : i32 to index
      %get3A_803 = tpu.vector_load %arg10[%get3A_801, %get3A_802] {strides = array<i32>} : memref<64x256xf32, #tpu.memory_space<vmem>>, vector<16xf32>,
      %get3A_804 = arith.constant 27 : i32
      %get3A_805 = arith.index_cast %get3A_804 : i32 to index
      %get3A_806 = arith.index_cast %mul3A_386 : i32 to index
      %get3A_807 = tpu.vector_load %arg11[%get3A_805, %get3A_806] {strides = array<i32>} : memref<64x256xf32, #tpu.memory_space<vmem>>, vector<16xf32>,
      %mul3A_808 = arith.mulf %get3A_803, %gather3A_799 : vector<16xf32>
      %mul3A_809 = arith.mulf %mul3A_808, %get3A_807 : vector<16xf32>
      %add3A_810 = arith.addf %add3A_795, %mul3A_809 : vector<16xf32>
      %add3A_811 = arith.constant 28 : i32
      %add3A_812 = vector.broadcast %add3A_811 : i32 to vector<16xi32>
      %add3A_813 = arith.addi %broadcast_in_dim3A_389, %add3A_812 : vector<16xi32>
      %gather3A_814 = tpu.vector_load_idx %arg9[%add3A_388, %add3A_813] : memref<256x128xf32, #tpu.memory_space<vmem>>[vector<16xi32>, vector<16xi32>], vector<16xf32>,
      %get3A_815 = arith.constant 28 : i32
      %get3A_816 = arith.index_cast %get3A_815 : i32 to index
      %get3A_817 = arith.index_cast %mul3A_386 : i32 to index
      %get3A_818 = tpu.vector_load %arg10[%get3A_816, %get3A_817] {strides = array<i32>} : memref<64x256xf32, #tpu.memory_space<vmem>>, vector<16xf32>,
      %get3A_819 = arith.constant 28 : i32
      %get3A_820 = arith.index_cast %get3A_819 : i32 to index
      %get3A_821 = arith.index_cast %mul3A_386 : i32 to index
      %get3A_822 = tpu.vector_load %arg11[%get3A_820, %get3A_821] {strides = array<i32>} : memref<64x256xf32, #tpu.memory_space<vmem>>, vector<16xf32>,
      %mul3A_823 = arith.mulf %get3A_818, %gather3A_814 : vector<16xf32>
      %mul3A_824 = arith.mulf %mul3A_823, %get3A_822 : vector<16xf32>
      %add3A_825 = arith.addf %add3A_810, %mul3A_824 : vector<16xf32>
      %add3A_826 = arith.constant 29 : i32
      %add3A_827 = vector.broadcast %add3A_826 : i32 to vector<16xi32>
      %add3A_828 = arith.addi %broadcast_in_dim3A_389, %add3A_827 : vector<16xi32>
      %gather3A_829 = tpu.vector_load_idx %arg9[%add3A_388, %add3A_828] : memref<256x128xf32, #tpu.memory_space<vmem>>[vector<16xi32>, vector<16xi32>], vector<16xf32>,
      %get3A_830 = arith.constant 29 : i32
      %get3A_831 = arith.index_cast %get3A_830 : i32 to index
      %get3A_832 = arith.index_cast %mul3A_386 : i32 to index
      %get3A_833 = tpu.vector_load %arg10[%get3A_831, %get3A_832] {strides = array<i32>} : memref<64x256xf32, #tpu.memory_space<vmem>>, vector<16xf32>,
      %get3A_834 = arith.constant 29 : i32
      %get3A_835 = arith.index_cast %get3A_834 : i32 to index
      %get3A_836 = arith.index_cast %mul3A_386 : i32 to index
      %get3A_837 = tpu.vector_load %arg11[%get3A_835, %get3A_836] {strides = array<i32>} : memref<64x256xf32, #tpu.memory_space<vmem>>, vector<16xf32>,
      %mul3A_838 = arith.mulf %get3A_833, %gather3A_829 : vector<16xf32>
      %mul3A_839 = arith.mulf %mul3A_838, %get3A_837 : vector<16xf32>
      %add3A_840 = arith.addf %add3A_825, %mul3A_839 : vector<16xf32>
      %add3A_841 = arith.constant 30 : i32
      %add3A_842 = vector.broadcast %add3A_841 : i32 to vector<16xi32>
      %add3A_843 = arith.addi %broadcast_in_dim3A_389, %add3A_842 : vector<16xi32>
      %gather3A_844 = tpu.vector_load_idx %arg9[%add3A_388, %add3A_843] : memref<256x128xf32, #tpu.memory_space<vmem>>[vector<16xi32>, vector<16xi32>], vector<16xf32>,
      %get3A_845 = arith.constant 30 : i32
      %get3A_846 = arith.index_cast %get3A_845 : i32 to index
      %get3A_847 = arith.index_cast %mul3A_386 : i32 to index
      %get3A_848 = tpu.vector_load %arg10[%get3A_846, %get3A_847] {strides = array<i32>} : memref<64x256xf32, #tpu.memory_space<vmem>>, vector<16xf32>,
      %get3A_849 = arith.constant 30 : i32
      %get3A_850 = arith.index_cast %get3A_849 : i32 to index
      %get3A_851 = arith.index_cast %mul3A_386 : i32 to index
      %get3A_852 = tpu.vector_load %arg11[%get3A_850, %get3A_851] {strides = array<i32>} : memref<64x256xf32, #tpu.memory_space<vmem>>, vector<16xf32>,
      %mul3A_853 = arith.mulf %get3A_848, %gather3A_844 : vector<16xf32>
      %mul3A_854 = arith.mulf %mul3A_853, %get3A_852 : vector<16xf32>
      %add3A_855 = arith.addf %add3A_840, %mul3A_854 : vector<16xf32>
      %add3A_856 = arith.constant 31 : i32
      %add3A_857 = vector.broadcast %add3A_856 : i32 to vector<16xi32>
      %add3A_858 = arith.addi %broadcast_in_dim3A_389, %add3A_857 : vector<16xi32>
      %gather3A_859 = tpu.vector_load_idx %arg9[%add3A_388, %add3A_858] : memref<256x128xf32, #tpu.memory_space<vmem>>[vector<16xi32>, vector<16xi32>], vector<16xf32>,
      %get3A_860 = arith.constant 31 : i32
      %get3A_861 = arith.index_cast %get3A_860 : i32 to index
      %get3A_862 = arith.index_cast %mul3A_386 : i32 to index
      %get3A_863 = tpu.vector_load %arg10[%get3A_861, %get3A_862] {strides = array<i32>} : memref<64x256xf32, #tpu.memory_space<vmem>>, vector<16xf32>,
      %get3A_864 = arith.constant 31 : i32
      %get3A_865 = arith.index_cast %get3A_864 : i32 to index
      %get3A_866 = arith.index_cast %mul3A_386 : i32 to index
      %get3A_867 = tpu.vector_load %arg11[%get3A_865, %get3A_866] {strides = array<i32>} : memref<64x256xf32, #tpu.memory_space<vmem>>, vector<16xf32>,
      %mul3A_868 = arith.mulf %get3A_863, %gather3A_859 : vector<16xf32>
      %mul3A_869 = arith.mulf %mul3A_868, %get3A_867 : vector<16xf32>
      %add3A_870 = arith.addf %add3A_855, %mul3A_869 : vector<16xf32>
      %add3A_871 = arith.constant 32 : i32
      %add3A_872 = vector.broadcast %add3A_871 : i32 to vector<16xi32>
      %add3A_873 = arith.addi %broadcast_in_dim3A_389, %add3A_872 : vector<16xi32>
      %gather3A_874 = tpu.vector_load_idx %arg9[%add3A_388, %add3A_873] : memref<256x128xf32, #tpu.memory_space<vmem>>[vector<16xi32>, vector<16xi32>], vector<16xf32>,
      %get3A_875 = arith.constant 32 : i32
      %get3A_876 = arith.index_cast %get3A_875 : i32 to index
      %get3A_877 = arith.index_cast %mul3A_386 : i32 to index
      %get3A_878 = tpu.vector_load %arg10[%get3A_876, %get3A_877] {strides = array<i32>} : memref<64x256xf32, #tpu.memory_space<vmem>>, vector<16xf32>,
      %get3A_879 = arith.constant 32 : i32
      %get3A_880 = arith.index_cast %get3A_879 : i32 to index
      %get3A_881 = arith.index_cast %mul3A_386 : i32 to index
      %get3A_882 = tpu.vector_load %arg11[%get3A_880, %get3A_881] {strides = array<i32>} : memref<64x256xf32, #tpu.memory_space<vmem>>, vector<16xf32>,
      %mul3A_883 = arith.mulf %get3A_878, %gather3A_874 : vector<16xf32>
      %mul3A_884 = arith.mulf %mul3A_883, %get3A_882 : vector<16xf32>
      %add3A_885 = arith.addf %add3A_870, %mul3A_884 : vector<16xf32>
      %add3A_886 = arith.constant 33 : i32
      %add3A_887 = vector.broadcast %add3A_886 : i32 to vector<16xi32>
      %add3A_888 = arith.addi %broadcast_in_dim3A_389, %add3A_887 : vector<16xi32>
      %gather3A_889 = tpu.vector_load_idx %arg9[%add3A_388, %add3A_888] : memref<256x128xf32, #tpu.memory_space<vmem>>[vector<16xi32>, vector<16xi32>], vector<16xf32>,
      %get3A_890 = arith.constant 33 : i32
      %get3A_891 = arith.index_cast %get3A_890 : i32 to index
      %get3A_892 = arith.index_cast %mul3A_386 : i32 to index
      %get3A_893 = tpu.vector_load %arg10[%get3A_891, %get3A_892] {strides = array<i32>} : memref<64x256xf32, #tpu.memory_space<vmem>>, vector<16xf32>,
      %get3A_894 = arith.constant 33 : i32
      %get3A_895 = arith.index_cast %get3A_894 : i32 to index
      %get3A_896 = arith.index_cast %mul3A_386 : i32 to index
      %get3A_897 = tpu.vector_load %arg11[%get3A_895, %get3A_896] {strides = array<i32>} : memref<64x256xf32, #tpu.memory_space<vmem>>, vector<16xf32>,
      %mul3A_898 = arith.mulf %get3A_893, %gather3A_889 : vector<16xf32>
      %mul3A_899 = arith.mulf %mul3A_898, %get3A_897 : vector<16xf32>
      %add3A_900 = arith.addf %add3A_885, %mul3A_899 : vector<16xf32>
      %add3A_901 = arith.constant 34 : i32
      %add3A_902 = vector.broadcast %add3A_901 : i32 to vector<16xi32>
      %add3A_903 = arith.addi %broadcast_in_dim3A_389, %add3A_902 : vector<16xi32>
      %gather3A_904 = tpu.vector_load_idx %arg9[%add3A_388, %add3A_903] : memref<256x128xf32, #tpu.memory_space<vmem>>[vector<16xi32>, vector<16xi32>], vector<16xf32>,
      %get3A_905 = arith.constant 34 : i32
      %get3A_906 = arith.index_cast %get3A_905 : i32 to index
      %get3A_907 = arith.index_cast %mul3A_386 : i32 to index
      %get3A_908 = tpu.vector_load %arg10[%get3A_906, %get3A_907] {strides = array<i32>} : memref<64x256xf32, #tpu.memory_space<vmem>>, vector<16xf32>,
      %get3A_909 = arith.constant 34 : i32
      %get3A_910 = arith.index_cast %get3A_909 : i32 to index
      %get3A_911 = arith.index_cast %mul3A_386 : i32 to index
      %get3A_912 = tpu.vector_load %arg11[%get3A_910, %get3A_911] {strides = array<i32>} : memref<64x256xf32, #tpu.memory_space<vmem>>, vector<16xf32>,
      %mul3A_913 = arith.mulf %get3A_908, %gather3A_904 : vector<16xf32>
      %mul3A_914 = arith.mulf %mul3A_913, %get3A_912 : vector<16xf32>
      %add3A_915 = arith.addf %add3A_900, %mul3A_914 : vector<16xf32>
      %add3A_916 = arith.constant 35 : i32
      %add3A_917 = vector.broadcast %add3A_916 : i32 to vector<16xi32>
      %add3A_918 = arith.addi %broadcast_in_dim3A_389, %add3A_917 : vector<16xi32>
      %gather3A_919 = tpu.vector_load_idx %arg9[%add3A_388, %add3A_918] : memref<256x128xf32, #tpu.memory_space<vmem>>[vector<16xi32>, vector<16xi32>], vector<16xf32>,
      %get3A_920 = arith.constant 35 : i32
      %get3A_921 = arith.index_cast %get3A_920 : i32 to index
      %get3A_922 = arith.index_cast %mul3A_386 : i32 to index
      %get3A_923 = tpu.vector_load %arg10[%get3A_921, %get3A_922] {strides = array<i32>} : memref<64x256xf32, #tpu.memory_space<vmem>>, vector<16xf32>,
      %get3A_924 = arith.constant 35 : i32
      %get3A_925 = arith.index_cast %get3A_924 : i32 to index
      %get3A_926 = arith.index_cast %mul3A_386 : i32 to index
      %get3A_927 = tpu.vector_load %arg11[%get3A_925, %get3A_926] {strides = array<i32>} : memref<64x256xf32, #tpu.memory_space<vmem>>, vector<16xf32>,
      %mul3A_928 = arith.mulf %get3A_923, %gather3A_919 : vector<16xf32>
      %mul3A_929 = arith.mulf %mul3A_928, %get3A_927 : vector<16xf32>
      %add3A_930 = arith.addf %add3A_915, %mul3A_929 : vector<16xf32>
      %add3A_931 = arith.constant 36 : i32
      %add3A_932 = vector.broadcast %add3A_931 : i32 to vector<16xi32>
      %add3A_933 = arith.addi %broadcast_in_dim3A_389, %add3A_932 : vector<16xi32>
      %gather3A_934 = tpu.vector_load_idx %arg9[%add3A_388, %add3A_933] : memref<256x128xf32, #tpu.memory_space<vmem>>[vector<16xi32>, vector<16xi32>], vector<16xf32>,
      %get3A_935 = arith.constant 36 : i32
      %get3A_936 = arith.index_cast %get3A_935 : i32 to index
      %get3A_937 = arith.index_cast %mul3A_386 : i32 to index
      %get3A_938 = tpu.vector_load %arg10[%get3A_936, %get3A_937] {strides = array<i32>} : memref<64x256xf32, #tpu.memory_space<vmem>>, vector<16xf32>,
      %get3A_939 = arith.constant 36 : i32
      %get3A_940 = arith.index_cast %get3A_939 : i32 to index
      %get3A_941 = arith.index_cast %mul3A_386 : i32 to index
      %get3A_942 = tpu.vector_load %arg11[%get3A_940, %get3A_941] {strides = array<i32>} : memref<64x256xf32, #tpu.memory_space<vmem>>, vector<16xf32>,
      %mul3A_943 = arith.mulf %get3A_938, %gather3A_934 : vector<16xf32>
      %mul3A_944 = arith.mulf %mul3A_943, %get3A_942 : vector<16xf32>
      %add3A_945 = arith.addf %add3A_930, %mul3A_944 : vector<16xf32>
      %add3A_946 = arith.constant 37 : i32
      %add3A_947 = vector.broadcast %add3A_946 : i32 to vector<16xi32>
      %add3A_948 = arith.addi %broadcast_in_dim3A_389, %add3A_947 : vector<16xi32>
      %gather3A_949 = tpu.vector_load_idx %arg9[%add3A_388, %add3A_948] : memref<256x128xf32, #tpu.memory_space<vmem>>[vector<16xi32>, vector<16xi32>], vector<16xf32>,
      %get3A_950 = arith.constant 37 : i32
      %get3A_951 = arith.index_cast %get3A_950 : i32 to index
      %get3A_952 = arith.index_cast %mul3A_386 : i32 to index
      %get3A_953 = tpu.vector_load %arg10[%get3A_951, %get3A_952] {strides = array<i32>} : memref<64x256xf32, #tpu.memory_space<vmem>>, vector<16xf32>,
      %get3A_954 = arith.constant 37 : i32
      %get3A_955 = arith.index_cast %get3A_954 : i32 to index
      %get3A_956 = arith.index_cast %mul3A_386 : i32 to index
      %get3A_957 = tpu.vector_load %arg11[%get3A_955, %get3A_956] {strides = array<i32>} : memref<64x256xf32, #tpu.memory_space<vmem>>, vector<16xf32>,
      %mul3A_958 = arith.mulf %get3A_953, %gather3A_949 : vector<16xf32>
      %mul3A_959 = arith.mulf %mul3A_958, %get3A_957 : vector<16xf32>
      %add3A_960 = arith.addf %add3A_945, %mul3A_959 : vector<16xf32>
      %add3A_961 = arith.constant 38 : i32
      %add3A_962 = vector.broadcast %add3A_961 : i32 to vector<16xi32>
      %add3A_963 = arith.addi %broadcast_in_dim3A_389, %add3A_962 : vector<16xi32>
      %gather3A_964 = tpu.vector_load_idx %arg9[%add3A_388, %add3A_963] : memref<256x128xf32, #tpu.memory_space<vmem>>[vector<16xi32>, vector<16xi32>], vector<16xf32>,
      %get3A_965 = arith.constant 38 : i32
      %get3A_966 = arith.index_cast %get3A_965 : i32 to index
      %get3A_967 = arith.index_cast %mul3A_386 : i32 to index
      %get3A_968 = tpu.vector_load %arg10[%get3A_966, %get3A_967] {strides = array<i32>} : memref<64x256xf32, #tpu.memory_space<vmem>>, vector<16xf32>,
      %get3A_969 = arith.constant 38 : i32
      %get3A_970 = arith.index_cast %get3A_969 : i32 to index
      %get3A_971 = arith.index_cast %mul3A_386 : i32 to index
      %get3A_972 = tpu.vector_load %arg11[%get3A_970, %get3A_971] {strides = array<i32>} : memref<64x256xf32, #tpu.memory_space<vmem>>, vector<16xf32>,
      %mul3A_973 = arith.mulf %get3A_968, %gather3A_964 : vector<16xf32>
      %mul3A_974 = arith.mulf %mul3A_973, %get3A_972 : vector<16xf32>
      %add3A_975 = arith.addf %add3A_960, %mul3A_974 : vector<16xf32>
      %add3A_976 = arith.constant 39 : i32
      %add3A_977 = vector.broadcast %add3A_976 : i32 to vector<16xi32>
      %add3A_978 = arith.addi %broadcast_in_dim3A_389, %add3A_977 : vector<16xi32>
      %gather3A_979 = tpu.vector_load_idx %arg9[%add3A_388, %add3A_978] : memref<256x128xf32, #tpu.memory_space<vmem>>[vector<16xi32>, vector<16xi32>], vector<16xf32>,
      %get3A_980 = arith.constant 39 : i32
      %get3A_981 = arith.index_cast %get3A_980 : i32 to index
      %get3A_982 = arith.index_cast %mul3A_386 : i32 to index
      %get3A_983 = tpu.vector_load %arg10[%get3A_981, %get3A_982] {strides = array<i32>} : memref<64x256xf32, #tpu.memory_space<vmem>>, vector<16xf32>,
      %get3A_984 = arith.constant 39 : i32
      %get3A_985 = arith.index_cast %get3A_984 : i32 to index
      %get3A_986 = arith.index_cast %mul3A_386 : i32 to index
      %get3A_987 = tpu.vector_load %arg11[%get3A_985, %get3A_986] {strides = array<i32>} : memref<64x256xf32, #tpu.memory_space<vmem>>, vector<16xf32>,
      %mul3A_988 = arith.mulf %get3A_983, %gather3A_979 : vector<16xf32>
      %mul3A_989 = arith.mulf %mul3A_988, %get3A_987 : vector<16xf32>
      %add3A_990 = arith.addf %add3A_975, %mul3A_989 : vector<16xf32>
      %add3A_991 = arith.constant 40 : i32
      %add3A_992 = vector.broadcast %add3A_991 : i32 to vector<16xi32>
      %add3A_993 = arith.addi %broadcast_in_dim3A_389, %add3A_992 : vector<16xi32>
      %gather3A_994 = tpu.vector_load_idx %arg9[%add3A_388, %add3A_993] : memref<256x128xf32, #tpu.memory_space<vmem>>[vector<16xi32>, vector<16xi32>], vector<16xf32>,
      %get3A_995 = arith.constant 40 : i32
      %get3A_996 = arith.index_cast %get3A_995 : i32 to index
      %get3A_997 = arith.index_cast %mul3A_386 : i32 to index
      %get3A_998 = tpu.vector_load %arg10[%get3A_996, %get3A_997] {strides = array<i32>} : memref<64x256xf32, #tpu.memory_space<vmem>>, vector<16xf32>,
      %get3A_999 = arith.constant 40 : i32
      %get3A_1000 = arith.index_cast %get3A_999 : i32 to index
      %get3A_1001 = arith.index_cast %mul3A_386 : i32 to index
      %get3A_1002 = tpu.vector_load %arg11[%get3A_1000, %get3A_1001] {strides = array<i32>} : memref<64x256xf32, #tpu.memory_space<vmem>>, vector<16xf32>,
      %mul3A_1003 = arith.mulf %get3A_998, %gather3A_994 : vector<16xf32>
      %mul3A_1004 = arith.mulf %mul3A_1003, %get3A_1002 : vector<16xf32>
      %add3A_1005 = arith.addf %add3A_990, %mul3A_1004 : vector<16xf32>
      %add3A_1006 = arith.constant 41 : i32
      %add3A_1007 = vector.broadcast %add3A_1006 : i32 to vector<16xi32>
      %add3A_1008 = arith.addi %broadcast_in_dim3A_389, %add3A_1007 : vector<16xi32>
      %gather3A_1009 = tpu.vector_load_idx %arg9[%add3A_388, %add3A_1008] : memref<256x128xf32, #tpu.memory_space<vmem>>[vector<16xi32>, vector<16xi32>], vector<16xf32>,
      %get3A_1010 = arith.constant 41 : i32
      %get3A_1011 = arith.index_cast %get3A_1010 : i32 to index
      %get3A_1012 = arith.index_cast %mul3A_386 : i32 to index
      %get3A_1013 = tpu.vector_load %arg10[%get3A_1011, %get3A_1012] {strides = array<i32>} : memref<64x256xf32, #tpu.memory_space<vmem>>, vector<16xf32>,
      %get3A_1014 = arith.constant 41 : i32
      %get3A_1015 = arith.index_cast %get3A_1014 : i32 to index
      %get3A_1016 = arith.index_cast %mul3A_386 : i32 to index
      %get3A_1017 = tpu.vector_load %arg11[%get3A_1015, %get3A_1016] {strides = array<i32>} : memref<64x256xf32, #tpu.memory_space<vmem>>, vector<16xf32>,
      %mul3A_1018 = arith.mulf %get3A_1013, %gather3A_1009 : vector<16xf32>
      %mul3A_1019 = arith.mulf %mul3A_1018, %get3A_1017 : vector<16xf32>
      %add3A_1020 = arith.addf %add3A_1005, %mul3A_1019 : vector<16xf32>
      %add3A_1021 = arith.constant 42 : i32
      %add3A_1022 = vector.broadcast %add3A_1021 : i32 to vector<16xi32>
      %add3A_1023 = arith.addi %broadcast_in_dim3A_389, %add3A_1022 : vector<16xi32>
      %gather3A_1024 = tpu.vector_load_idx %arg9[%add3A_388, %add3A_1023] : memref<256x128xf32, #tpu.memory_space<vmem>>[vector<16xi32>, vector<16xi32>], vector<16xf32>,
      %get3A_1025 = arith.constant 42 : i32
      %get3A_1026 = arith.index_cast %get3A_1025 : i32 to index
      %get3A_1027 = arith.index_cast %mul3A_386 : i32 to index
      %get3A_1028 = tpu.vector_load %arg10[%get3A_1026, %get3A_1027] {strides = array<i32>} : memref<64x256xf32, #tpu.memory_space<vmem>>, vector<16xf32>,
      %get3A_1029 = arith.constant 42 : i32
      %get3A_1030 = arith.index_cast %get3A_1029 : i32 to index
      %get3A_1031 = arith.index_cast %mul3A_386 : i32 to index
      %get3A_1032 = tpu.vector_load %arg11[%get3A_1030, %get3A_1031] {strides = array<i32>} : memref<64x256xf32, #tpu.memory_space<vmem>>, vector<16xf32>,
      %mul3A_1033 = arith.mulf %get3A_1028, %gather3A_1024 : vector<16xf32>
      %mul3A_1034 = arith.mulf %mul3A_1033, %get3A_1032 : vector<16xf32>
      %add3A_1035 = arith.addf %add3A_1020, %mul3A_1034 : vector<16xf32>
      %add3A_1036 = arith.constant 43 : i32
      %add3A_1037 = vector.broadcast %add3A_1036 : i32 to vector<16xi32>
      %add3A_1038 = arith.addi %broadcast_in_dim3A_389, %add3A_1037 : vector<16xi32>
      %gather3A_1039 = tpu.vector_load_idx %arg9[%add3A_388, %add3A_1038] : memref<256x128xf32, #tpu.memory_space<vmem>>[vector<16xi32>, vector<16xi32>], vector<16xf32>,
      %get3A_1040 = arith.constant 43 : i32
      %get3A_1041 = arith.index_cast %get3A_1040 : i32 to index
      %get3A_1042 = arith.index_cast %mul3A_386 : i32 to index
      %get3A_1043 = tpu.vector_load %arg10[%get3A_1041, %get3A_1042] {strides = array<i32>} : memref<64x256xf32, #tpu.memory_space<vmem>>, vector<16xf32>,
      %get3A_1044 = arith.constant 43 : i32
      %get3A_1045 = arith.index_cast %get3A_1044 : i32 to index
      %get3A_1046 = arith.index_cast %mul3A_386 : i32 to index
      %get3A_1047 = tpu.vector_load %arg11[%get3A_1045, %get3A_1046] {strides = array<i32>} : memref<64x256xf32, #tpu.memory_space<vmem>>, vector<16xf32>,
      %mul3A_1048 = arith.mulf %get3A_1043, %gather3A_1039 : vector<16xf32>
      %mul3A_1049 = arith.mulf %mul3A_1048, %get3A_1047 : vector<16xf32>
      %add3A_1050 = arith.addf %add3A_1035, %mul3A_1049 : vector<16xf32>
      %add3A_1051 = arith.constant 44 : i32
      %add3A_1052 = vector.broadcast %add3A_1051 : i32 to vector<16xi32>
      %add3A_1053 = arith.addi %broadcast_in_dim3A_389, %add3A_1052 : vector<16xi32>
      %gather3A_1054 = tpu.vector_load_idx %arg9[%add3A_388, %add3A_1053] : memref<256x128xf32, #tpu.memory_space<vmem>>[vector<16xi32>, vector<16xi32>], vector<16xf32>,
      %get3A_1055 = arith.constant 44 : i32
      %get3A_1056 = arith.index_cast %get3A_1055 : i32 to index
      %get3A_1057 = arith.index_cast %mul3A_386 : i32 to index
      %get3A_1058 = tpu.vector_load %arg10[%get3A_1056, %get3A_1057] {strides = array<i32>} : memref<64x256xf32, #tpu.memory_space<vmem>>, vector<16xf32>,
      %get3A_1059 = arith.constant 44 : i32
      %get3A_1060 = arith.index_cast %get3A_1059 : i32 to index
      %get3A_1061 = arith.index_cast %mul3A_386 : i32 to index
      %get3A_1062 = tpu.vector_load %arg11[%get3A_1060, %get3A_1061] {strides = array<i32>} : memref<64x256xf32, #tpu.memory_space<vmem>>, vector<16xf32>,
      %mul3A_1063 = arith.mulf %get3A_1058, %gather3A_1054 : vector<16xf32>
      %mul3A_1064 = arith.mulf %mul3A_1063, %get3A_1062 : vector<16xf32>
      %add3A_1065 = arith.addf %add3A_1050, %mul3A_1064 : vector<16xf32>
      %add3A_1066 = arith.constant 45 : i32
      %add3A_1067 = vector.broadcast %add3A_1066 : i32 to vector<16xi32>
      %add3A_1068 = arith.addi %broadcast_in_dim3A_389, %add3A_1067 : vector<16xi32>
      %gather3A_1069 = tpu.vector_load_idx %arg9[%add3A_388, %add3A_1068] : memref<256x128xf32, #tpu.memory_space<vmem>>[vector<16xi32>, vector<16xi32>], vector<16xf32>,
      %get3A_1070 = arith.constant 45 : i32
      %get3A_1071 = arith.index_cast %get3A_1070 : i32 to index
      %get3A_1072 = arith.index_cast %mul3A_386 : i32 to index
      %get3A_1073 = tpu.vector_load %arg10[%get3A_1071, %get3A_1072] {strides = array<i32>} : memref<64x256xf32, #tpu.memory_space<vmem>>, vector<16xf32>,
      %get3A_1074 = arith.constant 45 : i32
      %get3A_1075 = arith.index_cast %get3A_1074 : i32 to index
      %get3A_1076 = arith.index_cast %mul3A_386 : i32 to index
      %get3A_1077 = tpu.vector_load %arg11[%get3A_1075, %get3A_1076] {strides = array<i32>} : memref<64x256xf32, #tpu.memory_space<vmem>>, vector<16xf32>,
      %mul3A_1078 = arith.mulf %get3A_1073, %gather3A_1069 : vector<16xf32>
      %mul3A_1079 = arith.mulf %mul3A_1078, %get3A_1077 : vector<16xf32>
      %add3A_1080 = arith.addf %add3A_1065, %mul3A_1079 : vector<16xf32>
      %add3A_1081 = arith.constant 46 : i32
      %add3A_1082 = vector.broadcast %add3A_1081 : i32 to vector<16xi32>
      %add3A_1083 = arith.addi %broadcast_in_dim3A_389, %add3A_1082 : vector<16xi32>
      %gather3A_1084 = tpu.vector_load_idx %arg9[%add3A_388, %add3A_1083] : memref<256x128xf32, #tpu.memory_space<vmem>>[vector<16xi32>, vector<16xi32>], vector<16xf32>,
      %get3A_1085 = arith.constant 46 : i32
      %get3A_1086 = arith.index_cast %get3A_1085 : i32 to index
      %get3A_1087 = arith.index_cast %mul3A_386 : i32 to index
      %get3A_1088 = tpu.vector_load %arg10[%get3A_1086, %get3A_1087] {strides = array<i32>} : memref<64x256xf32, #tpu.memory_space<vmem>>, vector<16xf32>,
      %get3A_1089 = arith.constant 46 : i32
      %get3A_1090 = arith.index_cast %get3A_1089 : i32 to index
      %get3A_1091 = arith.index_cast %mul3A_386 : i32 to index
      %get3A_1092 = tpu.vector_load %arg11[%get3A_1090, %get3A_1091] {strides = array<i32>} : memref<64x256xf32, #tpu.memory_space<vmem>>, vector<16xf32>,
      %mul3A_1093 = arith.mulf %get3A_1088, %gather3A_1084 : vector<16xf32>
      %mul3A_1094 = arith.mulf %mul3A_1093, %get3A_1092 : vector<16xf32>
      %add3A_1095 = arith.addf %add3A_1080, %mul3A_1094 : vector<16xf32>
      %add3A_1096 = arith.constant 47 : i32
      %add3A_1097 = vector.broadcast %add3A_1096 : i32 to vector<16xi32>
      %add3A_1098 = arith.addi %broadcast_in_dim3A_389, %add3A_1097 : vector<16xi32>
      %gather3A_1099 = tpu.vector_load_idx %arg9[%add3A_388, %add3A_1098] : memref<256x128xf32, #tpu.memory_space<vmem>>[vector<16xi32>, vector<16xi32>], vector<16xf32>,
      %get3A_1100 = arith.constant 47 : i32
      %get3A_1101 = arith.index_cast %get3A_1100 : i32 to index
      %get3A_1102 = arith.index_cast %mul3A_386 : i32 to index
      %get3A_1103 = tpu.vector_load %arg10[%get3A_1101, %get3A_1102] {strides = array<i32>} : memref<64x256xf32, #tpu.memory_space<vmem>>, vector<16xf32>,
      %get3A_1104 = arith.constant 47 : i32
      %get3A_1105 = arith.index_cast %get3A_1104 : i32 to index
      %get3A_1106 = arith.index_cast %mul3A_386 : i32 to index
      %get3A_1107 = tpu.vector_load %arg11[%get3A_1105, %get3A_1106] {strides = array<i32>} : memref<64x256xf32, #tpu.memory_space<vmem>>, vector<16xf32>,
      %mul3A_1108 = arith.mulf %get3A_1103, %gather3A_1099 : vector<16xf32>
      %mul3A_1109 = arith.mulf %mul3A_1108, %get3A_1107 : vector<16xf32>
      %add3A_1110 = arith.addf %add3A_1095, %mul3A_1109 : vector<16xf32>
      %add3A_1111 = arith.constant 48 : i32
      %add3A_1112 = vector.broadcast %add3A_1111 : i32 to vector<16xi32>
      %add3A_1113 = arith.addi %broadcast_in_dim3A_389, %add3A_1112 : vector<16xi32>
      %gather3A_1114 = tpu.vector_load_idx %arg9[%add3A_388, %add3A_1113] : memref<256x128xf32, #tpu.memory_space<vmem>>[vector<16xi32>, vector<16xi32>], vector<16xf32>,
      %get3A_1115 = arith.constant 48 : i32
      %get3A_1116 = arith.index_cast %get3A_1115 : i32 to index
      %get3A_1117 = arith.index_cast %mul3A_386 : i32 to index
      %get3A_1118 = tpu.vector_load %arg10[%get3A_1116, %get3A_1117] {strides = array<i32>} : memref<64x256xf32, #tpu.memory_space<vmem>>, vector<16xf32>,
      %get3A_1119 = arith.constant 48 : i32
      %get3A_1120 = arith.index_cast %get3A_1119 : i32 to index
      %get3A_1121 = arith.index_cast %mul3A_386 : i32 to index
      %get3A_1122 = tpu.vector_load %arg11[%get3A_1120, %get3A_1121] {strides = array<i32>} : memref<64x256xf32, #tpu.memory_space<vmem>>, vector<16xf32>,
      %mul3A_1123 = arith.mulf %get3A_1118, %gather3A_1114 : vector<16xf32>
      %mul3A_1124 = arith.mulf %mul3A_1123, %get3A_1122 : vector<16xf32>
      %add3A_1125 = arith.addf %add3A_1110, %mul3A_1124 : vector<16xf32>
      %add3A_1126 = arith.constant 49 : i32
      %add3A_1127 = vector.broadcast %add3A_1126 : i32 to vector<16xi32>
      %add3A_1128 = arith.addi %broadcast_in_dim3A_389, %add3A_1127 : vector<16xi32>
      %gather3A_1129 = tpu.vector_load_idx %arg9[%add3A_388, %add3A_1128] : memref<256x128xf32, #tpu.memory_space<vmem>>[vector<16xi32>, vector<16xi32>], vector<16xf32>,
      %get3A_1130 = arith.constant 49 : i32
      %get3A_1131 = arith.index_cast %get3A_1130 : i32 to index
      %get3A_1132 = arith.index_cast %mul3A_386 : i32 to index
      %get3A_1133 = tpu.vector_load %arg10[%get3A_1131, %get3A_1132] {strides = array<i32>} : memref<64x256xf32, #tpu.memory_space<vmem>>, vector<16xf32>,
      %get3A_1134 = arith.constant 49 : i32
      %get3A_1135 = arith.index_cast %get3A_1134 : i32 to index
      %get3A_1136 = arith.index_cast %mul3A_386 : i32 to index
      %get3A_1137 = tpu.vector_load %arg11[%get3A_1135, %get3A_1136] {strides = array<i32>} : memref<64x256xf32, #tpu.memory_space<vmem>>, vector<16xf32>,
      %mul3A_1138 = arith.mulf %get3A_1133, %gather3A_1129 : vector<16xf32>
      %mul3A_1139 = arith.mulf %mul3A_1138, %get3A_1137 : vector<16xf32>
      %add3A_1140 = arith.addf %add3A_1125, %mul3A_1139 : vector<16xf32>
      %add3A_1141 = arith.constant 50 : i32
      %add3A_1142 = vector.broadcast %add3A_1141 : i32 to vector<16xi32>
      %add3A_1143 = arith.addi %broadcast_in_dim3A_389, %add3A_1142 : vector<16xi32>
      %gather3A_1144 = tpu.vector_load_idx %arg9[%add3A_388, %add3A_1143] : memref<256x128xf32, #tpu.memory_space<vmem>>[vector<16xi32>, vector<16xi32>], vector<16xf32>,
      %get3A_1145 = arith.constant 50 : i32
      %get3A_1146 = arith.index_cast %get3A_1145 : i32 to index
      %get3A_1147 = arith.index_cast %mul3A_386 : i32 to index
      %get3A_1148 = tpu.vector_load %arg10[%get3A_1146, %get3A_1147] {strides = array<i32>} : memref<64x256xf32, #tpu.memory_space<vmem>>, vector<16xf32>,
      %get3A_1149 = arith.constant 50 : i32
      %get3A_1150 = arith.index_cast %get3A_1149 : i32 to index
      %get3A_1151 = arith.index_cast %mul3A_386 : i32 to index
      %get3A_1152 = tpu.vector_load %arg11[%get3A_1150, %get3A_1151] {strides = array<i32>} : memref<64x256xf32, #tpu.memory_space<vmem>>, vector<16xf32>,
      %mul3A_1153 = arith.mulf %get3A_1148, %gather3A_1144 : vector<16xf32>
      %mul3A_1154 = arith.mulf %mul3A_1153, %get3A_1152 : vector<16xf32>
      %add3A_1155 = arith.addf %add3A_1140, %mul3A_1154 : vector<16xf32>
      %add3A_1156 = arith.constant 51 : i32
      %add3A_1157 = vector.broadcast %add3A_1156 : i32 to vector<16xi32>
      %add3A_1158 = arith.addi %broadcast_in_dim3A_389, %add3A_1157 : vector<16xi32>
      %gather3A_1159 = tpu.vector_load_idx %arg9[%add3A_388, %add3A_1158] : memref<256x128xf32, #tpu.memory_space<vmem>>[vector<16xi32>, vector<16xi32>], vector<16xf32>,
      %get3A_1160 = arith.constant 51 : i32
      %get3A_1161 = arith.index_cast %get3A_1160 : i32 to index
      %get3A_1162 = arith.index_cast %mul3A_386 : i32 to index
      %get3A_1163 = tpu.vector_load %arg10[%get3A_1161, %get3A_1162] {strides = array<i32>} : memref<64x256xf32, #tpu.memory_space<vmem>>, vector<16xf32>,
      %get3A_1164 = arith.constant 51 : i32
      %get3A_1165 = arith.index_cast %get3A_1164 : i32 to index
      %get3A_1166 = arith.index_cast %mul3A_386 : i32 to index
      %get3A_1167 = tpu.vector_load %arg11[%get3A_1165, %get3A_1166] {strides = array<i32>} : memref<64x256xf32, #tpu.memory_space<vmem>>, vector<16xf32>,
      %mul3A_1168 = arith.mulf %get3A_1163, %gather3A_1159 : vector<16xf32>
      %mul3A_1169 = arith.mulf %mul3A_1168, %get3A_1167 : vector<16xf32>
      %add3A_1170 = arith.addf %add3A_1155, %mul3A_1169 : vector<16xf32>
      %add3A_1171 = arith.constant 52 : i32
      %add3A_1172 = vector.broadcast %add3A_1171 : i32 to vector<16xi32>
      %add3A_1173 = arith.addi %broadcast_in_dim3A_389, %add3A_1172 : vector<16xi32>
      %gather3A_1174 = tpu.vector_load_idx %arg9[%add3A_388, %add3A_1173] : memref<256x128xf32, #tpu.memory_space<vmem>>[vector<16xi32>, vector<16xi32>], vector<16xf32>,
      %get3A_1175 = arith.constant 52 : i32
      %get3A_1176 = arith.index_cast %get3A_1175 : i32 to index
      %get3A_1177 = arith.index_cast %mul3A_386 : i32 to index
      %get3A_1178 = tpu.vector_load %arg10[%get3A_1176, %get3A_1177] {strides = array<i32>} : memref<64x256xf32, #tpu.memory_space<vmem>>, vector<16xf32>,
      %get3A_1179 = arith.constant 52 : i32
      %get3A_1180 = arith.index_cast %get3A_1179 : i32 to index
      %get3A_1181 = arith.index_cast %mul3A_386 : i32 to index
      %get3A_1182 = tpu.vector_load %arg11[%get3A_1180, %get3A_1181] {strides = array<i32>} : memref<64x256xf32, #tpu.memory_space<vmem>>, vector<16xf32>,
      %mul3A_1183 = arith.mulf %get3A_1178, %gather3A_1174 : vector<16xf32>
      %mul3A_1184 = arith.mulf %mul3A_1183, %get3A_1182 : vector<16xf32>
      %add3A_1185 = arith.addf %add3A_1170, %mul3A_1184 : vector<16xf32>
      %add3A_1186 = arith.constant 53 : i32
      %add3A_1187 = vector.broadcast %add3A_1186 : i32 to vector<16xi32>
      %add3A_1188 = arith.addi %broadcast_in_dim3A_389, %add3A_1187 : vector<16xi32>
      %gather3A_1189 = tpu.vector_load_idx %arg9[%add3A_388, %add3A_1188] : memref<256x128xf32, #tpu.memory_space<vmem>>[vector<16xi32>, vector<16xi32>], vector<16xf32>,
      %get3A_1190 = arith.constant 53 : i32
      %get3A_1191 = arith.index_cast %get3A_1190 : i32 to index
      %get3A_1192 = arith.index_cast %mul3A_386 : i32 to index
      %get3A_1193 = tpu.vector_load %arg10[%get3A_1191, %get3A_1192] {strides = array<i32>} : memref<64x256xf32, #tpu.memory_space<vmem>>, vector<16xf32>,
      %get3A_1194 = arith.constant 53 : i32
      %get3A_1195 = arith.index_cast %get3A_1194 : i32 to index
      %get3A_1196 = arith.index_cast %mul3A_386 : i32 to index
      %get3A_1197 = tpu.vector_load %arg11[%get3A_1195, %get3A_1196] {strides = array<i32>} : memref<64x256xf32, #tpu.memory_space<vmem>>, vector<16xf32>,
      %mul3A_1198 = arith.mulf %get3A_1193, %gather3A_1189 : vector<16xf32>
      %mul3A_1199 = arith.mulf %mul3A_1198, %get3A_1197 : vector<16xf32>
      %add3A_1200 = arith.addf %add3A_1185, %mul3A_1199 : vector<16xf32>
      %add3A_1201 = arith.constant 54 : i32
      %add3A_1202 = vector.broadcast %add3A_1201 : i32 to vector<16xi32>
      %add3A_1203 = arith.addi %broadcast_in_dim3A_389, %add3A_1202 : vector<16xi32>
      %gather3A_1204 = tpu.vector_load_idx %arg9[%add3A_388, %add3A_1203] : memref<256x128xf32, #tpu.memory_space<vmem>>[vector<16xi32>, vector<16xi32>], vector<16xf32>,
      %get3A_1205 = arith.constant 54 : i32
      %get3A_1206 = arith.index_cast %get3A_1205 : i32 to index
      %get3A_1207 = arith.index_cast %mul3A_386 : i32 to index
      %get3A_1208 = tpu.vector_load %arg10[%get3A_1206, %get3A_1207] {strides = array<i32>} : memref<64x256xf32, #tpu.memory_space<vmem>>, vector<16xf32>,
      %get3A_1209 = arith.constant 54 : i32
      %get3A_1210 = arith.index_cast %get3A_1209 : i32 to index
      %get3A_1211 = arith.index_cast %mul3A_386 : i32 to index
      %get3A_1212 = tpu.vector_load %arg11[%get3A_1210, %get3A_1211] {strides = array<i32>} : memref<64x256xf32, #tpu.memory_space<vmem>>, vector<16xf32>,
      %mul3A_1213 = arith.mulf %get3A_1208, %gather3A_1204 : vector<16xf32>
      %mul3A_1214 = arith.mulf %mul3A_1213, %get3A_1212 : vector<16xf32>
      %add3A_1215 = arith.addf %add3A_1200, %mul3A_1214 : vector<16xf32>
      %add3A_1216 = arith.constant 55 : i32
      %add3A_1217 = vector.broadcast %add3A_1216 : i32 to vector<16xi32>
      %add3A_1218 = arith.addi %broadcast_in_dim3A_389, %add3A_1217 : vector<16xi32>
      %gather3A_1219 = tpu.vector_load_idx %arg9[%add3A_388, %add3A_1218] : memref<256x128xf32, #tpu.memory_space<vmem>>[vector<16xi32>, vector<16xi32>], vector<16xf32>,
      %get3A_1220 = arith.constant 55 : i32
      %get3A_1221 = arith.index_cast %get3A_1220 : i32 to index
      %get3A_1222 = arith.index_cast %mul3A_386 : i32 to index
      %get3A_1223 = tpu.vector_load %arg10[%get3A_1221, %get3A_1222] {strides = array<i32>} : memref<64x256xf32, #tpu.memory_space<vmem>>, vector<16xf32>,
      %get3A_1224 = arith.constant 55 : i32
      %get3A_1225 = arith.index_cast %get3A_1224 : i32 to index
      %get3A_1226 = arith.index_cast %mul3A_386 : i32 to index
      %get3A_1227 = tpu.vector_load %arg11[%get3A_1225, %get3A_1226] {strides = array<i32>} : memref<64x256xf32, #tpu.memory_space<vmem>>, vector<16xf32>,
      %mul3A_1228 = arith.mulf %get3A_1223, %gather3A_1219 : vector<16xf32>
      %mul3A_1229 = arith.mulf %mul3A_1228, %get3A_1227 : vector<16xf32>
      %add3A_1230 = arith.addf %add3A_1215, %mul3A_1229 : vector<16xf32>
      %add3A_1231 = arith.constant 56 : i32
      %add3A_1232 = vector.broadcast %add3A_1231 : i32 to vector<16xi32>
      %add3A_1233 = arith.addi %broadcast_in_dim3A_389, %add3A_1232 : vector<16xi32>
      %gather3A_1234 = tpu.vector_load_idx %arg9[%add3A_388, %add3A_1233] : memref<256x128xf32, #tpu.memory_space<vmem>>[vector<16xi32>, vector<16xi32>], vector<16xf32>,
      %get3A_1235 = arith.constant 56 : i32
      %get3A_1236 = arith.index_cast %get3A_1235 : i32 to index
      %get3A_1237 = arith.index_cast %mul3A_386 : i32 to index
      %get3A_1238 = tpu.vector_load %arg10[%get3A_1236, %get3A_1237] {strides = array<i32>} : memref<64x256xf32, #tpu.memory_space<vmem>>, vector<16xf32>,
      %get3A_1239 = arith.constant 56 : i32
      %get3A_1240 = arith.index_cast %get3A_1239 : i32 to index
      %get3A_1241 = arith.index_cast %mul3A_386 : i32 to index
      %get3A_1242 = tpu.vector_load %arg11[%get3A_1240, %get3A_1241] {strides = array<i32>} : memref<64x256xf32, #tpu.memory_space<vmem>>, vector<16xf32>,
      %mul3A_1243 = arith.mulf %get3A_1238, %gather3A_1234 : vector<16xf32>
      %mul3A_1244 = arith.mulf %mul3A_1243, %get3A_1242 : vector<16xf32>
      %add3A_1245 = arith.addf %add3A_1230, %mul3A_1244 : vector<16xf32>
      %add3A_1246 = arith.constant 57 : i32
      %add3A_1247 = vector.broadcast %add3A_1246 : i32 to vector<16xi32>
      %add3A_1248 = arith.addi %broadcast_in_dim3A_389, %add3A_1247 : vector<16xi32>
      %gather3A_1249 = tpu.vector_load_idx %arg9[%add3A_388, %add3A_1248] : memref<256x128xf32, #tpu.memory_space<vmem>>[vector<16xi32>, vector<16xi32>], vector<16xf32>,
      %get3A_1250 = arith.constant 57 : i32
      %get3A_1251 = arith.index_cast %get3A_1250 : i32 to index
      %get3A_1252 = arith.index_cast %mul3A_386 : i32 to index
      %get3A_1253 = tpu.vector_load %arg10[%get3A_1251, %get3A_1252] {strides = array<i32>} : memref<64x256xf32, #tpu.memory_space<vmem>>, vector<16xf32>,
      %get3A_1254 = arith.constant 57 : i32
      %get3A_1255 = arith.index_cast %get3A_1254 : i32 to index
      %get3A_1256 = arith.index_cast %mul3A_386 : i32 to index
      %get3A_1257 = tpu.vector_load %arg11[%get3A_1255, %get3A_1256] {strides = array<i32>} : memref<64x256xf32, #tpu.memory_space<vmem>>, vector<16xf32>,
      %mul3A_1258 = arith.mulf %get3A_1253, %gather3A_1249 : vector<16xf32>
      %mul3A_1259 = arith.mulf %mul3A_1258, %get3A_1257 : vector<16xf32>
      %add3A_1260 = arith.addf %add3A_1245, %mul3A_1259 : vector<16xf32>
      %add3A_1261 = arith.constant 58 : i32
      %add3A_1262 = vector.broadcast %add3A_1261 : i32 to vector<16xi32>
      %add3A_1263 = arith.addi %broadcast_in_dim3A_389, %add3A_1262 : vector<16xi32>
      %gather3A_1264 = tpu.vector_load_idx %arg9[%add3A_388, %add3A_1263] : memref<256x128xf32, #tpu.memory_space<vmem>>[vector<16xi32>, vector<16xi32>], vector<16xf32>,
      %get3A_1265 = arith.constant 58 : i32
      %get3A_1266 = arith.index_cast %get3A_1265 : i32 to index
      %get3A_1267 = arith.index_cast %mul3A_386 : i32 to index
      %get3A_1268 = tpu.vector_load %arg10[%get3A_1266, %get3A_1267] {strides = array<i32>} : memref<64x256xf32, #tpu.memory_space<vmem>>, vector<16xf32>,
      %get3A_1269 = arith.constant 58 : i32
      %get3A_1270 = arith.index_cast %get3A_1269 : i32 to index
      %get3A_1271 = arith.index_cast %mul3A_386 : i32 to index
      %get3A_1272 = tpu.vector_load %arg11[%get3A_1270, %get3A_1271] {strides = array<i32>} : memref<64x256xf32, #tpu.memory_space<vmem>>, vector<16xf32>,
      %mul3A_1273 = arith.mulf %get3A_1268, %gather3A_1264 : vector<16xf32>
      %mul3A_1274 = arith.mulf %mul3A_1273, %get3A_1272 : vector<16xf32>
      %add3A_1275 = arith.addf %add3A_1260, %mul3A_1274 : vector<16xf32>
      %add3A_1276 = arith.constant 59 : i32
      %add3A_1277 = vector.broadcast %add3A_1276 : i32 to vector<16xi32>
      %add3A_1278 = arith.addi %broadcast_in_dim3A_389, %add3A_1277 : vector<16xi32>
      %gather3A_1279 = tpu.vector_load_idx %arg9[%add3A_388, %add3A_1278] : memref<256x128xf32, #tpu.memory_space<vmem>>[vector<16xi32>, vector<16xi32>], vector<16xf32>,
      %get3A_1280 = arith.constant 59 : i32
      %get3A_1281 = arith.index_cast %get3A_1280 : i32 to index
      %get3A_1282 = arith.index_cast %mul3A_386 : i32 to index
      %get3A_1283 = tpu.vector_load %arg10[%get3A_1281, %get3A_1282] {strides = array<i32>} : memref<64x256xf32, #tpu.memory_space<vmem>>, vector<16xf32>,
      %get3A_1284 = arith.constant 59 : i32
      %get3A_1285 = arith.index_cast %get3A_1284 : i32 to index
      %get3A_1286 = arith.index_cast %mul3A_386 : i32 to index
      %get3A_1287 = tpu.vector_load %arg11[%get3A_1285, %get3A_1286] {strides = array<i32>} : memref<64x256xf32, #tpu.memory_space<vmem>>, vector<16xf32>,
      %mul3A_1288 = arith.mulf %get3A_1283, %gather3A_1279 : vector<16xf32>
      %mul3A_1289 = arith.mulf %mul3A_1288, %get3A_1287 : vector<16xf32>
      %add3A_1290 = arith.addf %add3A_1275, %mul3A_1289 : vector<16xf32>
      %add3A_1291 = arith.constant 60 : i32
      %add3A_1292 = vector.broadcast %add3A_1291 : i32 to vector<16xi32>
      %add3A_1293 = arith.addi %broadcast_in_dim3A_389, %add3A_1292 : vector<16xi32>
      %gather3A_1294 = tpu.vector_load_idx %arg9[%add3A_388, %add3A_1293] : memref<256x128xf32, #tpu.memory_space<vmem>>[vector<16xi32>, vector<16xi32>], vector<16xf32>,
      %get3A_1295 = arith.constant 60 : i32
      %get3A_1296 = arith.index_cast %get3A_1295 : i32 to index
      %get3A_1297 = arith.index_cast %mul3A_386 : i32 to index
      %get3A_1298 = tpu.vector_load %arg10[%get3A_1296, %get3A_1297] {strides = array<i32>} : memref<64x256xf32, #tpu.memory_space<vmem>>, vector<16xf32>,
      %get3A_1299 = arith.constant 60 : i32
      %get3A_1300 = arith.index_cast %get3A_1299 : i32 to index
      %get3A_1301 = arith.index_cast %mul3A_386 : i32 to index
      %get3A_1302 = tpu.vector_load %arg11[%get3A_1300, %get3A_1301] {strides = array<i32>} : memref<64x256xf32, #tpu.memory_space<vmem>>, vector<16xf32>,
      %mul3A_1303 = arith.mulf %get3A_1298, %gather3A_1294 : vector<16xf32>
      %mul3A_1304 = arith.mulf %mul3A_1303, %get3A_1302 : vector<16xf32>
      %add3A_1305 = arith.addf %add3A_1290, %mul3A_1304 : vector<16xf32>
      %add3A_1306 = arith.constant 61 : i32
      %add3A_1307 = vector.broadcast %add3A_1306 : i32 to vector<16xi32>
      %add3A_1308 = arith.addi %broadcast_in_dim3A_389, %add3A_1307 : vector<16xi32>
      %gather3A_1309 = tpu.vector_load_idx %arg9[%add3A_388, %add3A_1308] : memref<256x128xf32, #tpu.memory_space<vmem>>[vector<16xi32>, vector<16xi32>], vector<16xf32>,
      %get3A_1310 = arith.constant 61 : i32
      %get3A_1311 = arith.index_cast %get3A_1310 : i32 to index
      %get3A_1312 = arith.index_cast %mul3A_386 : i32 to index
      %get3A_1313 = tpu.vector_load %arg10[%get3A_1311, %get3A_1312] {strides = array<i32>} : memref<64x256xf32, #tpu.memory_space<vmem>>, vector<16xf32>,
      %get3A_1314 = arith.constant 61 : i32
      %get3A_1315 = arith.index_cast %get3A_1314 : i32 to index
      %get3A_1316 = arith.index_cast %mul3A_386 : i32 to index
      %get3A_1317 = tpu.vector_load %arg11[%get3A_1315, %get3A_1316] {strides = array<i32>} : memref<64x256xf32, #tpu.memory_space<vmem>>, vector<16xf32>,
      %mul3A_1318 = arith.mulf %get3A_1313, %gather3A_1309 : vector<16xf32>
      %mul3A_1319 = arith.mulf %mul3A_1318, %get3A_1317 : vector<16xf32>
      %add3A_1320 = arith.addf %add3A_1305, %mul3A_1319 : vector<16xf32>
      %add3A_1321 = arith.constant 62 : i32
      %add3A_1322 = vector.broadcast %add3A_1321 : i32 to vector<16xi32>
      %add3A_1323 = arith.addi %broadcast_in_dim3A_389, %add3A_1322 : vector<16xi32>
      %gather3A_1324 = tpu.vector_load_idx %arg9[%add3A_388, %add3A_1323] : memref<256x128xf32, #tpu.memory_space<vmem>>[vector<16xi32>, vector<16xi32>], vector<16xf32>,
      %get3A_1325 = arith.constant 62 : i32
      %get3A_1326 = arith.index_cast %get3A_1325 : i32 to index
      %get3A_1327 = arith.index_cast %mul3A_386 : i32 to index
      %get3A_1328 = tpu.vector_load %arg10[%get3A_1326, %get3A_1327] {strides = array<i32>} : memref<64x256xf32, #tpu.memory_space<vmem>>, vector<16xf32>,
      %get3A_1329 = arith.constant 62 : i32
      %get3A_1330 = arith.index_cast %get3A_1329 : i32 to index
      %get3A_1331 = arith.index_cast %mul3A_386 : i32 to index
      %get3A_1332 = tpu.vector_load %arg11[%get3A_1330, %get3A_1331] {strides = array<i32>} : memref<64x256xf32, #tpu.memory_space<vmem>>, vector<16xf32>,
      %mul3A_1333 = arith.mulf %get3A_1328, %gather3A_1324 : vector<16xf32>
      %mul3A_1334 = arith.mulf %mul3A_1333, %get3A_1332 : vector<16xf32>
      %add3A_1335 = arith.addf %add3A_1320, %mul3A_1334 : vector<16xf32>
      %add3A_1336 = arith.constant 63 : i32
      %add3A_1337 = vector.broadcast %add3A_1336 : i32 to vector<16xi32>
      %add3A_1338 = arith.addi %broadcast_in_dim3A_389, %add3A_1337 : vector<16xi32>
      %gather3A_1339 = tpu.vector_load_idx %arg9[%add3A_388, %add3A_1338] : memref<256x128xf32, #tpu.memory_space<vmem>>[vector<16xi32>, vector<16xi32>], vector<16xf32>,
      %get3A_1340 = arith.constant 63 : i32
      %get3A_1341 = arith.index_cast %get3A_1340 : i32 to index
      %get3A_1342 = arith.index_cast %mul3A_386 : i32 to index
      %get3A_1343 = tpu.vector_load %arg10[%get3A_1341, %get3A_1342] {strides = array<i32>} : memref<64x256xf32, #tpu.memory_space<vmem>>, vector<16xf32>,
      %get3A_1344 = arith.constant 63 : i32
      %get3A_1345 = arith.index_cast %get3A_1344 : i32 to index
      %get3A_1346 = arith.index_cast %mul3A_386 : i32 to index
      %get3A_1347 = tpu.vector_load %arg11[%get3A_1345, %get3A_1346] {strides = array<i32>} : memref<64x256xf32, #tpu.memory_space<vmem>>, vector<16xf32>,
      %mul3A_1348 = arith.mulf %get3A_1343, %gather3A_1339 : vector<16xf32>
      %mul3A_1349 = arith.mulf %mul3A_1348, %get3A_1347 : vector<16xf32>
      %add3A_1350 = arith.addf %add3A_1335, %mul3A_1349 : vector<16xf32>
      %add3A_1351 = arith.constant 256 : i32
      %add3A_1352 = arith.addi %add3A_1351, %mul3A_386 : i32
      %swap3A_1353 = arith.index_cast %add3A_1352 : i32 to index
      %swap3A_1354 = tpu.vector_load %arg12[%swap3A_1353] {strides = array<i32>} : memref<512xf32, #tpu.memory_space<vmem>>, vector<16xf32>,
      tpu.vector_store %arg12[%swap3A_1353], %add3A_1350 {strides = array<i32>} : memref<512xf32, #tpu.memory_space<vmem>>, vector<16xf32>,
    }
    %scan3A_383 = arith.constant 16 : i32
    "tpu.region"() ({
      %run_scoped3A = tpu.sem_alloc : memref<!tpu.dma_semaphore, #tpu.memory_space<semaphore_mem>>
      %dma_start3A_384 = tpu.memref_slice %arg6[%mul3A_2] : memref<16384xf32, #tpu.memory_space<hbm>> -> memref<512xf32, #tpu.memory_space<hbm>>
      %dma_start3A_385 = tpu.memref_slice %arg6[%mul3A_2] : memref<16384xf32, #tpu.memory_space<hbm>> -> memref<512xf32, #tpu.memory_space<hbm>>
      tpu.enqueue_dma source(%arg12 : memref<512xf32, #tpu.memory_space<vmem>>) target(%dma_start3A_385 : memref<512xf32, #tpu.memory_space<hbm>>) target_semaphore(%run_scoped3A : memref<!tpu.dma_semaphore, #tpu.memory_space<semaphore_mem>>)
      %dma_wait3A_386 = tpu.memref_slice %arg6[%mul3A_2] : memref<16384xf32, #tpu.memory_space<hbm>> -> memref<512xf32, #tpu.memory_space<hbm>>
      %dma_wait3A_387 = tpu.memref_slice %arg6[%mul3A_2] : memref<16384xf32, #tpu.memory_space<hbm>> -> memref<512xf32, #tpu.memory_space<hbm>>
      tpu.wait_dma2 semaphore(%run_scoped3A : memref<!tpu.dma_semaphore, #tpu.memory_space<semaphore_mem>>) src(%arg12 : memref<512xf32, #tpu.memory_space<vmem>>) dst(%dma_wait3A_387 : memref<512xf32, #tpu.memory_space<hbm>>)
      tpu.yield
    }) : () -> ()
    return
  }
}

</mosaic_0001>

<sc_bundles>
// kernel: _run.3.cloned.1.call-start
scs
__scs_entry_jumppad:
0x0: {  	(pc) =	sbr.rel $0x88, $3  }
0x1: {  	(tag) =	ssettag $0x0;
	lr =	simm.s32 $0x1  }
0x2: {  	[smem:$0x3F9D] =	sst lr;
	_ =	strace $0xD0000000  }
0x3: {  	_ = 	snop  }
0x4: {  	_ = 	snop  }
0x5: {  	_ = 	snop  }
0x6: {  	_ = 	snop  }
0x7: {  	_ = 	snop  }
__scs_overlays_trampoline_lowered:
0x8: {  	[smem:$0x3FAC] =	sst s0  }
0x9: {  	[smem:$0x3FAD] =	sst s1  }
0xa: {  	[smem:$0x3FAE] =	sst s2  }
0xb: {  	[smem:$0x3FAF] =	sst s3  }
0xc: {  	[smem:$0x3FB0] =	sst s4  }
0xd: {  	[smem:$0x3FB1] =	sst s5  }
0xe: {  	[smem:$0x3FB2] =	sst s6  }
0xf: {  	[smem:$0x3FB3] =	sst s7  }
0x10: {  	[smem:$0x3FB4] =	sst s8  }
0x11: {  	[smem:$0x3FB5] =	sst s9;
	s0 =	simm.s32 @!p0 $0x0  }
0x12: {  	s1 =	sld [smem:$0x3F9B];
	s0 =	simm.s32 @p0 $0x1  }
0x13: {  	[smem:$0x3FB6] =	sst s0;
	s0 =	simm.s32 @!p1 $0x0  }
0x14: {  	s2 =	sld [smem:$0x3F9A];
	s0 =	simm.s32 @p1 $0x1  }
0x15: {  	[smem:$0x3FB7] =	sst s0;
	s0 =	simm.s32 @!p2 $0x0  }
0x16: {  	s3 =	sld [smem:$0x3FDB];
	s0 =	simm.s32 @p2 $0x1  }
0x17: {  	s4 =	simm.s32 $0x1BF5;
	[smem:$0x3FB9] =	sst s0  }
0x18: {  	s0 =	sld [smem:$0x3F9C];
	_ =	swait.ge [sflag:s4], $0x0  }
0x19: {  	s7 =	sld [smem:$0x3F9D]  }
0x1a: {  	s8 =	sadd.s32 $0xFFFFE003, lr  }
0x1b: {  	s9 =	sadd.s32 $0xFFFFFEF7, lr;
	s5 =	simm.s32 $0xFFFFFFFF;
	p2 =	slt.u32 s8, $0xFFFFF086  }
0x1c: {  	p1 =	slt.u32 s9, $0xF7A;
	s5 =	simm.s32 @!p2 $0x0  }
0x1d: {  	s5 =	simm.s32 @p1 $0x1;
	p0 =	seq.s32 s7, s2  }
0x1e: {  	s7 =	smul.u32 @!p0 $0xF7A, s2;
	p2 =	seq.s32 @!p0 s5, $0x0  }
0x1f: {  	s9 =	smul.u32 $0xF7A, s1;
	s8 =	simm.s32 @!p0 $0x1BF5;
	p2 =	por !p2, p0  }
0x20: {  	[sflag:s8] =	ssyncset.s32 @!p0 $0xFFFFF086;
	s6 =	sadd.s32 @!p0 s3, s7;
	s7 =	simm.s32 @!p0 $0x108  }
0x21: {  	s3 =	sadd.s32 s3, s9;
	s6 =	sadd.s32 @!p0 $0x88, s6;
	s7 =	simm.s32 @p2 $0x1082  }
0x22: {  	[simem:s7], [sflag:s8] =	dma.local @!p0 [hbm:s6], $0xF7A  }
0x23: {  	s9 =	sor.u32 $0xD0000000, s2;
	s6 =	simm.s32 $0x108;
	_ =	swait.ge @!p0 [sflag:s8], $0x0  }
0x24: {  	s3 =	sadd.s32 $0x88, s3;
	s6 =	simm.s32 @!p1 $0x1082;
	[sflag:s4] =	ssyncset.s32 $0xFFFFF086  }
0x25: {  	[simem:s6], [sflag:s4] =	dma.local [hbm:s3], $0xF7A  }
0x26: {  	[smem:$0x3F9D] =	sst s1;
	(tag) =	ssettag s2;
	_ =	strace s9  }
0x27: {  	s1 =	sld [smem:$0x3FAD]  }
0x28: {  	s2 =	sld [smem:$0x3FAE]  }
0x29: {  	s4 =	sld [smem:$0x3FB0]  }
0x2a: {  	p0 =	seq.s32 s5, $0x0;
	s5 =	sld [smem:$0x3FB1]  }
0x2b: {  	s6 =	sld [smem:$0x3FB2]  }
0x2c: {  	s7 =	sld [smem:$0x3FB3]  }
0x2d: {  	s3 =	simm.s32 $0x108;
	s8 =	sld [smem:$0x3FB4]  }
0x2e: {  	s3 =	simm.s32 @!p0 $0x1082;
	s9 =	sld [smem:$0x3FB5]  }
0x2f: {  	lr =	sadd.s32 s0, s3;
	s0 =	sld [smem:$0x3FAC]  }
0x30: {  	s3 =	sld [smem:$0x3FAF]  }
0x31: {  	[smem:$0x3FB8] =	sst s10  }
0x32: {  	s10 =	sld [smem:$0x3FB6];
	_ =	sdelay $0x3  }
0x33: {  	p0 =	seq.s32 s10, $0x1;
	s10 =	sld [smem:$0x3FB8];
	_ =	sdelay $0x3  }
0x34: {  	[smem:$0x3FB8] =	sst s10  }
0x35: {  	s10 =	sld [smem:$0x3FB7];
	_ =	sdelay $0x3  }
0x36: {  	p1 =	seq.s32 s10, $0x1;
	s10 =	sld [smem:$0x3FB8];
	_ =	sdelay $0x3  }
0x37: {  	[smem:$0x3FB8] =	sst s10  }
0x38: {  	s10 =	sld [smem:$0x3FB9]  }
0x39: {  	_ = 	snop;
	(pc) =	sbr.ind lr, $3  }
0x3a: {  	_ = 	snop  }
0x3b: {  	_ = 	snop  }
0x3c: {  	p2 =	seq.s32 s10, $0x1;
	s10 =	sld [smem:$0x3FB8]  }
0x3d: {  	_ =	shalt  }
0x3e: {  	_ =	shalt  }
0x3f: {  	_ =	shalt  }
0x40: {  	_ =	shalt  }
0x41: {  	_ =	shalt  }
0x42: {  	_ =	shalt  }
0x43: {  	_ =	shalt  }
0x44: {  	_ =	shalt  }
0x45: {  	_ =	shalt  }
0x46: {  	_ =	shalt  }
0x47: {  	_ =	shalt  }
0x48: {  	_ =	shalt  }
0x49: {  	_ =	shalt  }
0x4a: {  	_ =	shalt  }
0x4b: {  	_ =	shalt  }
0x4c: {  	_ =	shalt  }
0x4d: {  	_ =	shalt  }
0x4e: {  	_ =	shalt  }
0x4f: {  	_ =	shalt  }
0x50: {  	_ =	shalt  }
0x51: {  	_ =	shalt  }
0x52: {  	_ =	shalt  }
0x53: {  	_ =	shalt  }
0x54: {  	_ =	shalt  }
0x55: {  	_ =	shalt  }
0x56: {  	_ =	shalt  }
0x57: {  	_ =	shalt  }
0x58: {  	_ =	shalt  }
0x59: {  	_ =	shalt  }
0x5a: {  	_ =	shalt  }
0x5b: {  	_ =	shalt  }
0x5c: {  	_ =	shalt  }
0x5d: {  	_ =	shalt  }
0x5e: {  	_ =	shalt  }
0x5f: {  	_ =	shalt  }
0x60: {  	_ =	shalt  }
0x61: {  	_ =	shalt  }
0x62: {  	_ =	shalt  }
0x63: {  	_ =	shalt  }
0x64: {  	_ =	shalt  }
0x65: {  	_ =	shalt  }
0x66: {  	_ =	shalt  }
0x67: {  	_ =	shalt  }
0x68: {  	_ =	shalt  }
0x69: {  	_ =	shalt  }
0x6a: {  	_ =	shalt  }
0x6b: {  	_ =	shalt  }
0x6c: {  	_ =	shalt  }
0x6d: {  	_ =	shalt  }
0x6e: {  	_ =	shalt  }
0x6f: {  	_ =	shalt  }
0x70: {  	_ =	shalt  }
0x71: {  	_ =	shalt  }
0x72: {  	_ =	shalt  }
0x73: {  	_ =	shalt  }
0x74: {  	_ =	shalt  }
0x75: {  	_ =	shalt  }
0x76: {  	_ =	shalt  }
0x77: {  	_ =	shalt  }
0x78: {  	_ =	shalt  }
0x79: {  	_ =	shalt  }
0x7a: {  	_ =	shalt  }
0x7b: {  	_ =	shalt  }
0x7c: {  	_ =	shalt  }
0x7d: {  	_ =	shalt  }
0x7e: {  	_ =	shalt  }
0x7f: {  	_ =	shalt  }
0x80: {  	_ =	shalt  }
0x81: {  	_ =	shalt  }
0x82: {  	_ =	shalt  }
0x83: {  	_ =	shalt  }
0x84: {  	_ =	shalt  }
0x85: {  	_ =	shalt  }
0x86: {  	_ =	shalt  }
0x87: {  	_ =	shalt  }
.Lfunc_end0:
.L_simem_size_0:
called_computation_lowered:
.L_overlay_start_0:
0x88: {  	s2 =	sld [smem:$0x3FD9]  }
0x89: {  	s3 =	sld [smem:$0x3FFE];
	_ =	sdelay $0x1  }
0x8a: {  	s1 =	srdreg.scid  }
0x8b: {  	s0 =	sand.u32 $0x1, s1  }
0x8c: {  	s18 =	sshll.u32 s0, $0xA;
	s2 =	sadd.s32 s3, s2  }
0x8d: {  	s2 =	sadd.s32 s2, s18  }
0x8e: {  	[smem:$0x3FC4] =	sst s2  }
0x8f: {  	_ = 	snop  }
0x90: {  	s2 =	sld [smem:$0x3FC9]  }
0x91: {  	s19 =	sld [smem:$0x3FC8]  }
0x92: {  	s4 =	sld [smem:$0x3FC7]  }
0x93: {  	s5 =	sld [smem:$0x3FC6]  }
0x94: {  	s6 =	sld [smem:$0x3FD0];
	(tm) =	ssettm $0x1  }
0x95: {  	s7 =	sld [smem:$0x3FFB];
	_ =	sdelay $0x3  }
0x96: {  	_ =	strace s7  }
0x97: {  	s7 =	sld [smem:$0x3FFC];
	_ =	sdelay $0x3  }
0x98: {  	_ =	strace s7  }
0x99: {  	s7 =	sld [smem:$0x3FFD];
	_ =	sdelay $0x3  }
0x9a: {  	_ =	strace s7  }
0x9b: {  	_ =	strace $0x8FFFFFFF  }
0x9c: {  	s20 =	sld [smem:$0x3FDB];
	_ =	sdelay $0x1  }
0x9d: {  	s8 =	simm.s32 $_scs_section_size  }
0x9e: {  	s9 =	simm.s32 $_size__tile_overlayer_lowered;
	s10 =	simm.s32 $_tile_overlayer_lowered  }
0x9f: {  	s23 =	simm.s32 $0x1BFF;
	s22 =	sshll.u32 s10, $0x1;
	s7 =	sadd.s32 s8, s20  }
0xa0: {  	s11 =	simm.s32 $0x0;
	s21 =	sshll.u32 s9, $0x1;
	s9 =	sadd.s32 s22, s7  }
0xa1: {  	[timem:s11], [sflag:s23] =	dma.local [hbm:s9], s21  }
0xa2: {  	_ =	swait.ge [sflag:s23], s21  }
0xa3: {  	s8 =	ssub.s32 $0x0, s21;
	[sflag:s23] =	ssyncset.done $0x0  }
0xa4: {  	[sflag:s23] =	ssyncadd.s32 s8;
	_ =	sdelay $0x1  }
0xa5: {  	s24 =	simm.s32 $0x1B8B  }
0xa6: {  	_ =	swait.ge [sflag:s24], $0x1  }
0xa7: {  	[sflag:s24] =	ssyncset.done $0x0  }
0xa8: {  	s25 =	simm.s32 $0x1B8E;
	[sflag:s24] =	ssyncadd.s32 $0xFFFFFFFF  }
0xa9: {  	s26 =	simm.s32 $execute0_lowered;
	[smem:$0x3FD2] =	sst s25  }
0xaa: {  	s8 =	sshll.u32 s26, $0x1;
	_ =	strace $0x80000046;
	[dreg:$0x1] =	wrdreg $0xFFFFFFFF  }
0xab: {  	s28 =	simm.s32 $_size_execute0_lowered;
	s7 =	sadd.s32 s7, s8;
	[dreg:$0x0] =	wrdreg $0x0  }
0xac: {  	s8 =	sshll.u32 s28, $0x1;
	[dreg:$0x2] =	wrdreg s7  }
0xad: {  	[dreg:$0x3] =	wrdreg s8  }
0xae: {  	[dreg:$0x4] =	wrdreg $0xC0  }
0xaf: {  	_ =	task [dreg:s11], $0x5FFFF  }
0xb0: {  	[dreg:$0x1] =	wrdreg $0xFFFFFFFF  }
0xb1: {  	[dreg:$0x0] =	wrdreg $0x60  }
0xb2: {  	[dreg:$0x2] =	wrdreg s2  }
0xb3: {  	[dreg:$0x3] =	wrdreg s19  }
0xb4: {  	[dreg:$0x4] =	wrdreg s4  }
0xb5: {  	[dreg:$0x5] =	wrdreg s5  }
0xb6: {  	[dreg:$0x6] =	wrdreg s6  }
0xb7: {  	[dreg:$0x7] =	wrdreg $0x9  }
0xb8: {  	_ =	task.clear_ibuf [dreg:s11], $0x8FFFF;
	_ =	strace $0x90000046  }
0xb9: {  	s29 =	simm.s32 $0x9;
	_ =	strace $0x80000048  }
0xba: {  	_ =	swait.ge [sflag:s29], $0x1  }
0xbb: {  	[sflag:s29] =	ssyncadd.s32 $0xFFFFFFFF  }
0xbc: {  	_ =	strace $0x90000048  }
0xbd: {  	_ =	sfence  }
0xbe: {  	s30 =	sld [smem:$0x0];
	_ =	sdelay $0x2  }
0xbf: {  	s31 =	sshll.u32 s1, $0xD;
	s1 =	sshrl.u32 s1, $0x2  }
0xc0: {  	s3 =	sand.u32 $0x4000, s31;
	s1 =	sadd.s32 s1, s30  }
0xc1: {  	s0 =	sor.u32 s3, s0;
	s1 =	sshll.u32 s1, $0x11  }
0xc2: {  	s0 =	sor.u32 s1, s0  }
0xc3: {  	s0 =	sadd.s32 $0x8F2B, s0  }
0xc4: {  	[sflag:s0] =	ssyncadd.remote.s32 $0x1  }
0xc5: {  	_ =	sfence.sel $0xFFFF  }
0xc6: {  	[dreg:$0x0] =	wrdreg $0xFFFFFFFF;
	(pc) =	sbr.abs _section_cstart, $3  }
0xc7: {  	[dreg:$0x1] =	wrdreg $0xFFFFFFFF  }
0xc8: {  	_ =	task.clear_ibuf [dreg:s11], $0x2FFFF;
	_ =	strace $0x9FFFFFFF  }
0xc9: {  	(tm) =	ssettm $0x7FFFFFFF  }
tec
execute0_lowered:
.L_overlay_start_1:
0x0: {  	(tag) =	ssettag $0x1  }
0x1: {  	s0 =	rddreg [dreg:$0x0]  }
0x2: {  	s1 =	rddreg [dreg:$0x1]  }
0x3: {  	s2 =	rddreg [dreg:$0x2];
	s3 =	srdreg.scid  }
0x4: {  	s4 =	stileid.u32;
	s5 =	rddreg [dreg:$0x4];
	s26 =	simm.s32 $0x0  }
0x5: {  	s18 =	simm.s32 $0x400;
	s3 =	sand.u32 $0x1, s3;
	s4 =	sshll.u32 s4, $0x1  }
0x6: {  	[smem:$0x7FF] =	sst s26;
	s4 =	sor.u32 s3, s4;
	s7 =	ssub.s32 $0x2, s3  }
0x7: {  	s3 =	sshll.u32 s3, $0x9;
	_ =	strace $0x80000047;
	s6 =	sshll.u32 s4, $0x9  }
0x8: {  	s9 =	sshrl.u32 s7, $0x1;
	s30 =	sshll.u32 s4, $0x6;
	s24 =	sadd.s32 s0, s6  }
0x9: {  	s25 =	sor.u32 $0x100, s6;
	s29 =	sadd.s32 s1, s6;
	[dreg:$0x13] =	wrdreg s24  }
0xa: {  	s8 =	sand.u32 $0x3C00, s6;
	[dreg:$0x14] =	wrdreg s29;
	s0 =	sadd.s32 s0, s25  }
0xb: {  	s7 =	ssub.s32 s7, s9;
	s1 =	sadd.s32 s1, s25;
	[dreg:$0x15] =	wrdreg s0  }
0xc: {  	v0 =	vlaneseq.u32;
	s3 =	sor.u32 s3, s8;
	s31 =	smax.u32 s7, $0x1;
	[dreg:$0x16] =	wrdreg s1  }
0xd: {  	v0 =	vmul.u32 $0x80, v0;
	s3 =	sshrl.u32 s3, $0x3;
	s0 =	sadd.s32 s5, s30;
	[dreg:$0x18] =	wrdreg s31  }
0xe: {  	s28 =	simm.s32 $0x10400;
	s2 =	sadd.s32 s2, s3;
	[dreg:$0x17] =	wrdreg s0  }
0xf: {  	[tilespmem:$0x1FFF0] =	vst v0;
	s1 =	simm.s32 $0x2;
	[dreg:$0x12] =	wrdreg s2;
	s2 =	simm.s32 $0x0  }
.LBB2_1:
0x10: {  	[dreg:$0x19] =	wrdreg s2  }
0x11: {  	s0 =	rddreg [dreg:$0x12]  }
0x12: {  	[tilespmem:s26], [sflag:$0x2] =	stream.linear.gather [hbm4b:s0+s26], $0x200, $0x38;
	[tilespmem:$0x10600] =	vst v63  }
0x13: {  	_ =	swait.ge [sflag:s1], $0x200  }
0x14: {  	[sflag:s1] =	ssyncset.done $0x0  }
0x15: {  	[sflag:s1] =	ssyncadd.s32 $0xFFFFFE00  }
0x16: {  	v1 =	vld [tilespmem:$0x0]  }
0x17: {  	v2 =	vld [tilespmem:$0x10]  }
0x18: {  	v3 =	vld [tilespmem:$0x20]  }
0x19: {  	v4 =	vld [tilespmem:$0x30]  }
0x1a: {  	v5 =	vld [tilespmem:$0x40]  }
0x1b: {  	v32 =	vld [tilespmem:$0x50];
	[tilespmem:$0x200] =	vst v1  }
0x1c: {  	v33 =	vld [tilespmem:$0x60];
	[tilespmem:$0x210] =	vst v2  }
0x1d: {  	v34 =	vld [tilespmem:$0x70];
	[tilespmem:$0x220] =	vst v3  }
0x1e: {  	v35 =	vld [tilespmem:$0x80];
	[tilespmem:$0x230] =	vst v4  }
0x1f: {  	v36 =	vld [tilespmem:$0x90];
	[tilespmem:$0x240] =	vst v5  }
0x20: {  	v37 =	vld [tilespmem:$0xA0];
	[tilespmem:$0x250] =	vst v32  }
0x21: {  	v38 =	vld [tilespmem:$0xB0];
	[tilespmem:$0x260] =	vst v33  }
0x22: {  	v39 =	vld [tilespmem:$0xC0];
	[tilespmem:$0x270] =	vst v34  }
0x23: {  	v40 =	vld [tilespmem:$0xD0];
	[tilespmem:$0x280] =	vst v35  }
0x24: {  	v41 =	vld [tilespmem:$0xE0];
	[tilespmem:$0x290] =	vst v36  }
0x25: {  	v42 =	vld [tilespmem:$0xF0];
	[tilespmem:$0x2A0] =	vst v37  }
0x26: {  	v43 =	vld [tilespmem:$0x100];
	[tilespmem:$0x2B0] =	vst v38  }
0x27: {  	v44 =	vld [tilespmem:$0x110];
	[tilespmem:$0x2C0] =	vst v39  }
0x28: {  	v45 =	vld [tilespmem:$0x120];
	[tilespmem:$0x2D0] =	vst v40  }
0x29: {  	v46 =	vld [tilespmem:$0x130];
	[tilespmem:$0x2E0] =	vst v41  }
0x2a: {  	v47 =	vld [tilespmem:$0x140];
	[tilespmem:$0x2F0] =	vst v42  }
0x2b: {  	v48 =	vld [tilespmem:$0x150];
	[tilespmem:$0x300] =	vst v43  }
0x2c: {  	v49 =	vld [tilespmem:$0x160];
	[tilespmem:$0x310] =	vst v44  }
0x2d: {  	v50 =	vld [tilespmem:$0x170];
	[tilespmem:$0x320] =	vst v45  }
0x2e: {  	v51 =	vld [tilespmem:$0x180];
	[tilespmem:$0x330] =	vst v46  }
0x2f: {  	v52 =	vld [tilespmem:$0x190];
	[tilespmem:$0x340] =	vst v47  }
0x30: {  	v53 =	vld [tilespmem:$0x1A0];
	[tilespmem:$0x350] =	vst v48  }
0x31: {  	v54 =	vld [tilespmem:$0x1B0];
	[tilespmem:$0x360] =	vst v49  }
0x32: {  	v55 =	vld [tilespmem:$0x1C0];
	[tilespmem:$0x370] =	vst v50  }
0x33: {  	v56 =	vld [tilespmem:$0x1D0];
	[tilespmem:$0x380] =	vst v51  }
0x34: {  	v57 =	vld [tilespmem:$0x1E0];
	[tilespmem:$0x390] =	vst v52  }
0x35: {  	v58 =	vld [tilespmem:$0x1F0];
	[tilespmem:$0x3A0] =	vst v53  }
0x36: {  	[tilespmem:$0x3B0] =	vst v54  }
0x37: {  	[tilespmem:$0x3C0] =	vst v55  }
0x38: {  	[tilespmem:$0x3D0] =	vst v56  }
0x39: {  	s2 =	simm.s32 $0x800;
	[tilespmem:$0x3E0] =	vst v57  }
0x3a: {  	s4 =	simm.s32 $0x20000;
	s3 =	simm.s32 $0x8400;
	s1 =	rddreg [dreg:$0x13];
	[tilespmem:$0x3F0] =	vst v58  }
0x3b: {  	[tilespmem:s3], [sflag:$0x1] =	stream.strided.gather [hbm4b:s1+s2], $0x4000, s4, s2, $0x38;
	[tilespmem:$0x10600] =	vst v63  }
0x3c: {  	s6 =	simm.s32 $0xC400;
	s5 =	rddreg [dreg:$0x14]  }
0x3d: {  	[tilespmem:s6], [sflag:$0x1] =	stream.strided.gather [hbm4b:s5+s2], $0x4000, s4, s2, $0x38;
	[tilespmem:$0x10600] =	vst v63  }
0x3e: {  	s8 =	simm.s32 $0x80;
	s9 =	simm.s32 $0x200;
	s7 =	rddreg [dreg:$0x3]  }
0x3f: {  	[tilespmem:s18], [sflag:$0x1] =	stream.indirect.gather [hbm4b:s7+s8], $0x80, s9, s8, $0xb8;
	[tilespmem:$0x10600] =	vst v63  }
0x40: {  	s10 =	simm.s32 $0x280;
	s11 =	simm.s32 $0x4400;
	s12 =	simm.s32 $0x1  }
0x41: {  	[tilespmem:s11], [sflag:$0x1] =	stream.indirect.gather [hbm4b:s7+s8], $0x80, s10, s8, $0xb8;
	[tilespmem:$0x10600] =	vst v63  }
0x42: {  	_ =	swait.ge [sflag:s12], $0x4000  }
0x43: {  	[sflag:s12] =	ssyncset.done $0x0  }
0x44: {  	[sflag:s12] =	ssyncadd.s32 $0xFFFFC000  }
0x45: {  	_ =	swait.ge [sflag:s12], $0x4000  }
0x46: {  	[sflag:s12] =	ssyncset.done $0x0  }
0x47: {  	[sflag:s12] =	ssyncadd.s32 $0xFFFFC000  }
0x48: {  	_ =	swait.ge [sflag:s12], $0x4000  }
0x49: {  	[sflag:s12] =	ssyncset.done $0x0  }
0x4a: {  	[sflag:s12] =	ssyncadd.s32 $0xFFFFC000  }
0x4b: {  	s13 =	sand.u32 $0xFFFFFC00, s26;
	_ =	swait.ge [sflag:s12], $0x4000  }
0x4c: {  	s14 =	sand.u32 $0x70, s26;
	s15 =	sand.u32 $0x400, s26;
	[sflag:s12] =	ssyncset.done $0x0  }
0x4d: {  	s0 =	sor.u32 s14, s15;
	s25 =	sadd.s32 $0x0, s13;
	v6 =	vld [tilespmem:$0x1FFF0];
	[sflag:s12] =	ssyncadd.s32 $0xFFFFC000  }
0x4e: {  	s2 =	sor.u32 $0x3A80, s25;
	v0 =	vld [tilespmem:s0+$0xFF00]  }
0x4f: {  	v59 =	vld [tilespmem:s2+$0xC400]  }
0x50: {  	s4 =	sor.u32 $0x3980, s25;
	v60 =	vld [tilespmem:s0+$0xFE00]  }
0x51: {  	v61 =	vld [tilespmem:s4+$0xC400]  }
0x52: {  	s5 =	sor.u32 $0x3880, s25;
	v62 =	vld [tilespmem:s0+$0xFD00]  }
0x53: {  	s1 =	sor.u32 s26, s26;
	v63 =	vld [tilespmem:s5+$0xC400]  }
0x54: {  	s6 =	sor.u32 $0x3380, s1;
	v4 =	vld [tilespmem:s0+$0xFC00]  }
0x55: {  	v5 =	vld [tilespmem:s6+$0xC400]  }
0x56: {  	s7 =	sor.u32 $0x3280, s25;
	v9 =	vld [tilespmem:s0+$0xF700]  }
0x57: {  	v10 =	vld [tilespmem:s7+$0xC400]  }
0x58: {  	s8 =	sor.u32 $0x3180, s25;
	v11 =	vld [tilespmem:s0+$0xF600]  }
0x59: {  	v12 =	vld [tilespmem:s8+$0xC400]  }
0x5a: {  	s9 =	sor.u32 $0x3080, s25;
	v13 =	vld [tilespmem:s0+$0xF500]  }
0x5b: {  	v14 =	vld [tilespmem:s9+$0xC400]  }
0x5c: {  	s10 =	sor.u32 $0x2B80, s1;
	v16 =	vld [tilespmem:s0+$0xF400]  }
0x5d: {  	v17 =	vld [tilespmem:s10+$0xC400]  }
0x5e: {  	s11 =	sor.u32 $0x2A80, s25;
	v18 =	vld [tilespmem:s0+$0xEF00]  }
0x5f: {  	v19 =	vld [tilespmem:s11+$0xC400]  }
0x60: {  	s12 =	sor.u32 $0x2980, s25;
	v20 =	vld [tilespmem:s0+$0xEE00]  }
0x61: {  	v21 =	vld [tilespmem:s12+$0xC400]  }
0x62: {  	s3 =	sor.u32 $0x2880, s25;
	v22 =	vld [tilespmem:s0+$0xED00]  }
0x63: {  	v23 =	vld [tilespmem:s3+$0xC400]  }
0x64: {  	s13 =	sor.u32 $0x2380, s1;
	v24 =	vld [tilespmem:s0+$0xEC00]  }
0x65: {  	v25 =	vld [tilespmem:s13+$0xC400]  }
0x66: {  	s14 =	sor.u32 $0x2280, s25;
	v26 =	vld [tilespmem:s0+$0xE700]  }
0x67: {  	v27 =	vld [tilespmem:s14+$0xC400]  }
0x68: {  	s15 =	sor.u32 $0x2180, s25;
	v28 =	vld [tilespmem:s0+$0xE600]  }
0x69: {  	v29 =	vld [tilespmem:s15+$0xC400]  }
0x6a: {  	s16 =	sor.u32 $0x2080, s25;
	v30 =	vld [tilespmem:s0+$0xE500]  }
0x6b: {  	v31 =	vld [tilespmem:s16+$0xC400]  }
0x6c: {  	s17 =	sor.u32 $0x1B80, s1;
	v32 =	vld [tilespmem:s0+$0xE400]  }
0x6d: {  	v33 =	vld [tilespmem:s17+$0xC400]  }
0x6e: {  	s19 =	sor.u32 $0x1A80, s25;
	v34 =	vld [tilespmem:s0+$0xDF00]  }
0x6f: {  	v35 =	vld [tilespmem:s19+$0xC400]  }
0x70: {  	s20 =	sor.u32 $0x1980, s25;
	v36 =	vld [tilespmem:s0+$0xDE00]  }
0x71: {  	v37 =	vld [tilespmem:s20+$0xC400]  }
0x72: {  	s21 =	sor.u32 $0x1880, s25;
	v38 =	vld [tilespmem:s0+$0xDD00]  }
0x73: {  	v39 =	vld [tilespmem:s21+$0xC400]  }
0x74: {  	s22 =	sor.u32 $0x1380, s1;
	v40 =	vld [tilespmem:s0+$0xDC00]  }
0x75: {  	v41 =	vld [tilespmem:s22+$0xC400]  }
0x76: {  	s23 =	sor.u32 $0x1280, s25;
	v42 =	vld [tilespmem:s0+$0xD700]  }
0x77: {  	v43 =	vld [tilespmem:s23+$0xC400]  }
0x78: {  	s24 =	sor.u32 $0x1180, s25;
	v44 =	vld [tilespmem:s0+$0xD600]  }
0x79: {  	v45 =	vld [tilespmem:s24+$0xC400]  }
0x7a: {  	v15 =	vmov s26;
	s26 =	sor.u32 $0x80, s25;
	v46 =	vld [tilespmem:s0+$0xD500]  }
0x7b: {  	v47 =	vld [tilespmem:s26+$0xC400]  }
0x7c: {  	v48 =	vld [tilespmem:s26+$0x8400]  }
0x7d: {  	v1 =	vld [tilespmem:s0+$0x8400]  }
0x7e: {  	v2 =	vld [tilespmem:s0+$0xC400]  }
0x7f: {  	s26 =	sor.u32 $0x180, s25;
	v3 =	vld [tilespmem:s0+$0x8500]  }
0x80: {  	v15 =	vshll.u32 v15, $0x7;
	v50 =	vld [tilespmem:s26+$0xC400]  }
0x81: {  	v52 =	vld [tilespmem:s26+$0x8400];
	s26 =	sor.u32 $0x280, s25;
	v15 =	vor.u32 v6, v15  }
0x82: {  	v54 =	vld [tilespmem:s26+$0xC400];
	v49 =	vor.u32 $0x1, v15  }
0x83: {  	v51 =	vor.u32 $0x2, v15;
	[tilespmem:$0x1FF00] =	vst v5;
	v5 =	vld [tilespmem:s26+$0x8400]  }
0x84: {  	v53 =	vor.u32 $0x3, v15;
	[tilespmem:$0x1FF10] =	vst v4;
	s26 =	sor.u32 $0x380, s1;
	v4 =	vld [tilespmem:s0+$0xC500]  }
0x85: {  	v55 =	vor.u32 $0x4, v15;
	v6 =	vld [tilespmem:s26+$0x8400]  }
0x86: {  	v57 =	vor.u32 $0x5, v15;
	v56 =	vld.idx.msk [tilespmem:v15+s18+$0x0], $0xffff  }
0x87: {  	v58 =	vor.u32 $0x6, v15;
	v49 =	vld.idx.msk [tilespmem:v49+s18+$0x0], $0xffff  }
0x88: {  	v7 =	vor.u32 $0xC, v15;
	v51 =	vld.idx.msk [tilespmem:v51+s18+$0x0], $0xffff  }
0x89: {  	v53 =	vld.idx.msk [tilespmem:v53+s18+$0x0], $0xffff  }
0x8a: {  	[tilespmem:$0x1FF60] =	vst v59;
	v59 =	vor.u32 $0x7, v15;
	v55 =	vld.idx.msk [tilespmem:v55+s18+$0x0], $0xffff  }
0x8b: {  	[tilespmem:$0x1FF50] =	vst v60;
	v60 =	vor.u32 $0x8, v15;
	v57 =	vld.idx.msk [tilespmem:v57+s18+$0x0], $0xffff  }
0x8c: {  	[tilespmem:$0x1FF40] =	vst v61;
	v61 =	vor.u32 $0x9, v15;
	v58 =	vld.idx.msk [tilespmem:v58+s18+$0x0], $0xffff  }
0x8d: {  	[tilespmem:$0x1FF30] =	vst v62;
	v62 =	vor.u32 $0xA, v15;
	v8 =	vld.idx.msk [tilespmem:v7+s18+$0x0], $0xffff  }
0x8e: {  	[tilespmem:$0x1FF20] =	vst v63;
	v63 =	vor.u32 $0xB, v15;
	v7 =	vld [tilespmem:s26+$0xC400]  }
0x8f: {  	v59 =	vld.idx.msk [tilespmem:v59+s18+$0x0], $0xffff  }
0x90: {  	v60 =	vld.idx.msk [tilespmem:v60+s18+$0x0], $0xffff  }
0x91: {  	v61 =	vld.idx.msk [tilespmem:v61+s18+$0x0], $0xffff  }
0x92: {  	v62 =	vld.idx.msk [tilespmem:v62+s18+$0x0], $0xffff  }
0x93: {  	s26 =	sor.u32 $0x880, s25;
	v63 =	vld.idx.msk [tilespmem:v63+s18+$0x0], $0xffff;
	v1 =	vmul.f32 v1, v56  }
0x94: {  	v56 =	vld [tilespmem:s26+$0xC400];
	v3 =	vmul.f32 v3, v51  }
0x95: {  	v51 =	vld [tilespmem:s0+$0xC600];
	v1 =	vmul.f32 v2, v1;
	v2 =	vmul.f32 v48, v49  }
0x96: {  	v49 =	vld [tilespmem:s0+$0x8600]  }
0x97: {  	v48 =	vld [tilespmem:s26+$0x8400];
	s26 =	sor.u32 $0x980, s25;
	v2 =	vmul.f32 v47, v2;
	v1 =	vadd.f32 $0.0e+00, v1  }
0x98: {  	v47 =	vld [tilespmem:s26+$0xC400]  }
0x99: {  	v1 =	vadd.f32 v2, v1;
	v2 =	vmul.f32 v4, v3;
	v4 =	vld [tilespmem:s26+$0x8400]  }
0x9a: {  	v3 =	vmul.f32 v52, v53;
	s26 =	sor.u32 $0x1080, s25;
	v52 =	vld [tilespmem:s0+$0x8700]  }
0x9b: {  	v53 =	vmul.f32 v49, v55;
	v49 =	vld [tilespmem:s26+$0xC400]  }
0x9c: {  	v55 =	vmul.f32 v5, v57;
	v5 =	vld [tilespmem:s0+$0xD400]  }
0x9d: {  	v1 =	vadd.f32 v2, v1;
	v2 =	vmul.f32 v50, v3;
	v50 =	vld [tilespmem:s0+$0xC700]  }
0x9e: {  	v61 =	vmul.f32 v48, v61;
	v48 =	vld [tilespmem:s0+$0xCF00]  }
0x9f: {  	v1 =	vadd.f32 v2, v1;
	v2 =	vmul.f32 v51, v53;
	v51 =	vld [tilespmem:s0+$0x8C00]  }
0xa0: {  	s25 =	sor.u32 $0xA80, s25;
	v53 =	vld [tilespmem:s0+$0xCC00];
	v57 =	vmul.f32 v52, v58  }
0xa1: {  	v52 =	vld [tilespmem:s25+$0xC400];
	v1 =	vadd.f32 v2, v1;
	v2 =	vmul.f32 v54, v55  }
0xa2: {  	v55 =	vor.u32 $0xE, v15;
	v58 =	vmul.f32 v50, v57;
	v57 =	vmul.f32 v6, v59;
	v6 =	vld [tilespmem:s25+$0x8400]  }
0xa3: {  	v50 =	vld [tilespmem:s0+$0x8D00];
	v1 =	vadd.f32 v2, v1  }
0xa4: {  	v54 =	vor.u32 $0xD, v15;
	s25 =	sor.u32 $0xB80, s1;
	v59 =	vmul.f32 v51, v60;
	v51 =	vld [tilespmem:s0+$0xCD00]  }
0xa5: {  	v1 =	vadd.f32 v58, v1;
	v58 =	vmul.f32 v7, v57;
	v7 =	vld [tilespmem:s25+$0xC400]  }
0xa6: {  	v57 =	vor.u32 $0xF, v15;
	v60 =	vmul.f32 v53, v59;
	v53 =	vld [tilespmem:s0+$0x8E00]  }
0xa7: {  	v63 =	vmul.f32 v4, v63;
	v4 =	vld.idx.msk [tilespmem:v55+s18+$0x0], $0xffff;
	v1 =	vadd.f32 v58, v1  }
0xa8: {  	v59 =	vor.u32 $0x11, v15;
	v58 =	vld [tilespmem:s0+$0x8F00]  }
0xa9: {  	v1 =	vadd.f32 v60, v1;
	v60 =	vmul.f32 v56, v61;
	v61 =	vmul.f32 v50, v62;
	v50 =	vld.idx.msk [tilespmem:v54+s18+$0x0], $0xffff  }
0xaa: {  	v54 =	vld [tilespmem:s0+$0xCE00];
	v56 =	vor.u32 $0x10, v15  }
0xab: {  	v62 =	vmul.f32 v51, v61;
	v61 =	vmul.f32 v53, v8;
	v8 =	vld.idx.msk [tilespmem:v57+s18+$0x0], $0xffff  }
0xac: {  	v1 =	vadd.f32 v60, v1;
	v60 =	vmul.f32 v47, v63;
	v47 =	vld [tilespmem:s25+$0x8400]  }
0xad: {  	v53 =	vor.u32 $0x12, v15;
	v57 =	vmul.f32 v58, v4;
	v58 =	vld.idx.msk [tilespmem:v59+s18+$0x0], $0xffff  }
0xae: {  	v59 =	vld [tilespmem:s26+$0x8400];
	v1 =	vadd.f32 v62, v1  }
0xaf: {  	v62 =	vmul.f32 v54, v61;
	v63 =	vmul.f32 v6, v50;
	v6 =	vld.idx.msk [tilespmem:v56+s18+$0x0], $0xffff;
	v54 =	vor.u32 $0x13, v15  }
0xb0: {  	v50 =	vld [tilespmem:s0+$0x9400];
	v1 =	vadd.f32 v60, v1  }
0xb1: {  	v55 =	vld [tilespmem:s24+$0x8400];
	v60 =	vor.u32 $0x14, v15  }
0xb2: {  	v56 =	vmul.f32 v52, v63;
	v1 =	vadd.f32 v62, v1;
	v62 =	vmul.f32 v47, v8;
	v8 =	vld.idx.msk [tilespmem:v53+s18+$0x0], $0xffff  }
0xb3: {  	v61 =	vmul.f32 v48, v57;
	v48 =	vor.u32 $0x15, v15;
	v47 =	vld [tilespmem:s0+$0x9500]  }
0xb4: {  	v1 =	vadd.f32 v56, v1;
	v54 =	vld.idx.msk [tilespmem:v54+s18+$0x0], $0xffff  }
0xb5: {  	v58 =	vmul.f32 v59, v58;
	v53 =	vmul.f32 v50, v6;
	v50 =	vld [tilespmem:s0+$0x9C00]  }
0xb6: {  	v63 =	vmul.f32 v7, v62;
	v56 =	vor.u32 $0x16, v15;
	v59 =	vld.idx.msk [tilespmem:v60+s18+$0x0], $0xffff;
	v1 =	vadd.f32 v61, v1  }
0xb7: {  	v60 =	vld [tilespmem:s0+$0x9600]  }
0xb8: {  	v61 =	vor.u32 $0x17, v15;
	v1 =	vadd.f32 v63, v1;
	v63 =	vmul.f32 v47, v8;
	v8 =	vld.idx.msk [tilespmem:v48+s18+$0x0], $0xffff  }
0xb9: {  	v47 =	vld [tilespmem:s23+$0x8400]  }
0xba: {  	v48 =	vld [tilespmem:s20+$0x8400]  }
0xbb: {  	v52 =	vor.u32 $0x18, v15;
	v57 =	vmul.f32 v5, v53;
	v54 =	vmul.f32 v55, v54;
	v55 =	vld.idx.msk [tilespmem:v56+s18+$0x0], $0xffff  }
0xbc: {  	v62 =	vmul.f32 v49, v58;
	v56 =	vld [tilespmem:s0+$0x9700]  }
0xbd: {  	v1 =	vadd.f32 v57, v1;
	v57 =	vor.u32 $0x19, v15;
	v59 =	vmul.f32 v60, v59;
	v60 =	vld.idx.msk [tilespmem:v61+s18+$0x0], $0xffff  }
0xbe: {  	v61 =	vld [tilespmem:s22+$0x8400]  }
0xbf: {  	v53 =	vmul.f32 v46, v63;
	v58 =	vmul.f32 v45, v54;
	v45 =	vld [tilespmem:s17+$0x8400];
	v1 =	vadd.f32 v62, v1  }
0xc0: {  	v62 =	vor.u32 $0x1A, v15;
	v49 =	vmul.f32 v47, v8;
	v8 =	vld.idx.msk [tilespmem:v52+s18+$0x0], $0xffff  }
0xc1: {  	v51 =	vor.u32 $0x1B, v15;
	v1 =	vadd.f32 v53, v1;
	v53 =	vmul.f32 v56, v55;
	v55 =	vld [tilespmem:s21+$0x8400]  }
0xc2: {  	v54 =	vld.idx.msk [tilespmem:v57+s18+$0x0], $0xffff  }
0xc3: {  	v1 =	vadd.f32 v58, v1;
	v58 =	vmul.f32 v61, v60;
	v60 =	vld [tilespmem:s0+$0x9D00]  }
0xc4: {  	v63 =	vmul.f32 v44, v59;
	v56 =	vor.u32 $0x1C, v15;
	v57 =	vmul.f32 v42, v53;
	v53 =	vld [tilespmem:s0+$0x9E00]  }
0xc5: {  	v52 =	vmul.f32 v43, v49;
	v61 =	vor.u32 $0x1D, v15;
	v59 =	vld.idx.msk [tilespmem:v62+s18+$0x0], $0xffff  }
0xc6: {  	v49 =	vor.u32 $0x1E, v15;
	v1 =	vadd.f32 v63, v1;
	v63 =	vmul.f32 v50, v8;
	v8 =	vld.idx.msk [tilespmem:v51+s18+$0x0], $0xffff  }
0xc7: {  	v62 =	vmul.f32 v41, v58;
	v58 =	vld [tilespmem:s19+$0x8400]  }
0xc8: {  	v41 =	vld [tilespmem:s0+$0xA600];
	v1 =	vadd.f32 v52, v1;
	v51 =	vmul.f32 v55, v54;
	v54 =	vor.u32 $0x1F, v15  }
0xc9: {  	v52 =	vld.idx.msk [tilespmem:v56+s18+$0x0], $0xffff  }
0xca: {  	v1 =	vadd.f32 v57, v1;
	v57 =	vld.idx.msk [tilespmem:v61+s18+$0x0], $0xffff  }
0xcb: {  	v56 =	vmul.f32 v60, v59;
	v59 =	vor.u32 $0x20, v15;
	v61 =	vmul.f32 v48, v8;
	v8 =	vld.idx.msk [tilespmem:v49+s18+$0x0], $0xffff  }
0xcc: {  	v46 =	vor.u32 $0x22, v15;
	v1 =	vadd.f32 v62, v1;
	v62 =	vld [tilespmem:s0+$0x9F00]  }
0xcd: {  	v50 =	vmul.f32 v40, v63;
	v44 =	vld.idx.msk [tilespmem:v54+s18+$0x0], $0xffff  }
0xce: {  	v54 =	vld [tilespmem:s16+$0x8400]  }
0xcf: {  	v55 =	vmul.f32 v39, v51;
	v1 =	vadd.f32 v50, v1;
	v50 =	vld [tilespmem:s0+$0xA400]  }
0xd0: {  	v63 =	vor.u32 $0x21, v15;
	v51 =	vor.u32 $0x23, v15;
	v60 =	vmul.f32 v38, v56;
	v49 =	vld.idx.msk [tilespmem:v59+s18+$0x0], $0xffff  }
0xd1: {  	v43 =	vmul.f32 v53, v52;
	v48 =	vmul.f32 v58, v57;
	v58 =	vld.idx.msk [tilespmem:v46+s18+$0x0], $0xffff;
	v1 =	vadd.f32 v55, v1  }
0xd2: {  	v42 =	vmul.f32 v37, v61;
	v59 =	vld [tilespmem:s0+$0xA500]  }
0xd3: {  	v37 =	vor.u32 $0x26, v15;
	v47 =	vmul.f32 v36, v43;
	v36 =	vld [tilespmem:s15+$0x8400];
	v1 =	vadd.f32 v60, v1  }
0xd4: {  	v46 =	vld [tilespmem:s14+$0x8400]  }
0xd5: {  	v55 =	vor.u32 $0x24, v15;
	v53 =	vmul.f32 v62, v8;
	v8 =	vld.idx.msk [tilespmem:v63+s18+$0x0], $0xffff;
	v1 =	vadd.f32 v42, v1  }
0xd6: {  	v52 =	vmul.f32 v35, v48;
	v63 =	vld.idx.msk [tilespmem:v51+s18+$0x0], $0xffff  }
0xd7: {  	v35 =	vld [tilespmem:s12+$0x8400];
	v57 =	vmul.f32 v45, v44;
	v60 =	vor.u32 $0x25, v15;
	v1 =	vadd.f32 v47, v1  }
0xd8: {  	v62 =	vmul.f32 v50, v49;
	v44 =	vmul.f32 v59, v58;
	v49 =	vld.idx.msk [tilespmem:v37+s18+$0x0], $0xffff  }
0xd9: {  	v56 =	vmul.f32 v34, v53;
	v61 =	vmul.f32 v33, v57;
	v50 =	vld [tilespmem:s0+$0xA700];
	v1 =	vadd.f32 v52, v1  }
0xda: {  	v42 =	vor.u32 $0x27, v15;
	v40 =	vmul.f32 v54, v8;
	v8 =	vld.idx.msk [tilespmem:v55+s18+$0x0], $0xffff;
	v47 =	vmul.f32 v30, v44  }
0xdb: {  	v57 =	vld [tilespmem:s0+$0xAC00];
	v48 =	vmul.f32 v36, v63;
	v30 =	vor.u32 $0x29, v15;
	v1 =	vadd.f32 v56, v1  }
0xdc: {  	v45 =	vld.idx.msk [tilespmem:v60+s18+$0x0], $0xffff  }
0xdd: {  	v39 =	vmul.f32 v32, v62;
	v51 =	vmul.f32 v29, v48;
	v29 =	vld [tilespmem:s13+$0x8400];
	v1 =	vadd.f32 v61, v1  }
0xde: {  	v43 =	vmul.f32 v31, v40;
	v59 =	vmul.f32 v50, v49;
	v49 =	vld [tilespmem:s10+$0x8400]  }
0xdf: {  	v31 =	vor.u32 $0x28, v15;
	v52 =	vmul.f32 v41, v8;
	v8 =	vld.idx.msk [tilespmem:v42+s18+$0x0], $0xffff;
	v1 =	vadd.f32 v39, v1  }
0xe0: {  	v60 =	vld.idx.msk [tilespmem:v30+s18+$0x0], $0xffff  }
0xe1: {  	v62 =	vmul.f32 v26, v59;
	v26 =	vld [tilespmem:s0+$0xAD00];
	v1 =	vadd.f32 v43, v1  }
0xe2: {  	v59 =	vld [tilespmem:s0+$0xB500]  }
0xe3: {  	v53 =	vor.u32 $0x2A, v15;
	v55 =	vmul.f32 v46, v45;
	v61 =	vld [tilespmem:s3+$0x8400];
	v1 =	vadd.f32 v47, v1  }
0xe4: {  	v54 =	vmul.f32 v28, v52;
	v56 =	vld.idx.msk [tilespmem:v31+s18+$0x0], $0xffff;
	v28 =	vor.u32 $0x2B, v15  }
0xe5: {  	v45 =	vld [tilespmem:s0+$0xAF00];
	v58 =	vmul.f32 v27, v55;
	v27 =	vor.u32 $0x2C, v15;
	v1 =	vadd.f32 v51, v1  }
0xe6: {  	v39 =	vld [tilespmem:s0+$0xAE00]  }
0xe7: {  	v55 =	vld [tilespmem:s9+$0x8400];
	v1 =	vadd.f32 v54, v1  }
0xe8: {  	v63 =	vmul.f32 v29, v8;
	v8 =	vld.idx.msk [tilespmem:v53+s18+$0x0], $0xffff;
	v29 =	vor.u32 $0x2D, v15;
	v37 =	vmul.f32 v61, v60  }
0xe9: {  	v33 =	vmul.f32 v57, v56;
	v34 =	vld.idx.msk [tilespmem:v28+s18+$0x0], $0xffff;
	v1 =	vadd.f32 v58, v1  }
0xea: {  	v32 =	vmul.f32 v25, v63;
	v25 =	vor.u32 $0x2E, v15;
	v38 =	vld.idx.msk [tilespmem:v27+s18+$0x0], $0xffff;
	v40 =	vmul.f32 v23, v37  }
0xeb: {  	v23 =	vld [tilespmem:s11+$0x8400];
	v36 =	vmul.f32 v24, v33;
	v24 =	vor.u32 $0x2F, v15;
	v1 =	vadd.f32 v62, v1  }
0xec: {  	v37 =	vld [tilespmem:s7+$0x8400]  }
0xed: {  	v41 =	vmul.f32 v26, v8;
	v8 =	vld.idx.msk [tilespmem:v29+s18+$0x0], $0xffff;
	v26 =	vor.u32 $0x30, v15;
	v1 =	vadd.f32 v32, v1  }
0xee: {  	v33 =	vld [tilespmem:s0+$0xB600]  }
0xef: {  	v43 =	vmul.f32 v35, v34;
	v44 =	vld.idx.msk [tilespmem:v25+s18+$0x0], $0xffff;
	v1 =	vadd.f32 v36, v1  }
0xf0: {  	v42 =	vmul.f32 v22, v41;
	v22 =	vor.u32 $0x31, v15;
	v47 =	vmul.f32 v39, v38;
	v48 =	vld.idx.msk [tilespmem:v24+s18+$0x0], $0xffff  }
0xf1: {  	v46 =	vmul.f32 v21, v43;
	v21 =	vor.u32 $0x32, v15;
	v43 =	vld [tilespmem:s6+$0x8400];
	v1 =	vadd.f32 v40, v1  }
0xf2: {  	v51 =	vmul.f32 v23, v8;
	v8 =	vld.idx.msk [tilespmem:v26+s18+$0x0], $0xffff  }
0xf3: {  	v50 =	vmul.f32 v20, v47;
	v20 =	vld [tilespmem:s0+$0xB400];
	v23 =	vor.u32 $0x33, v15;
	v1 =	vadd.f32 v42, v1  }
0xf4: {  	v47 =	vld [tilespmem:s0+$0xBC00];
	v53 =	vmul.f32 v45, v44  }
0xf5: {  	v52 =	vmul.f32 v19, v51;
	v54 =	vld.idx.msk [tilespmem:v22+s18+$0x0], $0xffff;
	v19 =	vor.u32 $0x34, v15;
	v1 =	vadd.f32 v46, v1  }
0xf6: {  	v56 =	vmul.f32 v18, v53;
	v58 =	vld.idx.msk [tilespmem:v21+s18+$0x0], $0xffff  }
0xf7: {  	v57 =	vmul.f32 v49, v48;
	v18 =	vor.u32 $0x35, v15;
	v53 =	vld [tilespmem:s0+$0xBD00];
	v1 =	vadd.f32 v50, v1  }
0xf8: {  	v61 =	vmul.f32 v20, v8;
	v8 =	vld.idx.msk [tilespmem:v23+s18+$0x0], $0xffff  }
0xf9: {  	v60 =	vmul.f32 v17, v57;
	v17 =	vld [tilespmem:s8+$0x8400];
	v1 =	vadd.f32 v52, v1  }
0xfa: {  	v20 =	vor.u32 $0x36, v15;
	v32 =	vld.idx.msk [tilespmem:v19+s18+$0x0], $0xffff  }
0xfb: {  	v63 =	vmul.f32 v55, v54;
	v54 =	vld [tilespmem:$0x1FF00];
	v1 =	vadd.f32 v56, v1  }
0xfc: {  	v62 =	vmul.f32 v16, v61;
	v36 =	vld.idx.msk [tilespmem:v18+s18+$0x0], $0xffff  }
0xfd: {  	v16 =	vor.u32 $0x37, v15;
	v35 =	vmul.f32 v59, v58;
	v58 =	vld [tilespmem:s4+$0x8400];
	v1 =	vadd.f32 v60, v1  }
0xfe: {  	v34 =	vmul.f32 v14, v63;
	v59 =	vld [tilespmem:$0x1FF10]  }
0xff: {  	v14 =	vor.u32 $0x38, v15;
	v39 =	vmul.f32 v17, v8;
	v8 =	vld.idx.msk [tilespmem:v20+s18+$0x0], $0xffff;
	v1 =	vadd.f32 v62, v1  }
0x100: {  	v38 =	vmul.f32 v13, v35;
	v13 =	vld [tilespmem:s0+$0xB700];
	v17 =	vor.u32 $0x39, v15  }
0x101: {  	v35 =	vld [tilespmem:$0x1FF30];
	v1 =	vadd.f32 v34, v1  }
0x102: {  	v41 =	vmul.f32 v33, v32;
	v42 =	vld.idx.msk [tilespmem:v16+s18+$0x0], $0xffff  }
0x103: {  	v40 =	vmul.f32 v12, v39;
	v12 =	vor.u32 $0x3A, v15;
	v39 =	vld [tilespmem:s0+$0xBF00];
	v1 =	vadd.f32 v38, v1  }
0x104: {  	v44 =	vmul.f32 v11, v41;
	v45 =	vmul.f32 v37, v36;
	v46 =	vld.idx.msk [tilespmem:v14+s18+$0x0], $0xffff;
	v11 =	vor.u32 $0x3B, v15  }
0x105: {  	v49 =	vmul.f32 v13, v8;
	v8 =	vld.idx.msk [tilespmem:v17+s18+$0x0], $0xffff;
	v1 =	vadd.f32 v40, v1  }
0x106: {  	v48 =	vmul.f32 v10, v45;
	v10 =	vld [tilespmem:s5+$0x8400]  }
0x107: {  	v13 =	vor.u32 $0x3C, v15;
	v51 =	vmul.f32 v43, v42;
	v43 =	vld [tilespmem:$0x1FF50];
	v1 =	vadd.f32 v44, v1  }
0x108: {  	v52 =	vld.idx.msk [tilespmem:v12+s18+$0x0], $0xffff  }
0x109: {  	v50 =	vmul.f32 v9, v49;
	v57 =	vld.idx.msk [tilespmem:v11+s18+$0x0], $0xffff;
	v1 =	vadd.f32 v48, v1  }
0x10a: {  	v9 =	vor.u32 $0x3D, v15;
	v62 =	vld [tilespmem:$0x1FF20]  }
0x10b: {  	v55 =	vmul.f32 v54, v51;
	v56 =	vmul.f32 v47, v46;
	v47 =	vld [tilespmem:$0x1FF60];
	v1 =	vadd.f32 v50, v1  }
0x10c: {  	v61 =	vmul.f32 v10, v8;
	v8 =	vld.idx.msk [tilespmem:v13+s18+$0x0], $0xffff  }
0x10d: {  	v11 =	vor.u32 $0x3E, v15;
	v60 =	vmul.f32 v59, v56;
	v10 =	vld [tilespmem:s0+$0xBE00];
	v1 =	vadd.f32 v55, v1  }
0x10e: {  	v12 =	vor.u32 $0x3F, v15;
	v40 =	vld [tilespmem:$0x1FF40]  }
0x10f: {  	v34 =	vld [tilespmem:s2+$0x8400];
	v32 =	vmul.f32 v53, v52;
	v63 =	vmul.f32 v62, v61;
	v1 =	vadd.f32 v60, v1  }
0x110: {  	s16 =	sor.u32 $0x3B80, s1;
	v33 =	vld.idx.msk [tilespmem:v9+s18+$0x0], $0xffff  }
0x111: {  	v9 =	vld [tilespmem:s16+$0x8400];
	v37 =	vmul.f32 v58, v57;
	v36 =	vmul.f32 v35, v32;
	v1 =	vadd.f32 v63, v1  }
0x112: {  	[tilespmem:$0x1FF70] =	vst v0;
	v38 =	vld.idx.msk [tilespmem:v11+s18+$0x0], $0xffff  }
0x113: {  	v42 =	vmul.f32 v10, v8;
	v8 =	vld.idx.msk [tilespmem:v12+s18+$0x0], $0xffff;
	v41 =	vmul.f32 v40, v37;
	v1 =	vadd.f32 v36, v1  }
0x114: {  	v50 =	vld [tilespmem:$0x1FF70]  }
0x115: {  	v44 =	vmul.f32 v43, v42;
	v45 =	vmul.f32 v34, v33;
	v1 =	vadd.f32 v41, v1  }
0x116: {  	v46 =	vld [tilespmem:s16+$0xC400]  }
0x117: {  	v49 =	vmul.f32 v39, v38;
	v48 =	vmul.f32 v47, v45;
	v1 =	vadd.f32 v44, v1;
	_ =	sdelay $0x1  }
0x118: {  	v52 =	vmul.f32 v9, v8;
	v51 =	vmul.f32 v50, v49;
	v1 =	vadd.f32 v48, v1;
	_ =	sdelay $0x1  }
0x119: {  	v53 =	vmul.f32 v46, v52;
	v1 =	vadd.f32 v51, v1;
	_ =	sdelay $0x1  }
0x11a: {  	s17 =	simm.s32 $0x10;
	s15 =	simm.s32 $0x80;
	v1 =	vadd.f32 v53, v1  }
0x11b: {  	s20 =	sand.u32 $0x70, s17;
	s19 =	sand.u32 $0xFFFFFC00, s15;
	s21 =	sand.u32 $0x400, s15  }
0x11c: {  	s26 =	sor.u32 s20, s21;
	s21 =	sadd.s32 $0x10, s19;
	[tilespmem:s28+$0x0] =	vst v1  }
0x11d: {  	s19 =	sor.u32 $0x3A80, s21;
	v61 =	vld [tilespmem:s26+$0xFF00]  }
0x11e: {  	v62 =	vld [tilespmem:s19+$0xC400]  }
0x11f: {  	s0 =	sor.u32 $0x3980, s21;
	v63 =	vld [tilespmem:s26+$0xFE00]  }
0x120: {  	v54 =	vld [tilespmem:s0+$0xC400]  }
0x121: {  	s22 =	sor.u32 $0x3880, s21;
	v55 =	vld [tilespmem:s26+$0xFD00]  }
0x122: {  	v56 =	vld [tilespmem:s22+$0xC400]  }
0x123: {  	v57 =	vld [tilespmem:s26+$0xFC00]  }
0x124: {  	s24 =	sor.u32 $0x3280, s21;
	v59 =	vld [tilespmem:s26+$0xF700]  }
0x125: {  	v60 =	vld [tilespmem:s24+$0xC400]  }
0x126: {  	s25 =	sor.u32 $0x3180, s21;
	v11 =	vld [tilespmem:s26+$0xF600]  }
0x127: {  	v12 =	vld [tilespmem:s25+$0xC400]  }
0x128: {  	v13 =	vld [tilespmem:s26+$0xF500]  }
0x129: {  	v15 =	vld [tilespmem:s26+$0xF400]  }
0x12a: {  	s14 =	sor.u32 $0x2A80, s21;
	v17 =	vld [tilespmem:s26+$0xEF00]  }
0x12b: {  	v18 =	vld [tilespmem:s14+$0xC400]  }
0x12c: {  	s20 =	sor.u32 $0x2980, s21;
	v19 =	vld [tilespmem:s26+$0xEE00]  }
0x12d: {  	v20 =	vld [tilespmem:s20+$0xC400]  }
0x12e: {  	v21 =	vld [tilespmem:s26+$0xED00]  }
0x12f: {  	v23 =	vld [tilespmem:s26+$0xEC00]  }
0x130: {  	s6 =	sor.u32 $0x2280, s21;
	v25 =	vld [tilespmem:s26+$0xE700]  }
0x131: {  	v26 =	vld [tilespmem:s6+$0xC400]  }
0x132: {  	s7 =	sor.u32 $0x2180, s21;
	v27 =	vld [tilespmem:s26+$0xE600]  }
0x133: {  	v28 =	vld [tilespmem:s7+$0xC400]  }
0x134: {  	s8 =	sor.u32 $0x2080, s21;
	v29 =	vld [tilespmem:s26+$0xE500]  }
0x135: {  	v30 =	vld [tilespmem:s8+$0xC400]  }
0x136: {  	v31 =	vld [tilespmem:s26+$0xE400]  }
0x137: {  	s10 =	sor.u32 $0x1A80, s21;
	v33 =	vld [tilespmem:s26+$0xDF00]  }
0x138: {  	v34 =	vld [tilespmem:s10+$0xC400]  }
0x139: {  	s2 =	sor.u32 $0x1980, s21;
	v35 =	vld [tilespmem:s26+$0xDE00]  }
0x13a: {  	v36 =	vld [tilespmem:s2+$0xC400]  }
0x13b: {  	s12 =	sor.u32 $0x1880, s21;
	v37 =	vld [tilespmem:s26+$0xDD00]  }
0x13c: {  	v38 =	vld [tilespmem:s12+$0xC400]  }
0x13d: {  	v40 =	vld [tilespmem:s26+$0xDC00]  }
0x13e: {  	s16 =	sor.u32 $0x1280, s21;
	v42 =	vld [tilespmem:s26+$0xD700]  }
0x13f: {  	v43 =	vld [tilespmem:s16+$0xC400]  }
0x140: {  	s11 =	sor.u32 $0x1180, s21;
	v44 =	vld [tilespmem:s26+$0xD600]  }
0x141: {  	v45 =	vld [tilespmem:s11+$0xC400]  }
0x142: {  	s3 =	sor.u32 $0x1080, s21;
	v46 =	vld [tilespmem:s26+$0xD500]  }
0x143: {  	v47 =	vld [tilespmem:s3+$0xC400]  }
0x144: {  	v48 =	vld [tilespmem:s26+$0xD400]  }
0x145: {  	s29 =	sor.u32 $0xA80, s21;
	v50 =	vld [tilespmem:s26+$0xCF00]  }
0x146: {  	v51 =	vld [tilespmem:s29+$0xC400]  }
0x147: {  	s31 =	sor.u32 $0x980, s21;
	s28 =	sor.u32 s17, s15;
	v52 =	vld [tilespmem:s26+$0xCE00]  }
0x148: {  	s23 =	sor.u32 $0x3380, s28;
	v53 =	vld [tilespmem:s31+$0xC400]  }
0x149: {  	[dreg:$0x9] =	wrdreg s22;
	s22 =	sor.u32 $0x3080, s21;
	v58 =	vld [tilespmem:s23+$0xC400]  }
0x14a: {  	[dreg:$0xd] =	wrdreg s24;
	s24 =	sor.u32 $0x2880, s21;
	v14 =	vld [tilespmem:s22+$0xC400]  }
0x14b: {  	s4 =	sor.u32 $0x2380, s28;
	v22 =	vld [tilespmem:s24+$0xC400]  }
0x14c: {  	s9 =	sor.u32 $0x1B80, s28;
	v24 =	vld [tilespmem:s4+$0xC400]  }
0x14d: {  	s13 =	sor.u32 $0x1380, s28;
	v32 =	vld [tilespmem:s9+$0xC400]  }
0x14e: {  	[dreg:$0xf] =	wrdreg s25;
	s25 =	sor.u32 $0xB80, s28;
	v41 =	vld [tilespmem:s13+$0xC400]  }
0x14f: {  	[dreg:$0xb] =	wrdreg s23;
	s23 =	sor.u32 $0x2B80, s28;
	v49 =	vld [tilespmem:s25+$0xC400];
	[tilespmem:$0x1FF80] =	vst v54  }
0x150: {  	v16 =	vld [tilespmem:s23+$0xC400];
	[tilespmem:$0x1FF90] =	vst v55  }
0x151: {  	s1 =	sor.u32 $0x880, s21;
	[tilespmem:$0x1FFA0] =	vst v56;
	v54 =	vld [tilespmem:s26+$0xCD00]  }
0x152: {  	[tilespmem:$0x1FFB0] =	vst v57;
	v55 =	vld [tilespmem:s1+$0xC400]  }
0x153: {  	[dreg:$0x7] =	wrdreg s0;
	s0 =	sor.u32 $0x380, s28;
	[tilespmem:$0x1FFD0] =	vst v59;
	v56 =	vld [tilespmem:s26+$0xCC00]  }
0x154: {  	[tilespmem:$0x1FFE0] =	vst v60;
	v57 =	vld [tilespmem:s0+$0xC400]  }
0x155: {  	s30 =	simm.s32 $0x10400;
	s5 =	simm.s32 $0x20;
	v39 =	vmov s17;
	s17 =	sor.u32 $0x280, s21;
	[tilespmem:$0x1FFC0] =	vst v58;
	v58 =	vld [tilespmem:s26+$0xC700]  }
.LBB2_2:
0x156: {  	v0 =	vld [tilespmem:$0x1FFF0];
	_ =	sdelay $0x2  }
0x157: {  	v59 =	vld [tilespmem:s17+$0xC400]  }
0x158: {  	v39 =	vshll.u32 v39, $0x7;
	v60 =	vld [tilespmem:s26+$0xC600]  }
0x159: {  	v1 =	vld [tilespmem:s26+$0xC400];
	v39 =	vor.u32 v0, v39  }
0x15a: {  	v4 =	vld [tilespmem:s26+$0x8400]  }
0x15b: {  	[dreg:$0x11] =	wrdreg s19;
	s19 =	sor.u32 $0x180, s21;
	s21 =	sor.u32 $0x80, s21;
	v8 =	vld [tilespmem:s26+$0x8500];
	[tilespmem:$0x1FEE0] =	vst v62;
	v62 =	vor.u32 $0x1, v39  }
0x15c: {  	v6 =	vld [tilespmem:s21+$0x8400]  }
0x15d: {  	[tilespmem:$0x1FEF0] =	vst v61;
	v61 =	vld [tilespmem:s19+$0xC400];
	v2 =	vor.u32 $0x2, v39  }
0x15e: {  	v5 =	vor.u32 $0x3, v39;
	v3 =	vld.idx.msk [tilespmem:v39+s18+$0x0], $0xffff  }
0x15f: {  	[tilespmem:$0x1FED0] =	vst v63;
	v63 =	vld [tilespmem:s26+$0xC500]  }
0x160: {  	v7 =	vor.u32 $0x4, v39;
	v62 =	vld.idx.msk [tilespmem:v62+s18+$0x0], $0xffff  }
0x161: {  	v0 =	vld [tilespmem:s21+$0xC400]  }
0x162: {  	v2 =	vld.idx.msk [tilespmem:v2+s18+$0x0], $0xffff  }
0x163: {  	v9 =	vor.u32 $0x5, v39;
	v3 =	vmul.f32 v4, v3;
	v4 =	vld.idx.msk [tilespmem:v5+s18+$0x0], $0xffff  }
0x164: {  	v10 =	vor.u32 $0x6, v39;
	v5 =	vld [tilespmem:s19+$0x8400]  }
0x165: {  	v1 =	vmul.f32 v1, v3;
	v3 =	vmul.f32 v6, v62;
	v6 =	vld.idx.msk [tilespmem:v7+s18+$0x0], $0xffff  }
0x166: {  	v7 =	vld [tilespmem:s26+$0x8600];
	v62 =	vor.u32 $0x7, v39  }
0x167: {  	v2 =	vmul.f32 v8, v2;
	v8 =	vld [tilespmem:s17+$0x8400];
	v1 =	vadd.f32 $0.0e+00, v1;
	v0 =	vmul.f32 v0, v3  }
0x168: {  	v3 =	vld.idx.msk [tilespmem:v9+s18+$0x0], $0xffff;
	v9 =	vor.u32 $0x8, v39  }
0x169: {  	v0 =	vadd.f32 v0, v1;
	v1 =	vmul.f32 v63, v2;
	v63 =	vmul.f32 v5, v4;
	v4 =	vld.idx.msk [tilespmem:v10+s18+$0x0], $0xffff  }
0x16a: {  	v5 =	vld [tilespmem:s26+$0x8700];
	v10 =	vor.u32 $0x9, v39  }
0x16b: {  	v2 =	vmul.f32 v7, v6;
	v6 =	vld.idx.msk [tilespmem:v62+s18+$0x0], $0xffff  }
0x16c: {  	v7 =	vld [tilespmem:s0+$0x8400];
	v0 =	vadd.f32 v1, v0  }
0x16d: {  	v1 =	vmul.f32 v61, v63;
	v61 =	vor.u32 $0xA, v39;
	v63 =	vmul.f32 v8, v3;
	v3 =	vld.idx.msk [tilespmem:v9+s18+$0x0], $0xffff  }
0x16e: {  	v8 =	vld [tilespmem:s26+$0x8C00];
	v9 =	vor.u32 $0xB, v39  }
0x16f: {  	v62 =	vmul.f32 v60, v2;
	v0 =	vadd.f32 v1, v0;
	v60 =	vmul.f32 v5, v4;
	v4 =	vld.idx.msk [tilespmem:v10+s18+$0x0], $0xffff  }
0x170: {  	v5 =	vld [tilespmem:s1+$0x8400];
	v10 =	vor.u32 $0xC, v39  }
0x171: {  	v59 =	vmul.f32 v59, v63;
	v0 =	vadd.f32 v62, v0;
	v63 =	vmul.f32 v7, v6;
	v7 =	vld [tilespmem:s26+$0x8D00]  }
0x172: {  	v62 =	vmul.f32 v58, v60;
	v6 =	vld.idx.msk [tilespmem:v61+s18+$0x0], $0xffff;
	v58 =	vor.u32 $0xD, v39  }
0x173: {  	v0 =	vadd.f32 v59, v0;
	v60 =	vmul.f32 v8, v3;
	v3 =	vld.idx.msk [tilespmem:v9+s18+$0x0], $0xffff  }
0x174: {  	v8 =	vld [tilespmem:s31+$0x8400]  }
0x175: {  	v59 =	vmul.f32 v57, v63;
	v0 =	vadd.f32 v62, v0;
	v62 =	vmul.f32 v5, v4;
	v4 =	vld.idx.msk [tilespmem:v10+s18+$0x0], $0xffff  }
0x176: {  	v9 =	vor.u32 $0xE, v39;
	v5 =	vld [tilespmem:s26+$0x8E00]  }
0x177: {  	v61 =	vmul.f32 v56, v60;
	v10 =	vor.u32 $0xF, v39;
	v0 =	vadd.f32 v59, v0;
	v58 =	vld.idx.msk [tilespmem:v58+s18+$0x0], $0xffff  }
0x178: {  	v59 =	vld [tilespmem:s29+$0x8400]  }
0x179: {  	v60 =	vor.u32 $0x10, v39;
	v63 =	vmul.f32 v55, v62;
	v55 =	vld [tilespmem:s26+$0x9500];
	v0 =	vadd.f32 v61, v0  }
0x17a: {  	v57 =	vmul.f32 v7, v6;
	v62 =	vmul.f32 v8, v3;
	v8 =	vld [tilespmem:s26+$0x8F00]  }
0x17b: {  	v0 =	vadd.f32 v63, v0;
	v63 =	vld.idx.msk [tilespmem:v9+s18+$0x0], $0xffff;
	v9 =	vor.u32 $0x11, v39  }
0x17c: {  	v61 =	vmul.f32 v54, v57;
	v54 =	vmul.f32 v5, v4;
	v4 =	vld.idx.msk [tilespmem:v10+s18+$0x0], $0xffff  }
0x17d: {  	v5 =	vld [tilespmem:s25+$0x8400]  }
0x17e: {  	v10 =	vor.u32 $0x12, v39;
	v57 =	vmul.f32 v59, v58;
	v58 =	vld.idx.msk [tilespmem:v60+s18+$0x0], $0xffff  }
0x17f: {  	v59 =	vld [tilespmem:s26+$0x9400];
	v60 =	vor.u32 $0x13, v39  }
0x180: {  	v53 =	vmul.f32 v53, v62;
	v0 =	vadd.f32 v61, v0;
	v62 =	vmul.f32 v8, v63;
	v63 =	vld.idx.msk [tilespmem:v9+s18+$0x0], $0xffff  }
0x181: {  	v8 =	vld [tilespmem:s3+$0x8400];
	v9 =	vor.u32 $0x14, v39  }
0x182: {  	v56 =	vmul.f32 v52, v54;
	v52 =	vld [tilespmem:s16+$0x8400];
	v0 =	vadd.f32 v53, v0  }
0x183: {  	v61 =	vmul.f32 v51, v57;
	v54 =	vld.idx.msk [tilespmem:v10+s18+$0x0], $0xffff;
	v10 =	vor.u32 $0x15, v39  }
0x184: {  	v0 =	vadd.f32 v56, v0;
	v57 =	vmul.f32 v59, v58;
	v58 =	vld.idx.msk [tilespmem:v60+s18+$0x0], $0xffff;
	v60 =	vor.u32 $0x16, v39  }
0x185: {  	v59 =	vld [tilespmem:s11+$0x8400]  }
0x186: {  	v51 =	vmul.f32 v50, v62;
	v0 =	vadd.f32 v61, v0;
	v62 =	vmul.f32 v8, v63;
	v63 =	vld.idx.msk [tilespmem:v9+s18+$0x0], $0xffff  }
0x187: {  	v8 =	vld [tilespmem:s26+$0x9600]  }
0x188: {  	v53 =	vmul.f32 v5, v4;
	v50 =	vmul.f32 v55, v54;
	v0 =	vadd.f32 v51, v0;
	v51 =	vld.idx.msk [tilespmem:v10+s18+$0x0], $0xffff  }
0x189: {  	v9 =	vor.u32 $0x17, v39;
	v55 =	vld.idx.msk [tilespmem:v60+s18+$0x0], $0xffff  }
0x18a: {  	v56 =	vmul.f32 v49, v53;
	v53 =	vmul.f32 v46, v50;
	v50 =	vld [tilespmem:s12+$0x8400]  }
0x18b: {  	v10 =	vor.u32 $0x18, v39;
	v54 =	vmul.f32 v59, v58;
	v46 =	vld [tilespmem:s26+$0x9F00]  }
0x18c: {  	v61 =	vmul.f32 v48, v57;
	v57 =	vor.u32 $0x19, v39;
	v0 =	vadd.f32 v56, v0;
	v56 =	vld [tilespmem:s26+$0x9700]  }
0x18d: {  	v58 =	vmul.f32 v45, v54;
	v45 =	vld [tilespmem:s26+$0x9C00]  }
0x18e: {  	v60 =	vld.idx.msk [tilespmem:v9+s18+$0x0], $0xffff;
	v9 =	vor.u32 $0x1A, v39  }
0x18f: {  	v48 =	vmul.f32 v47, v62;
	v59 =	vmul.f32 v8, v63;
	v8 =	vld [tilespmem:s13+$0x8400]  }
0x190: {  	v0 =	vadd.f32 v61, v0;
	v62 =	vmul.f32 v52, v51;
	v63 =	vld.idx.msk [tilespmem:v10+s18+$0x0], $0xffff;
	v10 =	vor.u32 $0x1B, v39  }
0x191: {  	v49 =	vld.idx.msk [tilespmem:v57+s18+$0x0], $0xffff  }
0x192: {  	v0 =	vadd.f32 v48, v0;
	v47 =	vmul.f32 v43, v62;
	v62 =	vld [tilespmem:s26+$0x9E00]  }
0x193: {  	v51 =	vor.u32 $0x1C, v39;
	v54 =	vld.idx.msk [tilespmem:v9+s18+$0x0], $0xffff  }
0x194: {  	v0 =	vadd.f32 v53, v0;
	v53 =	vmul.f32 v8, v60;
	v8 =	vld [tilespmem:s26+$0x9D00];
	v9 =	vor.u32 $0x1D, v39  }
0x195: {  	v61 =	vmul.f32 v44, v59;
	v57 =	vld.idx.msk [tilespmem:v10+s18+$0x0], $0xffff  }
0x196: {  	v48 =	vmul.f32 v56, v55;
	v0 =	vadd.f32 v58, v0;
	v58 =	vld [tilespmem:s2+$0x8400];
	v10 =	vor.u32 $0x1E, v39  }
0x197: {  	v56 =	vmul.f32 v45, v63;
	v60 =	vmul.f32 v50, v49;
	v63 =	vor.u32 $0x1F, v39;
	v50 =	vld [tilespmem:s9+$0x8400]  }
0x198: {  	v0 =	vadd.f32 v61, v0;
	v61 =	vld.idx.msk [tilespmem:v51+s18+$0x0], $0xffff  }
0x199: {  	v52 =	vmul.f32 v42, v48;
	v51 =	vor.u32 $0x22, v39;
	v42 =	vld.idx.msk [tilespmem:v9+s18+$0x0], $0xffff  }
0x19a: {  	v55 =	vmul.f32 v41, v53;
	v41 =	vmul.f32 v8, v54;
	v8 =	vld [tilespmem:s10+$0x8400]  }
0x19b: {  	v0 =	vadd.f32 v47, v0;
	v45 =	vld.idx.msk [tilespmem:v10+s18+$0x0], $0xffff  }
0x19c: {  	v9 =	vor.u32 $0x20, v39;
	v49 =	vld.idx.msk [tilespmem:v63+s18+$0x0], $0xffff  }
0x19d: {  	v44 =	vmul.f32 v58, v57;
	v58 =	vld [tilespmem:s8+$0x8400];
	v0 =	vadd.f32 v52, v0  }
0x19e: {  	v10 =	vor.u32 $0x21, v39;
	v48 =	vmul.f32 v62, v61;
	v61 =	vld.idx.msk [tilespmem:v51+s18+$0x0], $0xffff  }
0x19f: {  	v59 =	vmul.f32 v40, v56;
	v63 =	vor.u32 $0x25, v39;
	v62 =	vld [tilespmem:s26+$0xA500];
	v0 =	vadd.f32 v55, v0  }
0x1a0: {  	v43 =	vmul.f32 v37, v41;
	v41 =	vld [tilespmem:s26+$0xA600]  }
0x1a1: {  	v38 =	vmul.f32 v38, v60;
	v0 =	vadd.f32 v59, v0;
	v54 =	vld.idx.msk [tilespmem:v9+s18+$0x0], $0xffff  }
0x1a2: {  	v53 =	vmul.f32 v8, v42;
	v8 =	vld [tilespmem:s26+$0xA400]  }
0x1a3: {  	v9 =	vor.u32 $0x23, v39;
	v57 =	vld.idx.msk [tilespmem:v10+s18+$0x0], $0xffff;
	v0 =	vadd.f32 v38, v0  }
0x1a4: {  	v47 =	vmul.f32 v36, v44;
	v44 =	vld.idx.msk [tilespmem:v63+s18+$0x0], $0xffff  }
0x1a5: {  	v56 =	vmul.f32 v46, v45;
	v10 =	vor.u32 $0x24, v39;
	v45 =	vld [tilespmem:s6+$0x8400];
	v0 =	vadd.f32 v43, v0  }
0x1a6: {  	v63 =	vld [tilespmem:s26+$0xAD00]  }
0x1a7: {  	v52 =	vmul.f32 v35, v48;
	v59 =	vmul.f32 v33, v56;
	v56 =	vld [tilespmem:s26+$0xAC00];
	v0 =	vadd.f32 v47, v0  }
0x1a8: {  	v60 =	vmul.f32 v50, v49;
	v55 =	vmul.f32 v34, v53;
	v36 =	vld.idx.msk [tilespmem:v9+s18+$0x0], $0xffff  }
0x1a9: {  	v43 =	vmul.f32 v62, v61;
	v35 =	vmul.f32 v8, v54;
	v8 =	vld [tilespmem:s7+$0x8400];
	v0 =	vadd.f32 v52, v0  }
0x1aa: {  	v34 =	vmul.f32 v32, v60;
	v9 =	vor.u32 $0x26, v39;
	v38 =	vmul.f32 v58, v57;
	v40 =	vld.idx.msk [tilespmem:v10+s18+$0x0], $0xffff  }
0x1ab: {  	v54 =	vmul.f32 v45, v44;
	v46 =	vmul.f32 v29, v43;
	v43 =	vld [tilespmem:s14+$0x8400];
	v0 =	vadd.f32 v55, v0  }
0x1ac: {  	v10 =	vor.u32 $0x27, v39;
	v37 =	vmul.f32 v31, v35;
	v42 =	vmul.f32 v30, v38;
	v35 =	vld [tilespmem:s20+$0x8400]  }
0x1ad: {  	v30 =	vor.u32 $0x28, v39;
	v57 =	vmul.f32 v26, v54;
	v54 =	vld [tilespmem:s26+$0xB400];
	v0 =	vadd.f32 v59, v0  }
0x1ae: {  	v52 =	vld [tilespmem:s4+$0x8400]  }
0x1af: {  	v48 =	vld.idx.msk [tilespmem:v9+s18+$0x0], $0xffff;
	v9 =	vor.u32 $0x29, v39;
	v0 =	vadd.f32 v34, v0  }
0x1b0: {  	v47 =	vmul.f32 v8, v36;
	v8 =	vld [tilespmem:s26+$0xA700];
	v50 =	vmul.f32 v41, v40  }
0x1b1: {  	v51 =	vld.idx.msk [tilespmem:v10+s18+$0x0], $0xffff;
	v10 =	vor.u32 $0x2A, v39;
	v0 =	vadd.f32 v37, v0  }
0x1b2: {  	v53 =	vmul.f32 v27, v50;
	v55 =	vld.idx.msk [tilespmem:v30+s18+$0x0], $0xffff;
	v27 =	vor.u32 $0x2B, v39  }
0x1b3: {  	v49 =	vmul.f32 v28, v47;
	v47 =	vld [tilespmem:s26+$0xAF00];
	v0 =	vadd.f32 v42, v0  }
0x1b4: {  	v59 =	vld.idx.msk [tilespmem:v9+s18+$0x0], $0xffff  }
0x1b5: {  	v58 =	vmul.f32 v8, v48;
	v8 =	vld [tilespmem:s24+$0x8400];
	v9 =	vor.u32 $0x2C, v39;
	v0 =	vadd.f32 v46, v0  }
0x1b6: {  	v61 =	vmul.f32 v52, v51;
	v62 =	vld.idx.msk [tilespmem:v10+s18+$0x0], $0xffff  }
0x1b7: {  	v10 =	vor.u32 $0x2D, v39;
	v33 =	vmul.f32 v56, v55;
	v34 =	vld.idx.msk [tilespmem:v27+s18+$0x0], $0xffff;
	v0 =	vadd.f32 v49, v0  }
0x1b8: {  	s10 =	rddreg [dreg:$0xf];
	v60 =	vmul.f32 v25, v58;
	v32 =	vmul.f32 v24, v61;
	v24 =	vor.u32 $0x2E, v39;
	v58 =	vld [tilespmem:s22+$0x8400]  }
0x1b9: {  	v36 =	vmul.f32 v23, v33;
	v33 =	vld [tilespmem:s10+$0x8400];
	v0 =	vadd.f32 v53, v0  }
0x1ba: {  	v38 =	vld.idx.msk [tilespmem:v9+s18+$0x0], $0xffff  }
0x1bb: {  	v37 =	vmul.f32 v8, v59;
	v8 =	vld [tilespmem:s26+$0xAE00];
	v9 =	vor.u32 $0x2F, v39;
	v0 =	vadd.f32 v57, v0  }
0x1bc: {  	v41 =	vmul.f32 v63, v62;
	v42 =	vld.idx.msk [tilespmem:v10+s18+$0x0], $0xffff  }
0x1bd: {  	v10 =	vor.u32 $0x30, v39;
	v45 =	vmul.f32 v35, v34;
	v46 =	vld.idx.msk [tilespmem:v24+s18+$0x0], $0xffff;
	v0 =	vadd.f32 v60, v0  }
0x1be: {  	v40 =	vmul.f32 v22, v37;
	v44 =	vmul.f32 v21, v41;
	v21 =	vor.u32 $0x31, v39;
	v37 =	vld [tilespmem:s26+$0xB600]  }
0x1bf: {  	v48 =	vmul.f32 v20, v45;
	v45 =	vld [tilespmem:s26+$0xB700];
	v0 =	vadd.f32 v32, v0  }
0x1c0: {  	v50 =	vld.idx.msk [tilespmem:v9+s18+$0x0], $0xffff  }
0x1c1: {  	v49 =	vmul.f32 v8, v38;
	v8 =	vld [tilespmem:s23+$0x8400];
	v9 =	vor.u32 $0x32, v39;
	v0 =	vadd.f32 v36, v0  }
0x1c2: {  	v52 =	vmul.f32 v43, v42;
	v53 =	vld.idx.msk [tilespmem:v10+s18+$0x0], $0xffff  }
0x1c3: {  	s12 =	rddreg [dreg:$0xb];
	v10 =	vor.u32 $0x33, v39;
	v56 =	vmul.f32 v47, v46;
	v57 =	vld.idx.msk [tilespmem:v21+s18+$0x0], $0xffff;
	v0 =	vadd.f32 v40, v0  }
0x1c4: {  	s13 =	rddreg [dreg:$0x9];
	v51 =	vmul.f32 v19, v49;
	v55 =	vmul.f32 v18, v52;
	v49 =	vld [tilespmem:s12+$0x8400]  }
0x1c5: {  	v18 =	vor.u32 $0x34, v39;
	v59 =	vmul.f32 v17, v56;
	v56 =	vld [tilespmem:s13+$0x8400];
	v0 =	vadd.f32 v44, v0  }
0x1c6: {  	v61 =	vld.idx.msk [tilespmem:v9+s18+$0x0], $0xffff  }
0x1c7: {  	v60 =	vmul.f32 v8, v50;
	v8 =	vld [tilespmem:s26+$0xB500];
	v0 =	vadd.f32 v48, v0  }
0x1c8: {  	v32 =	vld.idx.msk [tilespmem:v10+s18+$0x0], $0xffff  }
0x1c9: {  	v9 =	vor.u32 $0x35, v39;
	v63 =	vmul.f32 v54, v53;
	v53 =	vld [tilespmem:$0x1FFE0];
	v0 =	vadd.f32 v51, v0  }
0x1ca: {  	v36 =	vld.idx.msk [tilespmem:v18+s18+$0x0], $0xffff  }
0x1cb: {  	v35 =	vmul.f32 v58, v57;
	v57 =	vld [tilespmem:$0x1FFD0];
	v0 =	vadd.f32 v55, v0  }
0x1cc: {  	v62 =	vmul.f32 v16, v60;
	v60 =	vld [tilespmem:s26+$0xBD00]  }
0x1cd: {  	v10 =	vor.u32 $0x36, v39;
	v38 =	vmul.f32 v14, v35;
	v35 =	vld [tilespmem:s26+$0xBE00];
	v0 =	vadd.f32 v59, v0  }
0x1ce: {  	s11 =	rddreg [dreg:$0xd];
	v41 =	vld.idx.msk [tilespmem:v9+s18+$0x0], $0xffff  }
0x1cf: {  	v34 =	vmul.f32 v15, v63;
	v40 =	vmul.f32 v8, v61;
	v8 =	vld [tilespmem:s11+$0x8400];
	v0 =	vadd.f32 v62, v0  }
0x1d0: {  	v61 =	vld [tilespmem:$0x1FFC0]  }
0x1d1: {  	v15 =	vor.u32 $0x37, v39;
	v43 =	vmul.f32 v33, v32;
	v32 =	vld [tilespmem:$0x1FFB0];
	v0 =	vadd.f32 v34, v0  }
0x1d2: {  	v9 =	vor.u32 $0x38, v39;
	v44 =	vld.idx.msk [tilespmem:v10+s18+$0x0], $0xffff  }
0x1d3: {  	v42 =	vmul.f32 v13, v40;
	v47 =	vmul.f32 v37, v36;
	v36 =	vld [tilespmem:$0x1FFA0];
	v0 =	vadd.f32 v38, v0  }
0x1d4: {  	v40 =	vld [tilespmem:$0x1FF90]  }
0x1d5: {  	v10 =	vor.u32 $0x39, v39;
	v46 =	vmul.f32 v12, v43;
	v43 =	vld [tilespmem:$0x1FF80];
	v0 =	vadd.f32 v42, v0  }
0x1d6: {  	v12 =	vor.u32 $0x3A, v39;
	v48 =	vld.idx.msk [tilespmem:v15+s18+$0x0], $0xffff;
	v50 =	vmul.f32 v11, v47  }
0x1d7: {  	v51 =	vmul.f32 v8, v41;
	v52 =	vld.idx.msk [tilespmem:v9+s18+$0x0], $0xffff;
	v9 =	vor.u32 $0x3B, v39;
	v0 =	vadd.f32 v46, v0  }
0x1d8: {  	v8 =	vld [tilespmem:s26+$0xBC00]  }
0x1d9: {  	v47 =	vld [tilespmem:$0x1FED0];
	v54 =	vmul.f32 v45, v44;
	v1 =	vmul.f32 v53, v51;
	v0 =	vadd.f32 v50, v0  }
0x1da: {  	v55 =	vld.idx.msk [tilespmem:v10+s18+$0x0], $0xffff;
	v10 =	vor.u32 $0x3C, v39  }
0x1db: {  	v58 =	vmul.f32 v49, v48;
	v59 =	vld.idx.msk [tilespmem:v12+s18+$0x0], $0xffff;
	v0 =	vadd.f32 v1, v0;
	v1 =	vmul.f32 v57, v54  }
0x1dc: {  	s14 =	rddreg [dreg:$0x7];
	v11 =	vor.u32 $0x3D, v39;
	v63 =	vld.idx.msk [tilespmem:v9+s18+$0x0], $0xffff  }
0x1dd: {  	v62 =	vmul.f32 v8, v52;
	v8 =	vld [tilespmem:s14+$0x8400];
	v0 =	vadd.f32 v1, v0;
	v1 =	vmul.f32 v61, v58  }
0x1de: {  	v9 =	vor.u32 $0x3E, v39;
	v52 =	vld [tilespmem:$0x1FEF0]  }
0x1df: {  	s16 =	rddreg [dreg:$0x11];
	v33 =	vmul.f32 v56, v55;
	v34 =	vld.idx.msk [tilespmem:v10+s18+$0x0], $0xffff;
	v0 =	vadd.f32 v1, v0;
	v1 =	vmul.f32 v32, v62  }
0x1e0: {  	v10 =	vor.u32 $0x3F, v39;
	v39 =	vld [tilespmem:s16+$0x8400]  }
0x1e1: {  	v37 =	vmul.f32 v60, v59;
	v38 =	vld.idx.msk [tilespmem:v11+s18+$0x0], $0xffff;
	v0 =	vadd.f32 v1, v0;
	v1 =	vmul.f32 v36, v33  }
0x1e2: {  	v41 =	vmul.f32 v8, v63;
	v8 =	vld [tilespmem:s26+$0xBF00]  }
0x1e3: {  	v42 =	vld.idx.msk [tilespmem:v9+s18+$0x0], $0xffff;
	v0 =	vadd.f32 v1, v0;
	v1 =	vmul.f32 v40, v37  }
0x1e4: {  	v50 =	vld [tilespmem:$0x1FEE0]  }
0x1e5: {  	s17 =	sor.u32 $0x3B80, s28;
	v44 =	vmul.f32 v35, v34;
	v45 =	vld.idx.msk [tilespmem:v10+s18+$0x0], $0xffff;
	v0 =	vadd.f32 v1, v0;
	v1 =	vmul.f32 v43, v41  }
0x1e6: {  	v46 =	vld [tilespmem:s17+$0x8400]  }
0x1e7: {  	v48 =	vmul.f32 v39, v38;
	v0 =	vadd.f32 v1, v0;
	v1 =	vmul.f32 v47, v44  }
0x1e8: {  	v49 =	vld [tilespmem:s17+$0xC400]  }
0x1e9: {  	v51 =	vmul.f32 v8, v42;
	v0 =	vadd.f32 v1, v0;
	v1 =	vmul.f32 v50, v48;
	_ =	sdelay $0x1  }
0x1ea: {  	v53 =	vmul.f32 v46, v45;
	v0 =	vadd.f32 v1, v0;
	v1 =	vmul.f32 v52, v51;
	_ =	sdelay $0x1  }
0x1eb: {  	v54 =	vmul.f32 v49, v53;
	v0 =	vadd.f32 v1, v0;
	_ =	sdelay $0x1  }
0x1ec: {  	s15 =	sadd.s32 $0x80, s15;
	s30 =	sadd.s32 $0x10, s30;
	v0 =	vadd.f32 v54, v0  }
0x1ed: {  	s21 =	sand.u32 $0x400, s15;
	s19 =	sand.u32 $0xFFFFFC00, s15;
	s20 =	sand.u32 $0x70, s5  }
0x1ee: {  	s26 =	sor.u32 s20, s21;
	s21 =	sadd.s32 s19, s5;
	[tilespmem:s30+$0x0] =	vst v0  }
0x1ef: {  	s19 =	sor.u32 $0x3A80, s21;
	v61 =	vld [tilespmem:s26+$0xFF00]  }
0x1f0: {  	v62 =	vld [tilespmem:s19+$0xC400]  }
0x1f1: {  	s0 =	sor.u32 $0x3980, s21;
	v63 =	vld [tilespmem:s26+$0xFE00]  }
0x1f2: {  	v0 =	vld [tilespmem:s0+$0xC400]  }
0x1f3: {  	s22 =	sor.u32 $0x3880, s21;
	v55 =	vld [tilespmem:s26+$0xFD00]  }
0x1f4: {  	s28 =	sor.u32 s5, s15;
	v56 =	vld [tilespmem:s22+$0xC400]  }
0x1f5: {  	s23 =	sor.u32 $0x3380, s28;
	v57 =	vld [tilespmem:s26+$0xFC00]  }
0x1f6: {  	v58 =	vld [tilespmem:s23+$0xC400]  }
0x1f7: {  	s24 =	sor.u32 $0x3280, s21;
	v59 =	vld [tilespmem:s26+$0xF700]  }
0x1f8: {  	v60 =	vld [tilespmem:s24+$0xC400]  }
0x1f9: {  	s25 =	sor.u32 $0x3180, s21;
	v11 =	vld [tilespmem:s26+$0xF600]  }
0x1fa: {  	v12 =	vld [tilespmem:s25+$0xC400]  }
0x1fb: {  	v13 =	vld [tilespmem:s26+$0xF500]  }
0x1fc: {  	v15 =	vld [tilespmem:s26+$0xF400]  }
0x1fd: {  	s14 =	sor.u32 $0x2A80, s21;
	v17 =	vld [tilespmem:s26+$0xEF00]  }
0x1fe: {  	v18 =	vld [tilespmem:s14+$0xC400]  }
0x1ff: {  	s20 =	sor.u32 $0x2980, s21;
	v19 =	vld [tilespmem:s26+$0xEE00]  }
0x200: {  	v20 =	vld [tilespmem:s20+$0xC400]  }
0x201: {  	v21 =	vld [tilespmem:s26+$0xED00]  }
0x202: {  	s4 =	sor.u32 $0x2380, s28;
	v23 =	vld [tilespmem:s26+$0xEC00]  }
0x203: {  	v24 =	vld [tilespmem:s4+$0xC400]  }
0x204: {  	s6 =	sor.u32 $0x2280, s21;
	v25 =	vld [tilespmem:s26+$0xE700]  }
0x205: {  	v26 =	vld [tilespmem:s6+$0xC400]  }
0x206: {  	s7 =	sor.u32 $0x2180, s21;
	v27 =	vld [tilespmem:s26+$0xE600]  }
0x207: {  	v28 =	vld [tilespmem:s7+$0xC400]  }
0x208: {  	s8 =	sor.u32 $0x2080, s21;
	v29 =	vld [tilespmem:s26+$0xE500]  }
0x209: {  	v30 =	vld [tilespmem:s8+$0xC400]  }
0x20a: {  	s9 =	sor.u32 $0x1B80, s28;
	v31 =	vld [tilespmem:s26+$0xE400]  }
0x20b: {  	v32 =	vld [tilespmem:s9+$0xC400]  }
0x20c: {  	s10 =	sor.u32 $0x1A80, s21;
	v33 =	vld [tilespmem:s26+$0xDF00]  }
0x20d: {  	v34 =	vld [tilespmem:s10+$0xC400]  }
0x20e: {  	s2 =	sor.u32 $0x1980, s21;
	v35 =	vld [tilespmem:s26+$0xDE00]  }
0x20f: {  	v36 =	vld [tilespmem:s2+$0xC400]  }
0x210: {  	s12 =	sor.u32 $0x1880, s21;
	v37 =	vld [tilespmem:s26+$0xDD00]  }
0x211: {  	v38 =	vld [tilespmem:s12+$0xC400]  }
0x212: {  	s13 =	sor.u32 $0x1380, s28;
	v40 =	vld [tilespmem:s26+$0xDC00]  }
0x213: {  	v41 =	vld [tilespmem:s13+$0xC400]  }
0x214: {  	s16 =	sor.u32 $0x1280, s21;
	v42 =	vld [tilespmem:s26+$0xD700]  }
0x215: {  	v43 =	vld [tilespmem:s16+$0xC400]  }
0x216: {  	s11 =	sor.u32 $0x1180, s21;
	v44 =	vld [tilespmem:s26+$0xD600]  }
0x217: {  	v45 =	vld [tilespmem:s11+$0xC400]  }
0x218: {  	s3 =	sor.u32 $0x1080, s21;
	v46 =	vld [tilespmem:s26+$0xD500]  }
0x219: {  	v47 =	vld [tilespmem:s3+$0xC400]  }
0x21a: {  	v48 =	vld [tilespmem:s26+$0xD400]  }
0x21b: {  	s29 =	sor.u32 $0xA80, s21;
	v50 =	vld [tilespmem:s26+$0xCF00]  }
0x21c: {  	v51 =	vld [tilespmem:s29+$0xC400]  }
0x21d: {  	s31 =	sor.u32 $0x980, s21;
	v52 =	vld [tilespmem:s26+$0xCE00]  }
0x21e: {  	v53 =	vld [tilespmem:s31+$0xC400]  }
0x21f: {  	[dreg:$0x9] =	wrdreg s22;
	s22 =	sor.u32 $0x3080, s21;
	v54 =	vld [tilespmem:s26+$0xCD00]  }
0x220: {  	[dreg:$0xb] =	wrdreg s23;
	s23 =	sor.u32 $0x2B80, s28;
	v14 =	vld [tilespmem:s22+$0xC400]  }
0x221: {  	[dreg:$0xd] =	wrdreg s24;
	s24 =	sor.u32 $0x2880, s21;
	v16 =	vld [tilespmem:s23+$0xC400];
	[tilespmem:$0x1FF80] =	vst v0  }
0x222: {  	p0 =	sne.s32 s5, $0xF0;
	[dreg:$0xf] =	wrdreg s25;
	s25 =	sor.u32 $0xB80, s28;
	v22 =	vld [tilespmem:s24+$0xC400];
	[tilespmem:$0x1FF90] =	vst v55  }
.Ltmp0:
0x223: {  	s1 =	sor.u32 $0x880, s21;
	v49 =	vld [tilespmem:s25+$0xC400];
	[tilespmem:$0x1FFA0] =	vst v56;
	(pc) =	sbr.rel @p0 .LBB2_2-.Ltmp0, $4  }
0x224: {  	[tilespmem:$0x1FFB0] =	vst v57;
	v55 =	vld [tilespmem:s1+$0xC400]  }
0x225: {  	[dreg:$0x7] =	wrdreg s0;
	s0 =	sor.u32 $0x380, s28;
	[tilespmem:$0x1FFC0] =	vst v58;
	v56 =	vld [tilespmem:s26+$0xCC00]  }
0x226: {  	[tilespmem:$0x1FFD0] =	vst v59;
	v57 =	vld [tilespmem:s0+$0xC400]  }
0x227: {  	s17 =	sor.u32 $0x280, s21;
	v39 =	vmov s5;
	s5 =	sadd.s32 $0x10, s5;
	[tilespmem:$0x1FFE0] =	vst v60;
	v58 =	vld [tilespmem:s26+$0xC700]  }
0x228: {  	v1 =	vld [tilespmem:$0x1FFF0];
	_ =	sdelay $0x3  }
0x229: {  	v0 =	vshll.u32 v39, $0x7  }
0x22a: {  	v39 =	vor.u32 v1, v0  }
0x22b: {  	v5 =	vld [tilespmem:s26+$0x8400]  }
0x22c: {  	s5 =	sor.u32 $0x80, s21;
	v8 =	vld [tilespmem:s26+$0xC400];
	v0 =	vor.u32 $0x1, v39  }
0x22d: {  	v60 =	vld [tilespmem:s5+$0xC400]  }
0x22e: {  	v2 =	vld [tilespmem:s5+$0x8400];
	v4 =	vor.u32 $0x2, v39  }
0x22f: {  	s21 =	sor.u32 $0x180, s21;
	v3 =	vld.idx.msk [tilespmem:v39+s18+$0x0], $0xffff  }
0x230: {  	v6 =	vld [tilespmem:s21+$0xC400];
	v7 =	vor.u32 $0x3, v39  }
0x231: {  	v0 =	vld.idx.msk [tilespmem:v0+s18+$0x0], $0xffff  }
0x232: {  	v9 =	vld [tilespmem:s21+$0x8400]  }
0x233: {  	v10 =	vor.u32 $0x4, v39;
	v4 =	vld.idx.msk [tilespmem:v4+s18+$0x0], $0xffff  }
0x234: {  	v3 =	vmul.f32 v5, v3;
	v5 =	vld [tilespmem:s26+$0x8500]  }
0x235: {  	v59 =	vor.u32 $0x5, v39;
	v7 =	vld.idx.msk [tilespmem:v7+s18+$0x0], $0xffff  }
0x236: {  	v0 =	vmul.f32 v2, v0;
	v2 =	vld [tilespmem:s26+$0xC500];
	v3 =	vmul.f32 v8, v3  }
0x237: {  	v1 =	vld [tilespmem:s26+$0xC600]  }
0x238: {  	v8 =	vld.idx.msk [tilespmem:v10+s18+$0x0], $0xffff;
	v10 =	vor.u32 $0x6, v39;
	v0 =	vmul.f32 v60, v0;
	v60 =	vadd.f32 $0.0e+00, v3  }
0x239: {  	v4 =	vmul.f32 v5, v4;
	v5 =	vld [tilespmem:s26+$0x8600]  }
0x23a: {  	v3 =	vld.idx.msk [tilespmem:v59+s18+$0x0], $0xffff;
	v0 =	vadd.f32 v0, v60  }
0x23b: {  	v2 =	vmul.f32 v2, v4;
	v4 =	vmul.f32 v9, v7;
	v7 =	vor.u32 $0x7, v39;
	v9 =	vld [tilespmem:s17+$0x8400]  }
0x23c: {  	v59 =	vld [tilespmem:s17+$0xC400]  }
0x23d: {  	v60 =	vor.u32 $0x8, v39;
	v0 =	vadd.f32 v2, v0;
	v2 =	vmul.f32 v6, v4;
	v4 =	vld.idx.msk [tilespmem:v10+s18+$0x0], $0xffff  }
0x23e: {  	v6 =	vld [tilespmem:s26+$0x8700];
	v5 =	vmul.f32 v5, v8  }
0x23f: {  	v8 =	vld [tilespmem:s0+$0x8400];
	v0 =	vadd.f32 v2, v0  }
0x240: {  	v1 =	vmul.f32 v1, v5;
	v2 =	vmul.f32 v9, v3;
	v3 =	vld.idx.msk [tilespmem:v7+s18+$0x0], $0xffff;
	v5 =	vor.u32 $0x9, v39  }
0x241: {  	v9 =	vor.u32 $0xA, v39  }
0x242: {  	v7 =	vld.idx.msk [tilespmem:v60+s18+$0x0], $0xffff  }
0x243: {  	v10 =	vor.u32 $0xD, v39;
	v0 =	vadd.f32 v1, v0;
	v60 =	vmul.f32 v59, v2;
	v59 =	vld [tilespmem:s26+$0x8C00]  }
0x244: {  	v4 =	vmul.f32 v6, v4;
	v6 =	vld [tilespmem:s1+$0x8400]  }
0x245: {  	v0 =	vadd.f32 v60, v0;
	v60 =	vor.u32 $0xB, v39;
	v3 =	vmul.f32 v8, v3;
	v5 =	vld.idx.msk [tilespmem:v5+s18+$0x0], $0xffff  }
0x246: {  	v9 =	vld.idx.msk [tilespmem:v9+s18+$0x0], $0xffff  }
0x247: {  	v4 =	vmul.f32 v58, v4;
	v8 =	vor.u32 $0xC, v39;
	v3 =	vmul.f32 v57, v3;
	v57 =	vld [tilespmem:s26+$0x8D00]  }
0x248: {  	v10 =	vld.idx.msk [tilespmem:v10+s18+$0x0], $0xffff  }
0x249: {  	v58 =	vld [tilespmem:s31+$0x8400];
	v0 =	vadd.f32 v4, v0;
	v2 =	vmul.f32 v59, v7;
	v59 =	vor.u32 $0xE, v39  }
0x24a: {  	v1 =	vld.idx.msk [tilespmem:v60+s18+$0x0], $0xffff  }
0x24b: {  	v0 =	vadd.f32 v3, v0;
	v2 =	vmul.f32 v56, v2;
	v60 =	vld [tilespmem:s26+$0x8E00]  }
0x24c: {  	v5 =	vmul.f32 v6, v5;
	v6 =	vld.idx.msk [tilespmem:v8+s18+$0x0], $0xffff;
	v4 =	vmul.f32 v57, v9;
	v9 =	vor.u32 $0xF, v39  }
0x24d: {  	v8 =	vld [tilespmem:s29+$0x8400];
	v57 =	vor.u32 $0x10, v39  }
0x24e: {  	v0 =	vadd.f32 v2, v0;
	v5 =	vmul.f32 v55, v5;
	v3 =	vld.idx.msk [tilespmem:v59+s18+$0x0], $0xffff  }
0x24f: {  	v1 =	vmul.f32 v58, v1;
	v58 =	vld [tilespmem:s26+$0x8F00]  }
0x250: {  	v59 =	vor.u32 $0x11, v39;
	v0 =	vadd.f32 v5, v0;
	v4 =	vmul.f32 v54, v4;
	v54 =	vld [tilespmem:s25+$0x8400]  }
0x251: {  	v2 =	vmul.f32 v60, v6;
	v6 =	vor.u32 $0x12, v39;
	v60 =	vld.idx.msk [tilespmem:v9+s18+$0x0], $0xffff  }
0x252: {  	v0 =	vadd.f32 v4, v0;
	v1 =	vmul.f32 v53, v1;
	v53 =	vmul.f32 v8, v10;
	v8 =	vld.idx.msk [tilespmem:v57+s18+$0x0], $0xffff  }
0x253: {  	v10 =	vor.u32 $0x13, v39;
	v9 =	vld [tilespmem:s26+$0x9400]  }
0x254: {  	v52 =	vmul.f32 v52, v2;
	v57 =	vld [tilespmem:s3+$0x8400];
	v0 =	vadd.f32 v1, v0  }
0x255: {  	v55 =	vmul.f32 v51, v53;
	v53 =	vor.u32 $0x15, v39;
	v56 =	vmul.f32 v58, v3;
	v3 =	vld.idx.msk [tilespmem:v59+s18+$0x0], $0xffff  }
0x256: {  	v58 =	vor.u32 $0x14, v39;
	v0 =	vadd.f32 v52, v0;
	v4 =	vld.idx.msk [tilespmem:v6+s18+$0x0], $0xffff  }
0x257: {  	v52 =	vld [tilespmem:s26+$0x9500]  }
0x258: {  	v0 =	vadd.f32 v55, v0;
	v55 =	vmul.f32 v9, v8;
	v8 =	vld.idx.msk [tilespmem:v10+s18+$0x0], $0xffff  }
0x259: {  	v9 =	vld [tilespmem:s11+$0x8400]  }
0x25a: {  	v59 =	vmul.f32 v50, v56;
	v10 =	vor.u32 $0x16, v39;
	v51 =	vld.idx.msk [tilespmem:v53+s18+$0x0], $0xffff  }
0x25b: {  	v60 =	vmul.f32 v54, v60;
	v58 =	vld.idx.msk [tilespmem:v58+s18+$0x0], $0xffff  }
0x25c: {  	v53 =	vor.u32 $0x18, v39;
	v0 =	vadd.f32 v59, v0;
	v57 =	vmul.f32 v57, v3;
	v59 =	vld [tilespmem:s26+$0x9600]  }
0x25d: {  	v54 =	vmul.f32 v49, v60;
	v60 =	vor.u32 $0x17, v39;
	v49 =	vmul.f32 v52, v4;
	v52 =	vld [tilespmem:s16+$0x8400]  }
0x25e: {  	v56 =	vmul.f32 v48, v55;
	v48 =	vmul.f32 v47, v57;
	v47 =	vld [tilespmem:s2+$0x8400]  }
0x25f: {  	v0 =	vadd.f32 v54, v0;
	v55 =	vmul.f32 v9, v8;
	v8 =	vld.idx.msk [tilespmem:v10+s18+$0x0], $0xffff  }
0x260: {  	v9 =	vld [tilespmem:s26+$0x9700];
	v10 =	vor.u32 $0x19, v39  }
0x261: {  	v0 =	vadd.f32 v56, v0;
	v50 =	vld.idx.msk [tilespmem:v53+s18+$0x0], $0xffff  }
0x262: {  	v57 =	vmul.f32 v59, v58;
	v58 =	vld.idx.msk [tilespmem:v60+s18+$0x0], $0xffff  }
0x263: {  	v54 =	vmul.f32 v46, v49;
	v59 =	vld [tilespmem:s13+$0x8400];
	v60 =	vor.u32 $0x1A, v39;
	v0 =	vadd.f32 v48, v0  }
0x264: {  	v49 =	vmul.f32 v52, v51;
	v51 =	vld [tilespmem:s26+$0x9C00]  }
0x265: {  	v0 =	vadd.f32 v54, v0;
	v54 =	vmul.f32 v9, v8;
	v8 =	vld.idx.msk [tilespmem:v10+s18+$0x0], $0xffff  }
0x266: {  	v52 =	vor.u32 $0x1B, v39;
	v9 =	vld [tilespmem:s12+$0x8400]  }
0x267: {  	v56 =	vmul.f32 v45, v55;
	v53 =	vmul.f32 v43, v49;
	v10 =	vor.u32 $0x1C, v39;
	v43 =	vld [tilespmem:s26+$0xA400]  }
0x268: {  	v48 =	vmul.f32 v44, v57;
	v57 =	vld.idx.msk [tilespmem:v60+s18+$0x0], $0xffff  }
0x269: {  	v0 =	vadd.f32 v56, v0;
	v56 =	vmul.f32 v59, v58;
	v58 =	vld [tilespmem:s26+$0x9D00];
	v59 =	vor.u32 $0x1D, v39  }
0x26a: {  	v55 =	vmul.f32 v42, v54;
	v54 =	vld [tilespmem:s10+$0x8400]  }
0x26b: {  	v46 =	vld.idx.msk [tilespmem:v52+s18+$0x0], $0xffff;
	v0 =	vadd.f32 v48, v0;
	v48 =	vor.u32 $0x1E, v39  }
0x26c: {  	v45 =	vmul.f32 v51, v50;
	v50 =	vmul.f32 v9, v8;
	v8 =	vld.idx.msk [tilespmem:v10+s18+$0x0], $0xffff  }
0x26d: {  	v9 =	vld [tilespmem:s26+$0x9E00];
	v0 =	vadd.f32 v53, v0  }
0x26e: {  	v10 =	vor.u32 $0x1F, v39;
	v53 =	vld.idx.msk [tilespmem:v59+s18+$0x0], $0xffff  }
0x26f: {  	v60 =	vmul.f32 v41, v56;
	v59 =	vld [tilespmem:s26+$0x9F00];
	v0 =	vadd.f32 v55, v0  }
0x270: {  	v44 =	vor.u32 $0x23, v39;
	v52 =	vmul.f32 v58, v57;
	v58 =	vld.idx.msk [tilespmem:v48+s18+$0x0], $0xffff  }
0x271: {  	v49 =	vmul.f32 v40, v45;
	v55 =	vor.u32 $0x20, v39;
	v48 =	vld [tilespmem:s8+$0x8400];
	v0 =	vadd.f32 v60, v0  }
0x272: {  	v51 =	vmul.f32 v38, v50;
	v56 =	vmul.f32 v37, v52;
	v37 =	vld [tilespmem:s26+$0xA700]  }
0x273: {  	v60 =	vor.u32 $0x21, v39;
	v38 =	vmul.f32 v9, v8;
	v8 =	vld.idx.msk [tilespmem:v10+s18+$0x0], $0xffff;
	v0 =	vadd.f32 v49, v0  }
0x274: {  	v9 =	vld [tilespmem:s9+$0x8400];
	v10 =	vor.u32 $0x22, v39  }
0x275: {  	v57 =	vmul.f32 v47, v46;
	v41 =	vmul.f32 v54, v53;
	v54 =	vld.idx.msk [tilespmem:v44+s18+$0x0], $0xffff;
	v0 =	vadd.f32 v51, v0  }
0x276: {  	v42 =	vld.idx.msk [tilespmem:v55+s18+$0x0], $0xffff  }
0x277: {  	v36 =	vmul.f32 v36, v57;
	v49 =	vor.u32 $0x24, v39;
	v55 =	vld [tilespmem:s7+$0x8400];
	v0 =	vadd.f32 v56, v0  }
0x278: {  	v47 =	vld.idx.msk [tilespmem:v60+s18+$0x0], $0xffff  }
0x279: {  	v40 =	vmul.f32 v35, v38;
	v51 =	vmul.f32 v9, v8;
	v8 =	vld.idx.msk [tilespmem:v10+s18+$0x0], $0xffff;
	v0 =	vadd.f32 v36, v0  }
0x27a: {  	v9 =	vld [tilespmem:s26+$0xA500];
	v10 =	vor.u32 $0x25, v39  }
0x27b: {  	v45 =	vmul.f32 v34, v41;
	v46 =	vmul.f32 v59, v58;
	v60 =	vld [tilespmem:s26+$0xA600];
	v0 =	vadd.f32 v40, v0  }
0x27c: {  	v59 =	vld.idx.msk [tilespmem:v49+s18+$0x0], $0xffff  }
0x27d: {  	v38 =	vor.u32 $0x29, v39;
	v50 =	vmul.f32 v33, v46;
	v49 =	vld [tilespmem:s24+$0x8400];
	v0 =	vadd.f32 v45, v0  }
0x27e: {  	v56 =	vor.u32 $0x26, v39;
	v53 =	vmul.f32 v43, v42;
	v43 =	vld [tilespmem:s4+$0x8400]  }
0x27f: {  	v52 =	vmul.f32 v32, v51;
	v33 =	vmul.f32 v9, v8;
	v8 =	vld.idx.msk [tilespmem:v10+s18+$0x0], $0xffff;
	v0 =	vadd.f32 v50, v0  }
0x280: {  	v35 =	vmul.f32 v55, v54;
	v9 =	vld [tilespmem:s6+$0x8400];
	v10 =	vor.u32 $0x28, v39  }
0x281: {  	v54 =	vld [tilespmem:s26+$0xAD00];
	v57 =	vmul.f32 v31, v53;
	v58 =	vmul.f32 v48, v47;
	v0 =	vadd.f32 v52, v0  }
0x282: {  	v31 =	vor.u32 $0x27, v39;
	v40 =	vmul.f32 v28, v35;
	v48 =	vld.idx.msk [tilespmem:v38+s18+$0x0], $0xffff  }
0x283: {  	v28 =	vor.u32 $0x2A, v39;
	v36 =	vld.idx.msk [tilespmem:v56+s18+$0x0], $0xffff;
	v32 =	vmul.f32 v30, v58;
	v0 =	vadd.f32 v57, v0  }
0x284: {  	v41 =	vmul.f32 v60, v59;
	v60 =	vld [tilespmem:s26+$0xAE00]  }
0x285: {  	v34 =	vmul.f32 v29, v33;
	v45 =	vmul.f32 v9, v8;
	v8 =	vld.idx.msk [tilespmem:v10+s18+$0x0], $0xffff;
	v0 =	vadd.f32 v32, v0  }
0x286: {  	v9 =	vld [tilespmem:s26+$0xAC00];
	v10 =	vor.u32 $0x2B, v39  }
0x287: {  	v42 =	vld.idx.msk [tilespmem:v31+s18+$0x0], $0xffff;
	v0 =	vadd.f32 v34, v0  }
0x288: {  	v50 =	vor.u32 $0x2C, v39;
	v53 =	vld.idx.msk [tilespmem:v28+s18+$0x0], $0xffff;
	v58 =	vmul.f32 v49, v48;
	v47 =	vmul.f32 v37, v36  }
0x289: {  	v44 =	vmul.f32 v27, v41;
	v48 =	vld [tilespmem:s26+$0xB400];
	v46 =	vmul.f32 v26, v45;
	v0 =	vadd.f32 v40, v0  }
0x28a: {  	v36 =	vld [tilespmem:s14+$0x8400];
	v33 =	vmul.f32 v22, v58;
	v22 =	vor.u32 $0x30, v39;
	v51 =	vmul.f32 v25, v47  }
0x28b: {  	v25 =	vor.u32 $0x2D, v39;
	v56 =	vmul.f32 v9, v8;
	v8 =	vld.idx.msk [tilespmem:v10+s18+$0x0], $0xffff;
	v0 =	vadd.f32 v44, v0  }
0x28c: {  	v9 =	vld [tilespmem:s20+$0x8400];
	v10 =	vor.u32 $0x2E, v39  }
0x28d: {  	v59 =	vld.idx.msk [tilespmem:v50+s18+$0x0], $0xffff;
	v52 =	vmul.f32 v43, v42;
	v0 =	vadd.f32 v46, v0  }
0x28e: {  	v43 =	vld [tilespmem:s23+$0x8400]  }
0x28f: {  	v32 =	vor.u32 $0x2F, v39;
	v55 =	vmul.f32 v24, v52;
	v47 =	vld.idx.msk [tilespmem:v22+s18+$0x0], $0xffff;
	v0 =	vadd.f32 v51, v0  }
0x290: {  	v35 =	vld.idx.msk [tilespmem:v25+s18+$0x0], $0xffff  }
0x291: {  	v57 =	vmul.f32 v23, v56;
	v38 =	vmul.f32 v9, v8;
	v8 =	vld.idx.msk [tilespmem:v10+s18+$0x0], $0xffff;
	v0 =	vadd.f32 v55, v0  }
0x292: {  	v9 =	vld [tilespmem:s26+$0xAF00];
	v10 =	vor.u32 $0x31, v39  }
0x293: {  	v34 =	vmul.f32 v54, v53;
	v54 =	vld [tilespmem:s26+$0xB500];
	v0 =	vadd.f32 v57, v0  }
0x294: {  	s25 =	rddreg [dreg:$0xf];
	v41 =	vmul.f32 v60, v59;
	v42 =	vld.idx.msk [tilespmem:v32+s18+$0x0], $0xffff  }
0x295: {  	s1 =	rddreg [dreg:$0xd];
	v37 =	vmul.f32 v21, v34;
	v59 =	vld [tilespmem:s25+$0x8400];
	v44 =	vor.u32 $0x32, v39;
	v0 =	vadd.f32 v33, v0  }
0x296: {  	v45 =	vmul.f32 v19, v41;
	v19 =	vor.u32 $0x33, v39;
	v46 =	vmul.f32 v36, v35;
	v36 =	vld [tilespmem:s1+$0x8400]  }
0x297: {  	v40 =	vmul.f32 v20, v38;
	v50 =	vmul.f32 v9, v8;
	v8 =	vld.idx.msk [tilespmem:v10+s18+$0x0], $0xffff;
	v0 =	vadd.f32 v37, v0  }
0x298: {  	v9 =	vld [tilespmem:s22+$0x8400]  }
0x299: {  	v10 =	vor.u32 $0x34, v39;
	v52 =	vmul.f32 v43, v42;
	v42 =	vld [tilespmem:s26+$0xB700];
	v0 =	vadd.f32 v40, v0  }
0x29a: {  	v53 =	vld.idx.msk [tilespmem:v44+s18+$0x0], $0xffff  }
0x29b: {  	v49 =	vmul.f32 v18, v46;
	v58 =	vld.idx.msk [tilespmem:v19+s18+$0x0], $0xffff;
	v0 =	vadd.f32 v45, v0  }
0x29c: {  	v51 =	vmul.f32 v17, v50;
	v50 =	vld [tilespmem:$0x1FFE0]  }
0x29d: {  	v55 =	vor.u32 $0x35, v39;
	v57 =	vmul.f32 v48, v47;
	v48 =	vld [tilespmem:s26+$0xBC00];
	v0 =	vadd.f32 v49, v0  }
0x29e: {  	v56 =	vmul.f32 v16, v52;
	v16 =	vor.u32 $0x36, v39;
	v32 =	vmul.f32 v9, v8;
	v8 =	vld.idx.msk [tilespmem:v10+s18+$0x0], $0xffff  }
0x29f: {  	s3 =	rddreg [dreg:$0x9];
	v9 =	vld [tilespmem:s26+$0xB600];
	v0 =	vadd.f32 v51, v0  }
0x2a0: {  	v10 =	vor.u32 $0x37, v39;
	v34 =	vmul.f32 v54, v53;
	v53 =	vld [tilespmem:s3+$0x8400]  }
0x2a1: {  	v60 =	vmul.f32 v15, v57;
	v54 =	vld [tilespmem:$0x1FFD0];
	v0 =	vadd.f32 v56, v0  }
0x2a2: {  	v35 =	vld.idx.msk [tilespmem:v55+s18+$0x0], $0xffff  }
0x2a3: {  	v33 =	vmul.f32 v14, v32;
	v41 =	vld.idx.msk [tilespmem:v16+s18+$0x0], $0xffff;
	v0 =	vadd.f32 v60, v0  }
0x2a4: {  	v32 =	vld [tilespmem:$0x1FFB0];
	v37 =	vor.u32 $0x38, v39;
	v38 =	vmul.f32 v13, v34  }
0x2a5: {  	s2 =	rddreg [dreg:$0xb];
	v40 =	vmul.f32 v59, v58;
	v44 =	vmul.f32 v9, v8;
	v8 =	vld.idx.msk [tilespmem:v10+s18+$0x0], $0xffff;
	v0 =	vadd.f32 v33, v0  }
0x2a6: {  	s4 =	rddreg [dreg:$0x7];
	v9 =	vld [tilespmem:s2+$0x8400]  }
0x2a7: {  	v13 =	vor.u32 $0x39, v39;
	v59 =	vld [tilespmem:s4+$0x8400];
	v43 =	vmul.f32 v12, v40;
	v0 =	vadd.f32 v38, v0  }
0x2a8: {  	v10 =	vor.u32 $0x3A, v39;
	v46 =	vmul.f32 v36, v35;
	v35 =	vld [tilespmem:s26+$0xBE00]  }
0x2a9: {  	v45 =	vmul.f32 v11, v44;
	v47 =	vld.idx.msk [tilespmem:v37+s18+$0x0], $0xffff;
	v0 =	vadd.f32 v43, v0  }
0x2aa: {  	v49 =	vor.u32 $0x3B, v39;
	v56 =	vld [tilespmem:$0x1FFC0]  }
0x2ab: {  	v36 =	vld [tilespmem:$0x1FFA0];
	v1 =	vmul.f32 v50, v46;
	v51 =	vmul.f32 v42, v41;
	v0 =	vadd.f32 v45, v0  }
0x2ac: {  	v11 =	vor.u32 $0x3C, v39;
	v52 =	vld.idx.msk [tilespmem:v13+s18+$0x0], $0xffff  }
0x2ad: {  	v55 =	vmul.f32 v9, v8;
	v8 =	vld.idx.msk [tilespmem:v10+s18+$0x0], $0xffff;
	v0 =	vadd.f32 v1, v0;
	v1 =	vmul.f32 v54, v51  }
0x2ae: {  	v9 =	vld [tilespmem:s26+$0xBD00];
	v10 =	vor.u32 $0x3D, v39  }
0x2af: {  	v57 =	vmul.f32 v48, v47;
	v58 =	vld.idx.msk [tilespmem:v49+s18+$0x0], $0xffff;
	v0 =	vadd.f32 v1, v0;
	v1 =	vmul.f32 v56, v55  }
0x2b0: {  	v60 =	vor.u32 $0x3E, v39;
	v38 =	vld [tilespmem:$0x1FF90]  }
0x2b1: {  	v42 =	vld [tilespmem:$0x1FF80];
	v33 =	vmul.f32 v53, v52;
	v0 =	vadd.f32 v1, v0;
	v1 =	vmul.f32 v32, v57  }
0x2b2: {  	v34 =	vld.idx.msk [tilespmem:v11+s18+$0x0], $0xffff;
	v11 =	vor.u32 $0x3F, v39  }
0x2b3: {  	v37 =	vmul.f32 v9, v8;
	v8 =	vld.idx.msk [tilespmem:v10+s18+$0x0], $0xffff;
	v0 =	vadd.f32 v1, v0;
	v1 =	vmul.f32 v36, v33  }
0x2b4: {  	v9 =	vld [tilespmem:s19+$0x8400]  }
0x2b5: {  	v41 =	vld [tilespmem:s26+$0xBF00];
	v39 =	vmul.f32 v59, v58;
	v0 =	vadd.f32 v1, v0;
	v1 =	vmul.f32 v38, v37  }
0x2b6: {  	v40 =	vld.idx.msk [tilespmem:v60+s18+$0x0], $0xffff  }
0x2b7: {  	s5 =	sor.u32 $0x3B80, s28;
	v44 =	vld.idx.msk [tilespmem:v11+s18+$0x0], $0xffff;
	v43 =	vmul.f32 v35, v34;
	v0 =	vadd.f32 v1, v0;
	v1 =	vmul.f32 v42, v39  }
0x2b8: {  	v45 =	vld [tilespmem:s5+$0x8400]  }
0x2b9: {  	v47 =	vmul.f32 v9, v8;
	v46 =	vmul.f32 v63, v43;
	v0 =	vadd.f32 v1, v0  }
0x2ba: {  	v48 =	vld [tilespmem:s5+$0xC400]  }
0x2bb: {  	v49 =	vmul.f32 v62, v47;
	v50 =	vmul.f32 v41, v40;
	v0 =	vadd.f32 v46, v0;
	_ =	sdelay $0x1  }
0x2bc: {  	v51 =	vmul.f32 v61, v50;
	v52 =	vmul.f32 v45, v44;
	v0 =	vadd.f32 v49, v0;
	_ =	sdelay $0x1  }
0x2bd: {  	v53 =	vmul.f32 v48, v52;
	v0 =	vadd.f32 v51, v0;
	_ =	sdelay $0x1  }
0x2be: {  	v0 =	vadd.f32 v53, v0  }
0x2bf: {  	s10 =	simm.s32 $0x8400;
	s6 =	sadd.s32 $0x10, s30  }
0x2c0: {  	s8 =	simm.s32 $0x800;
	s9 =	simm.s32 $0x20000;
	s7 =	rddreg [dreg:$0x15];
	[tilespmem:s6+$0x0] =	vst v0  }
0x2c1: {  	[tilespmem:s10], [sflag:$0x1] =	stream.strided.gather [hbm4b:s7+s8], $0x4000, s9, s8, $0x38;
	[tilespmem:$0x10600] =	vst v63  }
0x2c2: {  	s11 =	rddreg [dreg:$0x16];
	s12 =	simm.s32 $0xC400  }
0x2c3: {  	[tilespmem:s12], [sflag:$0x1] =	stream.strided.gather [hbm4b:s11+s8], $0x4000, s9, s8, $0x38;
	[tilespmem:$0x10600] =	vst v63  }
0x2c4: {  	s15 =	simm.s32 $0x300;
	s13 =	rddreg [dreg:$0x3];
	s14 =	simm.s32 $0x80  }
0x2c5: {  	[tilespmem:s18], [sflag:$0x1] =	stream.indirect.gather [hbm4b:s13+s14], $0x80, s15, s14, $0xb8;
	[tilespmem:$0x10600] =	vst v63  }
0x2c6: {  	s17 =	simm.s32 $0x380;
	s16 =	simm.s32 $0x4400;
	s19 =	simm.s32 $0x1  }
0x2c7: {  	[tilespmem:s16], [sflag:$0x1] =	stream.indirect.gather [hbm4b:s13+s14], $0x80, s17, s14, $0xb8;
	[tilespmem:$0x10600] =	vst v63  }
0x2c8: {  	_ =	swait.ge [sflag:s19], $0x4000  }
0x2c9: {  	[sflag:s19] =	ssyncset.done $0x0  }
0x2ca: {  	[sflag:s19] =	ssyncadd.s32 $0xFFFFC000  }
0x2cb: {  	_ =	swait.ge [sflag:s19], $0x4000  }
0x2cc: {  	[sflag:s19] =	ssyncset.done $0x0  }
0x2cd: {  	[sflag:s19] =	ssyncadd.s32 $0xFFFFC000  }
0x2ce: {  	_ =	swait.ge [sflag:s19], $0x4000  }
0x2cf: {  	[sflag:s19] =	ssyncset.done $0x0  }
0x2d0: {  	s17 =	simm.s32 $0x0;
	[sflag:s19] =	ssyncadd.s32 $0xFFFFC000  }
0x2d1: {  	s20 =	sand.u32 $0xFFFFFC00, s17;
	_ =	swait.ge [sflag:s19], $0x4000  }
0x2d2: {  	s21 =	sand.u32 $0x70, s17;
	s22 =	sand.u32 $0x400, s17;
	[sflag:s19] =	ssyncset.done $0x0  }
0x2d3: {  	s28 =	sor.u32 s21, s22;
	s21 =	sadd.s32 $0x0, s20;
	[sflag:s19] =	ssyncadd.s32 $0xFFFFC000  }
0x2d4: {  	s0 =	sor.u32 $0x3A80, s21;
	v60 =	vld [tilespmem:s28+$0xFF00]  }
0x2d5: {  	v61 =	vld [tilespmem:s0+$0xC400]  }
0x2d6: {  	s23 =	sor.u32 $0x3980, s21;
	v62 =	vld [tilespmem:s28+$0xFE00]  }
0x2d7: {  	v63 =	vld [tilespmem:s23+$0xC400]  }
0x2d8: {  	s24 =	sor.u32 $0x3880, s21;
	v54 =	vld [tilespmem:s28+$0xFD00]  }
0x2d9: {  	s29 =	sor.u32 s17, s17;
	v55 =	vld [tilespmem:s24+$0xC400]  }
0x2da: {  	s25 =	sor.u32 $0x3380, s29;
	v56 =	vld [tilespmem:s28+$0xFC00]  }
0x2db: {  	v57 =	vld [tilespmem:s25+$0xC400]  }
0x2dc: {  	s26 =	sor.u32 $0x3280, s21;
	v58 =	vld [tilespmem:s28+$0xF700]  }
0x2dd: {  	v59 =	vld [tilespmem:s26+$0xC400]  }
0x2de: {  	s19 =	sor.u32 $0x3180, s21;
	v11 =	vld [tilespmem:s28+$0xF600]  }
0x2df: {  	v12 =	vld [tilespmem:s19+$0xC400]  }
0x2e0: {  	s22 =	sor.u32 $0x3080, s21;
	v13 =	vld [tilespmem:s28+$0xF500]  }
0x2e1: {  	v14 =	vld [tilespmem:s22+$0xC400]  }
0x2e2: {  	v15 =	vld [tilespmem:s28+$0xF400]  }
0x2e3: {  	s14 =	sor.u32 $0x2A80, s21;
	v17 =	vld [tilespmem:s28+$0xEF00]  }
0x2e4: {  	v18 =	vld [tilespmem:s14+$0xC400]  }
0x2e5: {  	s15 =	sor.u32 $0x2980, s21;
	v19 =	vld [tilespmem:s28+$0xEE00]  }
0x2e6: {  	v20 =	vld [tilespmem:s15+$0xC400]  }
0x2e7: {  	s20 =	sor.u32 $0x2880, s21;
	v21 =	vld [tilespmem:s28+$0xED00]  }
0x2e8: {  	v22 =	vld [tilespmem:s20+$0xC400]  }
0x2e9: {  	s4 =	sor.u32 $0x2380, s29;
	v23 =	vld [tilespmem:s28+$0xEC00]  }
0x2ea: {  	v24 =	vld [tilespmem:s4+$0xC400]  }
0x2eb: {  	s6 =	sor.u32 $0x2280, s21;
	v25 =	vld [tilespmem:s28+$0xE700]  }
0x2ec: {  	v26 =	vld [tilespmem:s6+$0xC400]  }
0x2ed: {  	s7 =	sor.u32 $0x2180, s21;
	v27 =	vld [tilespmem:s28+$0xE600]  }
0x2ee: {  	v28 =	vld [tilespmem:s7+$0xC400]  }
0x2ef: {  	s8 =	sor.u32 $0x2080, s21;
	v29 =	vld [tilespmem:s28+$0xE500]  }
0x2f0: {  	v30 =	vld [tilespmem:s8+$0xC400]  }
0x2f1: {  	s9 =	sor.u32 $0x1B80, s29;
	v31 =	vld [tilespmem:s28+$0xE400]  }
0x2f2: {  	v32 =	vld [tilespmem:s9+$0xC400]  }
0x2f3: {  	s10 =	sor.u32 $0x1A80, s21;
	v33 =	vld [tilespmem:s28+$0xDF00]  }
0x2f4: {  	v34 =	vld [tilespmem:s10+$0xC400]  }
0x2f5: {  	s2 =	sor.u32 $0x1980, s21;
	v35 =	vld [tilespmem:s28+$0xDE00]  }
0x2f6: {  	v36 =	vld [tilespmem:s2+$0xC400]  }
0x2f7: {  	s12 =	sor.u32 $0x1880, s21;
	v37 =	vld [tilespmem:s28+$0xDD00]  }
0x2f8: {  	v38 =	vld [tilespmem:s12+$0xC400]  }
0x2f9: {  	s13 =	sor.u32 $0x1380, s29;
	v40 =	vld [tilespmem:s28+$0xDC00]  }
0x2fa: {  	v41 =	vld [tilespmem:s13+$0xC400]  }
0x2fb: {  	s16 =	sor.u32 $0x1280, s21;
	v42 =	vld [tilespmem:s28+$0xD700]  }
0x2fc: {  	v43 =	vld [tilespmem:s16+$0xC400]  }
0x2fd: {  	s11 =	sor.u32 $0x1180, s21;
	v44 =	vld [tilespmem:s28+$0xD600]  }
0x2fe: {  	v45 =	vld [tilespmem:s11+$0xC400]  }
0x2ff: {  	s3 =	sor.u32 $0x1080, s21;
	v46 =	vld [tilespmem:s28+$0xD500]  }
0x300: {  	v47 =	vld [tilespmem:s3+$0xC400]  }
0x301: {  	v48 =	vld [tilespmem:s28+$0xD400]  }
0x302: {  	v50 =	vld [tilespmem:s28+$0xCF00]  }
0x303: {  	s30 =	sor.u32 $0x980, s21;
	v52 =	vld [tilespmem:s28+$0xCE00]  }
0x304: {  	[dreg:$0x8] =	wrdreg s23;
	s23 =	sor.u32 $0x2B80, s29;
	v53 =	vld [tilespmem:s30+$0xC400]  }
0x305: {  	[dreg:$0xc] =	wrdreg s25;
	s25 =	sor.u32 $0xB80, s29;
	v16 =	vld [tilespmem:s23+$0xC400]  }
0x306: {  	[dreg:$0xe] =	wrdreg s26;
	s26 =	sor.u32 $0xA80, s21;
	v49 =	vld [tilespmem:s25+$0xC400]  }
0x307: {  	v51 =	vld [tilespmem:s26+$0xC400];
	[tilespmem:$0x1FE70] =	vst v54  }
0x308: {  	s31 =	sor.u32 $0x880, s21;
	[tilespmem:$0x1FE80] =	vst v55;
	v54 =	vld [tilespmem:s28+$0xCD00]  }
0x309: {  	[tilespmem:$0x1FE90] =	vst v56;
	v55 =	vld [tilespmem:s31+$0xC400]  }
0x30a: {  	s1 =	sor.u32 $0x380, s29;
	[tilespmem:$0x1FEA0] =	vst v57;
	v56 =	vld [tilespmem:s28+$0xCC00]  }
0x30b: {  	s5 =	simm.s32 $0x0;
	[dreg:$0x6] =	wrdreg s0;
	[tilespmem:$0x1FEB0] =	vst v58;
	v57 =	vld [tilespmem:s1+$0xC400]  }
0x30c: {  	v39 =	vmov s17;
	[dreg:$0xa] =	wrdreg s24;
	s0 =	sor.u32 $0x280, s21;
	s24 =	simm.s32 $0x10;
	[tilespmem:$0x1FEC0] =	vst v59;
	v58 =	vld [tilespmem:s28+$0xC700]  }
.LBB2_4:
0x30d: {  	v1 =	vld [tilespmem:$0x1FFF0];
	_ =	sdelay $0x2  }
0x30e: {  	v59 =	vld [tilespmem:s0+$0xC400]  }
0x30f: {  	v0 =	vshll.u32 v39, $0x7;
	v4 =	vld [tilespmem:s28+$0x8400]  }
0x310: {  	[dreg:$0x10] =	wrdreg s17;
	s17 =	sor.u32 $0x180, s21;
	s21 =	sor.u32 $0x80, s21;
	v8 =	vld [tilespmem:s28+$0x8500];
	v39 =	vor.u32 v1, v0  }
0x311: {  	v6 =	vld [tilespmem:s21+$0x8400];
	[tilespmem:$0x1FE30] =	vst v63  }
0x312: {  	[tilespmem:$0x1FE50] =	vst v61;
	v63 =	vld [tilespmem:s21+$0xC400];
	v61 =	vor.u32 $0x1, v39  }
0x313: {  	[tilespmem:$0x1FE60] =	vst v60;
	v60 =	vld [tilespmem:s17+$0xC400]  }
0x314: {  	[tilespmem:$0x1FE40] =	vst v62;
	v62 =	vld [tilespmem:s28+$0xC500];
	v2 =	vor.u32 $0x2, v39  }
0x315: {  	v5 =	vor.u32 $0x3, v39;
	v3 =	vld.idx.msk [tilespmem:v39+s18+$0x0], $0xffff  }
0x316: {  	v1 =	vld [tilespmem:s28+$0xC400]  }
0x317: {  	v7 =	vor.u32 $0x4, v39;
	v61 =	vld.idx.msk [tilespmem:v61+s18+$0x0], $0xffff  }
0x318: {  	v0 =	vld [tilespmem:s28+$0xC600]  }
0x319: {  	v9 =	vor.u32 $0x5, v39;
	v2 =	vld.idx.msk [tilespmem:v2+s18+$0x0], $0xffff  }
0x31a: {  	v3 =	vmul.f32 v4, v3;
	v4 =	vld.idx.msk [tilespmem:v5+s18+$0x0], $0xffff  }
0x31b: {  	v10 =	vor.u32 $0x6, v39;
	v5 =	vld [tilespmem:s17+$0x8400]  }
0x31c: {  	v1 =	vmul.f32 v1, v3;
	v3 =	vmul.f32 v6, v61;
	v6 =	vld.idx.msk [tilespmem:v7+s18+$0x0], $0xffff  }
0x31d: {  	v7 =	vld [tilespmem:s28+$0x8600];
	v61 =	vor.u32 $0x7, v39  }
0x31e: {  	v2 =	vmul.f32 v8, v2;
	v8 =	vld.idx.msk [tilespmem:v9+s18+$0x0], $0xffff  }
0x31f: {  	v9 =	vld [tilespmem:s0+$0x8400];
	v1 =	vadd.f32 $0.0e+00, v1;
	v3 =	vmul.f32 v63, v3  }
0x320: {  	v2 =	vmul.f32 v62, v2;
	v63 =	vor.u32 $0x8, v39;
	v62 =	vmul.f32 v5, v4;
	v4 =	vld.idx.msk [tilespmem:v10+s18+$0x0], $0xffff  }
0x321: {  	v5 =	vld [tilespmem:s28+$0x8700];
	v10 =	vor.u32 $0x9, v39;
	v1 =	vadd.f32 v3, v1  }
0x322: {  	v3 =	vmul.f32 v7, v6;
	v6 =	vld.idx.msk [tilespmem:v61+s18+$0x0], $0xffff  }
0x323: {  	v7 =	vld [tilespmem:s1+$0x8400];
	v1 =	vadd.f32 v2, v1  }
0x324: {  	v2 =	vmul.f32 v60, v62;
	v60 =	vor.u32 $0xA, v39;
	v62 =	vmul.f32 v9, v8;
	v8 =	vld [tilespmem:s28+$0x8C00]  }
0x325: {  	v9 =	vor.u32 $0xB, v39;
	v0 =	vmul.f32 v0, v3;
	v3 =	vld.idx.msk [tilespmem:v63+s18+$0x0], $0xffff  }
0x326: {  	v1 =	vadd.f32 v2, v1;
	v61 =	vmul.f32 v5, v4;
	v4 =	vld.idx.msk [tilespmem:v10+s18+$0x0], $0xffff  }
0x327: {  	v5 =	vld [tilespmem:s31+$0x8400];
	v10 =	vor.u32 $0xC, v39  }
0x328: {  	v59 =	vmul.f32 v59, v62;
	v0 =	vadd.f32 v0, v1;
	v63 =	vmul.f32 v7, v6;
	v7 =	vld [tilespmem:s28+$0x8D00]  }
0x329: {  	v62 =	vmul.f32 v58, v61;
	v58 =	vor.u32 $0xD, v39;
	v6 =	vld.idx.msk [tilespmem:v60+s18+$0x0], $0xffff  }
0x32a: {  	v0 =	vadd.f32 v59, v0;
	v60 =	vmul.f32 v8, v3;
	v3 =	vld.idx.msk [tilespmem:v9+s18+$0x0], $0xffff  }
0x32b: {  	v8 =	vld [tilespmem:s30+$0x8400]  }
0x32c: {  	v59 =	vmul.f32 v57, v63;
	v0 =	vadd.f32 v62, v0;
	v62 =	vmul.f32 v5, v4;
	v4 =	vld.idx.msk [tilespmem:v10+s18+$0x0], $0xffff  }
0x32d: {  	v9 =	vor.u32 $0xE, v39;
	v5 =	vld [tilespmem:s28+$0x8E00]  }
0x32e: {  	v61 =	vmul.f32 v56, v60;
	v10 =	vor.u32 $0xF, v39;
	v58 =	vld.idx.msk [tilespmem:v58+s18+$0x0], $0xffff;
	v0 =	vadd.f32 v59, v0  }
0x32f: {  	v59 =	vld [tilespmem:s26+$0x8400]  }
0x330: {  	v60 =	vor.u32 $0x10, v39;
	v63 =	vmul.f32 v55, v62;
	v55 =	vld [tilespmem:s28+$0x9500];
	v0 =	vadd.f32 v61, v0  }
0x331: {  	v57 =	vmul.f32 v7, v6;
	v62 =	vmul.f32 v8, v3;
	v8 =	vld [tilespmem:s28+$0x8F00]  }
0x332: {  	v0 =	vadd.f32 v63, v0;
	v63 =	vld.idx.msk [tilespmem:v9+s18+$0x0], $0xffff;
	v9 =	vor.u32 $0x11, v39  }
0x333: {  	v61 =	vmul.f32 v54, v57;
	v54 =	vmul.f32 v5, v4;
	v4 =	vld.idx.msk [tilespmem:v10+s18+$0x0], $0xffff  }
0x334: {  	v5 =	vld [tilespmem:s25+$0x8400]  }
0x335: {  	v10 =	vor.u32 $0x12, v39;
	v57 =	vmul.f32 v59, v58;
	v58 =	vld.idx.msk [tilespmem:v60+s18+$0x0], $0xffff  }
0x336: {  	v59 =	vld [tilespmem:s28+$0x9400];
	v60 =	vor.u32 $0x13, v39  }
0x337: {  	v53 =	vmul.f32 v53, v62;
	v0 =	vadd.f32 v61, v0;
	v62 =	vmul.f32 v8, v63;
	v63 =	vld.idx.msk [tilespmem:v9+s18+$0x0], $0xffff  }
0x338: {  	v8 =	vld [tilespmem:s3+$0x8400];
	v9 =	vor.u32 $0x14, v39  }
0x339: {  	v56 =	vmul.f32 v52, v54;
	v52 =	vld [tilespmem:s16+$0x8400];
	v0 =	vadd.f32 v53, v0  }
0x33a: {  	v61 =	vmul.f32 v51, v57;
	v54 =	vld.idx.msk [tilespmem:v10+s18+$0x0], $0xffff;
	v10 =	vor.u32 $0x15, v39  }
0x33b: {  	v0 =	vadd.f32 v56, v0;
	v57 =	vmul.f32 v59, v58;
	v58 =	vld.idx.msk [tilespmem:v60+s18+$0x0], $0xffff;
	v60 =	vor.u32 $0x16, v39  }
0x33c: {  	v59 =	vld [tilespmem:s11+$0x8400]  }
0x33d: {  	v51 =	vmul.f32 v50, v62;
	v0 =	vadd.f32 v61, v0;
	v62 =	vmul.f32 v8, v63;
	v63 =	vld.idx.msk [tilespmem:v9+s18+$0x0], $0xffff  }
0x33e: {  	v8 =	vld [tilespmem:s28+$0x9600]  }
0x33f: {  	v53 =	vmul.f32 v5, v4;
	v50 =	vmul.f32 v55, v54;
	v0 =	vadd.f32 v51, v0;
	v51 =	vld.idx.msk [tilespmem:v10+s18+$0x0], $0xffff  }
0x340: {  	v9 =	vor.u32 $0x17, v39;
	v55 =	vld.idx.msk [tilespmem:v60+s18+$0x0], $0xffff  }
0x341: {  	v56 =	vmul.f32 v49, v53;
	v53 =	vmul.f32 v46, v50;
	v50 =	vld [tilespmem:s12+$0x8400]  }
0x342: {  	v10 =	vor.u32 $0x18, v39;
	v54 =	vmul.f32 v59, v58;
	v46 =	vld [tilespmem:s28+$0x9F00]  }
0x343: {  	v61 =	vmul.f32 v48, v57;
	v57 =	vor.u32 $0x19, v39;
	v0 =	vadd.f32 v56, v0;
	v56 =	vld [tilespmem:s28+$0x9700]  }
0x344: {  	v58 =	vmul.f32 v45, v54;
	v45 =	vld [tilespmem:s28+$0x9C00]  }
0x345: {  	v60 =	vld.idx.msk [tilespmem:v9+s18+$0x0], $0xffff;
	v9 =	vor.u32 $0x1A, v39  }
0x346: {  	v48 =	vmul.f32 v47, v62;
	v59 =	vmul.f32 v8, v63;
	v8 =	vld [tilespmem:s13+$0x8400]  }
0x347: {  	v0 =	vadd.f32 v61, v0;
	v62 =	vmul.f32 v52, v51;
	v63 =	vld.idx.msk [tilespmem:v10+s18+$0x0], $0xffff;
	v10 =	vor.u32 $0x1B, v39  }
0x348: {  	v49 =	vld.idx.msk [tilespmem:v57+s18+$0x0], $0xffff  }
0x349: {  	v0 =	vadd.f32 v48, v0;
	v47 =	vmul.f32 v43, v62;
	v62 =	vld [tilespmem:s28+$0x9E00]  }
0x34a: {  	v51 =	vor.u32 $0x1C, v39;
	v54 =	vld.idx.msk [tilespmem:v9+s18+$0x0], $0xffff  }
0x34b: {  	v0 =	vadd.f32 v53, v0;
	v53 =	vmul.f32 v8, v60;
	v8 =	vld [tilespmem:s28+$0x9D00];
	v9 =	vor.u32 $0x1D, v39  }
0x34c: {  	v61 =	vmul.f32 v44, v59;
	v57 =	vld.idx.msk [tilespmem:v10+s18+$0x0], $0xffff  }
0x34d: {  	v48 =	vmul.f32 v56, v55;
	v0 =	vadd.f32 v58, v0;
	v58 =	vld [tilespmem:s2+$0x8400];
	v10 =	vor.u32 $0x1E, v39  }
0x34e: {  	v56 =	vmul.f32 v45, v63;
	v60 =	vmul.f32 v50, v49;
	v63 =	vor.u32 $0x1F, v39;
	v50 =	vld [tilespmem:s9+$0x8400]  }
0x34f: {  	v0 =	vadd.f32 v61, v0;
	v61 =	vld.idx.msk [tilespmem:v51+s18+$0x0], $0xffff  }
0x350: {  	v52 =	vmul.f32 v42, v48;
	v51 =	vor.u32 $0x22, v39;
	v42 =	vld.idx.msk [tilespmem:v9+s18+$0x0], $0xffff  }
0x351: {  	v55 =	vmul.f32 v41, v53;
	v41 =	vmul.f32 v8, v54;
	v8 =	vld [tilespmem:s10+$0x8400]  }
0x352: {  	v0 =	vadd.f32 v47, v0;
	v45 =	vld.idx.msk [tilespmem:v10+s18+$0x0], $0xffff  }
0x353: {  	v9 =	vor.u32 $0x20, v39;
	v49 =	vld.idx.msk [tilespmem:v63+s18+$0x0], $0xffff  }
0x354: {  	v44 =	vmul.f32 v58, v57;
	v58 =	vld [tilespmem:s8+$0x8400];
	v0 =	vadd.f32 v52, v0  }
0x355: {  	v10 =	vor.u32 $0x21, v39;
	v48 =	vmul.f32 v62, v61;
	v61 =	vld.idx.msk [tilespmem:v51+s18+$0x0], $0xffff  }
0x356: {  	v59 =	vmul.f32 v40, v56;
	v63 =	vor.u32 $0x25, v39;
	v62 =	vld [tilespmem:s28+$0xA500];
	v0 =	vadd.f32 v55, v0  }
0x357: {  	v43 =	vmul.f32 v37, v41;
	v41 =	vld [tilespmem:s28+$0xA600]  }
0x358: {  	v38 =	vmul.f32 v38, v60;
	v0 =	vadd.f32 v59, v0;
	v54 =	vld.idx.msk [tilespmem:v9+s18+$0x0], $0xffff  }
0x359: {  	v53 =	vmul.f32 v8, v42;
	v8 =	vld [tilespmem:s28+$0xA400]  }
0x35a: {  	v9 =	vor.u32 $0x23, v39;
	v57 =	vld.idx.msk [tilespmem:v10+s18+$0x0], $0xffff;
	v0 =	vadd.f32 v38, v0  }
0x35b: {  	v47 =	vmul.f32 v36, v44;
	v44 =	vld.idx.msk [tilespmem:v63+s18+$0x0], $0xffff  }
0x35c: {  	v56 =	vmul.f32 v46, v45;
	v10 =	vor.u32 $0x24, v39;
	v45 =	vld [tilespmem:s6+$0x8400];
	v0 =	vadd.f32 v43, v0  }
0x35d: {  	v63 =	vld [tilespmem:s28+$0xAD00]  }
0x35e: {  	v52 =	vmul.f32 v35, v48;
	v59 =	vmul.f32 v33, v56;
	v56 =	vld [tilespmem:s28+$0xAC00];
	v0 =	vadd.f32 v47, v0  }
0x35f: {  	v60 =	vmul.f32 v50, v49;
	v55 =	vmul.f32 v34, v53;
	v36 =	vld.idx.msk [tilespmem:v9+s18+$0x0], $0xffff  }
0x360: {  	v43 =	vmul.f32 v62, v61;
	v35 =	vmul.f32 v8, v54;
	v8 =	vld [tilespmem:s7+$0x8400];
	v0 =	vadd.f32 v52, v0  }
0x361: {  	v34 =	vmul.f32 v32, v60;
	v9 =	vor.u32 $0x26, v39;
	v38 =	vmul.f32 v58, v57;
	v40 =	vld.idx.msk [tilespmem:v10+s18+$0x0], $0xffff  }
0x362: {  	v54 =	vmul.f32 v45, v44;
	v46 =	vmul.f32 v29, v43;
	v43 =	vld [tilespmem:s14+$0x8400];
	v0 =	vadd.f32 v55, v0  }
0x363: {  	v10 =	vor.u32 $0x27, v39;
	v37 =	vmul.f32 v31, v35;
	v42 =	vmul.f32 v30, v38;
	v35 =	vld [tilespmem:s15+$0x8400]  }
0x364: {  	v30 =	vor.u32 $0x28, v39;
	v57 =	vmul.f32 v26, v54;
	v54 =	vld [tilespmem:s28+$0xB400];
	v0 =	vadd.f32 v59, v0  }
0x365: {  	v52 =	vld [tilespmem:s4+$0x8400]  }
0x366: {  	v48 =	vld.idx.msk [tilespmem:v9+s18+$0x0], $0xffff;
	v9 =	vor.u32 $0x29, v39;
	v0 =	vadd.f32 v34, v0  }
0x367: {  	v47 =	vmul.f32 v8, v36;
	v8 =	vld [tilespmem:s28+$0xA700];
	v50 =	vmul.f32 v41, v40  }
0x368: {  	v51 =	vld.idx.msk [tilespmem:v10+s18+$0x0], $0xffff;
	v10 =	vor.u32 $0x2A, v39;
	v0 =	vadd.f32 v37, v0  }
0x369: {  	v53 =	vmul.f32 v27, v50;
	v55 =	vld.idx.msk [tilespmem:v30+s18+$0x0], $0xffff;
	v27 =	vor.u32 $0x2B, v39  }
0x36a: {  	v49 =	vmul.f32 v28, v47;
	v47 =	vld [tilespmem:s28+$0xAF00];
	v0 =	vadd.f32 v42, v0  }
0x36b: {  	v59 =	vld.idx.msk [tilespmem:v9+s18+$0x0], $0xffff  }
0x36c: {  	v58 =	vmul.f32 v8, v48;
	v8 =	vld [tilespmem:s20+$0x8400];
	v9 =	vor.u32 $0x2C, v39;
	v0 =	vadd.f32 v46, v0  }
0x36d: {  	v61 =	vmul.f32 v52, v51;
	v62 =	vld.idx.msk [tilespmem:v10+s18+$0x0], $0xffff  }
0x36e: {  	v10 =	vor.u32 $0x2D, v39;
	v33 =	vmul.f32 v56, v55;
	v34 =	vld.idx.msk [tilespmem:v27+s18+$0x0], $0xffff;
	v0 =	vadd.f32 v49, v0  }
0x36f: {  	v60 =	vmul.f32 v25, v58;
	v32 =	vmul.f32 v24, v61;
	v24 =	vor.u32 $0x2E, v39;
	v58 =	vld [tilespmem:s22+$0x8400]  }
0x370: {  	v36 =	vmul.f32 v23, v33;
	v33 =	vld [tilespmem:s19+$0x8400];
	v0 =	vadd.f32 v53, v0  }
0x371: {  	v38 =	vld.idx.msk [tilespmem:v9+s18+$0x0], $0xffff  }
0x372: {  	v37 =	vmul.f32 v8, v59;
	v8 =	vld [tilespmem:s28+$0xAE00];
	v9 =	vor.u32 $0x2F, v39;
	v0 =	vadd.f32 v57, v0  }
0x373: {  	v41 =	vmul.f32 v63, v62;
	v42 =	vld.idx.msk [tilespmem:v10+s18+$0x0], $0xffff  }
0x374: {  	v10 =	vor.u32 $0x30, v39;
	v45 =	vmul.f32 v35, v34;
	v46 =	vld.idx.msk [tilespmem:v24+s18+$0x0], $0xffff;
	v0 =	vadd.f32 v60, v0  }
0x375: {  	v40 =	vmul.f32 v22, v37;
	v44 =	vmul.f32 v21, v41;
	v21 =	vor.u32 $0x31, v39;
	v37 =	vld [tilespmem:s28+$0xB600]  }
0x376: {  	v48 =	vmul.f32 v20, v45;
	v45 =	vld [tilespmem:s28+$0xB700];
	v0 =	vadd.f32 v32, v0  }
0x377: {  	v50 =	vld.idx.msk [tilespmem:v9+s18+$0x0], $0xffff  }
0x378: {  	v49 =	vmul.f32 v8, v38;
	v8 =	vld [tilespmem:s23+$0x8400];
	v9 =	vor.u32 $0x32, v39;
	v0 =	vadd.f32 v36, v0  }
0x379: {  	v52 =	vmul.f32 v43, v42;
	v53 =	vld.idx.msk [tilespmem:v10+s18+$0x0], $0xffff  }
0x37a: {  	s9 =	rddreg [dreg:$0xc];
	v10 =	vor.u32 $0x33, v39;
	v56 =	vmul.f32 v47, v46;
	v57 =	vld.idx.msk [tilespmem:v21+s18+$0x0], $0xffff;
	v0 =	vadd.f32 v40, v0  }
0x37b: {  	s10 =	rddreg [dreg:$0xa];
	v51 =	vmul.f32 v19, v49;
	v55 =	vmul.f32 v18, v52;
	v49 =	vld [tilespmem:s9+$0x8400]  }
0x37c: {  	v18 =	vor.u32 $0x34, v39;
	v59 =	vmul.f32 v17, v56;
	v56 =	vld [tilespmem:s10+$0x8400];
	v0 =	vadd.f32 v44, v0  }
0x37d: {  	v61 =	vld.idx.msk [tilespmem:v9+s18+$0x0], $0xffff  }
0x37e: {  	v60 =	vmul.f32 v8, v50;
	v8 =	vld [tilespmem:s28+$0xB500];
	v0 =	vadd.f32 v48, v0  }
0x37f: {  	v32 =	vld.idx.msk [tilespmem:v10+s18+$0x0], $0xffff  }
0x380: {  	v9 =	vor.u32 $0x35, v39;
	v63 =	vmul.f32 v54, v53;
	v53 =	vld [tilespmem:$0x1FEC0];
	v0 =	vadd.f32 v51, v0  }
0x381: {  	v36 =	vld.idx.msk [tilespmem:v18+s18+$0x0], $0xffff  }
0x382: {  	v35 =	vmul.f32 v58, v57;
	v57 =	vld [tilespmem:$0x1FEB0];
	v0 =	vadd.f32 v55, v0  }
0x383: {  	v62 =	vmul.f32 v16, v60;
	v60 =	vld [tilespmem:s28+$0xBD00]  }
0x384: {  	v10 =	vor.u32 $0x36, v39;
	v38 =	vmul.f32 v14, v35;
	v35 =	vld [tilespmem:s28+$0xBE00];
	v0 =	vadd.f32 v59, v0  }
0x385: {  	s8 =	rddreg [dreg:$0xe];
	v41 =	vld.idx.msk [tilespmem:v9+s18+$0x0], $0xffff  }
0x386: {  	v34 =	vmul.f32 v15, v63;
	v40 =	vmul.f32 v8, v61;
	v8 =	vld [tilespmem:s8+$0x8400];
	v0 =	vadd.f32 v62, v0  }
0x387: {  	v61 =	vld [tilespmem:$0x1FEA0]  }
0x388: {  	v15 =	vor.u32 $0x37, v39;
	v43 =	vmul.f32 v33, v32;
	v32 =	vld [tilespmem:$0x1FE90];
	v0 =	vadd.f32 v34, v0  }
0x389: {  	v9 =	vor.u32 $0x38, v39;
	v44 =	vld.idx.msk [tilespmem:v10+s18+$0x0], $0xffff  }
0x38a: {  	v42 =	vmul.f32 v13, v40;
	v47 =	vmul.f32 v37, v36;
	v36 =	vld [tilespmem:$0x1FE80];
	v0 =	vadd.f32 v38, v0  }
0x38b: {  	v40 =	vld [tilespmem:$0x1FE70]  }
0x38c: {  	v10 =	vor.u32 $0x39, v39;
	v46 =	vmul.f32 v12, v43;
	v43 =	vld [tilespmem:$0x1FE30];
	v0 =	vadd.f32 v42, v0  }
0x38d: {  	v12 =	vor.u32 $0x3A, v39;
	v48 =	vld.idx.msk [tilespmem:v15+s18+$0x0], $0xffff;
	v50 =	vmul.f32 v11, v47  }
0x38e: {  	v51 =	vmul.f32 v8, v41;
	v52 =	vld.idx.msk [tilespmem:v9+s18+$0x0], $0xffff;
	v9 =	vor.u32 $0x3B, v39;
	v0 =	vadd.f32 v46, v0  }
0x38f: {  	v8 =	vld [tilespmem:s28+$0xBC00]  }
0x390: {  	v47 =	vld [tilespmem:$0x1FE40];
	v54 =	vmul.f32 v45, v44;
	v1 =	vmul.f32 v53, v51;
	v0 =	vadd.f32 v50, v0  }
0x391: {  	v55 =	vld.idx.msk [tilespmem:v10+s18+$0x0], $0xffff;
	v10 =	vor.u32 $0x3C, v39  }
0x392: {  	v58 =	vmul.f32 v49, v48;
	v59 =	vld.idx.msk [tilespmem:v12+s18+$0x0], $0xffff;
	v0 =	vadd.f32 v1, v0;
	v1 =	vmul.f32 v57, v54  }
0x393: {  	s11 =	rddreg [dreg:$0x8];
	v11 =	vor.u32 $0x3D, v39;
	v63 =	vld.idx.msk [tilespmem:v9+s18+$0x0], $0xffff  }
0x394: {  	v62 =	vmul.f32 v8, v52;
	v8 =	vld [tilespmem:s11+$0x8400];
	v0 =	vadd.f32 v1, v0;
	v1 =	vmul.f32 v61, v58  }
0x395: {  	v9 =	vor.u32 $0x3E, v39;
	v52 =	vld [tilespmem:$0x1FE60]  }
0x396: {  	s12 =	rddreg [dreg:$0x6];
	v33 =	vmul.f32 v56, v55;
	v34 =	vld.idx.msk [tilespmem:v10+s18+$0x0], $0xffff;
	v0 =	vadd.f32 v1, v0;
	v1 =	vmul.f32 v32, v62  }
0x397: {  	v10 =	vor.u32 $0x3F, v39;
	v39 =	vld [tilespmem:s12+$0x8400]  }
0x398: {  	v37 =	vmul.f32 v60, v59;
	v38 =	vld.idx.msk [tilespmem:v11+s18+$0x0], $0xffff;
	v0 =	vadd.f32 v1, v0;
	v1 =	vmul.f32 v36, v33  }
0x399: {  	v41 =	vmul.f32 v8, v63;
	v8 =	vld [tilespmem:s28+$0xBF00]  }
0x39a: {  	v42 =	vld.idx.msk [tilespmem:v9+s18+$0x0], $0xffff;
	v0 =	vadd.f32 v1, v0;
	v1 =	vmul.f32 v40, v37  }
0x39b: {  	v50 =	vld [tilespmem:$0x1FE50]  }
0x39c: {  	s13 =	sor.u32 $0x3B80, s29;
	v44 =	vmul.f32 v35, v34;
	v45 =	vld.idx.msk [tilespmem:v10+s18+$0x0], $0xffff;
	v0 =	vadd.f32 v1, v0;
	v1 =	vmul.f32 v43, v41  }
0x39d: {  	v46 =	vld [tilespmem:s13+$0x8400]  }
0x39e: {  	v48 =	vmul.f32 v39, v38;
	v0 =	vadd.f32 v1, v0;
	v1 =	vmul.f32 v47, v44  }
0x39f: {  	v49 =	vld [tilespmem:s13+$0xC400]  }
0x3a0: {  	v51 =	vmul.f32 v8, v42;
	v0 =	vadd.f32 v1, v0;
	v1 =	vmul.f32 v50, v48;
	_ =	sdelay $0x1  }
0x3a1: {  	v53 =	vmul.f32 v46, v45;
	v0 =	vadd.f32 v1, v0;
	v1 =	vmul.f32 v52, v51;
	_ =	sdelay $0x1  }
0x3a2: {  	v54 =	vmul.f32 v49, v53;
	v0 =	vadd.f32 v1, v0;
	_ =	sdelay $0x1  }
0x3a3: {  	s5 =	sadd.s32 $0x80, s5;
	s16 =	sand.u32 $0x70, s24;
	s14 =	rddreg [dreg:$0x10];
	v0 =	vadd.f32 v54, v0  }
0x3a4: {  	s0 =	sand.u32 $0xF0, s14;
	s15 =	sand.u32 $0xFFFFFC00, s5;
	s19 =	sand.u32 $0x400, s5  }
0x3a5: {  	s21 =	sadd.s32 s15, s24;
	s28 =	sor.u32 s16, s19;
	[tilespmem:s0+$0x10500] =	vst v0  }
0x3a6: {  	s20 =	sor.u32 $0x3A80, s21;
	v60 =	vld [tilespmem:s28+$0xFF00]  }
0x3a7: {  	v61 =	vld [tilespmem:s20+$0xC400]  }
0x3a8: {  	s22 =	sor.u32 $0x3980, s21;
	v62 =	vld [tilespmem:s28+$0xFE00]  }
0x3a9: {  	v63 =	vld [tilespmem:s22+$0xC400]  }
0x3aa: {  	s23 =	sor.u32 $0x3880, s21;
	v0 =	vld [tilespmem:s28+$0xFD00]  }
0x3ab: {  	s29 =	sor.u32 s24, s5;
	v55 =	vld [tilespmem:s23+$0xC400]  }
0x3ac: {  	s25 =	sor.u32 $0x3380, s29;
	v56 =	vld [tilespmem:s28+$0xFC00]  }
0x3ad: {  	v57 =	vld [tilespmem:s25+$0xC400]  }
0x3ae: {  	s26 =	sor.u32 $0x3280, s21;
	v58 =	vld [tilespmem:s28+$0xF700]  }
0x3af: {  	v59 =	vld [tilespmem:s26+$0xC400]  }
0x3b0: {  	s19 =	sor.u32 $0x3180, s21;
	v11 =	vld [tilespmem:s28+$0xF600]  }
0x3b1: {  	v12 =	vld [tilespmem:s19+$0xC400]  }
0x3b2: {  	v13 =	vld [tilespmem:s28+$0xF500]  }
0x3b3: {  	v15 =	vld [tilespmem:s28+$0xF400]  }
0x3b4: {  	s14 =	sor.u32 $0x2A80, s21;
	v17 =	vld [tilespmem:s28+$0xEF00]  }
0x3b5: {  	v18 =	vld [tilespmem:s14+$0xC400]  }
0x3b6: {  	s15 =	sor.u32 $0x2980, s21;
	v19 =	vld [tilespmem:s28+$0xEE00]  }
0x3b7: {  	v20 =	vld [tilespmem:s15+$0xC400]  }
0x3b8: {  	v21 =	vld [tilespmem:s28+$0xED00]  }
0x3b9: {  	s4 =	sor.u32 $0x2380, s29;
	v23 =	vld [tilespmem:s28+$0xEC00]  }
0x3ba: {  	v24 =	vld [tilespmem:s4+$0xC400]  }
0x3bb: {  	s6 =	sor.u32 $0x2280, s21;
	v25 =	vld [tilespmem:s28+$0xE700]  }
0x3bc: {  	v26 =	vld [tilespmem:s6+$0xC400]  }
0x3bd: {  	s7 =	sor.u32 $0x2180, s21;
	v27 =	vld [tilespmem:s28+$0xE600]  }
0x3be: {  	v28 =	vld [tilespmem:s7+$0xC400]  }
0x3bf: {  	s8 =	sor.u32 $0x2080, s21;
	v29 =	vld [tilespmem:s28+$0xE500]  }
0x3c0: {  	v30 =	vld [tilespmem:s8+$0xC400]  }
0x3c1: {  	s9 =	sor.u32 $0x1B80, s29;
	v31 =	vld [tilespmem:s28+$0xE400]  }
0x3c2: {  	v32 =	vld [tilespmem:s9+$0xC400]  }
0x3c3: {  	s10 =	sor.u32 $0x1A80, s21;
	v33 =	vld [tilespmem:s28+$0xDF00]  }
0x3c4: {  	v34 =	vld [tilespmem:s10+$0xC400]  }
0x3c5: {  	s2 =	sor.u32 $0x1980, s21;
	v35 =	vld [tilespmem:s28+$0xDE00]  }
0x3c6: {  	v36 =	vld [tilespmem:s2+$0xC400]  }
0x3c7: {  	s12 =	sor.u32 $0x1880, s21;
	v37 =	vld [tilespmem:s28+$0xDD00]  }
0x3c8: {  	v38 =	vld [tilespmem:s12+$0xC400]  }
0x3c9: {  	s13 =	sor.u32 $0x1380, s29;
	v40 =	vld [tilespmem:s28+$0xDC00]  }
0x3ca: {  	v41 =	vld [tilespmem:s13+$0xC400]  }
0x3cb: {  	s16 =	sor.u32 $0x1280, s21;
	v42 =	vld [tilespmem:s28+$0xD700]  }
0x3cc: {  	v43 =	vld [tilespmem:s16+$0xC400]  }
0x3cd: {  	s11 =	sor.u32 $0x1180, s21;
	v44 =	vld [tilespmem:s28+$0xD600]  }
0x3ce: {  	v45 =	vld [tilespmem:s11+$0xC400]  }
0x3cf: {  	s3 =	sor.u32 $0x1080, s21;
	v46 =	vld [tilespmem:s28+$0xD500]  }
0x3d0: {  	v47 =	vld [tilespmem:s3+$0xC400]  }
0x3d1: {  	v48 =	vld [tilespmem:s28+$0xD400]  }
0x3d2: {  	v50 =	vld [tilespmem:s28+$0xCF00]  }
0x3d3: {  	s30 =	sor.u32 $0x980, s21;
	v52 =	vld [tilespmem:s28+$0xCE00]  }
0x3d4: {  	v53 =	vld [tilespmem:s30+$0xC400]  }
0x3d5: {  	[dreg:$0x8] =	wrdreg s22;
	s22 =	sor.u32 $0x3080, s21;
	v54 =	vld [tilespmem:s28+$0xCD00]  }
0x3d6: {  	[dreg:$0xa] =	wrdreg s23;
	s23 =	sor.u32 $0x2B80, s29;
	v14 =	vld [tilespmem:s22+$0xC400]  }
0x3d7: {  	[dreg:$0x6] =	wrdreg s20;
	s20 =	sor.u32 $0x2880, s21;
	v16 =	vld [tilespmem:s23+$0xC400]  }
0x3d8: {  	[dreg:$0xc] =	wrdreg s25;
	s25 =	sor.u32 $0xB80, s29;
	v22 =	vld [tilespmem:s20+$0xC400]  }
0x3d9: {  	p0 =	sne.s32 s24, $0xF0;
	[dreg:$0xe] =	wrdreg s26;
	s26 =	sor.u32 $0xA80, s21;
	v49 =	vld [tilespmem:s25+$0xC400];
	[tilespmem:$0x1FE70] =	vst v0  }
.Ltmp1:
0x3da: {  	s31 =	sor.u32 $0x880, s21;
	v51 =	vld [tilespmem:s26+$0xC400];
	[tilespmem:$0x1FE80] =	vst v55;
	(pc) =	sbr.rel @p0 .LBB2_4-.Ltmp1, $4  }
0x3db: {  	[tilespmem:$0x1FE90] =	vst v56;
	v55 =	vld [tilespmem:s31+$0xC400]  }
0x3dc: {  	s1 =	sor.u32 $0x380, s29;
	[tilespmem:$0x1FEA0] =	vst v57;
	v56 =	vld [tilespmem:s28+$0xCC00]  }
0x3dd: {  	s17 =	smov.u32 s24;
	[tilespmem:$0x1FEB0] =	vst v58;
	v57 =	vld [tilespmem:s1+$0xC400]  }
0x3de: {  	s24 =	sadd.s32 $0x10, s24;
	v39 =	vmov s17;
	s0 =	sor.u32 $0x280, s21;
	[tilespmem:$0x1FEC0] =	vst v59;
	v58 =	vld [tilespmem:s28+$0xC700]  }
0x3df: {  	v1 =	vld [tilespmem:$0x1FFF0];
	_ =	sdelay $0x3  }
0x3e0: {  	v0 =	vshll.u32 v39, $0x7  }
0x3e1: {  	v39 =	vor.u32 v1, v0  }
0x3e2: {  	v5 =	vld [tilespmem:s28+$0x8400]  }
0x3e3: {  	s5 =	sor.u32 $0x80, s21;
	v8 =	vld [tilespmem:s28+$0xC400];
	v0 =	vor.u32 $0x1, v39  }
0x3e4: {  	s24 =	sor.u32 $0x180, s21;
	v2 =	vld [tilespmem:s5+$0x8400]  }
0x3e5: {  	v6 =	vld [tilespmem:s24+$0xC400];
	v4 =	vor.u32 $0x2, v39  }
0x3e6: {  	v3 =	vld.idx.msk [tilespmem:v39+s18+$0x0], $0xffff  }
0x3e7: {  	v9 =	vld [tilespmem:s24+$0x8400];
	v7 =	vor.u32 $0x3, v39  }
0x3e8: {  	v0 =	vld.idx.msk [tilespmem:v0+s18+$0x0], $0xffff  }
0x3e9: {  	v1 =	vld [tilespmem:s5+$0xC400];
	v10 =	vor.u32 $0x4, v39  }
0x3ea: {  	v59 =	vor.u32 $0x5, v39;
	v4 =	vld.idx.msk [tilespmem:v4+s18+$0x0], $0xffff  }
0x3eb: {  	v3 =	vmul.f32 v5, v3;
	v5 =	vld [tilespmem:s28+$0x8500]  }
0x3ec: {  	v7 =	vld.idx.msk [tilespmem:v7+s18+$0x0], $0xffff  }
0x3ed: {  	v0 =	vmul.f32 v2, v0;
	v2 =	vld [tilespmem:s28+$0xC500];
	v3 =	vmul.f32 v8, v3  }
0x3ee: {  	v8 =	vld.idx.msk [tilespmem:v10+s18+$0x0], $0xffff  }
0x3ef: {  	v10 =	vor.u32 $0x6, v39;
	v0 =	vmul.f32 v1, v0;
	v1 =	vadd.f32 $0.0e+00, v3;
	v3 =	vld.idx.msk [tilespmem:v59+s18+$0x0], $0xffff  }
0x3f0: {  	v4 =	vmul.f32 v5, v4;
	v5 =	vld [tilespmem:s28+$0x8600]  }
0x3f1: {  	v0 =	vadd.f32 v0, v1;
	v1 =	vld [tilespmem:s28+$0xC600]  }
0x3f2: {  	v2 =	vmul.f32 v2, v4;
	v4 =	vmul.f32 v9, v7;
	v7 =	vor.u32 $0x7, v39;
	v9 =	vld [tilespmem:s0+$0x8400]  }
0x3f3: {  	v59 =	vld [tilespmem:s0+$0xC400]  }
0x3f4: {  	v0 =	vadd.f32 v2, v0;
	v2 =	vmul.f32 v6, v4;
	v4 =	vld.idx.msk [tilespmem:v10+s18+$0x0], $0xffff  }
0x3f5: {  	v10 =	vld [tilespmem:s1+$0x8400];
	v5 =	vmul.f32 v5, v8  }
0x3f6: {  	v6 =	vor.u32 $0x8, v39;
	v8 =	vld [tilespmem:s28+$0x8700]  }
0x3f7: {  	v0 =	vadd.f32 v2, v0;
	v1 =	vmul.f32 v1, v5;
	v9 =	vmul.f32 v9, v3;
	v3 =	vld.idx.msk [tilespmem:v7+s18+$0x0], $0xffff  }
0x3f8: {  	v5 =	vor.u32 $0x9, v39  }
0x3f9: {  	v0 =	vadd.f32 v1, v0;
	v1 =	vmul.f32 v59, v9;
	v59 =	vor.u32 $0xA, v39  }
0x3fa: {  	v7 =	vld [tilespmem:s28+$0x8C00]  }
0x3fb: {  	v2 =	vld.idx.msk [tilespmem:v6+s18+$0x0], $0xffff;
	v4 =	vmul.f32 v8, v4  }
0x3fc: {  	v8 =	vld [tilespmem:s31+$0x8400];
	v3 =	vmul.f32 v10, v3  }
0x3fd: {  	v9 =	vmul.f32 v58, v4;
	v4 =	vld.idx.msk [tilespmem:v5+s18+$0x0], $0xffff;
	v5 =	vor.u32 $0xB, v39  }
0x3fe: {  	v0 =	vadd.f32 v1, v0;
	v58 =	vmul.f32 v57, v3;
	v3 =	vld.idx.msk [tilespmem:v59+s18+$0x0], $0xffff;
	v59 =	vor.u32 $0xC, v39;
	_ =	sdelay $0x1  }
0x3ff: {  	v0 =	vadd.f32 v9, v0;
	v2 =	vmul.f32 v7, v2;
	v7 =	vld [tilespmem:s28+$0x8D00]  }
0x400: {  	v9 =	vld [tilespmem:s30+$0x8400];
	v57 =	vor.u32 $0xD, v39  }
0x401: {  	v0 =	vadd.f32 v58, v0;
	v58 =	vor.u32 $0xE, v39;
	v5 =	vld.idx.msk [tilespmem:v5+s18+$0x0], $0xffff  }
0x402: {  	v10 =	vmul.f32 v56, v2;
	v56 =	vmul.f32 v8, v4;
	v6 =	vld.idx.msk [tilespmem:v59+s18+$0x0], $0xffff  }
0x403: {  	v59 =	vld [tilespmem:s28+$0x8E00]  }
0x404: {  	v2 =	vmul.f32 v55, v56;
	v3 =	vmul.f32 v7, v3;
	v7 =	vld [tilespmem:s26+$0x8400];
	v56 =	vor.u32 $0xF, v39  }
0x405: {  	v4 =	vld.idx.msk [tilespmem:v57+s18+$0x0], $0xffff;
	v57 =	vor.u32 $0x10, v39  }
0x406: {  	v1 =	vld.idx.msk [tilespmem:v58+s18+$0x0], $0xffff;
	v55 =	vmul.f32 v9, v5  }
0x407: {  	v0 =	vadd.f32 v10, v0;
	v54 =	vmul.f32 v54, v3;
	v58 =	vld [tilespmem:s28+$0x8F00]  }
0x408: {  	v3 =	vmul.f32 v53, v55;
	v6 =	vmul.f32 v59, v6;
	v59 =	vld [tilespmem:s25+$0x8400];
	v53 =	vor.u32 $0x12, v39  }
0x409: {  	v0 =	vadd.f32 v2, v0;
	v5 =	vld.idx.msk [tilespmem:v56+s18+$0x0], $0xffff  }
0x40a: {  	v2 =	vld.idx.msk [tilespmem:v57+s18+$0x0], $0xffff;
	v57 =	vor.u32 $0x13, v39  }
0x40b: {  	v0 =	vadd.f32 v54, v0;
	v54 =	vld [tilespmem:s28+$0x9400]  }
0x40c: {  	v55 =	vld [tilespmem:s3+$0x8400]  }
0x40d: {  	v0 =	vadd.f32 v3, v0;
	v10 =	vmul.f32 v52, v6;
	v52 =	vor.u32 $0x11, v39;
	v3 =	vld.idx.msk [tilespmem:v53+s18+$0x0], $0xffff  }
0x40e: {  	v56 =	vmul.f32 v59, v5;
	v59 =	vld [tilespmem:s28+$0x9500]  }
0x40f: {  	v4 =	vmul.f32 v7, v4;
	v5 =	vld.idx.msk [tilespmem:v57+s18+$0x0], $0xffff  }
0x410: {  	v1 =	vmul.f32 v58, v1;
	v58 =	vor.u32 $0x14, v39;
	v53 =	vld [tilespmem:s28+$0x9600]  }
0x411: {  	v4 =	vmul.f32 v51, v4;
	v0 =	vadd.f32 v10, v0;
	v2 =	vmul.f32 v54, v2;
	v54 =	vld [tilespmem:s16+$0x8400]  }
0x412: {  	v51 =	vor.u32 $0x15, v39;
	v6 =	vld.idx.msk [tilespmem:v52+s18+$0x0], $0xffff  }
0x413: {  	v1 =	vmul.f32 v50, v1;
	v0 =	vadd.f32 v4, v0;
	v4 =	vmul.f32 v49, v56;
	v49 =	vld [tilespmem:s11+$0x8400]  }
0x414: {  	v2 =	vmul.f32 v48, v2;
	v52 =	vor.u32 $0x16, v39;
	v48 =	vld [tilespmem:s28+$0x9C00]  }
0x415: {  	v56 =	vor.u32 $0x17, v39;
	v0 =	vadd.f32 v1, v0;
	v1 =	vld.idx.msk [tilespmem:v58+s18+$0x0], $0xffff  }
0x416: {  	v58 =	vld [tilespmem:s28+$0x9700];
	v3 =	vmul.f32 v59, v3  }
0x417: {  	v0 =	vadd.f32 v4, v0;
	v59 =	vld [tilespmem:s13+$0x8400]  }
0x418: {  	v50 =	vmul.f32 v55, v6;
	v3 =	vmul.f32 v46, v3;
	v6 =	vld.idx.msk [tilespmem:v51+s18+$0x0], $0xffff;
	v46 =	vor.u32 $0x19, v39  }
0x419: {  	v0 =	vadd.f32 v2, v0;
	v2 =	vld.idx.msk [tilespmem:v52+s18+$0x0], $0xffff  }
0x41a: {  	v55 =	vmul.f32 v49, v5;
	v5 =	vld.idx.msk [tilespmem:v56+s18+$0x0], $0xffff;
	v51 =	vor.u32 $0x1B, v39;
	v4 =	vmul.f32 v47, v50  }
0x41b: {  	v49 =	vld [tilespmem:s12+$0x8400]  }
0x41c: {  	v57 =	vor.u32 $0x18, v39;
	v1 =	vmul.f32 v53, v1;
	v53 =	vld [tilespmem:s28+$0x9D00];
	v0 =	vadd.f32 v4, v0  }
0x41d: {  	v4 =	vmul.f32 v45, v55;
	v45 =	vmul.f32 v54, v6;
	v6 =	vld.idx.msk [tilespmem:v46+s18+$0x0], $0xffff  }
0x41e: {  	v47 =	vor.u32 $0x1A, v39;
	v54 =	vld [tilespmem:s2+$0x8400];
	v0 =	vadd.f32 v3, v0  }
0x41f: {  	v50 =	vmul.f32 v59, v5;
	v5 =	vld.idx.msk [tilespmem:v51+s18+$0x0], $0xffff  }
0x420: {  	v1 =	vmul.f32 v44, v1;
	v2 =	vmul.f32 v58, v2;
	v58 =	vld [tilespmem:s28+$0x9E00];
	v0 =	vadd.f32 v4, v0  }
0x421: {  	v3 =	vld.idx.msk [tilespmem:v57+s18+$0x0], $0xffff  }
0x422: {  	v56 =	vor.u32 $0x1D, v39;
	v59 =	vld [tilespmem:s10+$0x8400];
	v4 =	vmul.f32 v43, v45;
	v0 =	vadd.f32 v1, v0  }
0x423: {  	v1 =	vld.idx.msk [tilespmem:v47+s18+$0x0], $0xffff  }
0x424: {  	v52 =	vor.u32 $0x1C, v39;
	v46 =	vld [tilespmem:s8+$0x8400];
	v2 =	vmul.f32 v42, v2;
	v0 =	vadd.f32 v4, v0  }
0x425: {  	v51 =	vld [tilespmem:s7+$0x8400]  }
0x426: {  	v45 =	vld [tilespmem:s28+$0xA400];
	v3 =	vmul.f32 v48, v3;
	v4 =	vmul.f32 v41, v50;
	v0 =	vadd.f32 v2, v0  }
0x427: {  	v57 =	vor.u32 $0x1E, v39;
	v43 =	vor.u32 $0x21, v39;
	v55 =	vmul.f32 v49, v6;
	v6 =	vld.idx.msk [tilespmem:v56+s18+$0x0], $0xffff  }
0x428: {  	v56 =	vld [tilespmem:s6+$0x8400];
	v3 =	vmul.f32 v40, v3;
	v1 =	vmul.f32 v53, v1;
	v0 =	vadd.f32 v4, v0  }
0x429: {  	v2 =	vld.idx.msk [tilespmem:v52+s18+$0x0], $0xffff;
	v4 =	vmul.f32 v38, v55  }
0x42a: {  	v41 =	vld [tilespmem:s9+$0x8400];
	v1 =	vmul.f32 v37, v1;
	v37 =	vor.u32 $0x1F, v39;
	v0 =	vadd.f32 v3, v0  }
0x42b: {  	v10 =	vmul.f32 v54, v5;
	v40 =	vld [tilespmem:s28+$0x9F00]  }
0x42c: {  	v42 =	vmul.f32 v59, v6;
	v6 =	vld.idx.msk [tilespmem:v43+s18+$0x0], $0xffff;
	v38 =	vor.u32 $0x20, v39;
	v0 =	vadd.f32 v4, v0  }
0x42d: {  	v53 =	vor.u32 $0x25, v39;
	v3 =	vld.idx.msk [tilespmem:v57+s18+$0x0], $0xffff  }
0x42e: {  	v50 =	vld [tilespmem:s28+$0xA500];
	v2 =	vmul.f32 v58, v2;
	v4 =	vmul.f32 v36, v10;
	v0 =	vadd.f32 v1, v0  }
0x42f: {  	v5 =	vld.idx.msk [tilespmem:v37+s18+$0x0], $0xffff  }
0x430: {  	v44 =	vor.u32 $0x22, v39;
	v55 =	vld [tilespmem:s28+$0xA600];
	v2 =	vmul.f32 v35, v2;
	v0 =	vadd.f32 v4, v0  }
0x431: {  	v48 =	vor.u32 $0x23, v39;
	v52 =	vmul.f32 v46, v6;
	v1 =	vld.idx.msk [tilespmem:v38+s18+$0x0], $0xffff  }
0x432: {  	v6 =	vld.idx.msk [tilespmem:v53+s18+$0x0], $0xffff;
	v3 =	vmul.f32 v40, v3;
	v4 =	vmul.f32 v34, v42;
	v0 =	vadd.f32 v2, v0  }
0x433: {  	v49 =	vor.u32 $0x24, v39;
	v46 =	vld [tilespmem:s14+$0x8400]  }
0x434: {  	v35 =	vld [tilespmem:s20+$0x8400];
	v3 =	vmul.f32 v33, v3;
	v47 =	vmul.f32 v41, v5;
	v0 =	vadd.f32 v4, v0  }
0x435: {  	v2 =	vld.idx.msk [tilespmem:v44+s18+$0x0], $0xffff  }
0x436: {  	v40 =	vld [tilespmem:s28+$0xAD00];
	v1 =	vmul.f32 v45, v1;
	v4 =	vmul.f32 v32, v47;
	v0 =	vadd.f32 v3, v0  }
0x437: {  	v5 =	vld.idx.msk [tilespmem:v48+s18+$0x0], $0xffff  }
0x438: {  	v54 =	vor.u32 $0x26, v39;
	v34 =	vld [tilespmem:s28+$0xAC00];
	v1 =	vmul.f32 v31, v1;
	v0 =	vadd.f32 v4, v0  }
0x439: {  	v58 =	vor.u32 $0x27, v39;
	v3 =	vld.idx.msk [tilespmem:v49+s18+$0x0], $0xffff  }
0x43a: {  	v41 =	vld [tilespmem:s15+$0x8400];
	v2 =	vmul.f32 v50, v2;
	v4 =	vmul.f32 v30, v52;
	v0 =	vadd.f32 v1, v0  }
0x43b: {  	v59 =	vor.u32 $0x28, v39;
	v45 =	vld [tilespmem:s28+$0xAE00]  }
0x43c: {  	v57 =	vmul.f32 v51, v5;
	v2 =	vmul.f32 v29, v2;
	v29 =	vld [tilespmem:s28+$0xA700];
	v0 =	vadd.f32 v4, v0  }
0x43d: {  	v32 =	vor.u32 $0x29, v39;
	v1 =	vld.idx.msk [tilespmem:v54+s18+$0x0], $0xffff  }
0x43e: {  	v30 =	vld [tilespmem:s4+$0x8400];
	v3 =	vmul.f32 v55, v3;
	v4 =	vmul.f32 v28, v57;
	v0 =	vadd.f32 v2, v0  }
0x43f: {  	v33 =	vor.u32 $0x2A, v39;
	v5 =	vld.idx.msk [tilespmem:v58+s18+$0x0], $0xffff  }
0x440: {  	v31 =	vmul.f32 v56, v6;
	v56 =	vld [tilespmem:s22+$0x8400];
	v3 =	vmul.f32 v27, v3;
	v0 =	vadd.f32 v4, v0  }
0x441: {  	v37 =	vor.u32 $0x2B, v39;
	v2 =	vld.idx.msk [tilespmem:v59+s18+$0x0], $0xffff  }
0x442: {  	v50 =	vld [tilespmem:s28+$0xAF00];
	v1 =	vmul.f32 v29, v1;
	v4 =	vmul.f32 v26, v31;
	v0 =	vadd.f32 v3, v0  }
0x443: {  	v38 =	vor.u32 $0x2C, v39;
	v6 =	vld.idx.msk [tilespmem:v32+s18+$0x0], $0xffff  }
0x444: {  	v51 =	vld [tilespmem:s23+$0x8400];
	v36 =	vmul.f32 v30, v5;
	v1 =	vmul.f32 v25, v1;
	v0 =	vadd.f32 v4, v0  }
0x445: {  	v43 =	vor.u32 $0x2D, v39;
	s22 =	rddreg [dreg:$0xa];
	v3 =	vld.idx.msk [tilespmem:v33+s18+$0x0], $0xffff  }
0x446: {  	v32 =	vld [tilespmem:s22+$0x8400];
	v2 =	vmul.f32 v34, v2;
	v4 =	vmul.f32 v24, v36;
	v0 =	vadd.f32 v1, v0  }
0x447: {  	v44 =	vor.u32 $0x2E, v39;
	v5 =	vld.idx.msk [tilespmem:v37+s18+$0x0], $0xffff  }
0x448: {  	v55 =	vld [tilespmem:s28+$0xB400];
	v42 =	vmul.f32 v35, v6;
	v2 =	vmul.f32 v23, v2;
	v0 =	vadd.f32 v4, v0  }
0x449: {  	s21 =	rddreg [dreg:$0xc];
	v48 =	vor.u32 $0x2F, v39;
	v1 =	vld.idx.msk [tilespmem:v38+s18+$0x0], $0xffff  }
0x44a: {  	v27 =	vld [tilespmem:s21+$0x8400];
	v3 =	vmul.f32 v40, v3;
	v4 =	vmul.f32 v22, v42;
	v0 =	vadd.f32 v2, v0  }
0x44b: {  	v49 =	vor.u32 $0x30, v39;
	v6 =	vld.idx.msk [tilespmem:v43+s18+$0x0], $0xffff  }
0x44c: {  	v30 =	vld [tilespmem:$0x1FEC0];
	v47 =	vmul.f32 v41, v5;
	v3 =	vmul.f32 v21, v3;
	v0 =	vadd.f32 v4, v0  }
0x44d: {  	v53 =	vor.u32 $0x31, v39;
	v2 =	vld.idx.msk [tilespmem:v44+s18+$0x0], $0xffff  }
0x44e: {  	v5 =	vld.idx.msk [tilespmem:v48+s18+$0x0], $0xffff;
	v1 =	vmul.f32 v45, v1;
	v4 =	vmul.f32 v20, v47;
	v0 =	vadd.f32 v3, v0  }
0x44f: {  	v54 =	vor.u32 $0x32, v39;
	v37 =	vld [tilespmem:$0x1FEA0]  }
0x450: {  	v26 =	vld [tilespmem:s28+$0xB700];
	v52 =	vmul.f32 v46, v6;
	v1 =	vmul.f32 v19, v1;
	v0 =	vadd.f32 v4, v0  }
0x451: {  	v58 =	vor.u32 $0x33, v39;
	v3 =	vld.idx.msk [tilespmem:v49+s18+$0x0], $0xffff  }
0x452: {  	v31 =	vld [tilespmem:s28+$0xBC00];
	v2 =	vmul.f32 v50, v2;
	v4 =	vmul.f32 v18, v52;
	v0 =	vadd.f32 v1, v0  }
0x453: {  	v6 =	vld.idx.msk [tilespmem:v53+s18+$0x0], $0xffff;
	v57 =	vmul.f32 v51, v5  }
0x454: {  	v59 =	vor.u32 $0x34, v39;
	v2 =	vmul.f32 v17, v2;
	v1 =	vld.idx.msk [tilespmem:v54+s18+$0x0], $0xffff;
	v0 =	vadd.f32 v4, v0  }
0x455: {  	v4 =	vmul.f32 v16, v57;
	v16 =	vld [tilespmem:s28+$0xB500]  }
0x456: {  	v5 =	vld.idx.msk [tilespmem:v58+s18+$0x0], $0xffff;
	v19 =	vor.u32 $0x35, v39;
	v3 =	vmul.f32 v55, v3;
	v0 =	vadd.f32 v2, v0  }
0x457: {  	v20 =	vor.u32 $0x36, v39;
	v17 =	vld [tilespmem:s19+$0x8400]  }
0x458: {  	v21 =	vld [tilespmem:s28+$0xB600];
	v18 =	vmul.f32 v56, v6;
	v3 =	vmul.f32 v15, v3;
	v0 =	vadd.f32 v4, v0  }
0x459: {  	s20 =	rddreg [dreg:$0xe];
	v29 =	vor.u32 $0x3A, v39;
	v24 =	vor.u32 $0x37, v39;
	v2 =	vld.idx.msk [tilespmem:v59+s18+$0x0], $0xffff  }
0x45a: {  	v22 =	vld [tilespmem:s20+$0x8400];
	v4 =	vmul.f32 v14, v18;
	v1 =	vmul.f32 v16, v1;
	v0 =	vadd.f32 v3, v0  }
0x45b: {  	v25 =	vor.u32 $0x38, v39;
	v6 =	vld.idx.msk [tilespmem:v19+s18+$0x0], $0xffff  }
0x45c: {  	v34 =	vld [tilespmem:$0x1FEB0];
	v23 =	vmul.f32 v17, v5;
	v1 =	vmul.f32 v13, v1;
	v0 =	vadd.f32 v4, v0  }
0x45d: {  	v28 =	vor.u32 $0x39, v39;
	v3 =	vld.idx.msk [tilespmem:v20+s18+$0x0], $0xffff  }
0x45e: {  	v9 =	vld.idx.msk [tilespmem:v29+s18+$0x0], $0xffff;
	v2 =	vmul.f32 v21, v2;
	v4 =	vmul.f32 v12, v23;
	v0 =	vadd.f32 v1, v0  }
0x45f: {  	v5 =	vld.idx.msk [tilespmem:v24+s18+$0x0], $0xffff  }
0x460: {  	v36 =	vld [tilespmem:s28+$0xBD00];
	v6 =	vmul.f32 v22, v6;
	v2 =	vmul.f32 v11, v2;
	v0 =	vadd.f32 v4, v0  }
0x461: {  	v33 =	vor.u32 $0x3B, v39;
	v1 =	vld.idx.msk [tilespmem:v25+s18+$0x0], $0xffff  }
0x462: {  	v42 =	vld [tilespmem:$0x1FE90];
	v3 =	vmul.f32 v26, v3;
	v0 =	vadd.f32 v2, v0;
	v2 =	vmul.f32 v30, v6  }
0x463: {  	v35 =	vor.u32 $0x3C, v39;
	v4 =	vld.idx.msk [tilespmem:v28+s18+$0x0], $0xffff  }
0x464: {  	s23 =	rddreg [dreg:$0x8];
	v46 =	vld [tilespmem:$0x1FE80];
	v5 =	vmul.f32 v27, v5;
	v3 =	vmul.f32 v34, v3;
	v0 =	vadd.f32 v2, v0  }
0x465: {  	v38 =	vld [tilespmem:s23+$0x8400];
	v40 =	vor.u32 $0x3D, v39  }
0x466: {  	v49 =	vld [tilespmem:$0x1FE70];
	v5 =	vmul.f32 v37, v5;
	v1 =	vmul.f32 v31, v1;
	v0 =	vadd.f32 v3, v0  }
0x467: {  	v41 =	vor.u32 $0x3E, v39;
	v2 =	vld.idx.msk [tilespmem:v33+s18+$0x0], $0xffff  }
0x468: {  	v43 =	vld [tilespmem:s28+$0xBE00];
	v1 =	vmul.f32 v42, v1;
	v4 =	vmul.f32 v32, v4;
	v0 =	vadd.f32 v5, v0  }
0x469: {  	s24 =	rddreg [dreg:$0x6];
	v7 =	vld.idx.msk [tilespmem:v35+s18+$0x0], $0xffff;
	v44 =	vor.u32 $0x3F, v39  }
0x46a: {  	v45 =	vld [tilespmem:s24+$0x8400];
	v3 =	vmul.f32 v36, v9;
	v0 =	vadd.f32 v1, v0;
	v1 =	vmul.f32 v46, v4  }
0x46b: {  	v47 =	vld.idx.msk [tilespmem:v40+s18+$0x0], $0xffff  }
0x46c: {  	v48 =	vld [tilespmem:s28+$0xBF00];
	v2 =	vmul.f32 v38, v2;
	v0 =	vadd.f32 v1, v0;
	v1 =	vmul.f32 v49, v3  }
0x46d: {  	v50 =	vld.idx.msk [tilespmem:v41+s18+$0x0], $0xffff  }
0x46e: {  	s25 =	sor.u32 $0x3B80, s29;
	v53 =	vld.idx.msk [tilespmem:v44+s18+$0x0], $0xffff;
	v52 =	vmul.f32 v43, v7;
	v51 =	vmul.f32 v63, v2;
	v0 =	vadd.f32 v1, v0  }
0x46f: {  	v54 =	vld [tilespmem:s25+$0x8400]  }
0x470: {  	v56 =	vmul.f32 v45, v47;
	v55 =	vmul.f32 v62, v52;
	v0 =	vadd.f32 v51, v0  }
0x471: {  	v57 =	vld [tilespmem:s25+$0xC400]  }
0x472: {  	v58 =	vmul.f32 v61, v56;
	v59 =	vmul.f32 v48, v50;
	v0 =	vadd.f32 v55, v0;
	_ =	sdelay $0x1  }
0x473: {  	v62 =	vmul.f32 v54, v53;
	v61 =	vmul.f32 v60, v59;
	v0 =	vadd.f32 v58, v0;
	_ =	sdelay $0x1  }
0x474: {  	v63 =	vmul.f32 v57, v62;
	v0 =	vadd.f32 v61, v0;
	_ =	sdelay $0x1  }
0x475: {  	v0 =	vadd.f32 v63, v0  }
0x476: {  	s1 =	simm.s32 $0x2;
	s26 =	sand.u32 $0xF0, s17  }
0x477: {  	s29 =	rddreg [dreg:$0x17];
	s28 =	simm.s32 $0x10400;
	[tilespmem:s26+$0x10500] =	vst v0;
	s26 =	simm.s32 $0x0  }
0x478: {  	[hbm4b:s29+s26] =	stream.linear.scatter [tilespmem:s28], [sflag:$0x2], $0x200, $0x38;
	[tilespmem:$0x10600] =	vst v63  }
0x479: {  	_ =	swait.ge [sflag:s1], $0x200  }
0x47a: {  	s30 =	rddreg [dreg:$0x19]  }
0x47b: {  	s31 =	rddreg [dreg:$0x18];
	s2 =	sadd.s32 $0x1, s30  }
0x47c: {  	p0 =	sne.s32 s2, s31  }
.Ltmp2:
0x47d: {  	_ = 	snop;
	(pc) =	sbr.rel @p0 .LBB2_1-.Ltmp2, $3  }
0x47e: {  	_ =	sdelay $0x1  }
0x47f: {  	[sflag:s1] =	ssyncset.done $0x0  }
0x480: {  	[sflag:s1] =	ssyncadd.s32 $0xFFFFFE00  }
0x481: {  	_ =	sfence.sel $0x180000  }
0x482: {  	[bflag:$0x0] =	sbarrier.arrive $0xFFFF  }
0x483: {  	_ =	strace $0x90000047  }
0x484: {  	s0 =	stileid.u32;
	[bflag:$0x2] =	sbarrier.arrive $0xFFFF  }
0x485: {  	p0 =	sne.s32 s0, $0x0;
	s0 =	rddreg [dreg:$0x5]  }
0x486: {  	s0 =	sadd.s32 @!p0 $0x100000, s0  }
0x487: {  	[sflag:s0] =	ssyncadd.tile.s32 @!p0 $0x1;
	_ =	shalt  }
.Lfunc_end2:
_tile_overlayer_lowered:
.L_overlay_start_2:
0x488: {  	(tag) =	ssettag $0x2  }
0x489: {  	s0 =	rddreg [dreg:$0x0];
	s2 =	stileid.u32  }
0x48a: {  	s1 =	rddreg [dreg:$0x1];
	p0 =	sne.s32 s2, $0x0  }
0x48b: {  	s3 =	rddreg [dreg:$0x2];
	[bflag:$0x3] =	sbarrier.arrive $0xFFFF;
	s2 =	simm.s32 @!p0 $0x1C02  }
0x48c: {  	[timem:s3], [sflag:s2] =	dma.local @!p0 [hbm:s0], s1  }
0x48d: {  	s0 =	simm.s32 @!p0 $0x2  }
0x48e: {  	_ =	swait.ge @!p0 [sflag:s0], s1  }
0x48f: {  	s1 =	ssub.s32 @!p0 $0x0, s1;
	[sflag:s0] =	ssyncset.done @!p0 $0x0  }
0x490: {  	[sflag:s0] =	ssyncadd.s32 @!p0 s1  }
0x491: {  	[bflag:$0x3] =	sbarrier.arrive $0xFFFF  }
0x492: {  	_ =	shalt  }

</sc_bundles>
